<compile_context>
chip_gen: v7x
topology: tpu7x:2x2x1
jax: 0.10.2.dev20260603
libtpu: 0.0.44.dev20260713+nightly
codegen_flags: <defaults>
</compile_context>

<pallas_src>
import functools

import jax
import jax.numpy as jnp
from jax import lax
from jax.experimental import pallas as pl
from jax.experimental.pallas import tpu as pltpu
from jax.experimental.pallas import tpu_sc as plsc

_NC = 2
_NS = 16
_C = 128
_W = 16
_NB = 4


@functools.lru_cache(maxsize=None)
def _build_sc_segsum(N, D, NCHUNK, NPAD):
    DH = D // _NC
    ZROWS = NPAD // _NS
    CROWS = NPAD // _NS
    NWINT = NCHUNK // _W

    mesh = plsc.VectorSubcoreMesh(core_axis_name="c", subcore_axis_name="s")

    @functools.partial(
        pl.kernel,
        out_type=jax.ShapeDtypeStruct((N, D), jnp.float32),
        mesh=mesh,
        scratch_types=[
            pltpu.VMEM((2, _W, _C), jnp.int32),
            pltpu.VMEM((2, _W, _C), jnp.int32),
            [pltpu.VMEM((_C, DH), jnp.float32) for _ in range(_NB)],
            pltpu.VMEM_SHARED((N, DH), jnp.float32),
            pltpu.VMEM_SHARED((NPAD, DH), jnp.float32),
            [pltpu.SemaphoreType.DMA for _ in range(_NB)],
            [pltpu.SemaphoreType.DMA for _ in range(_NB)],
            pltpu.SemaphoreType.DMA,
        ],
        compiler_params=pltpu.CompilerParams(use_tc_tiling_on_sc=False),
    )
    def sc_segsum(x_hbm, src_hbm, dst_hbm, out_hbm,
                  src_w, dst_w, mb, x_sp, acc, gsem, ssem, semi):
        cid = lax.axis_index("c")
        sid = lax.axis_index("s")
        col0 = cid * DH

        def rows_split(fn):
            @pl.when(sid < _NS - 1)
            def _():
                fn(pl.ds(sid * CROWS, CROWS))

            @pl.when(sid == _NS - 1)
            def _():
                fn(pl.ds((_NS - 1) * CROWS, N - (_NS - 1) * CROWS))

        def refill(win, slot):
            pltpu.async_copy(
                src_hbm.at[sid, pl.ds(win * _W, _W)], src_w.at[slot], semi)
            pltpu.async_copy(
                dst_hbm.at[sid, pl.ds(win * _W, _W)], dst_w.at[slot], semi)

        def refill_wait(win, slot):
            pltpu.make_async_copy(
                src_hbm.at[sid, pl.ds(win * _W, _W)], src_w.at[slot],
                semi).wait()
            pltpu.make_async_copy(
                dst_hbm.at[sid, pl.ds(win * _W, _W)], dst_w.at[slot],
                semi).wait()

        def gather_start(slot, k):
            b = k % _NB
            pltpu.async_copy(x_sp.at[src_w.at[slot, k]], mb[b], gsem[b])

        def gather_wait(slot, k):
            b = k % _NB
            pltpu.make_async_copy(
                x_sp.at[src_w.at[slot, k]], mb[b], gsem[b]).wait()

        def scatter_start(slot, k):
            b = k % _NB
            pltpu.async_copy(mb[b], acc.at[dst_w.at[slot, k]], ssem[b],
                             add=True)

        def scatter_wait(slot, k):
            b = k % _NB
            pltpu.make_async_copy(
                mb[b], acc.at[dst_w.at[slot, k]], ssem[b]).wait()

        def window(w, slot, nslot, first, last):
            for k in range(_W):
                gather_wait(slot, k)
                scatter_start(slot, k)
                if k == 0 and not last:
                    refill(w + 1, nslot)
                if not (first and k < 2):
                    if k < 2:
                        scatter_wait(nslot, _W - 2 + k)
                    else:
                        scatter_wait(slot, k - 2)
                if last and k >= _W - 2:
                    continue
                if k == _W - 2 and not last:
                    refill_wait(w + 1, nslot)
                if k < _W - 2:
                    gather_start(slot, k + 2)
                else:
                    gather_start(nslot, k - (_W - 2))

        rows_split(lambda r: pltpu.sync_copy(
            x_hbm.at[r, pl.ds(col0, DH)], x_sp.at[r]))
        pltpu.sync_copy(src_hbm.at[sid, pl.ds(0, _W)], src_w.at[0])
        pltpu.sync_copy(dst_hbm.at[sid, pl.ds(0, _W)], dst_w.at[0])

        z16 = jnp.zeros((16,), jnp.float32)

        def zrow(r, carry):
            for c in range(DH // 16):
                mb[0][r, pl.ds(c * 16, 16)] = z16
            return carry

        lax.fori_loop(0, _C, zrow, 0)
        zbase = sid * ZROWS
        full, rem = divmod(ZROWS, _C)
        for i in range(full):
            pltpu.sync_copy(mb[0], acc.at[pl.ds(zbase + i * _C, _C)])
        if rem:
            pltpu.sync_copy(mb[0].at[pl.ds(0, rem)],
                            acc.at[pl.ds(zbase + full * _C, rem)])
        plsc.subcore_barrier()

        gather_start(0, 0)
        gather_start(0, 1)

        window(0, 0, 1, first=True, last=False)

        def mid(w, carry):
            slot = lax.rem(w, 2)
            window(w, slot, 1 - slot, first=False, last=False)
            return carry

        lax.fori_loop(1, NWINT - 1, mid, 0)

        wl = NWINT - 1
        window(wl, wl % 2, (wl + 1) % 2, first=False, last=True)

        for k in range(_W - 2, _W):
            scatter_wait(wl % 2, k)
        plsc.subcore_barrier()

        rows_split(lambda r: pltpu.sync_copy(
            acc.at[r], out_hbm.at[r, pl.ds(col0, DH)]))

    return sc_segsum


def kernel(x, edge_index):
    N, D = x.shape
    E = edge_index.shape[1]

    NCHUNK = -(-E // (_NS * _C))
    NCHUNK = -(-NCHUNK // _W) * _W
    EPAD = _NS * NCHUNK * _C
    NPAD = -(-(N + 1) // (_NS * 8)) * (_NS * 8)

    src = edge_index[0].astype(jnp.int32)
    dst = edge_index[1].astype(jnp.int32)
    pad = EPAD - E
    if pad:
        src = jnp.concatenate([src, jnp.zeros((pad,), jnp.int32)])
        dst = jnp.concatenate([dst, jnp.full((pad,), N, jnp.int32)])
    src_r = src.reshape(_NS, NCHUNK, _C)
    dst_r = dst.reshape(_NS, NCHUNK, _C)

    return _build_sc_segsum(N, D, NCHUNK, NPAD)(x, src_r, dst_r)

# --- scband reference (transcript-rebuilt; emitter-appended) ---
"""Pipeline reference for scband-message-passing-45414984188550 (READ-ONLY COPY).

The authoritative reference and input builder live on the scoring server;
editing this copy changes nothing except your own understanding.
"""

import jax, jax.numpy as jnp
import numpy as np

N_NODES = 10000
N_EDGES = 320000
D_FEAT = 128


def setup_inputs(seed: int = 0) -> dict:
    key = jax.random.key(seed)
    k1, k2 = jax.random.split(key)
    x = jax.random.normal(k1, (N_NODES, D_FEAT), dtype=jnp.float32)
    edge_index = jax.random.randint(k2, (2, N_EDGES), 0, N_NODES, dtype=jnp.int64 if jax.config.jax_enable_x64 else jnp.int32)
    return {"x": x, "edge_index": edge_index}


def reference(x, edge_index):
    # MessagePassing with aggr='add', flow='source_to_target', node_dim=0.
    # flow='source_to_target' -> i, j = (1, 0)
    # message(x_j): x_j = index_select(x, 0, edge_index[j=0])  (identity message)
    # aggregate: scatter_add of messages into index edge_index[i=1], dim_size = N
    # update(aggr_out): identity
    src = edge_index[0]  # j: source nodes (message senders)
    dst = edge_index[1]  # i: target nodes (aggregation index)
    msgs = jnp.take(x, src, axis=0)  # gather: [E, d]
    out = jax.ops.segment_sum(msgs, dst, num_segments=x.shape[0])  # scatter-add: [N, d]
    return out

if __name__ == "__main__":
    import jax
    _d = setup_inputs()
    print(jax.jit(kernel)(*tuple(_d.values())))

</pallas_src>

<mosaic_0001>
#map = affine_map<(d0, d1) -> (0, 0)>
#map1 = affine_map<(d0, d1) -> (0, 0, 0)>
module attributes {stable_mosaic.version = 14 : i64} {
  func.func @sc_segsum(%arg0: i32, %arg1: i32, %arg2: memref<10000x128xf32, #tpu.memory_space<hbm>>, %arg3: memref<16x160x128xi32, #tpu.memory_space<hbm>>, %arg4: memref<16x160x128xi32, #tpu.memory_space<hbm>>, %arg5: memref<10000x128xf32, #tpu.memory_space<hbm>>, %arg6: memref<2x16x128xi32, #tpu.memory_space<vmem>>, %arg7: memref<2x16x128xi32, #tpu.memory_space<vmem>>, %arg8: memref<128x64xf32, #tpu.memory_space<vmem>>, %arg9: memref<128x64xf32, #tpu.memory_space<vmem>>, %arg10: memref<128x64xf32, #tpu.memory_space<vmem>>, %arg11: memref<128x64xf32, #tpu.memory_space<vmem>>, %arg12: memref<10000x64xf32, #tpu.memory_space<vmem_shared>>, %arg13: memref<10112x64xf32, #tpu.memory_space<vmem_shared>>, %arg14: memref<!tpu.dma_semaphore, #tpu.memory_space<semaphore_mem>>, %arg15: memref<!tpu.dma_semaphore, #tpu.memory_space<semaphore_mem>>, %arg16: memref<!tpu.dma_semaphore, #tpu.memory_space<semaphore_mem>>, %arg17: memref<!tpu.dma_semaphore, #tpu.memory_space<semaphore_mem>>, %arg18: memref<!tpu.dma_semaphore, #tpu.memory_space<semaphore_mem>>, %arg19: memref<!tpu.dma_semaphore, #tpu.memory_space<semaphore_mem>>, %arg20: memref<!tpu.dma_semaphore, #tpu.memory_space<semaphore_mem>>, %arg21: memref<!tpu.dma_semaphore, #tpu.memory_space<semaphore_mem>>, %arg22: memref<!tpu.dma_semaphore, #tpu.memory_space<semaphore_mem>>) attributes {dimension_semantics = [#tpu.dimension_semantics<core_parallel>, #tpu.dimension_semantics<subcore_parallel>], iteration_bounds = array<i64: 2, 16>, scalar_prefetch = 0 : i64, scratch_operands = 17 : i64, tpu.core_type = #tpu.core_type<sc_vector_subcore>, window_params = [{transform_indices = #map}, {transform_indices = #map1}, {transform_indices = #map1}, {transform_indices = #map}]} {
    %mul3A = arith.constant 64 : i32
    %mul3A_0 = arith.muli %arg0, %mul3A : i32
    %lt3A = arith.constant 15 : i32
    %lt3A_1 = arith.cmpi slt, %arg1, %lt3A : i32
    %convert_element_type3A = arith.extui %lt3A_1 : i1 to i32
    %cond3A = arith.constant 0 : i32
    %cond3A_2 = arith.cmpi ne, %convert_element_type3A, %cond3A : i32
    scf.if %cond3A_2 {
      %mul3A_1132 = arith.constant 632 : i32
      %mul3A_1133 = arith.muli %arg1, %mul3A_1132 : i32
      "tpu.region"() ({
        %run_scoped3A_1134 = tpu.sem_alloc : memref<!tpu.dma_semaphore, #tpu.memory_space<semaphore_mem>>
        %dma_start3A_1135 = arith.constant 0 : i32
        %dma_start3A_1136 = tpu.memref_slice %arg12[%mul3A_1133, %dma_start3A_1135] : memref<10000x64xf32, #tpu.memory_space<vmem_shared>> -> memref<632x64xf32, #tpu.memory_space<vmem_shared>>
        %dma_start3A_1137 = tpu.memref_slice %arg2[%mul3A_1133, %mul3A_0] : memref<10000x128xf32, #tpu.memory_space<hbm>> -> memref<632x64xf32, #tpu.memory_space<hbm>>
        tpu.enqueue_dma source(%dma_start3A_1137 : memref<632x64xf32, #tpu.memory_space<hbm>>) target(%dma_start3A_1136 : memref<632x64xf32, #tpu.memory_space<vmem_shared>>) target_semaphore(%run_scoped3A_1134 : memref<!tpu.dma_semaphore, #tpu.memory_space<semaphore_mem>>)
        %dma_wait3A_1138 = arith.constant 0 : i32
        %dma_wait3A_1139 = tpu.memref_slice %arg12[%mul3A_1133, %dma_wait3A_1138] : memref<10000x64xf32, #tpu.memory_space<vmem_shared>> -> memref<632x64xf32, #tpu.memory_space<vmem_shared>>
        %dma_wait3A_1140 = tpu.memref_slice %arg2[%mul3A_1133, %mul3A_0] : memref<10000x128xf32, #tpu.memory_space<hbm>> -> memref<632x64xf32, #tpu.memory_space<hbm>>
        tpu.wait_dma2 semaphore(%run_scoped3A_1134 : memref<!tpu.dma_semaphore, #tpu.memory_space<semaphore_mem>>) src(%dma_wait3A_1140 : memref<632x64xf32, #tpu.memory_space<hbm>>) dst(%dma_wait3A_1139 : memref<632x64xf32, #tpu.memory_space<vmem_shared>>)
        tpu.yield
      }) : () -> ()
    } else {
    }
    %eq3A = arith.constant 15 : i32
    %eq3A_3 = arith.cmpi eq, %arg1, %eq3A : i32
    %convert_element_type3A_4 = arith.extui %eq3A_3 : i1 to i32
    %cond3A_5 = arith.constant 0 : i32
    %cond3A_6 = arith.cmpi ne, %convert_element_type3A_4, %cond3A_5 : i32
    scf.if %cond3A_6 {
      "tpu.region"() ({
        %run_scoped3A_1132 = tpu.sem_alloc : memref<!tpu.dma_semaphore, #tpu.memory_space<semaphore_mem>>
        %dma_start3A_1133 = arith.constant 9480 : i32
        %dma_start3A_1134 = arith.constant 0 : i32
        %dma_start3A_1135 = tpu.memref_slice %arg12[%dma_start3A_1133, %dma_start3A_1134] : memref<10000x64xf32, #tpu.memory_space<vmem_shared>> -> memref<520x64xf32, #tpu.memory_space<vmem_shared>>
        %dma_start3A_1136 = arith.constant 9480 : i32
        %dma_start3A_1137 = tpu.memref_slice %arg2[%dma_start3A_1136, %mul3A_0] : memref<10000x128xf32, #tpu.memory_space<hbm>> -> memref<520x64xf32, #tpu.memory_space<hbm>>
        tpu.enqueue_dma source(%dma_start3A_1137 : memref<520x64xf32, #tpu.memory_space<hbm>>) target(%dma_start3A_1135 : memref<520x64xf32, #tpu.memory_space<vmem_shared>>) target_semaphore(%run_scoped3A_1132 : memref<!tpu.dma_semaphore, #tpu.memory_space<semaphore_mem>>)
        %dma_wait3A_1138 = arith.constant 9480 : i32
        %dma_wait3A_1139 = arith.constant 0 : i32
        %dma_wait3A_1140 = tpu.memref_slice %arg12[%dma_wait3A_1138, %dma_wait3A_1139] : memref<10000x64xf32, #tpu.memory_space<vmem_shared>> -> memref<520x64xf32, #tpu.memory_space<vmem_shared>>
        %dma_wait3A_1141 = arith.constant 9480 : i32
        %dma_wait3A_1142 = tpu.memref_slice %arg2[%dma_wait3A_1141, %mul3A_0] : memref<10000x128xf32, #tpu.memory_space<hbm>> -> memref<520x64xf32, #tpu.memory_space<hbm>>
        tpu.wait_dma2 semaphore(%run_scoped3A_1132 : memref<!tpu.dma_semaphore, #tpu.memory_space<semaphore_mem>>) src(%dma_wait3A_1142 : memref<520x64xf32, #tpu.memory_space<hbm>>) dst(%dma_wait3A_1140 : memref<520x64xf32, #tpu.memory_space<vmem_shared>>)
        tpu.yield
      }) : () -> ()
    } else {
    }
    %run_scoped3A = arith.constant 0 : i32
    "tpu.region"() ({
      %run_scoped3A_1132 = tpu.sem_alloc : memref<!tpu.dma_semaphore, #tpu.memory_space<semaphore_mem>>
      %dma_start3A_1133 = arith.constant 0 : i32
      %dma_start3A_1134 = arith.constant 0 : i32
      %dma_start3A_1135 = tpu.memref_slice %arg6[%run_scoped3A, %dma_start3A_1133, %dma_start3A_1134] : memref<2x16x128xi32, #tpu.memory_space<vmem>> -> memref<1x16x128xi32, #tpu.memory_space<vmem>>
      %dma_start3A_1136 = tpu.memref_squeeze %dma_start3A_1135 : memref<1x16x128xi32, #tpu.memory_space<vmem>> -> memref<16x128xi32, #tpu.memory_space<vmem>>
      %dma_start3A_1137 = arith.constant 0 : i32
      %dma_start3A_1138 = arith.constant 0 : i32
      %dma_start3A_1139 = tpu.memref_slice %arg3[%arg1, %dma_start3A_1137, %dma_start3A_1138] : memref<16x160x128xi32, #tpu.memory_space<hbm>> -> memref<1x16x128xi32, #tpu.memory_space<hbm>>
      %dma_start3A_1140 = tpu.memref_squeeze %dma_start3A_1139 : memref<1x16x128xi32, #tpu.memory_space<hbm>> -> memref<16x128xi32, #tpu.memory_space<hbm>>
      %dma_start3A_1141 = arith.constant 0 : i32
      %dma_start3A_1142 = arith.constant 0 : i32
      %dma_start3A_1143 = tpu.memref_slice %arg6[%run_scoped3A, %dma_start3A_1141, %dma_start3A_1142] : memref<2x16x128xi32, #tpu.memory_space<vmem>> -> memref<1x16x128xi32, #tpu.memory_space<vmem>>
      %dma_start3A_1144 = tpu.memref_squeeze %dma_start3A_1143 : memref<1x16x128xi32, #tpu.memory_space<vmem>> -> memref<16x128xi32, #tpu.memory_space<vmem>>
      %dma_start3A_1145 = arith.constant 0 : i32
      %dma_start3A_1146 = arith.constant 0 : i32
      %dma_start3A_1147 = tpu.memref_slice %arg3[%arg1, %dma_start3A_1145, %dma_start3A_1146] : memref<16x160x128xi32, #tpu.memory_space<hbm>> -> memref<1x16x128xi32, #tpu.memory_space<hbm>>
      %dma_start3A_1148 = tpu.memref_squeeze %dma_start3A_1147 : memref<1x16x128xi32, #tpu.memory_space<hbm>> -> memref<16x128xi32, #tpu.memory_space<hbm>>
      tpu.enqueue_dma source(%dma_start3A_1148 : memref<16x128xi32, #tpu.memory_space<hbm>>) target(%dma_start3A_1144 : memref<16x128xi32, #tpu.memory_space<vmem>>) target_semaphore(%run_scoped3A_1132 : memref<!tpu.dma_semaphore, #tpu.memory_space<semaphore_mem>>)
      %dma_wait3A_1149 = arith.constant 0 : i32
      %dma_wait3A_1150 = arith.constant 0 : i32
      %dma_wait3A_1151 = tpu.memref_slice %arg6[%run_scoped3A, %dma_wait3A_1149, %dma_wait3A_1150] : memref<2x16x128xi32, #tpu.memory_space<vmem>> -> memref<1x16x128xi32, #tpu.memory_space<vmem>>
      %dma_wait3A_1152 = tpu.memref_squeeze %dma_wait3A_1151 : memref<1x16x128xi32, #tpu.memory_space<vmem>> -> memref<16x128xi32, #tpu.memory_space<vmem>>
      %dma_wait3A_1153 = arith.constant 0 : i32
      %dma_wait3A_1154 = arith.constant 0 : i32
      %dma_wait3A_1155 = tpu.memref_slice %arg3[%arg1, %dma_wait3A_1153, %dma_wait3A_1154] : memref<16x160x128xi32, #tpu.memory_space<hbm>> -> memref<1x16x128xi32, #tpu.memory_space<hbm>>
      %dma_wait3A_1156 = tpu.memref_squeeze %dma_wait3A_1155 : memref<1x16x128xi32, #tpu.memory_space<hbm>> -> memref<16x128xi32, #tpu.memory_space<hbm>>
      %dma_wait3A_1157 = arith.constant 0 : i32
      %dma_wait3A_1158 = arith.constant 0 : i32
      %dma_wait3A_1159 = tpu.memref_slice %arg6[%run_scoped3A, %dma_wait3A_1157, %dma_wait3A_1158] : memref<2x16x128xi32, #tpu.memory_space<vmem>> -> memref<1x16x128xi32, #tpu.memory_space<vmem>>
      %dma_wait3A_1160 = tpu.memref_squeeze %dma_wait3A_1159 : memref<1x16x128xi32, #tpu.memory_space<vmem>> -> memref<16x128xi32, #tpu.memory_space<vmem>>
      %dma_wait3A_1161 = arith.constant 0 : i32
      %dma_wait3A_1162 = arith.constant 0 : i32
      %dma_wait3A_1163 = tpu.memref_slice %arg3[%arg1, %dma_wait3A_1161, %dma_wait3A_1162] : memref<16x160x128xi32, #tpu.memory_space<hbm>> -> memref<1x16x128xi32, #tpu.memory_space<hbm>>
      %dma_wait3A_1164 = tpu.memref_squeeze %dma_wait3A_1163 : memref<1x16x128xi32, #tpu.memory_space<hbm>> -> memref<16x128xi32, #tpu.memory_space<hbm>>
      tpu.wait_dma2 semaphore(%run_scoped3A_1132 : memref<!tpu.dma_semaphore, #tpu.memory_space<semaphore_mem>>) src(%dma_wait3A_1164 : memref<16x128xi32, #tpu.memory_space<hbm>>) dst(%dma_wait3A_1160 : memref<16x128xi32, #tpu.memory_space<vmem>>)
      tpu.yield
    }) : () -> ()
    %run_scoped3A_7 = arith.constant 0 : i32
    "tpu.region"() ({
      %run_scoped3A_1132 = tpu.sem_alloc : memref<!tpu.dma_semaphore, #tpu.memory_space<semaphore_mem>>
      %dma_start3A_1133 = arith.constant 0 : i32
      %dma_start3A_1134 = arith.constant 0 : i32
      %dma_start3A_1135 = tpu.memref_slice %arg7[%run_scoped3A_7, %dma_start3A_1133, %dma_start3A_1134] : memref<2x16x128xi32, #tpu.memory_space<vmem>> -> memref<1x16x128xi32, #tpu.memory_space<vmem>>
      %dma_start3A_1136 = tpu.memref_squeeze %dma_start3A_1135 : memref<1x16x128xi32, #tpu.memory_space<vmem>> -> memref<16x128xi32, #tpu.memory_space<vmem>>
      %dma_start3A_1137 = arith.constant 0 : i32
      %dma_start3A_1138 = arith.constant 0 : i32
      %dma_start3A_1139 = tpu.memref_slice %arg4[%arg1, %dma_start3A_1137, %dma_start3A_1138] : memref<16x160x128xi32, #tpu.memory_space<hbm>> -> memref<1x16x128xi32, #tpu.memory_space<hbm>>
      %dma_start3A_1140 = tpu.memref_squeeze %dma_start3A_1139 : memref<1x16x128xi32, #tpu.memory_space<hbm>> -> memref<16x128xi32, #tpu.memory_space<hbm>>
      %dma_start3A_1141 = arith.constant 0 : i32
      %dma_start3A_1142 = arith.constant 0 : i32
      %dma_start3A_1143 = tpu.memref_slice %arg7[%run_scoped3A_7, %dma_start3A_1141, %dma_start3A_1142] : memref<2x16x128xi32, #tpu.memory_space<vmem>> -> memref<1x16x128xi32, #tpu.memory_space<vmem>>
      %dma_start3A_1144 = tpu.memref_squeeze %dma_start3A_1143 : memref<1x16x128xi32, #tpu.memory_space<vmem>> -> memref<16x128xi32, #tpu.memory_space<vmem>>
      %dma_start3A_1145 = arith.constant 0 : i32
      %dma_start3A_1146 = arith.constant 0 : i32
      %dma_start3A_1147 = tpu.memref_slice %arg4[%arg1, %dma_start3A_1145, %dma_start3A_1146] : memref<16x160x128xi32, #tpu.memory_space<hbm>> -> memref<1x16x128xi32, #tpu.memory_space<hbm>>
      %dma_start3A_1148 = tpu.memref_squeeze %dma_start3A_1147 : memref<1x16x128xi32, #tpu.memory_space<hbm>> -> memref<16x128xi32, #tpu.memory_space<hbm>>
      tpu.enqueue_dma source(%dma_start3A_1148 : memref<16x128xi32, #tpu.memory_space<hbm>>) target(%dma_start3A_1144 : memref<16x128xi32, #tpu.memory_space<vmem>>) target_semaphore(%run_scoped3A_1132 : memref<!tpu.dma_semaphore, #tpu.memory_space<semaphore_mem>>)
      %dma_wait3A_1149 = arith.constant 0 : i32
      %dma_wait3A_1150 = arith.constant 0 : i32
      %dma_wait3A_1151 = tpu.memref_slice %arg7[%run_scoped3A_7, %dma_wait3A_1149, %dma_wait3A_1150] : memref<2x16x128xi32, #tpu.memory_space<vmem>> -> memref<1x16x128xi32, #tpu.memory_space<vmem>>
      %dma_wait3A_1152 = tpu.memref_squeeze %dma_wait3A_1151 : memref<1x16x128xi32, #tpu.memory_space<vmem>> -> memref<16x128xi32, #tpu.memory_space<vmem>>
      %dma_wait3A_1153 = arith.constant 0 : i32
      %dma_wait3A_1154 = arith.constant 0 : i32
      %dma_wait3A_1155 = tpu.memref_slice %arg4[%arg1, %dma_wait3A_1153, %dma_wait3A_1154] : memref<16x160x128xi32, #tpu.memory_space<hbm>> -> memref<1x16x128xi32, #tpu.memory_space<hbm>>
      %dma_wait3A_1156 = tpu.memref_squeeze %dma_wait3A_1155 : memref<1x16x128xi32, #tpu.memory_space<hbm>> -> memref<16x128xi32, #tpu.memory_space<hbm>>
      %dma_wait3A_1157 = arith.constant 0 : i32
      %dma_wait3A_1158 = arith.constant 0 : i32
      %dma_wait3A_1159 = tpu.memref_slice %arg7[%run_scoped3A_7, %dma_wait3A_1157, %dma_wait3A_1158] : memref<2x16x128xi32, #tpu.memory_space<vmem>> -> memref<1x16x128xi32, #tpu.memory_space<vmem>>
      %dma_wait3A_1160 = tpu.memref_squeeze %dma_wait3A_1159 : memref<1x16x128xi32, #tpu.memory_space<vmem>> -> memref<16x128xi32, #tpu.memory_space<vmem>>
      %dma_wait3A_1161 = arith.constant 0 : i32
      %dma_wait3A_1162 = arith.constant 0 : i32
      %dma_wait3A_1163 = tpu.memref_slice %arg4[%arg1, %dma_wait3A_1161, %dma_wait3A_1162] : memref<16x160x128xi32, #tpu.memory_space<hbm>> -> memref<1x16x128xi32, #tpu.memory_space<hbm>>
      %dma_wait3A_1164 = tpu.memref_squeeze %dma_wait3A_1163 : memref<1x16x128xi32, #tpu.memory_space<hbm>> -> memref<16x128xi32, #tpu.memory_space<hbm>>
      tpu.wait_dma2 semaphore(%run_scoped3A_1132 : memref<!tpu.dma_semaphore, #tpu.memory_space<semaphore_mem>>) src(%dma_wait3A_1164 : memref<16x128xi32, #tpu.memory_space<hbm>>) dst(%dma_wait3A_1160 : memref<16x128xi32, #tpu.memory_space<vmem>>)
      tpu.yield
    }) : () -> ()
    %broadcast_in_dim3A = arith.constant 0.000000e+00 : f32
    %broadcast_in_dim3A_8 = vector.broadcast %broadcast_in_dim3A : f32 to vector<16xf32>
    %scan3A = arith.constant 0 : i32
    %scan3A_9 = arith.constant 0 : i32
    %scan3A_10 = arith.constant 128 : i32
    %scan3A_11 = arith.addi %scan3A_9, %scan3A_10 : i32
    %scan3A_12 = arith.constant 1 : i32
    scf.for %scan3A_1132 = %scan3A_9 to %scan3A_11 step %scan3A_12  : i32 {
      %swap3A = arith.index_cast %scan3A_1132 : i32 to index
      %swap3A_1133 = arith.constant 0 : index
      %swap3A_1134 = tpu.vector_load %arg8[%swap3A, %swap3A_1133] {strides = array<i32>} : memref<128x64xf32, #tpu.memory_space<vmem>>, vector<1x16xf32>,
      %swap3A_1135 = vector.shape_cast %swap3A_1134 : vector<1x16xf32> to vector<16xf32>
      %swap3A_1136 = vector.shape_cast %broadcast_in_dim3A_8 : vector<16xf32> to vector<1x16xf32>
      tpu.vector_store %arg8[%swap3A, %swap3A_1133], %swap3A_1136 {strides = array<i32>} : memref<128x64xf32, #tpu.memory_space<vmem>>, vector<1x16xf32>,
      %swap3A_1137 = arith.index_cast %scan3A_1132 : i32 to index
      %swap3A_1138 = arith.constant 16 : index
      %swap3A_1139 = tpu.vector_load %arg8[%swap3A_1137, %swap3A_1138] {strides = array<i32>} : memref<128x64xf32, #tpu.memory_space<vmem>>, vector<1x16xf32>,
      %swap3A_1140 = vector.shape_cast %swap3A_1139 : vector<1x16xf32> to vector<16xf32>
      %swap3A_1141 = vector.shape_cast %broadcast_in_dim3A_8 : vector<16xf32> to vector<1x16xf32>
      tpu.vector_store %arg8[%swap3A_1137, %swap3A_1138], %swap3A_1141 {strides = array<i32>} : memref<128x64xf32, #tpu.memory_space<vmem>>, vector<1x16xf32>,
      %swap3A_1142 = arith.index_cast %scan3A_1132 : i32 to index
      %swap3A_1143 = arith.constant 32 : index
      %swap3A_1144 = tpu.vector_load %arg8[%swap3A_1142, %swap3A_1143] {strides = array<i32>} : memref<128x64xf32, #tpu.memory_space<vmem>>, vector<1x16xf32>,
      %swap3A_1145 = vector.shape_cast %swap3A_1144 : vector<1x16xf32> to vector<16xf32>
      %swap3A_1146 = vector.shape_cast %broadcast_in_dim3A_8 : vector<16xf32> to vector<1x16xf32>
      tpu.vector_store %arg8[%swap3A_1142, %swap3A_1143], %swap3A_1146 {strides = array<i32>} : memref<128x64xf32, #tpu.memory_space<vmem>>, vector<1x16xf32>,
      %swap3A_1147 = arith.index_cast %scan3A_1132 : i32 to index
      %swap3A_1148 = arith.constant 48 : index
      %swap3A_1149 = tpu.vector_load %arg8[%swap3A_1147, %swap3A_1148] {strides = array<i32>} : memref<128x64xf32, #tpu.memory_space<vmem>>, vector<1x16xf32>,
      %swap3A_1150 = vector.shape_cast %swap3A_1149 : vector<1x16xf32> to vector<16xf32>
      %swap3A_1151 = vector.shape_cast %broadcast_in_dim3A_8 : vector<16xf32> to vector<1x16xf32>
      tpu.vector_store %arg8[%swap3A_1147, %swap3A_1148], %swap3A_1151 {strides = array<i32>} : memref<128x64xf32, #tpu.memory_space<vmem>>, vector<1x16xf32>,
    }
    %scan3A_13 = arith.constant 128 : i32
    %mul3A_14 = arith.constant 632 : i32
    %mul3A_15 = arith.muli %arg1, %mul3A_14 : i32
    %add3A = arith.constant 0 : i32
    %add3A_16 = arith.addi %mul3A_15, %add3A : i32
    "tpu.region"() ({
      %run_scoped3A_1132 = tpu.sem_alloc : memref<!tpu.dma_semaphore, #tpu.memory_space<semaphore_mem>>
      %dma_start3A_1133 = arith.constant 0 : i32
      %dma_start3A_1134 = tpu.memref_slice %arg13[%add3A_16, %dma_start3A_1133] : memref<10112x64xf32, #tpu.memory_space<vmem_shared>> -> memref<128x64xf32, #tpu.memory_space<vmem_shared>>
      %dma_start3A_1135 = arith.constant 0 : i32
      %dma_start3A_1136 = tpu.memref_slice %arg13[%add3A_16, %dma_start3A_1135] : memref<10112x64xf32, #tpu.memory_space<vmem_shared>> -> memref<128x64xf32, #tpu.memory_space<vmem_shared>>
      tpu.enqueue_dma source(%arg8 : memref<128x64xf32, #tpu.memory_space<vmem>>) target(%dma_start3A_1136 : memref<128x64xf32, #tpu.memory_space<vmem_shared>>) target_semaphore(%run_scoped3A_1132 : memref<!tpu.dma_semaphore, #tpu.memory_space<semaphore_mem>>)
      %dma_wait3A_1137 = arith.constant 0 : i32
      %dma_wait3A_1138 = tpu.memref_slice %arg13[%add3A_16, %dma_wait3A_1137] : memref<10112x64xf32, #tpu.memory_space<vmem_shared>> -> memref<128x64xf32, #tpu.memory_space<vmem_shared>>
      %dma_wait3A_1139 = arith.constant 0 : i32
      %dma_wait3A_1140 = tpu.memref_slice %arg13[%add3A_16, %dma_wait3A_1139] : memref<10112x64xf32, #tpu.memory_space<vmem_shared>> -> memref<128x64xf32, #tpu.memory_space<vmem_shared>>
      tpu.wait_dma2 semaphore(%run_scoped3A_1132 : memref<!tpu.dma_semaphore, #tpu.memory_space<semaphore_mem>>) src(%arg8 : memref<128x64xf32, #tpu.memory_space<vmem>>) dst(%dma_wait3A_1140 : memref<128x64xf32, #tpu.memory_space<vmem_shared>>)
      tpu.yield
    }) : () -> ()
    %add3A_17 = arith.constant 128 : i32
    %add3A_18 = arith.addi %mul3A_15, %add3A_17 : i32
    "tpu.region"() ({
      %run_scoped3A_1132 = tpu.sem_alloc : memref<!tpu.dma_semaphore, #tpu.memory_space<semaphore_mem>>
      %dma_start3A_1133 = arith.constant 0 : i32
      %dma_start3A_1134 = tpu.memref_slice %arg13[%add3A_18, %dma_start3A_1133] : memref<10112x64xf32, #tpu.memory_space<vmem_shared>> -> memref<128x64xf32, #tpu.memory_space<vmem_shared>>
      %dma_start3A_1135 = arith.constant 0 : i32
      %dma_start3A_1136 = tpu.memref_slice %arg13[%add3A_18, %dma_start3A_1135] : memref<10112x64xf32, #tpu.memory_space<vmem_shared>> -> memref<128x64xf32, #tpu.memory_space<vmem_shared>>
      tpu.enqueue_dma source(%arg8 : memref<128x64xf32, #tpu.memory_space<vmem>>) target(%dma_start3A_1136 : memref<128x64xf32, #tpu.memory_space<vmem_shared>>) target_semaphore(%run_scoped3A_1132 : memref<!tpu.dma_semaphore, #tpu.memory_space<semaphore_mem>>)
      %dma_wait3A_1137 = arith.constant 0 : i32
      %dma_wait3A_1138 = tpu.memref_slice %arg13[%add3A_18, %dma_wait3A_1137] : memref<10112x64xf32, #tpu.memory_space<vmem_shared>> -> memref<128x64xf32, #tpu.memory_space<vmem_shared>>
      %dma_wait3A_1139 = arith.constant 0 : i32
      %dma_wait3A_1140 = tpu.memref_slice %arg13[%add3A_18, %dma_wait3A_1139] : memref<10112x64xf32, #tpu.memory_space<vmem_shared>> -> memref<128x64xf32, #tpu.memory_space<vmem_shared>>
      tpu.wait_dma2 semaphore(%run_scoped3A_1132 : memref<!tpu.dma_semaphore, #tpu.memory_space<semaphore_mem>>) src(%arg8 : memref<128x64xf32, #tpu.memory_space<vmem>>) dst(%dma_wait3A_1140 : memref<128x64xf32, #tpu.memory_space<vmem_shared>>)
      tpu.yield
    }) : () -> ()
    %add3A_19 = arith.constant 256 : i32
    %add3A_20 = arith.addi %mul3A_15, %add3A_19 : i32
    "tpu.region"() ({
      %run_scoped3A_1132 = tpu.sem_alloc : memref<!tpu.dma_semaphore, #tpu.memory_space<semaphore_mem>>
      %dma_start3A_1133 = arith.constant 0 : i32
      %dma_start3A_1134 = tpu.memref_slice %arg13[%add3A_20, %dma_start3A_1133] : memref<10112x64xf32, #tpu.memory_space<vmem_shared>> -> memref<128x64xf32, #tpu.memory_space<vmem_shared>>
      %dma_start3A_1135 = arith.constant 0 : i32
      %dma_start3A_1136 = tpu.memref_slice %arg13[%add3A_20, %dma_start3A_1135] : memref<10112x64xf32, #tpu.memory_space<vmem_shared>> -> memref<128x64xf32, #tpu.memory_space<vmem_shared>>
      tpu.enqueue_dma source(%arg8 : memref<128x64xf32, #tpu.memory_space<vmem>>) target(%dma_start3A_1136 : memref<128x64xf32, #tpu.memory_space<vmem_shared>>) target_semaphore(%run_scoped3A_1132 : memref<!tpu.dma_semaphore, #tpu.memory_space<semaphore_mem>>)
      %dma_wait3A_1137 = arith.constant 0 : i32
      %dma_wait3A_1138 = tpu.memref_slice %arg13[%add3A_20, %dma_wait3A_1137] : memref<10112x64xf32, #tpu.memory_space<vmem_shared>> -> memref<128x64xf32, #tpu.memory_space<vmem_shared>>
      %dma_wait3A_1139 = arith.constant 0 : i32
      %dma_wait3A_1140 = tpu.memref_slice %arg13[%add3A_20, %dma_wait3A_1139] : memref<10112x64xf32, #tpu.memory_space<vmem_shared>> -> memref<128x64xf32, #tpu.memory_space<vmem_shared>>
      tpu.wait_dma2 semaphore(%run_scoped3A_1132 : memref<!tpu.dma_semaphore, #tpu.memory_space<semaphore_mem>>) src(%arg8 : memref<128x64xf32, #tpu.memory_space<vmem>>) dst(%dma_wait3A_1140 : memref<128x64xf32, #tpu.memory_space<vmem_shared>>)
      tpu.yield
    }) : () -> ()
    %add3A_21 = arith.constant 384 : i32
    %add3A_22 = arith.addi %mul3A_15, %add3A_21 : i32
    "tpu.region"() ({
      %run_scoped3A_1132 = tpu.sem_alloc : memref<!tpu.dma_semaphore, #tpu.memory_space<semaphore_mem>>
      %dma_start3A_1133 = arith.constant 0 : i32
      %dma_start3A_1134 = tpu.memref_slice %arg13[%add3A_22, %dma_start3A_1133] : memref<10112x64xf32, #tpu.memory_space<vmem_shared>> -> memref<128x64xf32, #tpu.memory_space<vmem_shared>>
      %dma_start3A_1135 = arith.constant 0 : i32
      %dma_start3A_1136 = tpu.memref_slice %arg13[%add3A_22, %dma_start3A_1135] : memref<10112x64xf32, #tpu.memory_space<vmem_shared>> -> memref<128x64xf32, #tpu.memory_space<vmem_shared>>
      tpu.enqueue_dma source(%arg8 : memref<128x64xf32, #tpu.memory_space<vmem>>) target(%dma_start3A_1136 : memref<128x64xf32, #tpu.memory_space<vmem_shared>>) target_semaphore(%run_scoped3A_1132 : memref<!tpu.dma_semaphore, #tpu.memory_space<semaphore_mem>>)
      %dma_wait3A_1137 = arith.constant 0 : i32
      %dma_wait3A_1138 = tpu.memref_slice %arg13[%add3A_22, %dma_wait3A_1137] : memref<10112x64xf32, #tpu.memory_space<vmem_shared>> -> memref<128x64xf32, #tpu.memory_space<vmem_shared>>
      %dma_wait3A_1139 = arith.constant 0 : i32
      %dma_wait3A_1140 = tpu.memref_slice %arg13[%add3A_22, %dma_wait3A_1139] : memref<10112x64xf32, #tpu.memory_space<vmem_shared>> -> memref<128x64xf32, #tpu.memory_space<vmem_shared>>
      tpu.wait_dma2 semaphore(%run_scoped3A_1132 : memref<!tpu.dma_semaphore, #tpu.memory_space<semaphore_mem>>) src(%arg8 : memref<128x64xf32, #tpu.memory_space<vmem>>) dst(%dma_wait3A_1140 : memref<128x64xf32, #tpu.memory_space<vmem_shared>>)
      tpu.yield
    }) : () -> ()
    %add3A_23 = arith.constant 512 : i32
    %add3A_24 = arith.addi %mul3A_15, %add3A_23 : i32
    "tpu.region"() ({
      %run_scoped3A_1132 = tpu.sem_alloc : memref<!tpu.dma_semaphore, #tpu.memory_space<semaphore_mem>>
      %dma_start3A_1133 = arith.constant 0 : i32
      %dma_start3A_1134 = arith.constant 0 : i32
      %dma_start3A_1135 = tpu.memref_slice %arg8[%dma_start3A_1133, %dma_start3A_1134] : memref<128x64xf32, #tpu.memory_space<vmem>> -> memref<120x64xf32, #tpu.memory_space<vmem>>
      %dma_start3A_1136 = arith.constant 0 : i32
      %dma_start3A_1137 = tpu.memref_slice %arg13[%add3A_24, %dma_start3A_1136] : memref<10112x64xf32, #tpu.memory_space<vmem_shared>> -> memref<120x64xf32, #tpu.memory_space<vmem_shared>>
      %dma_start3A_1138 = arith.constant 0 : i32
      %dma_start3A_1139 = tpu.memref_slice %arg13[%add3A_24, %dma_start3A_1138] : memref<10112x64xf32, #tpu.memory_space<vmem_shared>> -> memref<120x64xf32, #tpu.memory_space<vmem_shared>>
      %dma_start3A_1140 = arith.constant 0 : i32
      %dma_start3A_1141 = arith.constant 0 : i32
      %dma_start3A_1142 = tpu.memref_slice %arg8[%dma_start3A_1140, %dma_start3A_1141] : memref<128x64xf32, #tpu.memory_space<vmem>> -> memref<120x64xf32, #tpu.memory_space<vmem>>
      tpu.enqueue_dma source(%dma_start3A_1142 : memref<120x64xf32, #tpu.memory_space<vmem>>) target(%dma_start3A_1139 : memref<120x64xf32, #tpu.memory_space<vmem_shared>>) target_semaphore(%run_scoped3A_1132 : memref<!tpu.dma_semaphore, #tpu.memory_space<semaphore_mem>>)
      %dma_wait3A_1143 = arith.constant 0 : i32
      %dma_wait3A_1144 = arith.constant 0 : i32
      %dma_wait3A_1145 = tpu.memref_slice %arg8[%dma_wait3A_1143, %dma_wait3A_1144] : memref<128x64xf32, #tpu.memory_space<vmem>> -> memref<120x64xf32, #tpu.memory_space<vmem>>
      %dma_wait3A_1146 = arith.constant 0 : i32
      %dma_wait3A_1147 = tpu.memref_slice %arg13[%add3A_24, %dma_wait3A_1146] : memref<10112x64xf32, #tpu.memory_space<vmem_shared>> -> memref<120x64xf32, #tpu.memory_space<vmem_shared>>
      %dma_wait3A_1148 = arith.constant 0 : i32
      %dma_wait3A_1149 = tpu.memref_slice %arg13[%add3A_24, %dma_wait3A_1148] : memref<10112x64xf32, #tpu.memory_space<vmem_shared>> -> memref<120x64xf32, #tpu.memory_space<vmem_shared>>
      %dma_wait3A_1150 = arith.constant 0 : i32
      %dma_wait3A_1151 = arith.constant 0 : i32
      %dma_wait3A_1152 = tpu.memref_slice %arg8[%dma_wait3A_1150, %dma_wait3A_1151] : memref<128x64xf32, #tpu.memory_space<vmem>> -> memref<120x64xf32, #tpu.memory_space<vmem>>
      tpu.wait_dma2 semaphore(%run_scoped3A_1132 : memref<!tpu.dma_semaphore, #tpu.memory_space<semaphore_mem>>) src(%dma_wait3A_1152 : memref<120x64xf32, #tpu.memory_space<vmem>>) dst(%dma_wait3A_1149 : memref<120x64xf32, #tpu.memory_space<vmem_shared>>)
      tpu.yield
    }) : () -> ()
    %barrier3A = arith.constant 0 : index
    tpu.barrier barrier_id(%barrier3A)
    %dma_start3A = arith.constant 0 : i32
    %dma_start3A_25 = arith.constant 0 : i32
    %dma_start3A_26 = arith.constant 0 : i32
    %dma_start3A_27 = tpu.memref_slice %arg6[%dma_start3A, %dma_start3A_25, %dma_start3A_26] : memref<2x16x128xi32, #tpu.memory_space<vmem>> -> memref<1x1x128xi32, #tpu.memory_space<vmem>>
    %dma_start3A_28 = tpu.memref_squeeze %dma_start3A_27 : memref<1x1x128xi32, #tpu.memory_space<vmem>> -> memref<128xi32, #tpu.memory_space<vmem>>
    %dma_start3A_29 = arith.constant 0 : i32
    %dma_start3A_30 = arith.constant 0 : i32
    %dma_start3A_31 = tpu.memref_slice %arg12[%dma_start3A_29, %dma_start3A_30] : memref<10000x64xf32, #tpu.memory_space<vmem_shared>> -> memref<10000x64xf32, #tpu.memory_space<vmem_shared>>
    tpu.enqueue_indirect_dma source(%dma_start3A_31 : memref<10000x64xf32, #tpu.memory_space<vmem_shared>>) target(%arg8 : memref<128x64xf32, #tpu.memory_space<vmem>>) offsets(%dma_start3A_28 : memref<128xi32, #tpu.memory_space<vmem>>) semaphore(%arg14 : memref<!tpu.dma_semaphore, #tpu.memory_space<semaphore_mem>>)
    %dma_start3A_32 = arith.constant 0 : i32
    %dma_start3A_33 = arith.constant 1 : i32
    %dma_start3A_34 = arith.constant 0 : i32
    %dma_start3A_35 = tpu.memref_slice %arg6[%dma_start3A_32, %dma_start3A_33, %dma_start3A_34] : memref<2x16x128xi32, #tpu.memory_space<vmem>> -> memref<1x1x128xi32, #tpu.memory_space<vmem>>
    %dma_start3A_36 = tpu.memref_squeeze %dma_start3A_35 : memref<1x1x128xi32, #tpu.memory_space<vmem>> -> memref<128xi32, #tpu.memory_space<vmem>>
    %dma_start3A_37 = arith.constant 0 : i32
    %dma_start3A_38 = arith.constant 0 : i32
    %dma_start3A_39 = tpu.memref_slice %arg12[%dma_start3A_37, %dma_start3A_38] : memref<10000x64xf32, #tpu.memory_space<vmem_shared>> -> memref<10000x64xf32, #tpu.memory_space<vmem_shared>>
    tpu.enqueue_indirect_dma source(%dma_start3A_39 : memref<10000x64xf32, #tpu.memory_space<vmem_shared>>) target(%arg9 : memref<128x64xf32, #tpu.memory_space<vmem>>) offsets(%dma_start3A_36 : memref<128xi32, #tpu.memory_space<vmem>>) semaphore(%arg15 : memref<!tpu.dma_semaphore, #tpu.memory_space<semaphore_mem>>)
    %dma_wait3A = arith.constant 0 : i32
    %dma_wait3A_40 = arith.constant 0 : i32
    %dma_wait3A_41 = arith.constant 0 : i32
    %dma_wait3A_42 = tpu.memref_slice %arg6[%dma_wait3A, %dma_wait3A_40, %dma_wait3A_41] : memref<2x16x128xi32, #tpu.memory_space<vmem>> -> memref<1x1x128xi32, #tpu.memory_space<vmem>>
    %dma_wait3A_43 = tpu.memref_squeeze %dma_wait3A_42 : memref<1x1x128xi32, #tpu.memory_space<vmem>> -> memref<128xi32, #tpu.memory_space<vmem>>
    %dma_wait3A_44 = arith.constant 0 : i32
    %dma_wait3A_45 = arith.constant 0 : i32
    %dma_wait3A_46 = tpu.memref_slice %arg12[%dma_wait3A_44, %dma_wait3A_45] : memref<10000x64xf32, #tpu.memory_space<vmem_shared>> -> memref<10000x64xf32, #tpu.memory_space<vmem_shared>>
    tpu.wait_indirect_dma semaphore(%arg14 : memref<!tpu.dma_semaphore, #tpu.memory_space<semaphore_mem>>) src(%dma_wait3A_46 : memref<10000x64xf32, #tpu.memory_space<vmem_shared>>) dst(%arg8 : memref<128x64xf32, #tpu.memory_space<vmem>>)
    %dma_start3A_47 = arith.constant 0 : i32
    %dma_start3A_48 = arith.constant 0 : i32
    %dma_start3A_49 = arith.constant 0 : i32
    %dma_start3A_50 = tpu.memref_slice %arg7[%dma_start3A_47, %dma_start3A_48, %dma_start3A_49] : memref<2x16x128xi32, #tpu.memory_space<vmem>> -> memref<1x1x128xi32, #tpu.memory_space<vmem>>
    %dma_start3A_51 = tpu.memref_squeeze %dma_start3A_50 : memref<1x1x128xi32, #tpu.memory_space<vmem>> -> memref<128xi32, #tpu.memory_space<vmem>>
    %dma_start3A_52 = arith.constant 0 : i32
    %dma_start3A_53 = arith.constant 0 : i32
    %dma_start3A_54 = tpu.memref_slice %arg13[%dma_start3A_52, %dma_start3A_53] : memref<10112x64xf32, #tpu.memory_space<vmem_shared>> -> memref<10112x64xf32, #tpu.memory_space<vmem_shared>>
    tpu.enqueue_indirect_dma source(%arg8 : memref<128x64xf32, #tpu.memory_space<vmem>>) target(%dma_start3A_54 : memref<10112x64xf32, #tpu.memory_space<vmem_shared>>) offsets(%dma_start3A_51 : memref<128xi32, #tpu.memory_space<vmem>>) semaphore(%arg18 : memref<!tpu.dma_semaphore, #tpu.memory_space<semaphore_mem>>) {add = true}
    %dma_start3A_55 = arith.constant 1 : i32
    %dma_start3A_56 = arith.constant 0 : i32
    %dma_start3A_57 = arith.constant 0 : i32
    %dma_start3A_58 = tpu.memref_slice %arg6[%dma_start3A_55, %dma_start3A_56, %dma_start3A_57] : memref<2x16x128xi32, #tpu.memory_space<vmem>> -> memref<1x16x128xi32, #tpu.memory_space<vmem>>
    %dma_start3A_59 = tpu.memref_squeeze %dma_start3A_58 : memref<1x16x128xi32, #tpu.memory_space<vmem>> -> memref<16x128xi32, #tpu.memory_space<vmem>>
    %dma_start3A_60 = arith.constant 16 : i32
    %dma_start3A_61 = arith.constant 0 : i32
    %dma_start3A_62 = tpu.memref_slice %arg3[%arg1, %dma_start3A_60, %dma_start3A_61] : memref<16x160x128xi32, #tpu.memory_space<hbm>> -> memref<1x16x128xi32, #tpu.memory_space<hbm>>
    %dma_start3A_63 = tpu.memref_squeeze %dma_start3A_62 : memref<1x16x128xi32, #tpu.memory_space<hbm>> -> memref<16x128xi32, #tpu.memory_space<hbm>>
    %dma_start3A_64 = arith.constant 0 : i32
    %dma_start3A_65 = arith.constant 0 : i32
    %dma_start3A_66 = tpu.memref_slice %arg6[%dma_start3A_55, %dma_start3A_64, %dma_start3A_65] : memref<2x16x128xi32, #tpu.memory_space<vmem>> -> memref<1x16x128xi32, #tpu.memory_space<vmem>>
    %dma_start3A_67 = tpu.memref_squeeze %dma_start3A_66 : memref<1x16x128xi32, #tpu.memory_space<vmem>> -> memref<16x128xi32, #tpu.memory_space<vmem>>
    %dma_start3A_68 = arith.constant 16 : i32
    %dma_start3A_69 = arith.constant 0 : i32
    %dma_start3A_70 = tpu.memref_slice %arg3[%arg1, %dma_start3A_68, %dma_start3A_69] : memref<16x160x128xi32, #tpu.memory_space<hbm>> -> memref<1x16x128xi32, #tpu.memory_space<hbm>>
    %dma_start3A_71 = tpu.memref_squeeze %dma_start3A_70 : memref<1x16x128xi32, #tpu.memory_space<hbm>> -> memref<16x128xi32, #tpu.memory_space<hbm>>
    tpu.enqueue_dma source(%dma_start3A_71 : memref<16x128xi32, #tpu.memory_space<hbm>>) target(%dma_start3A_67 : memref<16x128xi32, #tpu.memory_space<vmem>>) target_semaphore(%arg22 : memref<!tpu.dma_semaphore, #tpu.memory_space<semaphore_mem>>)
    %dma_start3A_72 = arith.constant 1 : i32
    %dma_start3A_73 = arith.constant 0 : i32
    %dma_start3A_74 = arith.constant 0 : i32
    %dma_start3A_75 = tpu.memref_slice %arg7[%dma_start3A_72, %dma_start3A_73, %dma_start3A_74] : memref<2x16x128xi32, #tpu.memory_space<vmem>> -> memref<1x16x128xi32, #tpu.memory_space<vmem>>
    %dma_start3A_76 = tpu.memref_squeeze %dma_start3A_75 : memref<1x16x128xi32, #tpu.memory_space<vmem>> -> memref<16x128xi32, #tpu.memory_space<vmem>>
    %dma_start3A_77 = arith.constant 16 : i32
    %dma_start3A_78 = arith.constant 0 : i32
    %dma_start3A_79 = tpu.memref_slice %arg4[%arg1, %dma_start3A_77, %dma_start3A_78] : memref<16x160x128xi32, #tpu.memory_space<hbm>> -> memref<1x16x128xi32, #tpu.memory_space<hbm>>
    %dma_start3A_80 = tpu.memref_squeeze %dma_start3A_79 : memref<1x16x128xi32, #tpu.memory_space<hbm>> -> memref<16x128xi32, #tpu.memory_space<hbm>>
    %dma_start3A_81 = arith.constant 0 : i32
    %dma_start3A_82 = arith.constant 0 : i32
    %dma_start3A_83 = tpu.memref_slice %arg7[%dma_start3A_72, %dma_start3A_81, %dma_start3A_82] : memref<2x16x128xi32, #tpu.memory_space<vmem>> -> memref<1x16x128xi32, #tpu.memory_space<vmem>>
    %dma_start3A_84 = tpu.memref_squeeze %dma_start3A_83 : memref<1x16x128xi32, #tpu.memory_space<vmem>> -> memref<16x128xi32, #tpu.memory_space<vmem>>
    %dma_start3A_85 = arith.constant 16 : i32
    %dma_start3A_86 = arith.constant 0 : i32
    %dma_start3A_87 = tpu.memref_slice %arg4[%arg1, %dma_start3A_85, %dma_start3A_86] : memref<16x160x128xi32, #tpu.memory_space<hbm>> -> memref<1x16x128xi32, #tpu.memory_space<hbm>>
    %dma_start3A_88 = tpu.memref_squeeze %dma_start3A_87 : memref<1x16x128xi32, #tpu.memory_space<hbm>> -> memref<16x128xi32, #tpu.memory_space<hbm>>
    tpu.enqueue_dma source(%dma_start3A_88 : memref<16x128xi32, #tpu.memory_space<hbm>>) target(%dma_start3A_84 : memref<16x128xi32, #tpu.memory_space<vmem>>) target_semaphore(%arg22 : memref<!tpu.dma_semaphore, #tpu.memory_space<semaphore_mem>>)
    %dma_start3A_89 = arith.constant 0 : i32
    %dma_start3A_90 = arith.constant 2 : i32
    %dma_start3A_91 = arith.constant 0 : i32
    %dma_start3A_92 = tpu.memref_slice %arg6[%dma_start3A_89, %dma_start3A_90, %dma_start3A_91] : memref<2x16x128xi32, #tpu.memory_space<vmem>> -> memref<1x1x128xi32, #tpu.memory_space<vmem>>
    %dma_start3A_93 = tpu.memref_squeeze %dma_start3A_92 : memref<1x1x128xi32, #tpu.memory_space<vmem>> -> memref<128xi32, #tpu.memory_space<vmem>>
    %dma_start3A_94 = arith.constant 0 : i32
    %dma_start3A_95 = arith.constant 0 : i32
    %dma_start3A_96 = tpu.memref_slice %arg12[%dma_start3A_94, %dma_start3A_95] : memref<10000x64xf32, #tpu.memory_space<vmem_shared>> -> memref<10000x64xf32, #tpu.memory_space<vmem_shared>>
    tpu.enqueue_indirect_dma source(%dma_start3A_96 : memref<10000x64xf32, #tpu.memory_space<vmem_shared>>) target(%arg10 : memref<128x64xf32, #tpu.memory_space<vmem>>) offsets(%dma_start3A_93 : memref<128xi32, #tpu.memory_space<vmem>>) semaphore(%arg16 : memref<!tpu.dma_semaphore, #tpu.memory_space<semaphore_mem>>)
    %dma_wait3A_97 = arith.constant 0 : i32
    %dma_wait3A_98 = arith.constant 1 : i32
    %dma_wait3A_99 = arith.constant 0 : i32
    %dma_wait3A_100 = tpu.memref_slice %arg6[%dma_wait3A_97, %dma_wait3A_98, %dma_wait3A_99] : memref<2x16x128xi32, #tpu.memory_space<vmem>> -> memref<1x1x128xi32, #tpu.memory_space<vmem>>
    %dma_wait3A_101 = tpu.memref_squeeze %dma_wait3A_100 : memref<1x1x128xi32, #tpu.memory_space<vmem>> -> memref<128xi32, #tpu.memory_space<vmem>>
    %dma_wait3A_102 = arith.constant 0 : i32
    %dma_wait3A_103 = arith.constant 0 : i32
    %dma_wait3A_104 = tpu.memref_slice %arg12[%dma_wait3A_102, %dma_wait3A_103] : memref<10000x64xf32, #tpu.memory_space<vmem_shared>> -> memref<10000x64xf32, #tpu.memory_space<vmem_shared>>
    tpu.wait_indirect_dma semaphore(%arg15 : memref<!tpu.dma_semaphore, #tpu.memory_space<semaphore_mem>>) src(%dma_wait3A_104 : memref<10000x64xf32, #tpu.memory_space<vmem_shared>>) dst(%arg9 : memref<128x64xf32, #tpu.memory_space<vmem>>)
    %dma_start3A_105 = arith.constant 0 : i32
    %dma_start3A_106 = arith.constant 1 : i32
    %dma_start3A_107 = arith.constant 0 : i32
    %dma_start3A_108 = tpu.memref_slice %arg7[%dma_start3A_105, %dma_start3A_106, %dma_start3A_107] : memref<2x16x128xi32, #tpu.memory_space<vmem>> -> memref<1x1x128xi32, #tpu.memory_space<vmem>>
    %dma_start3A_109 = tpu.memref_squeeze %dma_start3A_108 : memref<1x1x128xi32, #tpu.memory_space<vmem>> -> memref<128xi32, #tpu.memory_space<vmem>>
    %dma_start3A_110 = arith.constant 0 : i32
    %dma_start3A_111 = arith.constant 0 : i32
    %dma_start3A_112 = tpu.memref_slice %arg13[%dma_start3A_110, %dma_start3A_111] : memref<10112x64xf32, #tpu.memory_space<vmem_shared>> -> memref<10112x64xf32, #tpu.memory_space<vmem_shared>>
    tpu.enqueue_indirect_dma source(%arg9 : memref<128x64xf32, #tpu.memory_space<vmem>>) target(%dma_start3A_112 : memref<10112x64xf32, #tpu.memory_space<vmem_shared>>) offsets(%dma_start3A_109 : memref<128xi32, #tpu.memory_space<vmem>>) semaphore(%arg19 : memref<!tpu.dma_semaphore, #tpu.memory_space<semaphore_mem>>) {add = true}
    %dma_start3A_113 = arith.constant 0 : i32
    %dma_start3A_114 = arith.constant 3 : i32
    %dma_start3A_115 = arith.constant 0 : i32
    %dma_start3A_116 = tpu.memref_slice %arg6[%dma_start3A_113, %dma_start3A_114, %dma_start3A_115] : memref<2x16x128xi32, #tpu.memory_space<vmem>> -> memref<1x1x128xi32, #tpu.memory_space<vmem>>
    %dma_start3A_117 = tpu.memref_squeeze %dma_start3A_116 : memref<1x1x128xi32, #tpu.memory_space<vmem>> -> memref<128xi32, #tpu.memory_space<vmem>>
    %dma_start3A_118 = arith.constant 0 : i32
    %dma_start3A_119 = arith.constant 0 : i32
    %dma_start3A_120 = tpu.memref_slice %arg12[%dma_start3A_118, %dma_start3A_119] : memref<10000x64xf32, #tpu.memory_space<vmem_shared>> -> memref<10000x64xf32, #tpu.memory_space<vmem_shared>>
    tpu.enqueue_indirect_dma source(%dma_start3A_120 : memref<10000x64xf32, #tpu.memory_space<vmem_shared>>) target(%arg11 : memref<128x64xf32, #tpu.memory_space<vmem>>) offsets(%dma_start3A_117 : memref<128xi32, #tpu.memory_space<vmem>>) semaphore(%arg17 : memref<!tpu.dma_semaphore, #tpu.memory_space<semaphore_mem>>)
    %dma_wait3A_121 = arith.constant 0 : i32
    %dma_wait3A_122 = arith.constant 2 : i32
    %dma_wait3A_123 = arith.constant 0 : i32
    %dma_wait3A_124 = tpu.memref_slice %arg6[%dma_wait3A_121, %dma_wait3A_122, %dma_wait3A_123] : memref<2x16x128xi32, #tpu.memory_space<vmem>> -> memref<1x1x128xi32, #tpu.memory_space<vmem>>
    %dma_wait3A_125 = tpu.memref_squeeze %dma_wait3A_124 : memref<1x1x128xi32, #tpu.memory_space<vmem>> -> memref<128xi32, #tpu.memory_space<vmem>>
    %dma_wait3A_126 = arith.constant 0 : i32
    %dma_wait3A_127 = arith.constant 0 : i32
    %dma_wait3A_128 = tpu.memref_slice %arg12[%dma_wait3A_126, %dma_wait3A_127] : memref<10000x64xf32, #tpu.memory_space<vmem_shared>> -> memref<10000x64xf32, #tpu.memory_space<vmem_shared>>
    tpu.wait_indirect_dma semaphore(%arg16 : memref<!tpu.dma_semaphore, #tpu.memory_space<semaphore_mem>>) src(%dma_wait3A_128 : memref<10000x64xf32, #tpu.memory_space<vmem_shared>>) dst(%arg10 : memref<128x64xf32, #tpu.memory_space<vmem>>)
    %dma_start3A_129 = arith.constant 0 : i32
    %dma_start3A_130 = arith.constant 2 : i32
    %dma_start3A_131 = arith.constant 0 : i32
    %dma_start3A_132 = tpu.memref_slice %arg7[%dma_start3A_129, %dma_start3A_130, %dma_start3A_131] : memref<2x16x128xi32, #tpu.memory_space<vmem>> -> memref<1x1x128xi32, #tpu.memory_space<vmem>>
    %dma_start3A_133 = tpu.memref_squeeze %dma_start3A_132 : memref<1x1x128xi32, #tpu.memory_space<vmem>> -> memref<128xi32, #tpu.memory_space<vmem>>
    %dma_start3A_134 = arith.constant 0 : i32
    %dma_start3A_135 = arith.constant 0 : i32
    %dma_start3A_136 = tpu.memref_slice %arg13[%dma_start3A_134, %dma_start3A_135] : memref<10112x64xf32, #tpu.memory_space<vmem_shared>> -> memref<10112x64xf32, #tpu.memory_space<vmem_shared>>
    tpu.enqueue_indirect_dma source(%arg10 : memref<128x64xf32, #tpu.memory_space<vmem>>) target(%dma_start3A_136 : memref<10112x64xf32, #tpu.memory_space<vmem_shared>>) offsets(%dma_start3A_133 : memref<128xi32, #tpu.memory_space<vmem>>) semaphore(%arg20 : memref<!tpu.dma_semaphore, #tpu.memory_space<semaphore_mem>>) {add = true}
    %dma_wait3A_137 = arith.constant 0 : i32
    %dma_wait3A_138 = arith.constant 0 : i32
    %dma_wait3A_139 = arith.constant 0 : i32
    %dma_wait3A_140 = tpu.memref_slice %arg7[%dma_wait3A_137, %dma_wait3A_138, %dma_wait3A_139] : memref<2x16x128xi32, #tpu.memory_space<vmem>> -> memref<1x1x128xi32, #tpu.memory_space<vmem>>
    %dma_wait3A_141 = tpu.memref_squeeze %dma_wait3A_140 : memref<1x1x128xi32, #tpu.memory_space<vmem>> -> memref<128xi32, #tpu.memory_space<vmem>>
    %dma_wait3A_142 = arith.constant 0 : i32
    %dma_wait3A_143 = arith.constant 0 : i32
    %dma_wait3A_144 = tpu.memref_slice %arg13[%dma_wait3A_142, %dma_wait3A_143] : memref<10112x64xf32, #tpu.memory_space<vmem_shared>> -> memref<10112x64xf32, #tpu.memory_space<vmem_shared>>
    tpu.wait_indirect_dma semaphore(%arg18 : memref<!tpu.dma_semaphore, #tpu.memory_space<semaphore_mem>>) src(%arg8 : memref<128x64xf32, #tpu.memory_space<vmem>>) dst(%dma_wait3A_144 : memref<10112x64xf32, #tpu.memory_space<vmem_shared>>)
    %dma_start3A_145 = arith.constant 0 : i32
    %dma_start3A_146 = arith.constant 4 : i32
    %dma_start3A_147 = arith.constant 0 : i32
    %dma_start3A_148 = tpu.memref_slice %arg6[%dma_start3A_145, %dma_start3A_146, %dma_start3A_147] : memref<2x16x128xi32, #tpu.memory_space<vmem>> -> memref<1x1x128xi32, #tpu.memory_space<vmem>>
    %dma_start3A_149 = tpu.memref_squeeze %dma_start3A_148 : memref<1x1x128xi32, #tpu.memory_space<vmem>> -> memref<128xi32, #tpu.memory_space<vmem>>
    %dma_start3A_150 = arith.constant 0 : i32
    %dma_start3A_151 = arith.constant 0 : i32
    %dma_start3A_152 = tpu.memref_slice %arg12[%dma_start3A_150, %dma_start3A_151] : memref<10000x64xf32, #tpu.memory_space<vmem_shared>> -> memref<10000x64xf32, #tpu.memory_space<vmem_shared>>
    tpu.enqueue_indirect_dma source(%dma_start3A_152 : memref<10000x64xf32, #tpu.memory_space<vmem_shared>>) target(%arg8 : memref<128x64xf32, #tpu.memory_space<vmem>>) offsets(%dma_start3A_149 : memref<128xi32, #tpu.memory_space<vmem>>) semaphore(%arg14 : memref<!tpu.dma_semaphore, #tpu.memory_space<semaphore_mem>>)
    %dma_wait3A_153 = arith.constant 0 : i32
    %dma_wait3A_154 = arith.constant 3 : i32
    %dma_wait3A_155 = arith.constant 0 : i32
    %dma_wait3A_156 = tpu.memref_slice %arg6[%dma_wait3A_153, %dma_wait3A_154, %dma_wait3A_155] : memref<2x16x128xi32, #tpu.memory_space<vmem>> -> memref<1x1x128xi32, #tpu.memory_space<vmem>>
    %dma_wait3A_157 = tpu.memref_squeeze %dma_wait3A_156 : memref<1x1x128xi32, #tpu.memory_space<vmem>> -> memref<128xi32, #tpu.memory_space<vmem>>
    %dma_wait3A_158 = arith.constant 0 : i32
    %dma_wait3A_159 = arith.constant 0 : i32
    %dma_wait3A_160 = tpu.memref_slice %arg12[%dma_wait3A_158, %dma_wait3A_159] : memref<10000x64xf32, #tpu.memory_space<vmem_shared>> -> memref<10000x64xf32, #tpu.memory_space<vmem_shared>>
    tpu.wait_indirect_dma semaphore(%arg17 : memref<!tpu.dma_semaphore, #tpu.memory_space<semaphore_mem>>) src(%dma_wait3A_160 : memref<10000x64xf32, #tpu.memory_space<vmem_shared>>) dst(%arg11 : memref<128x64xf32, #tpu.memory_space<vmem>>)
    %dma_start3A_161 = arith.constant 0 : i32
    %dma_start3A_162 = arith.constant 3 : i32
    %dma_start3A_163 = arith.constant 0 : i32
    %dma_start3A_164 = tpu.memref_slice %arg7[%dma_start3A_161, %dma_start3A_162, %dma_start3A_163] : memref<2x16x128xi32, #tpu.memory_space<vmem>> -> memref<1x1x128xi32, #tpu.memory_space<vmem>>
    %dma_start3A_165 = tpu.memref_squeeze %dma_start3A_164 : memref<1x1x128xi32, #tpu.memory_space<vmem>> -> memref<128xi32, #tpu.memory_space<vmem>>
    %dma_start3A_166 = arith.constant 0 : i32
    %dma_start3A_167 = arith.constant 0 : i32
    %dma_start3A_168 = tpu.memref_slice %arg13[%dma_start3A_166, %dma_start3A_167] : memref<10112x64xf32, #tpu.memory_space<vmem_shared>> -> memref<10112x64xf32, #tpu.memory_space<vmem_shared>>
    tpu.enqueue_indirect_dma source(%arg11 : memref<128x64xf32, #tpu.memory_space<vmem>>) target(%dma_start3A_168 : memref<10112x64xf32, #tpu.memory_space<vmem_shared>>) offsets(%dma_start3A_165 : memref<128xi32, #tpu.memory_space<vmem>>) semaphore(%arg21 : memref<!tpu.dma_semaphore, #tpu.memory_space<semaphore_mem>>) {add = true}
    %dma_wait3A_169 = arith.constant 0 : i32
    %dma_wait3A_170 = arith.constant 1 : i32
    %dma_wait3A_171 = arith.constant 0 : i32
    %dma_wait3A_172 = tpu.memref_slice %arg7[%dma_wait3A_169, %dma_wait3A_170, %dma_wait3A_171] : memref<2x16x128xi32, #tpu.memory_space<vmem>> -> memref<1x1x128xi32, #tpu.memory_space<vmem>>
    %dma_wait3A_173 = tpu.memref_squeeze %dma_wait3A_172 : memref<1x1x128xi32, #tpu.memory_space<vmem>> -> memref<128xi32, #tpu.memory_space<vmem>>
    %dma_wait3A_174 = arith.constant 0 : i32
    %dma_wait3A_175 = arith.constant 0 : i32
    %dma_wait3A_176 = tpu.memref_slice %arg13[%dma_wait3A_174, %dma_wait3A_175] : memref<10112x64xf32, #tpu.memory_space<vmem_shared>> -> memref<10112x64xf32, #tpu.memory_space<vmem_shared>>
    tpu.wait_indirect_dma semaphore(%arg19 : memref<!tpu.dma_semaphore, #tpu.memory_space<semaphore_mem>>) src(%arg9 : memref<128x64xf32, #tpu.memory_space<vmem>>) dst(%dma_wait3A_176 : memref<10112x64xf32, #tpu.memory_space<vmem_shared>>)
    %dma_start3A_177 = arith.constant 0 : i32
    %dma_start3A_178 = arith.constant 5 : i32
    %dma_start3A_179 = arith.constant 0 : i32
    %dma_start3A_180 = tpu.memref_slice %arg6[%dma_start3A_177, %dma_start3A_178, %dma_start3A_179] : memref<2x16x128xi32, #tpu.memory_space<vmem>> -> memref<1x1x128xi32, #tpu.memory_space<vmem>>
    %dma_start3A_181 = tpu.memref_squeeze %dma_start3A_180 : memref<1x1x128xi32, #tpu.memory_space<vmem>> -> memref<128xi32, #tpu.memory_space<vmem>>
    %dma_start3A_182 = arith.constant 0 : i32
    %dma_start3A_183 = arith.constant 0 : i32
    %dma_start3A_184 = tpu.memref_slice %arg12[%dma_start3A_182, %dma_start3A_183] : memref<10000x64xf32, #tpu.memory_space<vmem_shared>> -> memref<10000x64xf32, #tpu.memory_space<vmem_shared>>
    tpu.enqueue_indirect_dma source(%dma_start3A_184 : memref<10000x64xf32, #tpu.memory_space<vmem_shared>>) target(%arg9 : memref<128x64xf32, #tpu.memory_space<vmem>>) offsets(%dma_start3A_181 : memref<128xi32, #tpu.memory_space<vmem>>) semaphore(%arg15 : memref<!tpu.dma_semaphore, #tpu.memory_space<semaphore_mem>>)
    %dma_wait3A_185 = arith.constant 0 : i32
    %dma_wait3A_186 = arith.constant 4 : i32
    %dma_wait3A_187 = arith.constant 0 : i32
    %dma_wait3A_188 = tpu.memref_slice %arg6[%dma_wait3A_185, %dma_wait3A_186, %dma_wait3A_187] : memref<2x16x128xi32, #tpu.memory_space<vmem>> -> memref<1x1x128xi32, #tpu.memory_space<vmem>>
    %dma_wait3A_189 = tpu.memref_squeeze %dma_wait3A_188 : memref<1x1x128xi32, #tpu.memory_space<vmem>> -> memref<128xi32, #tpu.memory_space<vmem>>
    %dma_wait3A_190 = arith.constant 0 : i32
    %dma_wait3A_191 = arith.constant 0 : i32
    %dma_wait3A_192 = tpu.memref_slice %arg12[%dma_wait3A_190, %dma_wait3A_191] : memref<10000x64xf32, #tpu.memory_space<vmem_shared>> -> memref<10000x64xf32, #tpu.memory_space<vmem_shared>>
    tpu.wait_indirect_dma semaphore(%arg14 : memref<!tpu.dma_semaphore, #tpu.memory_space<semaphore_mem>>) src(%dma_wait3A_192 : memref<10000x64xf32, #tpu.memory_space<vmem_shared>>) dst(%arg8 : memref<128x64xf32, #tpu.memory_space<vmem>>)
    %dma_start3A_193 = arith.constant 0 : i32
    %dma_start3A_194 = arith.constant 4 : i32
    %dma_start3A_195 = arith.constant 0 : i32
    %dma_start3A_196 = tpu.memref_slice %arg7[%dma_start3A_193, %dma_start3A_194, %dma_start3A_195] : memref<2x16x128xi32, #tpu.memory_space<vmem>> -> memref<1x1x128xi32, #tpu.memory_space<vmem>>
    %dma_start3A_197 = tpu.memref_squeeze %dma_start3A_196 : memref<1x1x128xi32, #tpu.memory_space<vmem>> -> memref<128xi32, #tpu.memory_space<vmem>>
    %dma_start3A_198 = arith.constant 0 : i32
    %dma_start3A_199 = arith.constant 0 : i32
    %dma_start3A_200 = tpu.memref_slice %arg13[%dma_start3A_198, %dma_start3A_199] : memref<10112x64xf32, #tpu.memory_space<vmem_shared>> -> memref<10112x64xf32, #tpu.memory_space<vmem_shared>>
    tpu.enqueue_indirect_dma source(%arg8 : memref<128x64xf32, #tpu.memory_space<vmem>>) target(%dma_start3A_200 : memref<10112x64xf32, #tpu.memory_space<vmem_shared>>) offsets(%dma_start3A_197 : memref<128xi32, #tpu.memory_space<vmem>>) semaphore(%arg18 : memref<!tpu.dma_semaphore, #tpu.memory_space<semaphore_mem>>) {add = true}
    %dma_wait3A_201 = arith.constant 0 : i32
    %dma_wait3A_202 = arith.constant 2 : i32
    %dma_wait3A_203 = arith.constant 0 : i32
    %dma_wait3A_204 = tpu.memref_slice %arg7[%dma_wait3A_201, %dma_wait3A_202, %dma_wait3A_203] : memref<2x16x128xi32, #tpu.memory_space<vmem>> -> memref<1x1x128xi32, #tpu.memory_space<vmem>>
    %dma_wait3A_205 = tpu.memref_squeeze %dma_wait3A_204 : memref<1x1x128xi32, #tpu.memory_space<vmem>> -> memref<128xi32, #tpu.memory_space<vmem>>
    %dma_wait3A_206 = arith.constant 0 : i32
    %dma_wait3A_207 = arith.constant 0 : i32
    %dma_wait3A_208 = tpu.memref_slice %arg13[%dma_wait3A_206, %dma_wait3A_207] : memref<10112x64xf32, #tpu.memory_space<vmem_shared>> -> memref<10112x64xf32, #tpu.memory_space<vmem_shared>>
    tpu.wait_indirect_dma semaphore(%arg20 : memref<!tpu.dma_semaphore, #tpu.memory_space<semaphore_mem>>) src(%arg10 : memref<128x64xf32, #tpu.memory_space<vmem>>) dst(%dma_wait3A_208 : memref<10112x64xf32, #tpu.memory_space<vmem_shared>>)
    %dma_start3A_209 = arith.constant 0 : i32
    %dma_start3A_210 = arith.constant 6 : i32
    %dma_start3A_211 = arith.constant 0 : i32
    %dma_start3A_212 = tpu.memref_slice %arg6[%dma_start3A_209, %dma_start3A_210, %dma_start3A_211] : memref<2x16x128xi32, #tpu.memory_space<vmem>> -> memref<1x1x128xi32, #tpu.memory_space<vmem>>
    %dma_start3A_213 = tpu.memref_squeeze %dma_start3A_212 : memref<1x1x128xi32, #tpu.memory_space<vmem>> -> memref<128xi32, #tpu.memory_space<vmem>>
    %dma_start3A_214 = arith.constant 0 : i32
    %dma_start3A_215 = arith.constant 0 : i32
    %dma_start3A_216 = tpu.memref_slice %arg12[%dma_start3A_214, %dma_start3A_215] : memref<10000x64xf32, #tpu.memory_space<vmem_shared>> -> memref<10000x64xf32, #tpu.memory_space<vmem_shared>>
    tpu.enqueue_indirect_dma source(%dma_start3A_216 : memref<10000x64xf32, #tpu.memory_space<vmem_shared>>) target(%arg10 : memref<128x64xf32, #tpu.memory_space<vmem>>) offsets(%dma_start3A_213 : memref<128xi32, #tpu.memory_space<vmem>>) semaphore(%arg16 : memref<!tpu.dma_semaphore, #tpu.memory_space<semaphore_mem>>)
    %dma_wait3A_217 = arith.constant 0 : i32
    %dma_wait3A_218 = arith.constant 5 : i32
    %dma_wait3A_219 = arith.constant 0 : i32
    %dma_wait3A_220 = tpu.memref_slice %arg6[%dma_wait3A_217, %dma_wait3A_218, %dma_wait3A_219] : memref<2x16x128xi32, #tpu.memory_space<vmem>> -> memref<1x1x128xi32, #tpu.memory_space<vmem>>
    %dma_wait3A_221 = tpu.memref_squeeze %dma_wait3A_220 : memref<1x1x128xi32, #tpu.memory_space<vmem>> -> memref<128xi32, #tpu.memory_space<vmem>>
    %dma_wait3A_222 = arith.constant 0 : i32
    %dma_wait3A_223 = arith.constant 0 : i32
    %dma_wait3A_224 = tpu.memref_slice %arg12[%dma_wait3A_222, %dma_wait3A_223] : memref<10000x64xf32, #tpu.memory_space<vmem_shared>> -> memref<10000x64xf32, #tpu.memory_space<vmem_shared>>
    tpu.wait_indirect_dma semaphore(%arg15 : memref<!tpu.dma_semaphore, #tpu.memory_space<semaphore_mem>>) src(%dma_wait3A_224 : memref<10000x64xf32, #tpu.memory_space<vmem_shared>>) dst(%arg9 : memref<128x64xf32, #tpu.memory_space<vmem>>)
    %dma_start3A_225 = arith.constant 0 : i32
    %dma_start3A_226 = arith.constant 5 : i32
    %dma_start3A_227 = arith.constant 0 : i32
    %dma_start3A_228 = tpu.memref_slice %arg7[%dma_start3A_225, %dma_start3A_226, %dma_start3A_227] : memref<2x16x128xi32, #tpu.memory_space<vmem>> -> memref<1x1x128xi32, #tpu.memory_space<vmem>>
    %dma_start3A_229 = tpu.memref_squeeze %dma_start3A_228 : memref<1x1x128xi32, #tpu.memory_space<vmem>> -> memref<128xi32, #tpu.memory_space<vmem>>
    %dma_start3A_230 = arith.constant 0 : i32
    %dma_start3A_231 = arith.constant 0 : i32
    %dma_start3A_232 = tpu.memref_slice %arg13[%dma_start3A_230, %dma_start3A_231] : memref<10112x64xf32, #tpu.memory_space<vmem_shared>> -> memref<10112x64xf32, #tpu.memory_space<vmem_shared>>
    tpu.enqueue_indirect_dma source(%arg9 : memref<128x64xf32, #tpu.memory_space<vmem>>) target(%dma_start3A_232 : memref<10112x64xf32, #tpu.memory_space<vmem_shared>>) offsets(%dma_start3A_229 : memref<128xi32, #tpu.memory_space<vmem>>) semaphore(%arg19 : memref<!tpu.dma_semaphore, #tpu.memory_space<semaphore_mem>>) {add = true}
    %dma_wait3A_233 = arith.constant 0 : i32
    %dma_wait3A_234 = arith.constant 3 : i32
    %dma_wait3A_235 = arith.constant 0 : i32
    %dma_wait3A_236 = tpu.memref_slice %arg7[%dma_wait3A_233, %dma_wait3A_234, %dma_wait3A_235] : memref<2x16x128xi32, #tpu.memory_space<vmem>> -> memref<1x1x128xi32, #tpu.memory_space<vmem>>
    %dma_wait3A_237 = tpu.memref_squeeze %dma_wait3A_236 : memref<1x1x128xi32, #tpu.memory_space<vmem>> -> memref<128xi32, #tpu.memory_space<vmem>>
    %dma_wait3A_238 = arith.constant 0 : i32
    %dma_wait3A_239 = arith.constant 0 : i32
    %dma_wait3A_240 = tpu.memref_slice %arg13[%dma_wait3A_238, %dma_wait3A_239] : memref<10112x64xf32, #tpu.memory_space<vmem_shared>> -> memref<10112x64xf32, #tpu.memory_space<vmem_shared>>
    tpu.wait_indirect_dma semaphore(%arg21 : memref<!tpu.dma_semaphore, #tpu.memory_space<semaphore_mem>>) src(%arg11 : memref<128x64xf32, #tpu.memory_space<vmem>>) dst(%dma_wait3A_240 : memref<10112x64xf32, #tpu.memory_space<vmem_shared>>)
    %dma_start3A_241 = arith.constant 0 : i32
    %dma_start3A_242 = arith.constant 7 : i32
    %dma_start3A_243 = arith.constant 0 : i32
    %dma_start3A_244 = tpu.memref_slice %arg6[%dma_start3A_241, %dma_start3A_242, %dma_start3A_243] : memref<2x16x128xi32, #tpu.memory_space<vmem>> -> memref<1x1x128xi32, #tpu.memory_space<vmem>>
    %dma_start3A_245 = tpu.memref_squeeze %dma_start3A_244 : memref<1x1x128xi32, #tpu.memory_space<vmem>> -> memref<128xi32, #tpu.memory_space<vmem>>
    %dma_start3A_246 = arith.constant 0 : i32
    %dma_start3A_247 = arith.constant 0 : i32
    %dma_start3A_248 = tpu.memref_slice %arg12[%dma_start3A_246, %dma_start3A_247] : memref<10000x64xf32, #tpu.memory_space<vmem_shared>> -> memref<10000x64xf32, #tpu.memory_space<vmem_shared>>
    tpu.enqueue_indirect_dma source(%dma_start3A_248 : memref<10000x64xf32, #tpu.memory_space<vmem_shared>>) target(%arg11 : memref<128x64xf32, #tpu.memory_space<vmem>>) offsets(%dma_start3A_245 : memref<128xi32, #tpu.memory_space<vmem>>) semaphore(%arg17 : memref<!tpu.dma_semaphore, #tpu.memory_space<semaphore_mem>>)
    %dma_wait3A_249 = arith.constant 0 : i32
    %dma_wait3A_250 = arith.constant 6 : i32
    %dma_wait3A_251 = arith.constant 0 : i32
    %dma_wait3A_252 = tpu.memref_slice %arg6[%dma_wait3A_249, %dma_wait3A_250, %dma_wait3A_251] : memref<2x16x128xi32, #tpu.memory_space<vmem>> -> memref<1x1x128xi32, #tpu.memory_space<vmem>>
    %dma_wait3A_253 = tpu.memref_squeeze %dma_wait3A_252 : memref<1x1x128xi32, #tpu.memory_space<vmem>> -> memref<128xi32, #tpu.memory_space<vmem>>
    %dma_wait3A_254 = arith.constant 0 : i32
    %dma_wait3A_255 = arith.constant 0 : i32
    %dma_wait3A_256 = tpu.memref_slice %arg12[%dma_wait3A_254, %dma_wait3A_255] : memref<10000x64xf32, #tpu.memory_space<vmem_shared>> -> memref<10000x64xf32, #tpu.memory_space<vmem_shared>>
    tpu.wait_indirect_dma semaphore(%arg16 : memref<!tpu.dma_semaphore, #tpu.memory_space<semaphore_mem>>) src(%dma_wait3A_256 : memref<10000x64xf32, #tpu.memory_space<vmem_shared>>) dst(%arg10 : memref<128x64xf32, #tpu.memory_space<vmem>>)
    %dma_start3A_257 = arith.constant 0 : i32
    %dma_start3A_258 = arith.constant 6 : i32
    %dma_start3A_259 = arith.constant 0 : i32
    %dma_start3A_260 = tpu.memref_slice %arg7[%dma_start3A_257, %dma_start3A_258, %dma_start3A_259] : memref<2x16x128xi32, #tpu.memory_space<vmem>> -> memref<1x1x128xi32, #tpu.memory_space<vmem>>
    %dma_start3A_261 = tpu.memref_squeeze %dma_start3A_260 : memref<1x1x128xi32, #tpu.memory_space<vmem>> -> memref<128xi32, #tpu.memory_space<vmem>>
    %dma_start3A_262 = arith.constant 0 : i32
    %dma_start3A_263 = arith.constant 0 : i32
    %dma_start3A_264 = tpu.memref_slice %arg13[%dma_start3A_262, %dma_start3A_263] : memref<10112x64xf32, #tpu.memory_space<vmem_shared>> -> memref<10112x64xf32, #tpu.memory_space<vmem_shared>>
    tpu.enqueue_indirect_dma source(%arg10 : memref<128x64xf32, #tpu.memory_space<vmem>>) target(%dma_start3A_264 : memref<10112x64xf32, #tpu.memory_space<vmem_shared>>) offsets(%dma_start3A_261 : memref<128xi32, #tpu.memory_space<vmem>>) semaphore(%arg20 : memref<!tpu.dma_semaphore, #tpu.memory_space<semaphore_mem>>) {add = true}
    %dma_wait3A_265 = arith.constant 0 : i32
    %dma_wait3A_266 = arith.constant 4 : i32
    %dma_wait3A_267 = arith.constant 0 : i32
    %dma_wait3A_268 = tpu.memref_slice %arg7[%dma_wait3A_265, %dma_wait3A_266, %dma_wait3A_267] : memref<2x16x128xi32, #tpu.memory_space<vmem>> -> memref<1x1x128xi32, #tpu.memory_space<vmem>>
    %dma_wait3A_269 = tpu.memref_squeeze %dma_wait3A_268 : memref<1x1x128xi32, #tpu.memory_space<vmem>> -> memref<128xi32, #tpu.memory_space<vmem>>
    %dma_wait3A_270 = arith.constant 0 : i32
    %dma_wait3A_271 = arith.constant 0 : i32
    %dma_wait3A_272 = tpu.memref_slice %arg13[%dma_wait3A_270, %dma_wait3A_271] : memref<10112x64xf32, #tpu.memory_space<vmem_shared>> -> memref<10112x64xf32, #tpu.memory_space<vmem_shared>>
    tpu.wait_indirect_dma semaphore(%arg18 : memref<!tpu.dma_semaphore, #tpu.memory_space<semaphore_mem>>) src(%arg8 : memref<128x64xf32, #tpu.memory_space<vmem>>) dst(%dma_wait3A_272 : memref<10112x64xf32, #tpu.memory_space<vmem_shared>>)
    %dma_start3A_273 = arith.constant 0 : i32
    %dma_start3A_274 = arith.constant 8 : i32
    %dma_start3A_275 = arith.constant 0 : i32
    %dma_start3A_276 = tpu.memref_slice %arg6[%dma_start3A_273, %dma_start3A_274, %dma_start3A_275] : memref<2x16x128xi32, #tpu.memory_space<vmem>> -> memref<1x1x128xi32, #tpu.memory_space<vmem>>
    %dma_start3A_277 = tpu.memref_squeeze %dma_start3A_276 : memref<1x1x128xi32, #tpu.memory_space<vmem>> -> memref<128xi32, #tpu.memory_space<vmem>>
    %dma_start3A_278 = arith.constant 0 : i32
    %dma_start3A_279 = arith.constant 0 : i32
    %dma_start3A_280 = tpu.memref_slice %arg12[%dma_start3A_278, %dma_start3A_279] : memref<10000x64xf32, #tpu.memory_space<vmem_shared>> -> memref<10000x64xf32, #tpu.memory_space<vmem_shared>>
    tpu.enqueue_indirect_dma source(%dma_start3A_280 : memref<10000x64xf32, #tpu.memory_space<vmem_shared>>) target(%arg8 : memref<128x64xf32, #tpu.memory_space<vmem>>) offsets(%dma_start3A_277 : memref<128xi32, #tpu.memory_space<vmem>>) semaphore(%arg14 : memref<!tpu.dma_semaphore, #tpu.memory_space<semaphore_mem>>)
    %dma_wait3A_281 = arith.constant 0 : i32
    %dma_wait3A_282 = arith.constant 7 : i32
    %dma_wait3A_283 = arith.constant 0 : i32
    %dma_wait3A_284 = tpu.memref_slice %arg6[%dma_wait3A_281, %dma_wait3A_282, %dma_wait3A_283] : memref<2x16x128xi32, #tpu.memory_space<vmem>> -> memref<1x1x128xi32, #tpu.memory_space<vmem>>
    %dma_wait3A_285 = tpu.memref_squeeze %dma_wait3A_284 : memref<1x1x128xi32, #tpu.memory_space<vmem>> -> memref<128xi32, #tpu.memory_space<vmem>>
    %dma_wait3A_286 = arith.constant 0 : i32
    %dma_wait3A_287 = arith.constant 0 : i32
    %dma_wait3A_288 = tpu.memref_slice %arg12[%dma_wait3A_286, %dma_wait3A_287] : memref<10000x64xf32, #tpu.memory_space<vmem_shared>> -> memref<10000x64xf32, #tpu.memory_space<vmem_shared>>
    tpu.wait_indirect_dma semaphore(%arg17 : memref<!tpu.dma_semaphore, #tpu.memory_space<semaphore_mem>>) src(%dma_wait3A_288 : memref<10000x64xf32, #tpu.memory_space<vmem_shared>>) dst(%arg11 : memref<128x64xf32, #tpu.memory_space<vmem>>)
    %dma_start3A_289 = arith.constant 0 : i32
    %dma_start3A_290 = arith.constant 7 : i32
    %dma_start3A_291 = arith.constant 0 : i32
    %dma_start3A_292 = tpu.memref_slice %arg7[%dma_start3A_289, %dma_start3A_290, %dma_start3A_291] : memref<2x16x128xi32, #tpu.memory_space<vmem>> -> memref<1x1x128xi32, #tpu.memory_space<vmem>>
    %dma_start3A_293 = tpu.memref_squeeze %dma_start3A_292 : memref<1x1x128xi32, #tpu.memory_space<vmem>> -> memref<128xi32, #tpu.memory_space<vmem>>
    %dma_start3A_294 = arith.constant 0 : i32
    %dma_start3A_295 = arith.constant 0 : i32
    %dma_start3A_296 = tpu.memref_slice %arg13[%dma_start3A_294, %dma_start3A_295] : memref<10112x64xf32, #tpu.memory_space<vmem_shared>> -> memref<10112x64xf32, #tpu.memory_space<vmem_shared>>
    tpu.enqueue_indirect_dma source(%arg11 : memref<128x64xf32, #tpu.memory_space<vmem>>) target(%dma_start3A_296 : memref<10112x64xf32, #tpu.memory_space<vmem_shared>>) offsets(%dma_start3A_293 : memref<128xi32, #tpu.memory_space<vmem>>) semaphore(%arg21 : memref<!tpu.dma_semaphore, #tpu.memory_space<semaphore_mem>>) {add = true}
    %dma_wait3A_297 = arith.constant 0 : i32
    %dma_wait3A_298 = arith.constant 5 : i32
    %dma_wait3A_299 = arith.constant 0 : i32
    %dma_wait3A_300 = tpu.memref_slice %arg7[%dma_wait3A_297, %dma_wait3A_298, %dma_wait3A_299] : memref<2x16x128xi32, #tpu.memory_space<vmem>> -> memref<1x1x128xi32, #tpu.memory_space<vmem>>
    %dma_wait3A_301 = tpu.memref_squeeze %dma_wait3A_300 : memref<1x1x128xi32, #tpu.memory_space<vmem>> -> memref<128xi32, #tpu.memory_space<vmem>>
    %dma_wait3A_302 = arith.constant 0 : i32
    %dma_wait3A_303 = arith.constant 0 : i32
    %dma_wait3A_304 = tpu.memref_slice %arg13[%dma_wait3A_302, %dma_wait3A_303] : memref<10112x64xf32, #tpu.memory_space<vmem_shared>> -> memref<10112x64xf32, #tpu.memory_space<vmem_shared>>
    tpu.wait_indirect_dma semaphore(%arg19 : memref<!tpu.dma_semaphore, #tpu.memory_space<semaphore_mem>>) src(%arg9 : memref<128x64xf32, #tpu.memory_space<vmem>>) dst(%dma_wait3A_304 : memref<10112x64xf32, #tpu.memory_space<vmem_shared>>)
    %dma_start3A_305 = arith.constant 0 : i32
    %dma_start3A_306 = arith.constant 9 : i32
    %dma_start3A_307 = arith.constant 0 : i32
    %dma_start3A_308 = tpu.memref_slice %arg6[%dma_start3A_305, %dma_start3A_306, %dma_start3A_307] : memref<2x16x128xi32, #tpu.memory_space<vmem>> -> memref<1x1x128xi32, #tpu.memory_space<vmem>>
    %dma_start3A_309 = tpu.memref_squeeze %dma_start3A_308 : memref<1x1x128xi32, #tpu.memory_space<vmem>> -> memref<128xi32, #tpu.memory_space<vmem>>
    %dma_start3A_310 = arith.constant 0 : i32
    %dma_start3A_311 = arith.constant 0 : i32
    %dma_start3A_312 = tpu.memref_slice %arg12[%dma_start3A_310, %dma_start3A_311] : memref<10000x64xf32, #tpu.memory_space<vmem_shared>> -> memref<10000x64xf32, #tpu.memory_space<vmem_shared>>
    tpu.enqueue_indirect_dma source(%dma_start3A_312 : memref<10000x64xf32, #tpu.memory_space<vmem_shared>>) target(%arg9 : memref<128x64xf32, #tpu.memory_space<vmem>>) offsets(%dma_start3A_309 : memref<128xi32, #tpu.memory_space<vmem>>) semaphore(%arg15 : memref<!tpu.dma_semaphore, #tpu.memory_space<semaphore_mem>>)
    %dma_wait3A_313 = arith.constant 0 : i32
    %dma_wait3A_314 = arith.constant 8 : i32
    %dma_wait3A_315 = arith.constant 0 : i32
    %dma_wait3A_316 = tpu.memref_slice %arg6[%dma_wait3A_313, %dma_wait3A_314, %dma_wait3A_315] : memref<2x16x128xi32, #tpu.memory_space<vmem>> -> memref<1x1x128xi32, #tpu.memory_space<vmem>>
    %dma_wait3A_317 = tpu.memref_squeeze %dma_wait3A_316 : memref<1x1x128xi32, #tpu.memory_space<vmem>> -> memref<128xi32, #tpu.memory_space<vmem>>
    %dma_wait3A_318 = arith.constant 0 : i32
    %dma_wait3A_319 = arith.constant 0 : i32
    %dma_wait3A_320 = tpu.memref_slice %arg12[%dma_wait3A_318, %dma_wait3A_319] : memref<10000x64xf32, #tpu.memory_space<vmem_shared>> -> memref<10000x64xf32, #tpu.memory_space<vmem_shared>>
    tpu.wait_indirect_dma semaphore(%arg14 : memref<!tpu.dma_semaphore, #tpu.memory_space<semaphore_mem>>) src(%dma_wait3A_320 : memref<10000x64xf32, #tpu.memory_space<vmem_shared>>) dst(%arg8 : memref<128x64xf32, #tpu.memory_space<vmem>>)
    %dma_start3A_321 = arith.constant 0 : i32
    %dma_start3A_322 = arith.constant 8 : i32
    %dma_start3A_323 = arith.constant 0 : i32
    %dma_start3A_324 = tpu.memref_slice %arg7[%dma_start3A_321, %dma_start3A_322, %dma_start3A_323] : memref<2x16x128xi32, #tpu.memory_space<vmem>> -> memref<1x1x128xi32, #tpu.memory_space<vmem>>
    %dma_start3A_325 = tpu.memref_squeeze %dma_start3A_324 : memref<1x1x128xi32, #tpu.memory_space<vmem>> -> memref<128xi32, #tpu.memory_space<vmem>>
    %dma_start3A_326 = arith.constant 0 : i32
    %dma_start3A_327 = arith.constant 0 : i32
    %dma_start3A_328 = tpu.memref_slice %arg13[%dma_start3A_326, %dma_start3A_327] : memref<10112x64xf32, #tpu.memory_space<vmem_shared>> -> memref<10112x64xf32, #tpu.memory_space<vmem_shared>>
    tpu.enqueue_indirect_dma source(%arg8 : memref<128x64xf32, #tpu.memory_space<vmem>>) target(%dma_start3A_328 : memref<10112x64xf32, #tpu.memory_space<vmem_shared>>) offsets(%dma_start3A_325 : memref<128xi32, #tpu.memory_space<vmem>>) semaphore(%arg18 : memref<!tpu.dma_semaphore, #tpu.memory_space<semaphore_mem>>) {add = true}
    %dma_wait3A_329 = arith.constant 0 : i32
    %dma_wait3A_330 = arith.constant 6 : i32
    %dma_wait3A_331 = arith.constant 0 : i32
    %dma_wait3A_332 = tpu.memref_slice %arg7[%dma_wait3A_329, %dma_wait3A_330, %dma_wait3A_331] : memref<2x16x128xi32, #tpu.memory_space<vmem>> -> memref<1x1x128xi32, #tpu.memory_space<vmem>>
    %dma_wait3A_333 = tpu.memref_squeeze %dma_wait3A_332 : memref<1x1x128xi32, #tpu.memory_space<vmem>> -> memref<128xi32, #tpu.memory_space<vmem>>
    %dma_wait3A_334 = arith.constant 0 : i32
    %dma_wait3A_335 = arith.constant 0 : i32
    %dma_wait3A_336 = tpu.memref_slice %arg13[%dma_wait3A_334, %dma_wait3A_335] : memref<10112x64xf32, #tpu.memory_space<vmem_shared>> -> memref<10112x64xf32, #tpu.memory_space<vmem_shared>>
    tpu.wait_indirect_dma semaphore(%arg20 : memref<!tpu.dma_semaphore, #tpu.memory_space<semaphore_mem>>) src(%arg10 : memref<128x64xf32, #tpu.memory_space<vmem>>) dst(%dma_wait3A_336 : memref<10112x64xf32, #tpu.memory_space<vmem_shared>>)
    %dma_start3A_337 = arith.constant 0 : i32
    %dma_start3A_338 = arith.constant 10 : i32
    %dma_start3A_339 = arith.constant 0 : i32
    %dma_start3A_340 = tpu.memref_slice %arg6[%dma_start3A_337, %dma_start3A_338, %dma_start3A_339] : memref<2x16x128xi32, #tpu.memory_space<vmem>> -> memref<1x1x128xi32, #tpu.memory_space<vmem>>
    %dma_start3A_341 = tpu.memref_squeeze %dma_start3A_340 : memref<1x1x128xi32, #tpu.memory_space<vmem>> -> memref<128xi32, #tpu.memory_space<vmem>>
    %dma_start3A_342 = arith.constant 0 : i32
    %dma_start3A_343 = arith.constant 0 : i32
    %dma_start3A_344 = tpu.memref_slice %arg12[%dma_start3A_342, %dma_start3A_343] : memref<10000x64xf32, #tpu.memory_space<vmem_shared>> -> memref<10000x64xf32, #tpu.memory_space<vmem_shared>>
    tpu.enqueue_indirect_dma source(%dma_start3A_344 : memref<10000x64xf32, #tpu.memory_space<vmem_shared>>) target(%arg10 : memref<128x64xf32, #tpu.memory_space<vmem>>) offsets(%dma_start3A_341 : memref<128xi32, #tpu.memory_space<vmem>>) semaphore(%arg16 : memref<!tpu.dma_semaphore, #tpu.memory_space<semaphore_mem>>)
    %dma_wait3A_345 = arith.constant 0 : i32
    %dma_wait3A_346 = arith.constant 9 : i32
    %dma_wait3A_347 = arith.constant 0 : i32
    %dma_wait3A_348 = tpu.memref_slice %arg6[%dma_wait3A_345, %dma_wait3A_346, %dma_wait3A_347] : memref<2x16x128xi32, #tpu.memory_space<vmem>> -> memref<1x1x128xi32, #tpu.memory_space<vmem>>
    %dma_wait3A_349 = tpu.memref_squeeze %dma_wait3A_348 : memref<1x1x128xi32, #tpu.memory_space<vmem>> -> memref<128xi32, #tpu.memory_space<vmem>>
    %dma_wait3A_350 = arith.constant 0 : i32
    %dma_wait3A_351 = arith.constant 0 : i32
    %dma_wait3A_352 = tpu.memref_slice %arg12[%dma_wait3A_350, %dma_wait3A_351] : memref<10000x64xf32, #tpu.memory_space<vmem_shared>> -> memref<10000x64xf32, #tpu.memory_space<vmem_shared>>
    tpu.wait_indirect_dma semaphore(%arg15 : memref<!tpu.dma_semaphore, #tpu.memory_space<semaphore_mem>>) src(%dma_wait3A_352 : memref<10000x64xf32, #tpu.memory_space<vmem_shared>>) dst(%arg9 : memref<128x64xf32, #tpu.memory_space<vmem>>)
    %dma_start3A_353 = arith.constant 0 : i32
    %dma_start3A_354 = arith.constant 9 : i32
    %dma_start3A_355 = arith.constant 0 : i32
    %dma_start3A_356 = tpu.memref_slice %arg7[%dma_start3A_353, %dma_start3A_354, %dma_start3A_355] : memref<2x16x128xi32, #tpu.memory_space<vmem>> -> memref<1x1x128xi32, #tpu.memory_space<vmem>>
    %dma_start3A_357 = tpu.memref_squeeze %dma_start3A_356 : memref<1x1x128xi32, #tpu.memory_space<vmem>> -> memref<128xi32, #tpu.memory_space<vmem>>
    %dma_start3A_358 = arith.constant 0 : i32
    %dma_start3A_359 = arith.constant 0 : i32
    %dma_start3A_360 = tpu.memref_slice %arg13[%dma_start3A_358, %dma_start3A_359] : memref<10112x64xf32, #tpu.memory_space<vmem_shared>> -> memref<10112x64xf32, #tpu.memory_space<vmem_shared>>
    tpu.enqueue_indirect_dma source(%arg9 : memref<128x64xf32, #tpu.memory_space<vmem>>) target(%dma_start3A_360 : memref<10112x64xf32, #tpu.memory_space<vmem_shared>>) offsets(%dma_start3A_357 : memref<128xi32, #tpu.memory_space<vmem>>) semaphore(%arg19 : memref<!tpu.dma_semaphore, #tpu.memory_space<semaphore_mem>>) {add = true}
    %dma_wait3A_361 = arith.constant 0 : i32
    %dma_wait3A_362 = arith.constant 7 : i32
    %dma_wait3A_363 = arith.constant 0 : i32
    %dma_wait3A_364 = tpu.memref_slice %arg7[%dma_wait3A_361, %dma_wait3A_362, %dma_wait3A_363] : memref<2x16x128xi32, #tpu.memory_space<vmem>> -> memref<1x1x128xi32, #tpu.memory_space<vmem>>
    %dma_wait3A_365 = tpu.memref_squeeze %dma_wait3A_364 : memref<1x1x128xi32, #tpu.memory_space<vmem>> -> memref<128xi32, #tpu.memory_space<vmem>>
    %dma_wait3A_366 = arith.constant 0 : i32
    %dma_wait3A_367 = arith.constant 0 : i32
    %dma_wait3A_368 = tpu.memref_slice %arg13[%dma_wait3A_366, %dma_wait3A_367] : memref<10112x64xf32, #tpu.memory_space<vmem_shared>> -> memref<10112x64xf32, #tpu.memory_space<vmem_shared>>
    tpu.wait_indirect_dma semaphore(%arg21 : memref<!tpu.dma_semaphore, #tpu.memory_space<semaphore_mem>>) src(%arg11 : memref<128x64xf32, #tpu.memory_space<vmem>>) dst(%dma_wait3A_368 : memref<10112x64xf32, #tpu.memory_space<vmem_shared>>)
    %dma_start3A_369 = arith.constant 0 : i32
    %dma_start3A_370 = arith.constant 11 : i32
    %dma_start3A_371 = arith.constant 0 : i32
    %dma_start3A_372 = tpu.memref_slice %arg6[%dma_start3A_369, %dma_start3A_370, %dma_start3A_371] : memref<2x16x128xi32, #tpu.memory_space<vmem>> -> memref<1x1x128xi32, #tpu.memory_space<vmem>>
    %dma_start3A_373 = tpu.memref_squeeze %dma_start3A_372 : memref<1x1x128xi32, #tpu.memory_space<vmem>> -> memref<128xi32, #tpu.memory_space<vmem>>
    %dma_start3A_374 = arith.constant 0 : i32
    %dma_start3A_375 = arith.constant 0 : i32
    %dma_start3A_376 = tpu.memref_slice %arg12[%dma_start3A_374, %dma_start3A_375] : memref<10000x64xf32, #tpu.memory_space<vmem_shared>> -> memref<10000x64xf32, #tpu.memory_space<vmem_shared>>
    tpu.enqueue_indirect_dma source(%dma_start3A_376 : memref<10000x64xf32, #tpu.memory_space<vmem_shared>>) target(%arg11 : memref<128x64xf32, #tpu.memory_space<vmem>>) offsets(%dma_start3A_373 : memref<128xi32, #tpu.memory_space<vmem>>) semaphore(%arg17 : memref<!tpu.dma_semaphore, #tpu.memory_space<semaphore_mem>>)
    %dma_wait3A_377 = arith.constant 0 : i32
    %dma_wait3A_378 = arith.constant 10 : i32
    %dma_wait3A_379 = arith.constant 0 : i32
    %dma_wait3A_380 = tpu.memref_slice %arg6[%dma_wait3A_377, %dma_wait3A_378, %dma_wait3A_379] : memref<2x16x128xi32, #tpu.memory_space<vmem>> -> memref<1x1x128xi32, #tpu.memory_space<vmem>>
    %dma_wait3A_381 = tpu.memref_squeeze %dma_wait3A_380 : memref<1x1x128xi32, #tpu.memory_space<vmem>> -> memref<128xi32, #tpu.memory_space<vmem>>
    %dma_wait3A_382 = arith.constant 0 : i32
    %dma_wait3A_383 = arith.constant 0 : i32
    %dma_wait3A_384 = tpu.memref_slice %arg12[%dma_wait3A_382, %dma_wait3A_383] : memref<10000x64xf32, #tpu.memory_space<vmem_shared>> -> memref<10000x64xf32, #tpu.memory_space<vmem_shared>>
    tpu.wait_indirect_dma semaphore(%arg16 : memref<!tpu.dma_semaphore, #tpu.memory_space<semaphore_mem>>) src(%dma_wait3A_384 : memref<10000x64xf32, #tpu.memory_space<vmem_shared>>) dst(%arg10 : memref<128x64xf32, #tpu.memory_space<vmem>>)
    %dma_start3A_385 = arith.constant 0 : i32
    %dma_start3A_386 = arith.constant 10 : i32
    %dma_start3A_387 = arith.constant 0 : i32
    %dma_start3A_388 = tpu.memref_slice %arg7[%dma_start3A_385, %dma_start3A_386, %dma_start3A_387] : memref<2x16x128xi32, #tpu.memory_space<vmem>> -> memref<1x1x128xi32, #tpu.memory_space<vmem>>
    %dma_start3A_389 = tpu.memref_squeeze %dma_start3A_388 : memref<1x1x128xi32, #tpu.memory_space<vmem>> -> memref<128xi32, #tpu.memory_space<vmem>>
    %dma_start3A_390 = arith.constant 0 : i32
    %dma_start3A_391 = arith.constant 0 : i32
    %dma_start3A_392 = tpu.memref_slice %arg13[%dma_start3A_390, %dma_start3A_391] : memref<10112x64xf32, #tpu.memory_space<vmem_shared>> -> memref<10112x64xf32, #tpu.memory_space<vmem_shared>>
    tpu.enqueue_indirect_dma source(%arg10 : memref<128x64xf32, #tpu.memory_space<vmem>>) target(%dma_start3A_392 : memref<10112x64xf32, #tpu.memory_space<vmem_shared>>) offsets(%dma_start3A_389 : memref<128xi32, #tpu.memory_space<vmem>>) semaphore(%arg20 : memref<!tpu.dma_semaphore, #tpu.memory_space<semaphore_mem>>) {add = true}
    %dma_wait3A_393 = arith.constant 0 : i32
    %dma_wait3A_394 = arith.constant 8 : i32
    %dma_wait3A_395 = arith.constant 0 : i32
    %dma_wait3A_396 = tpu.memref_slice %arg7[%dma_wait3A_393, %dma_wait3A_394, %dma_wait3A_395] : memref<2x16x128xi32, #tpu.memory_space<vmem>> -> memref<1x1x128xi32, #tpu.memory_space<vmem>>
    %dma_wait3A_397 = tpu.memref_squeeze %dma_wait3A_396 : memref<1x1x128xi32, #tpu.memory_space<vmem>> -> memref<128xi32, #tpu.memory_space<vmem>>
    %dma_wait3A_398 = arith.constant 0 : i32
    %dma_wait3A_399 = arith.constant 0 : i32
    %dma_wait3A_400 = tpu.memref_slice %arg13[%dma_wait3A_398, %dma_wait3A_399] : memref<10112x64xf32, #tpu.memory_space<vmem_shared>> -> memref<10112x64xf32, #tpu.memory_space<vmem_shared>>
    tpu.wait_indirect_dma semaphore(%arg18 : memref<!tpu.dma_semaphore, #tpu.memory_space<semaphore_mem>>) src(%arg8 : memref<128x64xf32, #tpu.memory_space<vmem>>) dst(%dma_wait3A_400 : memref<10112x64xf32, #tpu.memory_space<vmem_shared>>)
    %dma_start3A_401 = arith.constant 0 : i32
    %dma_start3A_402 = arith.constant 12 : i32
    %dma_start3A_403 = arith.constant 0 : i32
    %dma_start3A_404 = tpu.memref_slice %arg6[%dma_start3A_401, %dma_start3A_402, %dma_start3A_403] : memref<2x16x128xi32, #tpu.memory_space<vmem>> -> memref<1x1x128xi32, #tpu.memory_space<vmem>>
    %dma_start3A_405 = tpu.memref_squeeze %dma_start3A_404 : memref<1x1x128xi32, #tpu.memory_space<vmem>> -> memref<128xi32, #tpu.memory_space<vmem>>
    %dma_start3A_406 = arith.constant 0 : i32
    %dma_start3A_407 = arith.constant 0 : i32
    %dma_start3A_408 = tpu.memref_slice %arg12[%dma_start3A_406, %dma_start3A_407] : memref<10000x64xf32, #tpu.memory_space<vmem_shared>> -> memref<10000x64xf32, #tpu.memory_space<vmem_shared>>
    tpu.enqueue_indirect_dma source(%dma_start3A_408 : memref<10000x64xf32, #tpu.memory_space<vmem_shared>>) target(%arg8 : memref<128x64xf32, #tpu.memory_space<vmem>>) offsets(%dma_start3A_405 : memref<128xi32, #tpu.memory_space<vmem>>) semaphore(%arg14 : memref<!tpu.dma_semaphore, #tpu.memory_space<semaphore_mem>>)
    %dma_wait3A_409 = arith.constant 0 : i32
    %dma_wait3A_410 = arith.constant 11 : i32
    %dma_wait3A_411 = arith.constant 0 : i32
    %dma_wait3A_412 = tpu.memref_slice %arg6[%dma_wait3A_409, %dma_wait3A_410, %dma_wait3A_411] : memref<2x16x128xi32, #tpu.memory_space<vmem>> -> memref<1x1x128xi32, #tpu.memory_space<vmem>>
    %dma_wait3A_413 = tpu.memref_squeeze %dma_wait3A_412 : memref<1x1x128xi32, #tpu.memory_space<vmem>> -> memref<128xi32, #tpu.memory_space<vmem>>
    %dma_wait3A_414 = arith.constant 0 : i32
    %dma_wait3A_415 = arith.constant 0 : i32
    %dma_wait3A_416 = tpu.memref_slice %arg12[%dma_wait3A_414, %dma_wait3A_415] : memref<10000x64xf32, #tpu.memory_space<vmem_shared>> -> memref<10000x64xf32, #tpu.memory_space<vmem_shared>>
    tpu.wait_indirect_dma semaphore(%arg17 : memref<!tpu.dma_semaphore, #tpu.memory_space<semaphore_mem>>) src(%dma_wait3A_416 : memref<10000x64xf32, #tpu.memory_space<vmem_shared>>) dst(%arg11 : memref<128x64xf32, #tpu.memory_space<vmem>>)
    %dma_start3A_417 = arith.constant 0 : i32
    %dma_start3A_418 = arith.constant 11 : i32
    %dma_start3A_419 = arith.constant 0 : i32
    %dma_start3A_420 = tpu.memref_slice %arg7[%dma_start3A_417, %dma_start3A_418, %dma_start3A_419] : memref<2x16x128xi32, #tpu.memory_space<vmem>> -> memref<1x1x128xi32, #tpu.memory_space<vmem>>
    %dma_start3A_421 = tpu.memref_squeeze %dma_start3A_420 : memref<1x1x128xi32, #tpu.memory_space<vmem>> -> memref<128xi32, #tpu.memory_space<vmem>>
    %dma_start3A_422 = arith.constant 0 : i32
    %dma_start3A_423 = arith.constant 0 : i32
    %dma_start3A_424 = tpu.memref_slice %arg13[%dma_start3A_422, %dma_start3A_423] : memref<10112x64xf32, #tpu.memory_space<vmem_shared>> -> memref<10112x64xf32, #tpu.memory_space<vmem_shared>>
    tpu.enqueue_indirect_dma source(%arg11 : memref<128x64xf32, #tpu.memory_space<vmem>>) target(%dma_start3A_424 : memref<10112x64xf32, #tpu.memory_space<vmem_shared>>) offsets(%dma_start3A_421 : memref<128xi32, #tpu.memory_space<vmem>>) semaphore(%arg21 : memref<!tpu.dma_semaphore, #tpu.memory_space<semaphore_mem>>) {add = true}
    %dma_wait3A_425 = arith.constant 0 : i32
    %dma_wait3A_426 = arith.constant 9 : i32
    %dma_wait3A_427 = arith.constant 0 : i32
    %dma_wait3A_428 = tpu.memref_slice %arg7[%dma_wait3A_425, %dma_wait3A_426, %dma_wait3A_427] : memref<2x16x128xi32, #tpu.memory_space<vmem>> -> memref<1x1x128xi32, #tpu.memory_space<vmem>>
    %dma_wait3A_429 = tpu.memref_squeeze %dma_wait3A_428 : memref<1x1x128xi32, #tpu.memory_space<vmem>> -> memref<128xi32, #tpu.memory_space<vmem>>
    %dma_wait3A_430 = arith.constant 0 : i32
    %dma_wait3A_431 = arith.constant 0 : i32
    %dma_wait3A_432 = tpu.memref_slice %arg13[%dma_wait3A_430, %dma_wait3A_431] : memref<10112x64xf32, #tpu.memory_space<vmem_shared>> -> memref<10112x64xf32, #tpu.memory_space<vmem_shared>>
    tpu.wait_indirect_dma semaphore(%arg19 : memref<!tpu.dma_semaphore, #tpu.memory_space<semaphore_mem>>) src(%arg9 : memref<128x64xf32, #tpu.memory_space<vmem>>) dst(%dma_wait3A_432 : memref<10112x64xf32, #tpu.memory_space<vmem_shared>>)
    %dma_start3A_433 = arith.constant 0 : i32
    %dma_start3A_434 = arith.constant 13 : i32
    %dma_start3A_435 = arith.constant 0 : i32
    %dma_start3A_436 = tpu.memref_slice %arg6[%dma_start3A_433, %dma_start3A_434, %dma_start3A_435] : memref<2x16x128xi32, #tpu.memory_space<vmem>> -> memref<1x1x128xi32, #tpu.memory_space<vmem>>
    %dma_start3A_437 = tpu.memref_squeeze %dma_start3A_436 : memref<1x1x128xi32, #tpu.memory_space<vmem>> -> memref<128xi32, #tpu.memory_space<vmem>>
    %dma_start3A_438 = arith.constant 0 : i32
    %dma_start3A_439 = arith.constant 0 : i32
    %dma_start3A_440 = tpu.memref_slice %arg12[%dma_start3A_438, %dma_start3A_439] : memref<10000x64xf32, #tpu.memory_space<vmem_shared>> -> memref<10000x64xf32, #tpu.memory_space<vmem_shared>>
    tpu.enqueue_indirect_dma source(%dma_start3A_440 : memref<10000x64xf32, #tpu.memory_space<vmem_shared>>) target(%arg9 : memref<128x64xf32, #tpu.memory_space<vmem>>) offsets(%dma_start3A_437 : memref<128xi32, #tpu.memory_space<vmem>>) semaphore(%arg15 : memref<!tpu.dma_semaphore, #tpu.memory_space<semaphore_mem>>)
    %dma_wait3A_441 = arith.constant 0 : i32
    %dma_wait3A_442 = arith.constant 12 : i32
    %dma_wait3A_443 = arith.constant 0 : i32
    %dma_wait3A_444 = tpu.memref_slice %arg6[%dma_wait3A_441, %dma_wait3A_442, %dma_wait3A_443] : memref<2x16x128xi32, #tpu.memory_space<vmem>> -> memref<1x1x128xi32, #tpu.memory_space<vmem>>
    %dma_wait3A_445 = tpu.memref_squeeze %dma_wait3A_444 : memref<1x1x128xi32, #tpu.memory_space<vmem>> -> memref<128xi32, #tpu.memory_space<vmem>>
    %dma_wait3A_446 = arith.constant 0 : i32
    %dma_wait3A_447 = arith.constant 0 : i32
    %dma_wait3A_448 = tpu.memref_slice %arg12[%dma_wait3A_446, %dma_wait3A_447] : memref<10000x64xf32, #tpu.memory_space<vmem_shared>> -> memref<10000x64xf32, #tpu.memory_space<vmem_shared>>
    tpu.wait_indirect_dma semaphore(%arg14 : memref<!tpu.dma_semaphore, #tpu.memory_space<semaphore_mem>>) src(%dma_wait3A_448 : memref<10000x64xf32, #tpu.memory_space<vmem_shared>>) dst(%arg8 : memref<128x64xf32, #tpu.memory_space<vmem>>)
    %dma_start3A_449 = arith.constant 0 : i32
    %dma_start3A_450 = arith.constant 12 : i32
    %dma_start3A_451 = arith.constant 0 : i32
    %dma_start3A_452 = tpu.memref_slice %arg7[%dma_start3A_449, %dma_start3A_450, %dma_start3A_451] : memref<2x16x128xi32, #tpu.memory_space<vmem>> -> memref<1x1x128xi32, #tpu.memory_space<vmem>>
    %dma_start3A_453 = tpu.memref_squeeze %dma_start3A_452 : memref<1x1x128xi32, #tpu.memory_space<vmem>> -> memref<128xi32, #tpu.memory_space<vmem>>
    %dma_start3A_454 = arith.constant 0 : i32
    %dma_start3A_455 = arith.constant 0 : i32
    %dma_start3A_456 = tpu.memref_slice %arg13[%dma_start3A_454, %dma_start3A_455] : memref<10112x64xf32, #tpu.memory_space<vmem_shared>> -> memref<10112x64xf32, #tpu.memory_space<vmem_shared>>
    tpu.enqueue_indirect_dma source(%arg8 : memref<128x64xf32, #tpu.memory_space<vmem>>) target(%dma_start3A_456 : memref<10112x64xf32, #tpu.memory_space<vmem_shared>>) offsets(%dma_start3A_453 : memref<128xi32, #tpu.memory_space<vmem>>) semaphore(%arg18 : memref<!tpu.dma_semaphore, #tpu.memory_space<semaphore_mem>>) {add = true}
    %dma_wait3A_457 = arith.constant 0 : i32
    %dma_wait3A_458 = arith.constant 10 : i32
    %dma_wait3A_459 = arith.constant 0 : i32
    %dma_wait3A_460 = tpu.memref_slice %arg7[%dma_wait3A_457, %dma_wait3A_458, %dma_wait3A_459] : memref<2x16x128xi32, #tpu.memory_space<vmem>> -> memref<1x1x128xi32, #tpu.memory_space<vmem>>
    %dma_wait3A_461 = tpu.memref_squeeze %dma_wait3A_460 : memref<1x1x128xi32, #tpu.memory_space<vmem>> -> memref<128xi32, #tpu.memory_space<vmem>>
    %dma_wait3A_462 = arith.constant 0 : i32
    %dma_wait3A_463 = arith.constant 0 : i32
    %dma_wait3A_464 = tpu.memref_slice %arg13[%dma_wait3A_462, %dma_wait3A_463] : memref<10112x64xf32, #tpu.memory_space<vmem_shared>> -> memref<10112x64xf32, #tpu.memory_space<vmem_shared>>
    tpu.wait_indirect_dma semaphore(%arg20 : memref<!tpu.dma_semaphore, #tpu.memory_space<semaphore_mem>>) src(%arg10 : memref<128x64xf32, #tpu.memory_space<vmem>>) dst(%dma_wait3A_464 : memref<10112x64xf32, #tpu.memory_space<vmem_shared>>)
    %dma_start3A_465 = arith.constant 0 : i32
    %dma_start3A_466 = arith.constant 14 : i32
    %dma_start3A_467 = arith.constant 0 : i32
    %dma_start3A_468 = tpu.memref_slice %arg6[%dma_start3A_465, %dma_start3A_466, %dma_start3A_467] : memref<2x16x128xi32, #tpu.memory_space<vmem>> -> memref<1x1x128xi32, #tpu.memory_space<vmem>>
    %dma_start3A_469 = tpu.memref_squeeze %dma_start3A_468 : memref<1x1x128xi32, #tpu.memory_space<vmem>> -> memref<128xi32, #tpu.memory_space<vmem>>
    %dma_start3A_470 = arith.constant 0 : i32
    %dma_start3A_471 = arith.constant 0 : i32
    %dma_start3A_472 = tpu.memref_slice %arg12[%dma_start3A_470, %dma_start3A_471] : memref<10000x64xf32, #tpu.memory_space<vmem_shared>> -> memref<10000x64xf32, #tpu.memory_space<vmem_shared>>
    tpu.enqueue_indirect_dma source(%dma_start3A_472 : memref<10000x64xf32, #tpu.memory_space<vmem_shared>>) target(%arg10 : memref<128x64xf32, #tpu.memory_space<vmem>>) offsets(%dma_start3A_469 : memref<128xi32, #tpu.memory_space<vmem>>) semaphore(%arg16 : memref<!tpu.dma_semaphore, #tpu.memory_space<semaphore_mem>>)
    %dma_wait3A_473 = arith.constant 0 : i32
    %dma_wait3A_474 = arith.constant 13 : i32
    %dma_wait3A_475 = arith.constant 0 : i32
    %dma_wait3A_476 = tpu.memref_slice %arg6[%dma_wait3A_473, %dma_wait3A_474, %dma_wait3A_475] : memref<2x16x128xi32, #tpu.memory_space<vmem>> -> memref<1x1x128xi32, #tpu.memory_space<vmem>>
    %dma_wait3A_477 = tpu.memref_squeeze %dma_wait3A_476 : memref<1x1x128xi32, #tpu.memory_space<vmem>> -> memref<128xi32, #tpu.memory_space<vmem>>
    %dma_wait3A_478 = arith.constant 0 : i32
    %dma_wait3A_479 = arith.constant 0 : i32
    %dma_wait3A_480 = tpu.memref_slice %arg12[%dma_wait3A_478, %dma_wait3A_479] : memref<10000x64xf32, #tpu.memory_space<vmem_shared>> -> memref<10000x64xf32, #tpu.memory_space<vmem_shared>>
    tpu.wait_indirect_dma semaphore(%arg15 : memref<!tpu.dma_semaphore, #tpu.memory_space<semaphore_mem>>) src(%dma_wait3A_480 : memref<10000x64xf32, #tpu.memory_space<vmem_shared>>) dst(%arg9 : memref<128x64xf32, #tpu.memory_space<vmem>>)
    %dma_start3A_481 = arith.constant 0 : i32
    %dma_start3A_482 = arith.constant 13 : i32
    %dma_start3A_483 = arith.constant 0 : i32
    %dma_start3A_484 = tpu.memref_slice %arg7[%dma_start3A_481, %dma_start3A_482, %dma_start3A_483] : memref<2x16x128xi32, #tpu.memory_space<vmem>> -> memref<1x1x128xi32, #tpu.memory_space<vmem>>
    %dma_start3A_485 = tpu.memref_squeeze %dma_start3A_484 : memref<1x1x128xi32, #tpu.memory_space<vmem>> -> memref<128xi32, #tpu.memory_space<vmem>>
    %dma_start3A_486 = arith.constant 0 : i32
    %dma_start3A_487 = arith.constant 0 : i32
    %dma_start3A_488 = tpu.memref_slice %arg13[%dma_start3A_486, %dma_start3A_487] : memref<10112x64xf32, #tpu.memory_space<vmem_shared>> -> memref<10112x64xf32, #tpu.memory_space<vmem_shared>>
    tpu.enqueue_indirect_dma source(%arg9 : memref<128x64xf32, #tpu.memory_space<vmem>>) target(%dma_start3A_488 : memref<10112x64xf32, #tpu.memory_space<vmem_shared>>) offsets(%dma_start3A_485 : memref<128xi32, #tpu.memory_space<vmem>>) semaphore(%arg19 : memref<!tpu.dma_semaphore, #tpu.memory_space<semaphore_mem>>) {add = true}
    %dma_wait3A_489 = arith.constant 0 : i32
    %dma_wait3A_490 = arith.constant 11 : i32
    %dma_wait3A_491 = arith.constant 0 : i32
    %dma_wait3A_492 = tpu.memref_slice %arg7[%dma_wait3A_489, %dma_wait3A_490, %dma_wait3A_491] : memref<2x16x128xi32, #tpu.memory_space<vmem>> -> memref<1x1x128xi32, #tpu.memory_space<vmem>>
    %dma_wait3A_493 = tpu.memref_squeeze %dma_wait3A_492 : memref<1x1x128xi32, #tpu.memory_space<vmem>> -> memref<128xi32, #tpu.memory_space<vmem>>
    %dma_wait3A_494 = arith.constant 0 : i32
    %dma_wait3A_495 = arith.constant 0 : i32
    %dma_wait3A_496 = tpu.memref_slice %arg13[%dma_wait3A_494, %dma_wait3A_495] : memref<10112x64xf32, #tpu.memory_space<vmem_shared>> -> memref<10112x64xf32, #tpu.memory_space<vmem_shared>>
    tpu.wait_indirect_dma semaphore(%arg21 : memref<!tpu.dma_semaphore, #tpu.memory_space<semaphore_mem>>) src(%arg11 : memref<128x64xf32, #tpu.memory_space<vmem>>) dst(%dma_wait3A_496 : memref<10112x64xf32, #tpu.memory_space<vmem_shared>>)
    %dma_start3A_497 = arith.constant 0 : i32
    %dma_start3A_498 = arith.constant 15 : i32
    %dma_start3A_499 = arith.constant 0 : i32
    %dma_start3A_500 = tpu.memref_slice %arg6[%dma_start3A_497, %dma_start3A_498, %dma_start3A_499] : memref<2x16x128xi32, #tpu.memory_space<vmem>> -> memref<1x1x128xi32, #tpu.memory_space<vmem>>
    %dma_start3A_501 = tpu.memref_squeeze %dma_start3A_500 : memref<1x1x128xi32, #tpu.memory_space<vmem>> -> memref<128xi32, #tpu.memory_space<vmem>>
    %dma_start3A_502 = arith.constant 0 : i32
    %dma_start3A_503 = arith.constant 0 : i32
    %dma_start3A_504 = tpu.memref_slice %arg12[%dma_start3A_502, %dma_start3A_503] : memref<10000x64xf32, #tpu.memory_space<vmem_shared>> -> memref<10000x64xf32, #tpu.memory_space<vmem_shared>>
    tpu.enqueue_indirect_dma source(%dma_start3A_504 : memref<10000x64xf32, #tpu.memory_space<vmem_shared>>) target(%arg11 : memref<128x64xf32, #tpu.memory_space<vmem>>) offsets(%dma_start3A_501 : memref<128xi32, #tpu.memory_space<vmem>>) semaphore(%arg17 : memref<!tpu.dma_semaphore, #tpu.memory_space<semaphore_mem>>)
    %dma_wait3A_505 = arith.constant 0 : i32
    %dma_wait3A_506 = arith.constant 14 : i32
    %dma_wait3A_507 = arith.constant 0 : i32
    %dma_wait3A_508 = tpu.memref_slice %arg6[%dma_wait3A_505, %dma_wait3A_506, %dma_wait3A_507] : memref<2x16x128xi32, #tpu.memory_space<vmem>> -> memref<1x1x128xi32, #tpu.memory_space<vmem>>
    %dma_wait3A_509 = tpu.memref_squeeze %dma_wait3A_508 : memref<1x1x128xi32, #tpu.memory_space<vmem>> -> memref<128xi32, #tpu.memory_space<vmem>>
    %dma_wait3A_510 = arith.constant 0 : i32
    %dma_wait3A_511 = arith.constant 0 : i32
    %dma_wait3A_512 = tpu.memref_slice %arg12[%dma_wait3A_510, %dma_wait3A_511] : memref<10000x64xf32, #tpu.memory_space<vmem_shared>> -> memref<10000x64xf32, #tpu.memory_space<vmem_shared>>
    tpu.wait_indirect_dma semaphore(%arg16 : memref<!tpu.dma_semaphore, #tpu.memory_space<semaphore_mem>>) src(%dma_wait3A_512 : memref<10000x64xf32, #tpu.memory_space<vmem_shared>>) dst(%arg10 : memref<128x64xf32, #tpu.memory_space<vmem>>)
    %dma_start3A_513 = arith.constant 0 : i32
    %dma_start3A_514 = arith.constant 14 : i32
    %dma_start3A_515 = arith.constant 0 : i32
    %dma_start3A_516 = tpu.memref_slice %arg7[%dma_start3A_513, %dma_start3A_514, %dma_start3A_515] : memref<2x16x128xi32, #tpu.memory_space<vmem>> -> memref<1x1x128xi32, #tpu.memory_space<vmem>>
    %dma_start3A_517 = tpu.memref_squeeze %dma_start3A_516 : memref<1x1x128xi32, #tpu.memory_space<vmem>> -> memref<128xi32, #tpu.memory_space<vmem>>
    %dma_start3A_518 = arith.constant 0 : i32
    %dma_start3A_519 = arith.constant 0 : i32
    %dma_start3A_520 = tpu.memref_slice %arg13[%dma_start3A_518, %dma_start3A_519] : memref<10112x64xf32, #tpu.memory_space<vmem_shared>> -> memref<10112x64xf32, #tpu.memory_space<vmem_shared>>
    tpu.enqueue_indirect_dma source(%arg10 : memref<128x64xf32, #tpu.memory_space<vmem>>) target(%dma_start3A_520 : memref<10112x64xf32, #tpu.memory_space<vmem_shared>>) offsets(%dma_start3A_517 : memref<128xi32, #tpu.memory_space<vmem>>) semaphore(%arg20 : memref<!tpu.dma_semaphore, #tpu.memory_space<semaphore_mem>>) {add = true}
    %dma_wait3A_521 = arith.constant 0 : i32
    %dma_wait3A_522 = arith.constant 12 : i32
    %dma_wait3A_523 = arith.constant 0 : i32
    %dma_wait3A_524 = tpu.memref_slice %arg7[%dma_wait3A_521, %dma_wait3A_522, %dma_wait3A_523] : memref<2x16x128xi32, #tpu.memory_space<vmem>> -> memref<1x1x128xi32, #tpu.memory_space<vmem>>
    %dma_wait3A_525 = tpu.memref_squeeze %dma_wait3A_524 : memref<1x1x128xi32, #tpu.memory_space<vmem>> -> memref<128xi32, #tpu.memory_space<vmem>>
    %dma_wait3A_526 = arith.constant 0 : i32
    %dma_wait3A_527 = arith.constant 0 : i32
    %dma_wait3A_528 = tpu.memref_slice %arg13[%dma_wait3A_526, %dma_wait3A_527] : memref<10112x64xf32, #tpu.memory_space<vmem_shared>> -> memref<10112x64xf32, #tpu.memory_space<vmem_shared>>
    tpu.wait_indirect_dma semaphore(%arg18 : memref<!tpu.dma_semaphore, #tpu.memory_space<semaphore_mem>>) src(%arg8 : memref<128x64xf32, #tpu.memory_space<vmem>>) dst(%dma_wait3A_528 : memref<10112x64xf32, #tpu.memory_space<vmem_shared>>)
    %dma_wait3A_529 = arith.constant 1 : i32
    %dma_wait3A_530 = arith.constant 0 : i32
    %dma_wait3A_531 = arith.constant 0 : i32
    %dma_wait3A_532 = tpu.memref_slice %arg6[%dma_wait3A_529, %dma_wait3A_530, %dma_wait3A_531] : memref<2x16x128xi32, #tpu.memory_space<vmem>> -> memref<1x16x128xi32, #tpu.memory_space<vmem>>
    %dma_wait3A_533 = tpu.memref_squeeze %dma_wait3A_532 : memref<1x16x128xi32, #tpu.memory_space<vmem>> -> memref<16x128xi32, #tpu.memory_space<vmem>>
    %dma_wait3A_534 = arith.constant 16 : i32
    %dma_wait3A_535 = arith.constant 0 : i32
    %dma_wait3A_536 = tpu.memref_slice %arg3[%arg1, %dma_wait3A_534, %dma_wait3A_535] : memref<16x160x128xi32, #tpu.memory_space<hbm>> -> memref<1x16x128xi32, #tpu.memory_space<hbm>>
    %dma_wait3A_537 = tpu.memref_squeeze %dma_wait3A_536 : memref<1x16x128xi32, #tpu.memory_space<hbm>> -> memref<16x128xi32, #tpu.memory_space<hbm>>
    %dma_wait3A_538 = arith.constant 0 : i32
    %dma_wait3A_539 = arith.constant 0 : i32
    %dma_wait3A_540 = tpu.memref_slice %arg6[%dma_wait3A_529, %dma_wait3A_538, %dma_wait3A_539] : memref<2x16x128xi32, #tpu.memory_space<vmem>> -> memref<1x16x128xi32, #tpu.memory_space<vmem>>
    %dma_wait3A_541 = tpu.memref_squeeze %dma_wait3A_540 : memref<1x16x128xi32, #tpu.memory_space<vmem>> -> memref<16x128xi32, #tpu.memory_space<vmem>>
    %dma_wait3A_542 = arith.constant 16 : i32
    %dma_wait3A_543 = arith.constant 0 : i32
    %dma_wait3A_544 = tpu.memref_slice %arg3[%arg1, %dma_wait3A_542, %dma_wait3A_543] : memref<16x160x128xi32, #tpu.memory_space<hbm>> -> memref<1x16x128xi32, #tpu.memory_space<hbm>>
    %dma_wait3A_545 = tpu.memref_squeeze %dma_wait3A_544 : memref<1x16x128xi32, #tpu.memory_space<hbm>> -> memref<16x128xi32, #tpu.memory_space<hbm>>
    tpu.wait_dma2 semaphore(%arg22 : memref<!tpu.dma_semaphore, #tpu.memory_space<semaphore_mem>>) src(%dma_wait3A_545 : memref<16x128xi32, #tpu.memory_space<hbm>>) dst(%dma_wait3A_541 : memref<16x128xi32, #tpu.memory_space<vmem>>)
    %dma_wait3A_546 = arith.constant 1 : i32
    %dma_wait3A_547 = arith.constant 0 : i32
    %dma_wait3A_548 = arith.constant 0 : i32
    %dma_wait3A_549 = tpu.memref_slice %arg7[%dma_wait3A_546, %dma_wait3A_547, %dma_wait3A_548] : memref<2x16x128xi32, #tpu.memory_space<vmem>> -> memref<1x16x128xi32, #tpu.memory_space<vmem>>
    %dma_wait3A_550 = tpu.memref_squeeze %dma_wait3A_549 : memref<1x16x128xi32, #tpu.memory_space<vmem>> -> memref<16x128xi32, #tpu.memory_space<vmem>>
    %dma_wait3A_551 = arith.constant 16 : i32
    %dma_wait3A_552 = arith.constant 0 : i32
    %dma_wait3A_553 = tpu.memref_slice %arg4[%arg1, %dma_wait3A_551, %dma_wait3A_552] : memref<16x160x128xi32, #tpu.memory_space<hbm>> -> memref<1x16x128xi32, #tpu.memory_space<hbm>>
    %dma_wait3A_554 = tpu.memref_squeeze %dma_wait3A_553 : memref<1x16x128xi32, #tpu.memory_space<hbm>> -> memref<16x128xi32, #tpu.memory_space<hbm>>
    %dma_wait3A_555 = arith.constant 0 : i32
    %dma_wait3A_556 = arith.constant 0 : i32
    %dma_wait3A_557 = tpu.memref_slice %arg7[%dma_wait3A_546, %dma_wait3A_555, %dma_wait3A_556] : memref<2x16x128xi32, #tpu.memory_space<vmem>> -> memref<1x16x128xi32, #tpu.memory_space<vmem>>
    %dma_wait3A_558 = tpu.memref_squeeze %dma_wait3A_557 : memref<1x16x128xi32, #tpu.memory_space<vmem>> -> memref<16x128xi32, #tpu.memory_space<vmem>>
    %dma_wait3A_559 = arith.constant 16 : i32
    %dma_wait3A_560 = arith.constant 0 : i32
    %dma_wait3A_561 = tpu.memref_slice %arg4[%arg1, %dma_wait3A_559, %dma_wait3A_560] : memref<16x160x128xi32, #tpu.memory_space<hbm>> -> memref<1x16x128xi32, #tpu.memory_space<hbm>>
    %dma_wait3A_562 = tpu.memref_squeeze %dma_wait3A_561 : memref<1x16x128xi32, #tpu.memory_space<hbm>> -> memref<16x128xi32, #tpu.memory_space<hbm>>
    tpu.wait_dma2 semaphore(%arg22 : memref<!tpu.dma_semaphore, #tpu.memory_space<semaphore_mem>>) src(%dma_wait3A_562 : memref<16x128xi32, #tpu.memory_space<hbm>>) dst(%dma_wait3A_558 : memref<16x128xi32, #tpu.memory_space<vmem>>)
    %dma_start3A_563 = arith.constant 1 : i32
    %dma_start3A_564 = arith.constant 0 : i32
    %dma_start3A_565 = arith.constant 0 : i32
    %dma_start3A_566 = tpu.memref_slice %arg6[%dma_start3A_563, %dma_start3A_564, %dma_start3A_565] : memref<2x16x128xi32, #tpu.memory_space<vmem>> -> memref<1x1x128xi32, #tpu.memory_space<vmem>>
    %dma_start3A_567 = tpu.memref_squeeze %dma_start3A_566 : memref<1x1x128xi32, #tpu.memory_space<vmem>> -> memref<128xi32, #tpu.memory_space<vmem>>
    %dma_start3A_568 = arith.constant 0 : i32
    %dma_start3A_569 = arith.constant 0 : i32
    %dma_start3A_570 = tpu.memref_slice %arg12[%dma_start3A_568, %dma_start3A_569] : memref<10000x64xf32, #tpu.memory_space<vmem_shared>> -> memref<10000x64xf32, #tpu.memory_space<vmem_shared>>
    tpu.enqueue_indirect_dma source(%dma_start3A_570 : memref<10000x64xf32, #tpu.memory_space<vmem_shared>>) target(%arg8 : memref<128x64xf32, #tpu.memory_space<vmem>>) offsets(%dma_start3A_567 : memref<128xi32, #tpu.memory_space<vmem>>) semaphore(%arg14 : memref<!tpu.dma_semaphore, #tpu.memory_space<semaphore_mem>>)
    %dma_wait3A_571 = arith.constant 0 : i32
    %dma_wait3A_572 = arith.constant 15 : i32
    %dma_wait3A_573 = arith.constant 0 : i32
    %dma_wait3A_574 = tpu.memref_slice %arg6[%dma_wait3A_571, %dma_wait3A_572, %dma_wait3A_573] : memref<2x16x128xi32, #tpu.memory_space<vmem>> -> memref<1x1x128xi32, #tpu.memory_space<vmem>>
    %dma_wait3A_575 = tpu.memref_squeeze %dma_wait3A_574 : memref<1x1x128xi32, #tpu.memory_space<vmem>> -> memref<128xi32, #tpu.memory_space<vmem>>
    %dma_wait3A_576 = arith.constant 0 : i32
    %dma_wait3A_577 = arith.constant 0 : i32
    %dma_wait3A_578 = tpu.memref_slice %arg12[%dma_wait3A_576, %dma_wait3A_577] : memref<10000x64xf32, #tpu.memory_space<vmem_shared>> -> memref<10000x64xf32, #tpu.memory_space<vmem_shared>>
    tpu.wait_indirect_dma semaphore(%arg17 : memref<!tpu.dma_semaphore, #tpu.memory_space<semaphore_mem>>) src(%dma_wait3A_578 : memref<10000x64xf32, #tpu.memory_space<vmem_shared>>) dst(%arg11 : memref<128x64xf32, #tpu.memory_space<vmem>>)
    %dma_start3A_579 = arith.constant 0 : i32
    %dma_start3A_580 = arith.constant 15 : i32
    %dma_start3A_581 = arith.constant 0 : i32
    %dma_start3A_582 = tpu.memref_slice %arg7[%dma_start3A_579, %dma_start3A_580, %dma_start3A_581] : memref<2x16x128xi32, #tpu.memory_space<vmem>> -> memref<1x1x128xi32, #tpu.memory_space<vmem>>
    %dma_start3A_583 = tpu.memref_squeeze %dma_start3A_582 : memref<1x1x128xi32, #tpu.memory_space<vmem>> -> memref<128xi32, #tpu.memory_space<vmem>>
    %dma_start3A_584 = arith.constant 0 : i32
    %dma_start3A_585 = arith.constant 0 : i32
    %dma_start3A_586 = tpu.memref_slice %arg13[%dma_start3A_584, %dma_start3A_585] : memref<10112x64xf32, #tpu.memory_space<vmem_shared>> -> memref<10112x64xf32, #tpu.memory_space<vmem_shared>>
    tpu.enqueue_indirect_dma source(%arg11 : memref<128x64xf32, #tpu.memory_space<vmem>>) target(%dma_start3A_586 : memref<10112x64xf32, #tpu.memory_space<vmem_shared>>) offsets(%dma_start3A_583 : memref<128xi32, #tpu.memory_space<vmem>>) semaphore(%arg21 : memref<!tpu.dma_semaphore, #tpu.memory_space<semaphore_mem>>) {add = true}
    %dma_wait3A_587 = arith.constant 0 : i32
    %dma_wait3A_588 = arith.constant 13 : i32
    %dma_wait3A_589 = arith.constant 0 : i32
    %dma_wait3A_590 = tpu.memref_slice %arg7[%dma_wait3A_587, %dma_wait3A_588, %dma_wait3A_589] : memref<2x16x128xi32, #tpu.memory_space<vmem>> -> memref<1x1x128xi32, #tpu.memory_space<vmem>>
    %dma_wait3A_591 = tpu.memref_squeeze %dma_wait3A_590 : memref<1x1x128xi32, #tpu.memory_space<vmem>> -> memref<128xi32, #tpu.memory_space<vmem>>
    %dma_wait3A_592 = arith.constant 0 : i32
    %dma_wait3A_593 = arith.constant 0 : i32
    %dma_wait3A_594 = tpu.memref_slice %arg13[%dma_wait3A_592, %dma_wait3A_593] : memref<10112x64xf32, #tpu.memory_space<vmem_shared>> -> memref<10112x64xf32, #tpu.memory_space<vmem_shared>>
    tpu.wait_indirect_dma semaphore(%arg19 : memref<!tpu.dma_semaphore, #tpu.memory_space<semaphore_mem>>) src(%arg9 : memref<128x64xf32, #tpu.memory_space<vmem>>) dst(%dma_wait3A_594 : memref<10112x64xf32, #tpu.memory_space<vmem_shared>>)
    %dma_start3A_595 = arith.constant 1 : i32
    %dma_start3A_596 = arith.constant 1 : i32
    %dma_start3A_597 = arith.constant 0 : i32
    %dma_start3A_598 = tpu.memref_slice %arg6[%dma_start3A_595, %dma_start3A_596, %dma_start3A_597] : memref<2x16x128xi32, #tpu.memory_space<vmem>> -> memref<1x1x128xi32, #tpu.memory_space<vmem>>
    %dma_start3A_599 = tpu.memref_squeeze %dma_start3A_598 : memref<1x1x128xi32, #tpu.memory_space<vmem>> -> memref<128xi32, #tpu.memory_space<vmem>>
    %dma_start3A_600 = arith.constant 0 : i32
    %dma_start3A_601 = arith.constant 0 : i32
    %dma_start3A_602 = tpu.memref_slice %arg12[%dma_start3A_600, %dma_start3A_601] : memref<10000x64xf32, #tpu.memory_space<vmem_shared>> -> memref<10000x64xf32, #tpu.memory_space<vmem_shared>>
    tpu.enqueue_indirect_dma source(%dma_start3A_602 : memref<10000x64xf32, #tpu.memory_space<vmem_shared>>) target(%arg9 : memref<128x64xf32, #tpu.memory_space<vmem>>) offsets(%dma_start3A_599 : memref<128xi32, #tpu.memory_space<vmem>>) semaphore(%arg15 : memref<!tpu.dma_semaphore, #tpu.memory_space<semaphore_mem>>)
    %scan3A_603 = arith.constant 0 : i32
    %scan3A_604 = arith.constant 1 : i32
    %scan3A_605 = arith.constant 8 : i32
    %scan3A_606 = arith.addi %scan3A_604, %scan3A_605 : i32
    %scan3A_607 = arith.constant 1 : i32
    scf.for %scan3A_1132 = %scan3A_604 to %scan3A_606 step %scan3A_607  : i32 {
      %rem3A = arith.constant 2 : i32
      %rem3A_1133 = arith.remsi %scan3A_1132, %rem3A : i32
      %sub3A = arith.constant 1 : i32
      %sub3A_1134 = arith.subi %sub3A, %rem3A_1133 : i32
      %dma_wait3A_1135 = arith.constant 0 : i32
      %dma_wait3A_1136 = arith.constant 0 : i32
      %dma_wait3A_1137 = tpu.memref_slice %arg6[%rem3A_1133, %dma_wait3A_1135, %dma_wait3A_1136] : memref<2x16x128xi32, #tpu.memory_space<vmem>> -> memref<1x1x128xi32, #tpu.memory_space<vmem>>
      %dma_wait3A_1138 = tpu.memref_squeeze %dma_wait3A_1137 : memref<1x1x128xi32, #tpu.memory_space<vmem>> -> memref<128xi32, #tpu.memory_space<vmem>>
      %dma_wait3A_1139 = arith.constant 0 : i32
      %dma_wait3A_1140 = arith.constant 0 : i32
      %dma_wait3A_1141 = tpu.memref_slice %arg12[%dma_wait3A_1139, %dma_wait3A_1140] : memref<10000x64xf32, #tpu.memory_space<vmem_shared>> -> memref<10000x64xf32, #tpu.memory_space<vmem_shared>>
      tpu.wait_indirect_dma semaphore(%arg14 : memref<!tpu.dma_semaphore, #tpu.memory_space<semaphore_mem>>) src(%dma_wait3A_1141 : memref<10000x64xf32, #tpu.memory_space<vmem_shared>>) dst(%arg8 : memref<128x64xf32, #tpu.memory_space<vmem>>)
      %dma_start3A_1142 = arith.constant 0 : i32
      %dma_start3A_1143 = arith.constant 0 : i32
      %dma_start3A_1144 = tpu.memref_slice %arg7[%rem3A_1133, %dma_start3A_1142, %dma_start3A_1143] : memref<2x16x128xi32, #tpu.memory_space<vmem>> -> memref<1x1x128xi32, #tpu.memory_space<vmem>>
      %dma_start3A_1145 = tpu.memref_squeeze %dma_start3A_1144 : memref<1x1x128xi32, #tpu.memory_space<vmem>> -> memref<128xi32, #tpu.memory_space<vmem>>
      %dma_start3A_1146 = arith.constant 0 : i32
      %dma_start3A_1147 = arith.constant 0 : i32
      %dma_start3A_1148 = tpu.memref_slice %arg13[%dma_start3A_1146, %dma_start3A_1147] : memref<10112x64xf32, #tpu.memory_space<vmem_shared>> -> memref<10112x64xf32, #tpu.memory_space<vmem_shared>>
      tpu.enqueue_indirect_dma source(%arg8 : memref<128x64xf32, #tpu.memory_space<vmem>>) target(%dma_start3A_1148 : memref<10112x64xf32, #tpu.memory_space<vmem_shared>>) offsets(%dma_start3A_1145 : memref<128xi32, #tpu.memory_space<vmem>>) semaphore(%arg18 : memref<!tpu.dma_semaphore, #tpu.memory_space<semaphore_mem>>) {add = true}
      %add3A_1149 = arith.constant 1 : i32
      %add3A_1150 = arith.addi %scan3A_1132, %add3A_1149 : i32
      %mul3A_1151 = arith.constant 16 : i32
      %mul3A_1152 = arith.muli %add3A_1150, %mul3A_1151 : i32
      %dma_start3A_1153 = arith.constant 0 : i32
      %dma_start3A_1154 = arith.constant 0 : i32
      %dma_start3A_1155 = tpu.memref_slice %arg6[%sub3A_1134, %dma_start3A_1153, %dma_start3A_1154] : memref<2x16x128xi32, #tpu.memory_space<vmem>> -> memref<1x16x128xi32, #tpu.memory_space<vmem>>
      %dma_start3A_1156 = tpu.memref_squeeze %dma_start3A_1155 : memref<1x16x128xi32, #tpu.memory_space<vmem>> -> memref<16x128xi32, #tpu.memory_space<vmem>>
      %dma_start3A_1157 = arith.constant 0 : i32
      %dma_start3A_1158 = tpu.memref_slice %arg3[%arg1, %mul3A_1152, %dma_start3A_1157] : memref<16x160x128xi32, #tpu.memory_space<hbm>> -> memref<1x16x128xi32, #tpu.memory_space<hbm>>
      %dma_start3A_1159 = tpu.memref_squeeze %dma_start3A_1158 : memref<1x16x128xi32, #tpu.memory_space<hbm>> -> memref<16x128xi32, #tpu.memory_space<hbm>>
      %dma_start3A_1160 = arith.constant 0 : i32
      %dma_start3A_1161 = arith.constant 0 : i32
      %dma_start3A_1162 = tpu.memref_slice %arg6[%sub3A_1134, %dma_start3A_1160, %dma_start3A_1161] : memref<2x16x128xi32, #tpu.memory_space<vmem>> -> memref<1x16x128xi32, #tpu.memory_space<vmem>>
      %dma_start3A_1163 = tpu.memref_squeeze %dma_start3A_1162 : memref<1x16x128xi32, #tpu.memory_space<vmem>> -> memref<16x128xi32, #tpu.memory_space<vmem>>
      %dma_start3A_1164 = arith.constant 0 : i32
      %dma_start3A_1165 = tpu.memref_slice %arg3[%arg1, %mul3A_1152, %dma_start3A_1164] : memref<16x160x128xi32, #tpu.memory_space<hbm>> -> memref<1x16x128xi32, #tpu.memory_space<hbm>>
      %dma_start3A_1166 = tpu.memref_squeeze %dma_start3A_1165 : memref<1x16x128xi32, #tpu.memory_space<hbm>> -> memref<16x128xi32, #tpu.memory_space<hbm>>
      tpu.enqueue_dma source(%dma_start3A_1166 : memref<16x128xi32, #tpu.memory_space<hbm>>) target(%dma_start3A_1163 : memref<16x128xi32, #tpu.memory_space<vmem>>) target_semaphore(%arg22 : memref<!tpu.dma_semaphore, #tpu.memory_space<semaphore_mem>>)
      %mul3A_1167 = arith.constant 16 : i32
      %mul3A_1168 = arith.muli %add3A_1150, %mul3A_1167 : i32
      %dma_start3A_1169 = arith.constant 0 : i32
      %dma_start3A_1170 = arith.constant 0 : i32
      %dma_start3A_1171 = tpu.memref_slice %arg7[%sub3A_1134, %dma_start3A_1169, %dma_start3A_1170] : memref<2x16x128xi32, #tpu.memory_space<vmem>> -> memref<1x16x128xi32, #tpu.memory_space<vmem>>
      %dma_start3A_1172 = tpu.memref_squeeze %dma_start3A_1171 : memref<1x16x128xi32, #tpu.memory_space<vmem>> -> memref<16x128xi32, #tpu.memory_space<vmem>>
      %dma_start3A_1173 = arith.constant 0 : i32
      %dma_start3A_1174 = tpu.memref_slice %arg4[%arg1, %mul3A_1168, %dma_start3A_1173] : memref<16x160x128xi32, #tpu.memory_space<hbm>> -> memref<1x16x128xi32, #tpu.memory_space<hbm>>
      %dma_start3A_1175 = tpu.memref_squeeze %dma_start3A_1174 : memref<1x16x128xi32, #tpu.memory_space<hbm>> -> memref<16x128xi32, #tpu.memory_space<hbm>>
      %dma_start3A_1176 = arith.constant 0 : i32
      %dma_start3A_1177 = arith.constant 0 : i32
      %dma_start3A_1178 = tpu.memref_slice %arg7[%sub3A_1134, %dma_start3A_1176, %dma_start3A_1177] : memref<2x16x128xi32, #tpu.memory_space<vmem>> -> memref<1x16x128xi32, #tpu.memory_space<vmem>>
      %dma_start3A_1179 = tpu.memref_squeeze %dma_start3A_1178 : memref<1x16x128xi32, #tpu.memory_space<vmem>> -> memref<16x128xi32, #tpu.memory_space<vmem>>
      %dma_start3A_1180 = arith.constant 0 : i32
      %dma_start3A_1181 = tpu.memref_slice %arg4[%arg1, %mul3A_1168, %dma_start3A_1180] : memref<16x160x128xi32, #tpu.memory_space<hbm>> -> memref<1x16x128xi32, #tpu.memory_space<hbm>>
      %dma_start3A_1182 = tpu.memref_squeeze %dma_start3A_1181 : memref<1x16x128xi32, #tpu.memory_space<hbm>> -> memref<16x128xi32, #tpu.memory_space<hbm>>
      tpu.enqueue_dma source(%dma_start3A_1182 : memref<16x128xi32, #tpu.memory_space<hbm>>) target(%dma_start3A_1179 : memref<16x128xi32, #tpu.memory_space<vmem>>) target_semaphore(%arg22 : memref<!tpu.dma_semaphore, #tpu.memory_space<semaphore_mem>>)
      %dma_wait3A_1183 = arith.constant 14 : i32
      %dma_wait3A_1184 = arith.constant 0 : i32
      %dma_wait3A_1185 = tpu.memref_slice %arg7[%sub3A_1134, %dma_wait3A_1183, %dma_wait3A_1184] : memref<2x16x128xi32, #tpu.memory_space<vmem>> -> memref<1x1x128xi32, #tpu.memory_space<vmem>>
      %dma_wait3A_1186 = tpu.memref_squeeze %dma_wait3A_1185 : memref<1x1x128xi32, #tpu.memory_space<vmem>> -> memref<128xi32, #tpu.memory_space<vmem>>
      %dma_wait3A_1187 = arith.constant 0 : i32
      %dma_wait3A_1188 = arith.constant 0 : i32
      %dma_wait3A_1189 = tpu.memref_slice %arg13[%dma_wait3A_1187, %dma_wait3A_1188] : memref<10112x64xf32, #tpu.memory_space<vmem_shared>> -> memref<10112x64xf32, #tpu.memory_space<vmem_shared>>
      tpu.wait_indirect_dma semaphore(%arg20 : memref<!tpu.dma_semaphore, #tpu.memory_space<semaphore_mem>>) src(%arg10 : memref<128x64xf32, #tpu.memory_space<vmem>>) dst(%dma_wait3A_1189 : memref<10112x64xf32, #tpu.memory_space<vmem_shared>>)
      %dma_start3A_1190 = arith.constant 2 : i32
      %dma_start3A_1191 = arith.constant 0 : i32
      %dma_start3A_1192 = tpu.memref_slice %arg6[%rem3A_1133, %dma_start3A_1190, %dma_start3A_1191] : memref<2x16x128xi32, #tpu.memory_space<vmem>> -> memref<1x1x128xi32, #tpu.memory_space<vmem>>
      %dma_start3A_1193 = tpu.memref_squeeze %dma_start3A_1192 : memref<1x1x128xi32, #tpu.memory_space<vmem>> -> memref<128xi32, #tpu.memory_space<vmem>>
      %dma_start3A_1194 = arith.constant 0 : i32
      %dma_start3A_1195 = arith.constant 0 : i32
      %dma_start3A_1196 = tpu.memref_slice %arg12[%dma_start3A_1194, %dma_start3A_1195] : memref<10000x64xf32, #tpu.memory_space<vmem_shared>> -> memref<10000x64xf32, #tpu.memory_space<vmem_shared>>
      tpu.enqueue_indirect_dma source(%dma_start3A_1196 : memref<10000x64xf32, #tpu.memory_space<vmem_shared>>) target(%arg10 : memref<128x64xf32, #tpu.memory_space<vmem>>) offsets(%dma_start3A_1193 : memref<128xi32, #tpu.memory_space<vmem>>) semaphore(%arg16 : memref<!tpu.dma_semaphore, #tpu.memory_space<semaphore_mem>>)
      %dma_wait3A_1197 = arith.constant 1 : i32
      %dma_wait3A_1198 = arith.constant 0 : i32
      %dma_wait3A_1199 = tpu.memref_slice %arg6[%rem3A_1133, %dma_wait3A_1197, %dma_wait3A_1198] : memref<2x16x128xi32, #tpu.memory_space<vmem>> -> memref<1x1x128xi32, #tpu.memory_space<vmem>>
      %dma_wait3A_1200 = tpu.memref_squeeze %dma_wait3A_1199 : memref<1x1x128xi32, #tpu.memory_space<vmem>> -> memref<128xi32, #tpu.memory_space<vmem>>
      %dma_wait3A_1201 = arith.constant 0 : i32
      %dma_wait3A_1202 = arith.constant 0 : i32
      %dma_wait3A_1203 = tpu.memref_slice %arg12[%dma_wait3A_1201, %dma_wait3A_1202] : memref<10000x64xf32, #tpu.memory_space<vmem_shared>> -> memref<10000x64xf32, #tpu.memory_space<vmem_shared>>
      tpu.wait_indirect_dma semaphore(%arg15 : memref<!tpu.dma_semaphore, #tpu.memory_space<semaphore_mem>>) src(%dma_wait3A_1203 : memref<10000x64xf32, #tpu.memory_space<vmem_shared>>) dst(%arg9 : memref<128x64xf32, #tpu.memory_space<vmem>>)
      %dma_start3A_1204 = arith.constant 1 : i32
      %dma_start3A_1205 = arith.constant 0 : i32
      %dma_start3A_1206 = tpu.memref_slice %arg7[%rem3A_1133, %dma_start3A_1204, %dma_start3A_1205] : memref<2x16x128xi32, #tpu.memory_space<vmem>> -> memref<1x1x128xi32, #tpu.memory_space<vmem>>
      %dma_start3A_1207 = tpu.memref_squeeze %dma_start3A_1206 : memref<1x1x128xi32, #tpu.memory_space<vmem>> -> memref<128xi32, #tpu.memory_space<vmem>>
      %dma_start3A_1208 = arith.constant 0 : i32
      %dma_start3A_1209 = arith.constant 0 : i32
      %dma_start3A_1210 = tpu.memref_slice %arg13[%dma_start3A_1208, %dma_start3A_1209] : memref<10112x64xf32, #tpu.memory_space<vmem_shared>> -> memref<10112x64xf32, #tpu.memory_space<vmem_shared>>
      tpu.enqueue_indirect_dma source(%arg9 : memref<128x64xf32, #tpu.memory_space<vmem>>) target(%dma_start3A_1210 : memref<10112x64xf32, #tpu.memory_space<vmem_shared>>) offsets(%dma_start3A_1207 : memref<128xi32, #tpu.memory_space<vmem>>) semaphore(%arg19 : memref<!tpu.dma_semaphore, #tpu.memory_space<semaphore_mem>>) {add = true}
      %dma_wait3A_1211 = arith.constant 15 : i32
      %dma_wait3A_1212 = arith.constant 0 : i32
      %dma_wait3A_1213 = tpu.memref_slice %arg7[%sub3A_1134, %dma_wait3A_1211, %dma_wait3A_1212] : memref<2x16x128xi32, #tpu.memory_space<vmem>> -> memref<1x1x128xi32, #tpu.memory_space<vmem>>
      %dma_wait3A_1214 = tpu.memref_squeeze %dma_wait3A_1213 : memref<1x1x128xi32, #tpu.memory_space<vmem>> -> memref<128xi32, #tpu.memory_space<vmem>>
      %dma_wait3A_1215 = arith.constant 0 : i32
      %dma_wait3A_1216 = arith.constant 0 : i32
      %dma_wait3A_1217 = tpu.memref_slice %arg13[%dma_wait3A_1215, %dma_wait3A_1216] : memref<10112x64xf32, #tpu.memory_space<vmem_shared>> -> memref<10112x64xf32, #tpu.memory_space<vmem_shared>>
      tpu.wait_indirect_dma semaphore(%arg21 : memref<!tpu.dma_semaphore, #tpu.memory_space<semaphore_mem>>) src(%arg11 : memref<128x64xf32, #tpu.memory_space<vmem>>) dst(%dma_wait3A_1217 : memref<10112x64xf32, #tpu.memory_space<vmem_shared>>)
      %dma_start3A_1218 = arith.constant 3 : i32
      %dma_start3A_1219 = arith.constant 0 : i32
      %dma_start3A_1220 = tpu.memref_slice %arg6[%rem3A_1133, %dma_start3A_1218, %dma_start3A_1219] : memref<2x16x128xi32, #tpu.memory_space<vmem>> -> memref<1x1x128xi32, #tpu.memory_space<vmem>>
      %dma_start3A_1221 = tpu.memref_squeeze %dma_start3A_1220 : memref<1x1x128xi32, #tpu.memory_space<vmem>> -> memref<128xi32, #tpu.memory_space<vmem>>
      %dma_start3A_1222 = arith.constant 0 : i32
      %dma_start3A_1223 = arith.constant 0 : i32
      %dma_start3A_1224 = tpu.memref_slice %arg12[%dma_start3A_1222, %dma_start3A_1223] : memref<10000x64xf32, #tpu.memory_space<vmem_shared>> -> memref<10000x64xf32, #tpu.memory_space<vmem_shared>>
      tpu.enqueue_indirect_dma source(%dma_start3A_1224 : memref<10000x64xf32, #tpu.memory_space<vmem_shared>>) target(%arg11 : memref<128x64xf32, #tpu.memory_space<vmem>>) offsets(%dma_start3A_1221 : memref<128xi32, #tpu.memory_space<vmem>>) semaphore(%arg17 : memref<!tpu.dma_semaphore, #tpu.memory_space<semaphore_mem>>)
      %dma_wait3A_1225 = arith.constant 2 : i32
      %dma_wait3A_1226 = arith.constant 0 : i32
      %dma_wait3A_1227 = tpu.memref_slice %arg6[%rem3A_1133, %dma_wait3A_1225, %dma_wait3A_1226] : memref<2x16x128xi32, #tpu.memory_space<vmem>> -> memref<1x1x128xi32, #tpu.memory_space<vmem>>
      %dma_wait3A_1228 = tpu.memref_squeeze %dma_wait3A_1227 : memref<1x1x128xi32, #tpu.memory_space<vmem>> -> memref<128xi32, #tpu.memory_space<vmem>>
      %dma_wait3A_1229 = arith.constant 0 : i32
      %dma_wait3A_1230 = arith.constant 0 : i32
      %dma_wait3A_1231 = tpu.memref_slice %arg12[%dma_wait3A_1229, %dma_wait3A_1230] : memref<10000x64xf32, #tpu.memory_space<vmem_shared>> -> memref<10000x64xf32, #tpu.memory_space<vmem_shared>>
      tpu.wait_indirect_dma semaphore(%arg16 : memref<!tpu.dma_semaphore, #tpu.memory_space<semaphore_mem>>) src(%dma_wait3A_1231 : memref<10000x64xf32, #tpu.memory_space<vmem_shared>>) dst(%arg10 : memref<128x64xf32, #tpu.memory_space<vmem>>)
      %dma_start3A_1232 = arith.constant 2 : i32
      %dma_start3A_1233 = arith.constant 0 : i32
      %dma_start3A_1234 = tpu.memref_slice %arg7[%rem3A_1133, %dma_start3A_1232, %dma_start3A_1233] : memref<2x16x128xi32, #tpu.memory_space<vmem>> -> memref<1x1x128xi32, #tpu.memory_space<vmem>>
      %dma_start3A_1235 = tpu.memref_squeeze %dma_start3A_1234 : memref<1x1x128xi32, #tpu.memory_space<vmem>> -> memref<128xi32, #tpu.memory_space<vmem>>
      %dma_start3A_1236 = arith.constant 0 : i32
      %dma_start3A_1237 = arith.constant 0 : i32
      %dma_start3A_1238 = tpu.memref_slice %arg13[%dma_start3A_1236, %dma_start3A_1237] : memref<10112x64xf32, #tpu.memory_space<vmem_shared>> -> memref<10112x64xf32, #tpu.memory_space<vmem_shared>>
      tpu.enqueue_indirect_dma source(%arg10 : memref<128x64xf32, #tpu.memory_space<vmem>>) target(%dma_start3A_1238 : memref<10112x64xf32, #tpu.memory_space<vmem_shared>>) offsets(%dma_start3A_1235 : memref<128xi32, #tpu.memory_space<vmem>>) semaphore(%arg20 : memref<!tpu.dma_semaphore, #tpu.memory_space<semaphore_mem>>) {add = true}
      %dma_wait3A_1239 = arith.constant 0 : i32
      %dma_wait3A_1240 = arith.constant 0 : i32
      %dma_wait3A_1241 = tpu.memref_slice %arg7[%rem3A_1133, %dma_wait3A_1239, %dma_wait3A_1240] : memref<2x16x128xi32, #tpu.memory_space<vmem>> -> memref<1x1x128xi32, #tpu.memory_space<vmem>>
      %dma_wait3A_1242 = tpu.memref_squeeze %dma_wait3A_1241 : memref<1x1x128xi32, #tpu.memory_space<vmem>> -> memref<128xi32, #tpu.memory_space<vmem>>
      %dma_wait3A_1243 = arith.constant 0 : i32
      %dma_wait3A_1244 = arith.constant 0 : i32
      %dma_wait3A_1245 = tpu.memref_slice %arg13[%dma_wait3A_1243, %dma_wait3A_1244] : memref<10112x64xf32, #tpu.memory_space<vmem_shared>> -> memref<10112x64xf32, #tpu.memory_space<vmem_shared>>
      tpu.wait_indirect_dma semaphore(%arg18 : memref<!tpu.dma_semaphore, #tpu.memory_space<semaphore_mem>>) src(%arg8 : memref<128x64xf32, #tpu.memory_space<vmem>>) dst(%dma_wait3A_1245 : memref<10112x64xf32, #tpu.memory_space<vmem_shared>>)
      %dma_start3A_1246 = arith.constant 4 : i32
      %dma_start3A_1247 = arith.constant 0 : i32
      %dma_start3A_1248 = tpu.memref_slice %arg6[%rem3A_1133, %dma_start3A_1246, %dma_start3A_1247] : memref<2x16x128xi32, #tpu.memory_space<vmem>> -> memref<1x1x128xi32, #tpu.memory_space<vmem>>
      %dma_start3A_1249 = tpu.memref_squeeze %dma_start3A_1248 : memref<1x1x128xi32, #tpu.memory_space<vmem>> -> memref<128xi32, #tpu.memory_space<vmem>>
      %dma_start3A_1250 = arith.constant 0 : i32
      %dma_start3A_1251 = arith.constant 0 : i32
      %dma_start3A_1252 = tpu.memref_slice %arg12[%dma_start3A_1250, %dma_start3A_1251] : memref<10000x64xf32, #tpu.memory_space<vmem_shared>> -> memref<10000x64xf32, #tpu.memory_space<vmem_shared>>
      tpu.enqueue_indirect_dma source(%dma_start3A_1252 : memref<10000x64xf32, #tpu.memory_space<vmem_shared>>) target(%arg8 : memref<128x64xf32, #tpu.memory_space<vmem>>) offsets(%dma_start3A_1249 : memref<128xi32, #tpu.memory_space<vmem>>) semaphore(%arg14 : memref<!tpu.dma_semaphore, #tpu.memory_space<semaphore_mem>>)
      %dma_wait3A_1253 = arith.constant 3 : i32
      %dma_wait3A_1254 = arith.constant 0 : i32
      %dma_wait3A_1255 = tpu.memref_slice %arg6[%rem3A_1133, %dma_wait3A_1253, %dma_wait3A_1254] : memref<2x16x128xi32, #tpu.memory_space<vmem>> -> memref<1x1x128xi32, #tpu.memory_space<vmem>>
      %dma_wait3A_1256 = tpu.memref_squeeze %dma_wait3A_1255 : memref<1x1x128xi32, #tpu.memory_space<vmem>> -> memref<128xi32, #tpu.memory_space<vmem>>
      %dma_wait3A_1257 = arith.constant 0 : i32
      %dma_wait3A_1258 = arith.constant 0 : i32
      %dma_wait3A_1259 = tpu.memref_slice %arg12[%dma_wait3A_1257, %dma_wait3A_1258] : memref<10000x64xf32, #tpu.memory_space<vmem_shared>> -> memref<10000x64xf32, #tpu.memory_space<vmem_shared>>
      tpu.wait_indirect_dma semaphore(%arg17 : memref<!tpu.dma_semaphore, #tpu.memory_space<semaphore_mem>>) src(%dma_wait3A_1259 : memref<10000x64xf32, #tpu.memory_space<vmem_shared>>) dst(%arg11 : memref<128x64xf32, #tpu.memory_space<vmem>>)
      %dma_start3A_1260 = arith.constant 3 : i32
      %dma_start3A_1261 = arith.constant 0 : i32
      %dma_start3A_1262 = tpu.memref_slice %arg7[%rem3A_1133, %dma_start3A_1260, %dma_start3A_1261] : memref<2x16x128xi32, #tpu.memory_space<vmem>> -> memref<1x1x128xi32, #tpu.memory_space<vmem>>
      %dma_start3A_1263 = tpu.memref_squeeze %dma_start3A_1262 : memref<1x1x128xi32, #tpu.memory_space<vmem>> -> memref<128xi32, #tpu.memory_space<vmem>>
      %dma_start3A_1264 = arith.constant 0 : i32
      %dma_start3A_1265 = arith.constant 0 : i32
      %dma_start3A_1266 = tpu.memref_slice %arg13[%dma_start3A_1264, %dma_start3A_1265] : memref<10112x64xf32, #tpu.memory_space<vmem_shared>> -> memref<10112x64xf32, #tpu.memory_space<vmem_shared>>
      tpu.enqueue_indirect_dma source(%arg11 : memref<128x64xf32, #tpu.memory_space<vmem>>) target(%dma_start3A_1266 : memref<10112x64xf32, #tpu.memory_space<vmem_shared>>) offsets(%dma_start3A_1263 : memref<128xi32, #tpu.memory_space<vmem>>) semaphore(%arg21 : memref<!tpu.dma_semaphore, #tpu.memory_space<semaphore_mem>>) {add = true}
      %dma_wait3A_1267 = arith.constant 1 : i32
      %dma_wait3A_1268 = arith.constant 0 : i32
      %dma_wait3A_1269 = tpu.memref_slice %arg7[%rem3A_1133, %dma_wait3A_1267, %dma_wait3A_1268] : memref<2x16x128xi32, #tpu.memory_space<vmem>> -> memref<1x1x128xi32, #tpu.memory_space<vmem>>
      %dma_wait3A_1270 = tpu.memref_squeeze %dma_wait3A_1269 : memref<1x1x128xi32, #tpu.memory_space<vmem>> -> memref<128xi32, #tpu.memory_space<vmem>>
      %dma_wait3A_1271 = arith.constant 0 : i32
      %dma_wait3A_1272 = arith.constant 0 : i32
      %dma_wait3A_1273 = tpu.memref_slice %arg13[%dma_wait3A_1271, %dma_wait3A_1272] : memref<10112x64xf32, #tpu.memory_space<vmem_shared>> -> memref<10112x64xf32, #tpu.memory_space<vmem_shared>>
      tpu.wait_indirect_dma semaphore(%arg19 : memref<!tpu.dma_semaphore, #tpu.memory_space<semaphore_mem>>) src(%arg9 : memref<128x64xf32, #tpu.memory_space<vmem>>) dst(%dma_wait3A_1273 : memref<10112x64xf32, #tpu.memory_space<vmem_shared>>)
      %dma_start3A_1274 = arith.constant 5 : i32
      %dma_start3A_1275 = arith.constant 0 : i32
      %dma_start3A_1276 = tpu.memref_slice %arg6[%rem3A_1133, %dma_start3A_1274, %dma_start3A_1275] : memref<2x16x128xi32, #tpu.memory_space<vmem>> -> memref<1x1x128xi32, #tpu.memory_space<vmem>>
      %dma_start3A_1277 = tpu.memref_squeeze %dma_start3A_1276 : memref<1x1x128xi32, #tpu.memory_space<vmem>> -> memref<128xi32, #tpu.memory_space<vmem>>
      %dma_start3A_1278 = arith.constant 0 : i32
      %dma_start3A_1279 = arith.constant 0 : i32
      %dma_start3A_1280 = tpu.memref_slice %arg12[%dma_start3A_1278, %dma_start3A_1279] : memref<10000x64xf32, #tpu.memory_space<vmem_shared>> -> memref<10000x64xf32, #tpu.memory_space<vmem_shared>>
      tpu.enqueue_indirect_dma source(%dma_start3A_1280 : memref<10000x64xf32, #tpu.memory_space<vmem_shared>>) target(%arg9 : memref<128x64xf32, #tpu.memory_space<vmem>>) offsets(%dma_start3A_1277 : memref<128xi32, #tpu.memory_space<vmem>>) semaphore(%arg15 : memref<!tpu.dma_semaphore, #tpu.memory_space<semaphore_mem>>)
      %dma_wait3A_1281 = arith.constant 4 : i32
      %dma_wait3A_1282 = arith.constant 0 : i32
      %dma_wait3A_1283 = tpu.memref_slice %arg6[%rem3A_1133, %dma_wait3A_1281, %dma_wait3A_1282] : memref<2x16x128xi32, #tpu.memory_space<vmem>> -> memref<1x1x128xi32, #tpu.memory_space<vmem>>
      %dma_wait3A_1284 = tpu.memref_squeeze %dma_wait3A_1283 : memref<1x1x128xi32, #tpu.memory_space<vmem>> -> memref<128xi32, #tpu.memory_space<vmem>>
      %dma_wait3A_1285 = arith.constant 0 : i32
      %dma_wait3A_1286 = arith.constant 0 : i32
      %dma_wait3A_1287 = tpu.memref_slice %arg12[%dma_wait3A_1285, %dma_wait3A_1286] : memref<10000x64xf32, #tpu.memory_space<vmem_shared>> -> memref<10000x64xf32, #tpu.memory_space<vmem_shared>>
      tpu.wait_indirect_dma semaphore(%arg14 : memref<!tpu.dma_semaphore, #tpu.memory_space<semaphore_mem>>) src(%dma_wait3A_1287 : memref<10000x64xf32, #tpu.memory_space<vmem_shared>>) dst(%arg8 : memref<128x64xf32, #tpu.memory_space<vmem>>)
      %dma_start3A_1288 = arith.constant 4 : i32
      %dma_start3A_1289 = arith.constant 0 : i32
      %dma_start3A_1290 = tpu.memref_slice %arg7[%rem3A_1133, %dma_start3A_1288, %dma_start3A_1289] : memref<2x16x128xi32, #tpu.memory_space<vmem>> -> memref<1x1x128xi32, #tpu.memory_space<vmem>>
      %dma_start3A_1291 = tpu.memref_squeeze %dma_start3A_1290 : memref<1x1x128xi32, #tpu.memory_space<vmem>> -> memref<128xi32, #tpu.memory_space<vmem>>
      %dma_start3A_1292 = arith.constant 0 : i32
      %dma_start3A_1293 = arith.constant 0 : i32
      %dma_start3A_1294 = tpu.memref_slice %arg13[%dma_start3A_1292, %dma_start3A_1293] : memref<10112x64xf32, #tpu.memory_space<vmem_shared>> -> memref<10112x64xf32, #tpu.memory_space<vmem_shared>>
      tpu.enqueue_indirect_dma source(%arg8 : memref<128x64xf32, #tpu.memory_space<vmem>>) target(%dma_start3A_1294 : memref<10112x64xf32, #tpu.memory_space<vmem_shared>>) offsets(%dma_start3A_1291 : memref<128xi32, #tpu.memory_space<vmem>>) semaphore(%arg18 : memref<!tpu.dma_semaphore, #tpu.memory_space<semaphore_mem>>) {add = true}
      %dma_wait3A_1295 = arith.constant 2 : i32
      %dma_wait3A_1296 = arith.constant 0 : i32
      %dma_wait3A_1297 = tpu.memref_slice %arg7[%rem3A_1133, %dma_wait3A_1295, %dma_wait3A_1296] : memref<2x16x128xi32, #tpu.memory_space<vmem>> -> memref<1x1x128xi32, #tpu.memory_space<vmem>>
      %dma_wait3A_1298 = tpu.memref_squeeze %dma_wait3A_1297 : memref<1x1x128xi32, #tpu.memory_space<vmem>> -> memref<128xi32, #tpu.memory_space<vmem>>
      %dma_wait3A_1299 = arith.constant 0 : i32
      %dma_wait3A_1300 = arith.constant 0 : i32
      %dma_wait3A_1301 = tpu.memref_slice %arg13[%dma_wait3A_1299, %dma_wait3A_1300] : memref<10112x64xf32, #tpu.memory_space<vmem_shared>> -> memref<10112x64xf32, #tpu.memory_space<vmem_shared>>
      tpu.wait_indirect_dma semaphore(%arg20 : memref<!tpu.dma_semaphore, #tpu.memory_space<semaphore_mem>>) src(%arg10 : memref<128x64xf32, #tpu.memory_space<vmem>>) dst(%dma_wait3A_1301 : memref<10112x64xf32, #tpu.memory_space<vmem_shared>>)
      %dma_start3A_1302 = arith.constant 6 : i32
      %dma_start3A_1303 = arith.constant 0 : i32
      %dma_start3A_1304 = tpu.memref_slice %arg6[%rem3A_1133, %dma_start3A_1302, %dma_start3A_1303] : memref<2x16x128xi32, #tpu.memory_space<vmem>> -> memref<1x1x128xi32, #tpu.memory_space<vmem>>
      %dma_start3A_1305 = tpu.memref_squeeze %dma_start3A_1304 : memref<1x1x128xi32, #tpu.memory_space<vmem>> -> memref<128xi32, #tpu.memory_space<vmem>>
      %dma_start3A_1306 = arith.constant 0 : i32
      %dma_start3A_1307 = arith.constant 0 : i32
      %dma_start3A_1308 = tpu.memref_slice %arg12[%dma_start3A_1306, %dma_start3A_1307] : memref<10000x64xf32, #tpu.memory_space<vmem_shared>> -> memref<10000x64xf32, #tpu.memory_space<vmem_shared>>
      tpu.enqueue_indirect_dma source(%dma_start3A_1308 : memref<10000x64xf32, #tpu.memory_space<vmem_shared>>) target(%arg10 : memref<128x64xf32, #tpu.memory_space<vmem>>) offsets(%dma_start3A_1305 : memref<128xi32, #tpu.memory_space<vmem>>) semaphore(%arg16 : memref<!tpu.dma_semaphore, #tpu.memory_space<semaphore_mem>>)
      %dma_wait3A_1309 = arith.constant 5 : i32
      %dma_wait3A_1310 = arith.constant 0 : i32
      %dma_wait3A_1311 = tpu.memref_slice %arg6[%rem3A_1133, %dma_wait3A_1309, %dma_wait3A_1310] : memref<2x16x128xi32, #tpu.memory_space<vmem>> -> memref<1x1x128xi32, #tpu.memory_space<vmem>>
      %dma_wait3A_1312 = tpu.memref_squeeze %dma_wait3A_1311 : memref<1x1x128xi32, #tpu.memory_space<vmem>> -> memref<128xi32, #tpu.memory_space<vmem>>
      %dma_wait3A_1313 = arith.constant 0 : i32
      %dma_wait3A_1314 = arith.constant 0 : i32
      %dma_wait3A_1315 = tpu.memref_slice %arg12[%dma_wait3A_1313, %dma_wait3A_1314] : memref<10000x64xf32, #tpu.memory_space<vmem_shared>> -> memref<10000x64xf32, #tpu.memory_space<vmem_shared>>
      tpu.wait_indirect_dma semaphore(%arg15 : memref<!tpu.dma_semaphore, #tpu.memory_space<semaphore_mem>>) src(%dma_wait3A_1315 : memref<10000x64xf32, #tpu.memory_space<vmem_shared>>) dst(%arg9 : memref<128x64xf32, #tpu.memory_space<vmem>>)
      %dma_start3A_1316 = arith.constant 5 : i32
      %dma_start3A_1317 = arith.constant 0 : i32
      %dma_start3A_1318 = tpu.memref_slice %arg7[%rem3A_1133, %dma_start3A_1316, %dma_start3A_1317] : memref<2x16x128xi32, #tpu.memory_space<vmem>> -> memref<1x1x128xi32, #tpu.memory_space<vmem>>
      %dma_start3A_1319 = tpu.memref_squeeze %dma_start3A_1318 : memref<1x1x128xi32, #tpu.memory_space<vmem>> -> memref<128xi32, #tpu.memory_space<vmem>>
      %dma_start3A_1320 = arith.constant 0 : i32
      %dma_start3A_1321 = arith.constant 0 : i32
      %dma_start3A_1322 = tpu.memref_slice %arg13[%dma_start3A_1320, %dma_start3A_1321] : memref<10112x64xf32, #tpu.memory_space<vmem_shared>> -> memref<10112x64xf32, #tpu.memory_space<vmem_shared>>
      tpu.enqueue_indirect_dma source(%arg9 : memref<128x64xf32, #tpu.memory_space<vmem>>) target(%dma_start3A_1322 : memref<10112x64xf32, #tpu.memory_space<vmem_shared>>) offsets(%dma_start3A_1319 : memref<128xi32, #tpu.memory_space<vmem>>) semaphore(%arg19 : memref<!tpu.dma_semaphore, #tpu.memory_space<semaphore_mem>>) {add = true}
      %dma_wait3A_1323 = arith.constant 3 : i32
      %dma_wait3A_1324 = arith.constant 0 : i32
      %dma_wait3A_1325 = tpu.memref_slice %arg7[%rem3A_1133, %dma_wait3A_1323, %dma_wait3A_1324] : memref<2x16x128xi32, #tpu.memory_space<vmem>> -> memref<1x1x128xi32, #tpu.memory_space<vmem>>
      %dma_wait3A_1326 = tpu.memref_squeeze %dma_wait3A_1325 : memref<1x1x128xi32, #tpu.memory_space<vmem>> -> memref<128xi32, #tpu.memory_space<vmem>>
      %dma_wait3A_1327 = arith.constant 0 : i32
      %dma_wait3A_1328 = arith.constant 0 : i32
      %dma_wait3A_1329 = tpu.memref_slice %arg13[%dma_wait3A_1327, %dma_wait3A_1328] : memref<10112x64xf32, #tpu.memory_space<vmem_shared>> -> memref<10112x64xf32, #tpu.memory_space<vmem_shared>>
      tpu.wait_indirect_dma semaphore(%arg21 : memref<!tpu.dma_semaphore, #tpu.memory_space<semaphore_mem>>) src(%arg11 : memref<128x64xf32, #tpu.memory_space<vmem>>) dst(%dma_wait3A_1329 : memref<10112x64xf32, #tpu.memory_space<vmem_shared>>)
      %dma_start3A_1330 = arith.constant 7 : i32
      %dma_start3A_1331 = arith.constant 0 : i32
      %dma_start3A_1332 = tpu.memref_slice %arg6[%rem3A_1133, %dma_start3A_1330, %dma_start3A_1331] : memref<2x16x128xi32, #tpu.memory_space<vmem>> -> memref<1x1x128xi32, #tpu.memory_space<vmem>>
      %dma_start3A_1333 = tpu.memref_squeeze %dma_start3A_1332 : memref<1x1x128xi32, #tpu.memory_space<vmem>> -> memref<128xi32, #tpu.memory_space<vmem>>
      %dma_start3A_1334 = arith.constant 0 : i32
      %dma_start3A_1335 = arith.constant 0 : i32
      %dma_start3A_1336 = tpu.memref_slice %arg12[%dma_start3A_1334, %dma_start3A_1335] : memref<10000x64xf32, #tpu.memory_space<vmem_shared>> -> memref<10000x64xf32, #tpu.memory_space<vmem_shared>>
      tpu.enqueue_indirect_dma source(%dma_start3A_1336 : memref<10000x64xf32, #tpu.memory_space<vmem_shared>>) target(%arg11 : memref<128x64xf32, #tpu.memory_space<vmem>>) offsets(%dma_start3A_1333 : memref<128xi32, #tpu.memory_space<vmem>>) semaphore(%arg17 : memref<!tpu.dma_semaphore, #tpu.memory_space<semaphore_mem>>)
      %dma_wait3A_1337 = arith.constant 6 : i32
      %dma_wait3A_1338 = arith.constant 0 : i32
      %dma_wait3A_1339 = tpu.memref_slice %arg6[%rem3A_1133, %dma_wait3A_1337, %dma_wait3A_1338] : memref<2x16x128xi32, #tpu.memory_space<vmem>> -> memref<1x1x128xi32, #tpu.memory_space<vmem>>
      %dma_wait3A_1340 = tpu.memref_squeeze %dma_wait3A_1339 : memref<1x1x128xi32, #tpu.memory_space<vmem>> -> memref<128xi32, #tpu.memory_space<vmem>>
      %dma_wait3A_1341 = arith.constant 0 : i32
      %dma_wait3A_1342 = arith.constant 0 : i32
      %dma_wait3A_1343 = tpu.memref_slice %arg12[%dma_wait3A_1341, %dma_wait3A_1342] : memref<10000x64xf32, #tpu.memory_space<vmem_shared>> -> memref<10000x64xf32, #tpu.memory_space<vmem_shared>>
      tpu.wait_indirect_dma semaphore(%arg16 : memref<!tpu.dma_semaphore, #tpu.memory_space<semaphore_mem>>) src(%dma_wait3A_1343 : memref<10000x64xf32, #tpu.memory_space<vmem_shared>>) dst(%arg10 : memref<128x64xf32, #tpu.memory_space<vmem>>)
      %dma_start3A_1344 = arith.constant 6 : i32
      %dma_start3A_1345 = arith.constant 0 : i32
      %dma_start3A_1346 = tpu.memref_slice %arg7[%rem3A_1133, %dma_start3A_1344, %dma_start3A_1345] : memref<2x16x128xi32, #tpu.memory_space<vmem>> -> memref<1x1x128xi32, #tpu.memory_space<vmem>>
      %dma_start3A_1347 = tpu.memref_squeeze %dma_start3A_1346 : memref<1x1x128xi32, #tpu.memory_space<vmem>> -> memref<128xi32, #tpu.memory_space<vmem>>
      %dma_start3A_1348 = arith.constant 0 : i32
      %dma_start3A_1349 = arith.constant 0 : i32
      %dma_start3A_1350 = tpu.memref_slice %arg13[%dma_start3A_1348, %dma_start3A_1349] : memref<10112x64xf32, #tpu.memory_space<vmem_shared>> -> memref<10112x64xf32, #tpu.memory_space<vmem_shared>>
      tpu.enqueue_indirect_dma source(%arg10 : memref<128x64xf32, #tpu.memory_space<vmem>>) target(%dma_start3A_1350 : memref<10112x64xf32, #tpu.memory_space<vmem_shared>>) offsets(%dma_start3A_1347 : memref<128xi32, #tpu.memory_space<vmem>>) semaphore(%arg20 : memref<!tpu.dma_semaphore, #tpu.memory_space<semaphore_mem>>) {add = true}
      %dma_wait3A_1351 = arith.constant 4 : i32
      %dma_wait3A_1352 = arith.constant 0 : i32
      %dma_wait3A_1353 = tpu.memref_slice %arg7[%rem3A_1133, %dma_wait3A_1351, %dma_wait3A_1352] : memref<2x16x128xi32, #tpu.memory_space<vmem>> -> memref<1x1x128xi32, #tpu.memory_space<vmem>>
      %dma_wait3A_1354 = tpu.memref_squeeze %dma_wait3A_1353 : memref<1x1x128xi32, #tpu.memory_space<vmem>> -> memref<128xi32, #tpu.memory_space<vmem>>
      %dma_wait3A_1355 = arith.constant 0 : i32
      %dma_wait3A_1356 = arith.constant 0 : i32
      %dma_wait3A_1357 = tpu.memref_slice %arg13[%dma_wait3A_1355, %dma_wait3A_1356] : memref<10112x64xf32, #tpu.memory_space<vmem_shared>> -> memref<10112x64xf32, #tpu.memory_space<vmem_shared>>
      tpu.wait_indirect_dma semaphore(%arg18 : memref<!tpu.dma_semaphore, #tpu.memory_space<semaphore_mem>>) src(%arg8 : memref<128x64xf32, #tpu.memory_space<vmem>>) dst(%dma_wait3A_1357 : memref<10112x64xf32, #tpu.memory_space<vmem_shared>>)
      %dma_start3A_1358 = arith.constant 8 : i32
      %dma_start3A_1359 = arith.constant 0 : i32
      %dma_start3A_1360 = tpu.memref_slice %arg6[%rem3A_1133, %dma_start3A_1358, %dma_start3A_1359] : memref<2x16x128xi32, #tpu.memory_space<vmem>> -> memref<1x1x128xi32, #tpu.memory_space<vmem>>
      %dma_start3A_1361 = tpu.memref_squeeze %dma_start3A_1360 : memref<1x1x128xi32, #tpu.memory_space<vmem>> -> memref<128xi32, #tpu.memory_space<vmem>>
      %dma_start3A_1362 = arith.constant 0 : i32
      %dma_start3A_1363 = arith.constant 0 : i32
      %dma_start3A_1364 = tpu.memref_slice %arg12[%dma_start3A_1362, %dma_start3A_1363] : memref<10000x64xf32, #tpu.memory_space<vmem_shared>> -> memref<10000x64xf32, #tpu.memory_space<vmem_shared>>
      tpu.enqueue_indirect_dma source(%dma_start3A_1364 : memref<10000x64xf32, #tpu.memory_space<vmem_shared>>) target(%arg8 : memref<128x64xf32, #tpu.memory_space<vmem>>) offsets(%dma_start3A_1361 : memref<128xi32, #tpu.memory_space<vmem>>) semaphore(%arg14 : memref<!tpu.dma_semaphore, #tpu.memory_space<semaphore_mem>>)
      %dma_wait3A_1365 = arith.constant 7 : i32
      %dma_wait3A_1366 = arith.constant 0 : i32
      %dma_wait3A_1367 = tpu.memref_slice %arg6[%rem3A_1133, %dma_wait3A_1365, %dma_wait3A_1366] : memref<2x16x128xi32, #tpu.memory_space<vmem>> -> memref<1x1x128xi32, #tpu.memory_space<vmem>>
      %dma_wait3A_1368 = tpu.memref_squeeze %dma_wait3A_1367 : memref<1x1x128xi32, #tpu.memory_space<vmem>> -> memref<128xi32, #tpu.memory_space<vmem>>
      %dma_wait3A_1369 = arith.constant 0 : i32
      %dma_wait3A_1370 = arith.constant 0 : i32
      %dma_wait3A_1371 = tpu.memref_slice %arg12[%dma_wait3A_1369, %dma_wait3A_1370] : memref<10000x64xf32, #tpu.memory_space<vmem_shared>> -> memref<10000x64xf32, #tpu.memory_space<vmem_shared>>
      tpu.wait_indirect_dma semaphore(%arg17 : memref<!tpu.dma_semaphore, #tpu.memory_space<semaphore_mem>>) src(%dma_wait3A_1371 : memref<10000x64xf32, #tpu.memory_space<vmem_shared>>) dst(%arg11 : memref<128x64xf32, #tpu.memory_space<vmem>>)
      %dma_start3A_1372 = arith.constant 7 : i32
      %dma_start3A_1373 = arith.constant 0 : i32
      %dma_start3A_1374 = tpu.memref_slice %arg7[%rem3A_1133, %dma_start3A_1372, %dma_start3A_1373] : memref<2x16x128xi32, #tpu.memory_space<vmem>> -> memref<1x1x128xi32, #tpu.memory_space<vmem>>
      %dma_start3A_1375 = tpu.memref_squeeze %dma_start3A_1374 : memref<1x1x128xi32, #tpu.memory_space<vmem>> -> memref<128xi32, #tpu.memory_space<vmem>>
      %dma_start3A_1376 = arith.constant 0 : i32
      %dma_start3A_1377 = arith.constant 0 : i32
      %dma_start3A_1378 = tpu.memref_slice %arg13[%dma_start3A_1376, %dma_start3A_1377] : memref<10112x64xf32, #tpu.memory_space<vmem_shared>> -> memref<10112x64xf32, #tpu.memory_space<vmem_shared>>
      tpu.enqueue_indirect_dma source(%arg11 : memref<128x64xf32, #tpu.memory_space<vmem>>) target(%dma_start3A_1378 : memref<10112x64xf32, #tpu.memory_space<vmem_shared>>) offsets(%dma_start3A_1375 : memref<128xi32, #tpu.memory_space<vmem>>) semaphore(%arg21 : memref<!tpu.dma_semaphore, #tpu.memory_space<semaphore_mem>>) {add = true}
      %dma_wait3A_1379 = arith.constant 5 : i32
      %dma_wait3A_1380 = arith.constant 0 : i32
      %dma_wait3A_1381 = tpu.memref_slice %arg7[%rem3A_1133, %dma_wait3A_1379, %dma_wait3A_1380] : memref<2x16x128xi32, #tpu.memory_space<vmem>> -> memref<1x1x128xi32, #tpu.memory_space<vmem>>
      %dma_wait3A_1382 = tpu.memref_squeeze %dma_wait3A_1381 : memref<1x1x128xi32, #tpu.memory_space<vmem>> -> memref<128xi32, #tpu.memory_space<vmem>>
      %dma_wait3A_1383 = arith.constant 0 : i32
      %dma_wait3A_1384 = arith.constant 0 : i32
      %dma_wait3A_1385 = tpu.memref_slice %arg13[%dma_wait3A_1383, %dma_wait3A_1384] : memref<10112x64xf32, #tpu.memory_space<vmem_shared>> -> memref<10112x64xf32, #tpu.memory_space<vmem_shared>>
      tpu.wait_indirect_dma semaphore(%arg19 : memref<!tpu.dma_semaphore, #tpu.memory_space<semaphore_mem>>) src(%arg9 : memref<128x64xf32, #tpu.memory_space<vmem>>) dst(%dma_wait3A_1385 : memref<10112x64xf32, #tpu.memory_space<vmem_shared>>)
      %dma_start3A_1386 = arith.constant 9 : i32
      %dma_start3A_1387 = arith.constant 0 : i32
      %dma_start3A_1388 = tpu.memref_slice %arg6[%rem3A_1133, %dma_start3A_1386, %dma_start3A_1387] : memref<2x16x128xi32, #tpu.memory_space<vmem>> -> memref<1x1x128xi32, #tpu.memory_space<vmem>>
      %dma_start3A_1389 = tpu.memref_squeeze %dma_start3A_1388 : memref<1x1x128xi32, #tpu.memory_space<vmem>> -> memref<128xi32, #tpu.memory_space<vmem>>
      %dma_start3A_1390 = arith.constant 0 : i32
      %dma_start3A_1391 = arith.constant 0 : i32
      %dma_start3A_1392 = tpu.memref_slice %arg12[%dma_start3A_1390, %dma_start3A_1391] : memref<10000x64xf32, #tpu.memory_space<vmem_shared>> -> memref<10000x64xf32, #tpu.memory_space<vmem_shared>>
      tpu.enqueue_indirect_dma source(%dma_start3A_1392 : memref<10000x64xf32, #tpu.memory_space<vmem_shared>>) target(%arg9 : memref<128x64xf32, #tpu.memory_space<vmem>>) offsets(%dma_start3A_1389 : memref<128xi32, #tpu.memory_space<vmem>>) semaphore(%arg15 : memref<!tpu.dma_semaphore, #tpu.memory_space<semaphore_mem>>)
      %dma_wait3A_1393 = arith.constant 8 : i32
      %dma_wait3A_1394 = arith.constant 0 : i32
      %dma_wait3A_1395 = tpu.memref_slice %arg6[%rem3A_1133, %dma_wait3A_1393, %dma_wait3A_1394] : memref<2x16x128xi32, #tpu.memory_space<vmem>> -> memref<1x1x128xi32, #tpu.memory_space<vmem>>
      %dma_wait3A_1396 = tpu.memref_squeeze %dma_wait3A_1395 : memref<1x1x128xi32, #tpu.memory_space<vmem>> -> memref<128xi32, #tpu.memory_space<vmem>>
      %dma_wait3A_1397 = arith.constant 0 : i32
      %dma_wait3A_1398 = arith.constant 0 : i32
      %dma_wait3A_1399 = tpu.memref_slice %arg12[%dma_wait3A_1397, %dma_wait3A_1398] : memref<10000x64xf32, #tpu.memory_space<vmem_shared>> -> memref<10000x64xf32, #tpu.memory_space<vmem_shared>>
      tpu.wait_indirect_dma semaphore(%arg14 : memref<!tpu.dma_semaphore, #tpu.memory_space<semaphore_mem>>) src(%dma_wait3A_1399 : memref<10000x64xf32, #tpu.memory_space<vmem_shared>>) dst(%arg8 : memref<128x64xf32, #tpu.memory_space<vmem>>)
      %dma_start3A_1400 = arith.constant 8 : i32
      %dma_start3A_1401 = arith.constant 0 : i32
      %dma_start3A_1402 = tpu.memref_slice %arg7[%rem3A_1133, %dma_start3A_1400, %dma_start3A_1401] : memref<2x16x128xi32, #tpu.memory_space<vmem>> -> memref<1x1x128xi32, #tpu.memory_space<vmem>>
      %dma_start3A_1403 = tpu.memref_squeeze %dma_start3A_1402 : memref<1x1x128xi32, #tpu.memory_space<vmem>> -> memref<128xi32, #tpu.memory_space<vmem>>
      %dma_start3A_1404 = arith.constant 0 : i32
      %dma_start3A_1405 = arith.constant 0 : i32
      %dma_start3A_1406 = tpu.memref_slice %arg13[%dma_start3A_1404, %dma_start3A_1405] : memref<10112x64xf32, #tpu.memory_space<vmem_shared>> -> memref<10112x64xf32, #tpu.memory_space<vmem_shared>>
      tpu.enqueue_indirect_dma source(%arg8 : memref<128x64xf32, #tpu.memory_space<vmem>>) target(%dma_start3A_1406 : memref<10112x64xf32, #tpu.memory_space<vmem_shared>>) offsets(%dma_start3A_1403 : memref<128xi32, #tpu.memory_space<vmem>>) semaphore(%arg18 : memref<!tpu.dma_semaphore, #tpu.memory_space<semaphore_mem>>) {add = true}
      %dma_wait3A_1407 = arith.constant 6 : i32
      %dma_wait3A_1408 = arith.constant 0 : i32
      %dma_wait3A_1409 = tpu.memref_slice %arg7[%rem3A_1133, %dma_wait3A_1407, %dma_wait3A_1408] : memref<2x16x128xi32, #tpu.memory_space<vmem>> -> memref<1x1x128xi32, #tpu.memory_space<vmem>>
      %dma_wait3A_1410 = tpu.memref_squeeze %dma_wait3A_1409 : memref<1x1x128xi32, #tpu.memory_space<vmem>> -> memref<128xi32, #tpu.memory_space<vmem>>
      %dma_wait3A_1411 = arith.constant 0 : i32
      %dma_wait3A_1412 = arith.constant 0 : i32
      %dma_wait3A_1413 = tpu.memref_slice %arg13[%dma_wait3A_1411, %dma_wait3A_1412] : memref<10112x64xf32, #tpu.memory_space<vmem_shared>> -> memref<10112x64xf32, #tpu.memory_space<vmem_shared>>
      tpu.wait_indirect_dma semaphore(%arg20 : memref<!tpu.dma_semaphore, #tpu.memory_space<semaphore_mem>>) src(%arg10 : memref<128x64xf32, #tpu.memory_space<vmem>>) dst(%dma_wait3A_1413 : memref<10112x64xf32, #tpu.memory_space<vmem_shared>>)
      %dma_start3A_1414 = arith.constant 10 : i32
      %dma_start3A_1415 = arith.constant 0 : i32
      %dma_start3A_1416 = tpu.memref_slice %arg6[%rem3A_1133, %dma_start3A_1414, %dma_start3A_1415] : memref<2x16x128xi32, #tpu.memory_space<vmem>> -> memref<1x1x128xi32, #tpu.memory_space<vmem>>
      %dma_start3A_1417 = tpu.memref_squeeze %dma_start3A_1416 : memref<1x1x128xi32, #tpu.memory_space<vmem>> -> memref<128xi32, #tpu.memory_space<vmem>>
      %dma_start3A_1418 = arith.constant 0 : i32
      %dma_start3A_1419 = arith.constant 0 : i32
      %dma_start3A_1420 = tpu.memref_slice %arg12[%dma_start3A_1418, %dma_start3A_1419] : memref<10000x64xf32, #tpu.memory_space<vmem_shared>> -> memref<10000x64xf32, #tpu.memory_space<vmem_shared>>
      tpu.enqueue_indirect_dma source(%dma_start3A_1420 : memref<10000x64xf32, #tpu.memory_space<vmem_shared>>) target(%arg10 : memref<128x64xf32, #tpu.memory_space<vmem>>) offsets(%dma_start3A_1417 : memref<128xi32, #tpu.memory_space<vmem>>) semaphore(%arg16 : memref<!tpu.dma_semaphore, #tpu.memory_space<semaphore_mem>>)
      %dma_wait3A_1421 = arith.constant 9 : i32
      %dma_wait3A_1422 = arith.constant 0 : i32
      %dma_wait3A_1423 = tpu.memref_slice %arg6[%rem3A_1133, %dma_wait3A_1421, %dma_wait3A_1422] : memref<2x16x128xi32, #tpu.memory_space<vmem>> -> memref<1x1x128xi32, #tpu.memory_space<vmem>>
      %dma_wait3A_1424 = tpu.memref_squeeze %dma_wait3A_1423 : memref<1x1x128xi32, #tpu.memory_space<vmem>> -> memref<128xi32, #tpu.memory_space<vmem>>
      %dma_wait3A_1425 = arith.constant 0 : i32
      %dma_wait3A_1426 = arith.constant 0 : i32
      %dma_wait3A_1427 = tpu.memref_slice %arg12[%dma_wait3A_1425, %dma_wait3A_1426] : memref<10000x64xf32, #tpu.memory_space<vmem_shared>> -> memref<10000x64xf32, #tpu.memory_space<vmem_shared>>
      tpu.wait_indirect_dma semaphore(%arg15 : memref<!tpu.dma_semaphore, #tpu.memory_space<semaphore_mem>>) src(%dma_wait3A_1427 : memref<10000x64xf32, #tpu.memory_space<vmem_shared>>) dst(%arg9 : memref<128x64xf32, #tpu.memory_space<vmem>>)
      %dma_start3A_1428 = arith.constant 9 : i32
      %dma_start3A_1429 = arith.constant 0 : i32
      %dma_start3A_1430 = tpu.memref_slice %arg7[%rem3A_1133, %dma_start3A_1428, %dma_start3A_1429] : memref<2x16x128xi32, #tpu.memory_space<vmem>> -> memref<1x1x128xi32, #tpu.memory_space<vmem>>
      %dma_start3A_1431 = tpu.memref_squeeze %dma_start3A_1430 : memref<1x1x128xi32, #tpu.memory_space<vmem>> -> memref<128xi32, #tpu.memory_space<vmem>>
      %dma_start3A_1432 = arith.constant 0 : i32
      %dma_start3A_1433 = arith.constant 0 : i32
      %dma_start3A_1434 = tpu.memref_slice %arg13[%dma_start3A_1432, %dma_start3A_1433] : memref<10112x64xf32, #tpu.memory_space<vmem_shared>> -> memref<10112x64xf32, #tpu.memory_space<vmem_shared>>
      tpu.enqueue_indirect_dma source(%arg9 : memref<128x64xf32, #tpu.memory_space<vmem>>) target(%dma_start3A_1434 : memref<10112x64xf32, #tpu.memory_space<vmem_shared>>) offsets(%dma_start3A_1431 : memref<128xi32, #tpu.memory_space<vmem>>) semaphore(%arg19 : memref<!tpu.dma_semaphore, #tpu.memory_space<semaphore_mem>>) {add = true}
      %dma_wait3A_1435 = arith.constant 7 : i32
      %dma_wait3A_1436 = arith.constant 0 : i32
      %dma_wait3A_1437 = tpu.memref_slice %arg7[%rem3A_1133, %dma_wait3A_1435, %dma_wait3A_1436] : memref<2x16x128xi32, #tpu.memory_space<vmem>> -> memref<1x1x128xi32, #tpu.memory_space<vmem>>
      %dma_wait3A_1438 = tpu.memref_squeeze %dma_wait3A_1437 : memref<1x1x128xi32, #tpu.memory_space<vmem>> -> memref<128xi32, #tpu.memory_space<vmem>>
      %dma_wait3A_1439 = arith.constant 0 : i32
      %dma_wait3A_1440 = arith.constant 0 : i32
      %dma_wait3A_1441 = tpu.memref_slice %arg13[%dma_wait3A_1439, %dma_wait3A_1440] : memref<10112x64xf32, #tpu.memory_space<vmem_shared>> -> memref<10112x64xf32, #tpu.memory_space<vmem_shared>>
      tpu.wait_indirect_dma semaphore(%arg21 : memref<!tpu.dma_semaphore, #tpu.memory_space<semaphore_mem>>) src(%arg11 : memref<128x64xf32, #tpu.memory_space<vmem>>) dst(%dma_wait3A_1441 : memref<10112x64xf32, #tpu.memory_space<vmem_shared>>)
      %dma_start3A_1442 = arith.constant 11 : i32
      %dma_start3A_1443 = arith.constant 0 : i32
      %dma_start3A_1444 = tpu.memref_slice %arg6[%rem3A_1133, %dma_start3A_1442, %dma_start3A_1443] : memref<2x16x128xi32, #tpu.memory_space<vmem>> -> memref<1x1x128xi32, #tpu.memory_space<vmem>>
      %dma_start3A_1445 = tpu.memref_squeeze %dma_start3A_1444 : memref<1x1x128xi32, #tpu.memory_space<vmem>> -> memref<128xi32, #tpu.memory_space<vmem>>
      %dma_start3A_1446 = arith.constant 0 : i32
      %dma_start3A_1447 = arith.constant 0 : i32
      %dma_start3A_1448 = tpu.memref_slice %arg12[%dma_start3A_1446, %dma_start3A_1447] : memref<10000x64xf32, #tpu.memory_space<vmem_shared>> -> memref<10000x64xf32, #tpu.memory_space<vmem_shared>>
      tpu.enqueue_indirect_dma source(%dma_start3A_1448 : memref<10000x64xf32, #tpu.memory_space<vmem_shared>>) target(%arg11 : memref<128x64xf32, #tpu.memory_space<vmem>>) offsets(%dma_start3A_1445 : memref<128xi32, #tpu.memory_space<vmem>>) semaphore(%arg17 : memref<!tpu.dma_semaphore, #tpu.memory_space<semaphore_mem>>)
      %dma_wait3A_1449 = arith.constant 10 : i32
      %dma_wait3A_1450 = arith.constant 0 : i32
      %dma_wait3A_1451 = tpu.memref_slice %arg6[%rem3A_1133, %dma_wait3A_1449, %dma_wait3A_1450] : memref<2x16x128xi32, #tpu.memory_space<vmem>> -> memref<1x1x128xi32, #tpu.memory_space<vmem>>
      %dma_wait3A_1452 = tpu.memref_squeeze %dma_wait3A_1451 : memref<1x1x128xi32, #tpu.memory_space<vmem>> -> memref<128xi32, #tpu.memory_space<vmem>>
      %dma_wait3A_1453 = arith.constant 0 : i32
      %dma_wait3A_1454 = arith.constant 0 : i32
      %dma_wait3A_1455 = tpu.memref_slice %arg12[%dma_wait3A_1453, %dma_wait3A_1454] : memref<10000x64xf32, #tpu.memory_space<vmem_shared>> -> memref<10000x64xf32, #tpu.memory_space<vmem_shared>>
      tpu.wait_indirect_dma semaphore(%arg16 : memref<!tpu.dma_semaphore, #tpu.memory_space<semaphore_mem>>) src(%dma_wait3A_1455 : memref<10000x64xf32, #tpu.memory_space<vmem_shared>>) dst(%arg10 : memref<128x64xf32, #tpu.memory_space<vmem>>)
      %dma_start3A_1456 = arith.constant 10 : i32
      %dma_start3A_1457 = arith.constant 0 : i32
      %dma_start3A_1458 = tpu.memref_slice %arg7[%rem3A_1133, %dma_start3A_1456, %dma_start3A_1457] : memref<2x16x128xi32, #tpu.memory_space<vmem>> -> memref<1x1x128xi32, #tpu.memory_space<vmem>>
      %dma_start3A_1459 = tpu.memref_squeeze %dma_start3A_1458 : memref<1x1x128xi32, #tpu.memory_space<vmem>> -> memref<128xi32, #tpu.memory_space<vmem>>
      %dma_start3A_1460 = arith.constant 0 : i32
      %dma_start3A_1461 = arith.constant 0 : i32
      %dma_start3A_1462 = tpu.memref_slice %arg13[%dma_start3A_1460, %dma_start3A_1461] : memref<10112x64xf32, #tpu.memory_space<vmem_shared>> -> memref<10112x64xf32, #tpu.memory_space<vmem_shared>>
      tpu.enqueue_indirect_dma source(%arg10 : memref<128x64xf32, #tpu.memory_space<vmem>>) target(%dma_start3A_1462 : memref<10112x64xf32, #tpu.memory_space<vmem_shared>>) offsets(%dma_start3A_1459 : memref<128xi32, #tpu.memory_space<vmem>>) semaphore(%arg20 : memref<!tpu.dma_semaphore, #tpu.memory_space<semaphore_mem>>) {add = true}
      %dma_wait3A_1463 = arith.constant 8 : i32
      %dma_wait3A_1464 = arith.constant 0 : i32
      %dma_wait3A_1465 = tpu.memref_slice %arg7[%rem3A_1133, %dma_wait3A_1463, %dma_wait3A_1464] : memref<2x16x128xi32, #tpu.memory_space<vmem>> -> memref<1x1x128xi32, #tpu.memory_space<vmem>>
      %dma_wait3A_1466 = tpu.memref_squeeze %dma_wait3A_1465 : memref<1x1x128xi32, #tpu.memory_space<vmem>> -> memref<128xi32, #tpu.memory_space<vmem>>
      %dma_wait3A_1467 = arith.constant 0 : i32
      %dma_wait3A_1468 = arith.constant 0 : i32
      %dma_wait3A_1469 = tpu.memref_slice %arg13[%dma_wait3A_1467, %dma_wait3A_1468] : memref<10112x64xf32, #tpu.memory_space<vmem_shared>> -> memref<10112x64xf32, #tpu.memory_space<vmem_shared>>
      tpu.wait_indirect_dma semaphore(%arg18 : memref<!tpu.dma_semaphore, #tpu.memory_space<semaphore_mem>>) src(%arg8 : memref<128x64xf32, #tpu.memory_space<vmem>>) dst(%dma_wait3A_1469 : memref<10112x64xf32, #tpu.memory_space<vmem_shared>>)
      %dma_start3A_1470 = arith.constant 12 : i32
      %dma_start3A_1471 = arith.constant 0 : i32
      %dma_start3A_1472 = tpu.memref_slice %arg6[%rem3A_1133, %dma_start3A_1470, %dma_start3A_1471] : memref<2x16x128xi32, #tpu.memory_space<vmem>> -> memref<1x1x128xi32, #tpu.memory_space<vmem>>
      %dma_start3A_1473 = tpu.memref_squeeze %dma_start3A_1472 : memref<1x1x128xi32, #tpu.memory_space<vmem>> -> memref<128xi32, #tpu.memory_space<vmem>>
      %dma_start3A_1474 = arith.constant 0 : i32
      %dma_start3A_1475 = arith.constant 0 : i32
      %dma_start3A_1476 = tpu.memref_slice %arg12[%dma_start3A_1474, %dma_start3A_1475] : memref<10000x64xf32, #tpu.memory_space<vmem_shared>> -> memref<10000x64xf32, #tpu.memory_space<vmem_shared>>
      tpu.enqueue_indirect_dma source(%dma_start3A_1476 : memref<10000x64xf32, #tpu.memory_space<vmem_shared>>) target(%arg8 : memref<128x64xf32, #tpu.memory_space<vmem>>) offsets(%dma_start3A_1473 : memref<128xi32, #tpu.memory_space<vmem>>) semaphore(%arg14 : memref<!tpu.dma_semaphore, #tpu.memory_space<semaphore_mem>>)
      %dma_wait3A_1477 = arith.constant 11 : i32
      %dma_wait3A_1478 = arith.constant 0 : i32
      %dma_wait3A_1479 = tpu.memref_slice %arg6[%rem3A_1133, %dma_wait3A_1477, %dma_wait3A_1478] : memref<2x16x128xi32, #tpu.memory_space<vmem>> -> memref<1x1x128xi32, #tpu.memory_space<vmem>>
      %dma_wait3A_1480 = tpu.memref_squeeze %dma_wait3A_1479 : memref<1x1x128xi32, #tpu.memory_space<vmem>> -> memref<128xi32, #tpu.memory_space<vmem>>
      %dma_wait3A_1481 = arith.constant 0 : i32
      %dma_wait3A_1482 = arith.constant 0 : i32
      %dma_wait3A_1483 = tpu.memref_slice %arg12[%dma_wait3A_1481, %dma_wait3A_1482] : memref<10000x64xf32, #tpu.memory_space<vmem_shared>> -> memref<10000x64xf32, #tpu.memory_space<vmem_shared>>
      tpu.wait_indirect_dma semaphore(%arg17 : memref<!tpu.dma_semaphore, #tpu.memory_space<semaphore_mem>>) src(%dma_wait3A_1483 : memref<10000x64xf32, #tpu.memory_space<vmem_shared>>) dst(%arg11 : memref<128x64xf32, #tpu.memory_space<vmem>>)
      %dma_start3A_1484 = arith.constant 11 : i32
      %dma_start3A_1485 = arith.constant 0 : i32
      %dma_start3A_1486 = tpu.memref_slice %arg7[%rem3A_1133, %dma_start3A_1484, %dma_start3A_1485] : memref<2x16x128xi32, #tpu.memory_space<vmem>> -> memref<1x1x128xi32, #tpu.memory_space<vmem>>
      %dma_start3A_1487 = tpu.memref_squeeze %dma_start3A_1486 : memref<1x1x128xi32, #tpu.memory_space<vmem>> -> memref<128xi32, #tpu.memory_space<vmem>>
      %dma_start3A_1488 = arith.constant 0 : i32
      %dma_start3A_1489 = arith.constant 0 : i32
      %dma_start3A_1490 = tpu.memref_slice %arg13[%dma_start3A_1488, %dma_start3A_1489] : memref<10112x64xf32, #tpu.memory_space<vmem_shared>> -> memref<10112x64xf32, #tpu.memory_space<vmem_shared>>
      tpu.enqueue_indirect_dma source(%arg11 : memref<128x64xf32, #tpu.memory_space<vmem>>) target(%dma_start3A_1490 : memref<10112x64xf32, #tpu.memory_space<vmem_shared>>) offsets(%dma_start3A_1487 : memref<128xi32, #tpu.memory_space<vmem>>) semaphore(%arg21 : memref<!tpu.dma_semaphore, #tpu.memory_space<semaphore_mem>>) {add = true}
      %dma_wait3A_1491 = arith.constant 9 : i32
      %dma_wait3A_1492 = arith.constant 0 : i32
      %dma_wait3A_1493 = tpu.memref_slice %arg7[%rem3A_1133, %dma_wait3A_1491, %dma_wait3A_1492] : memref<2x16x128xi32, #tpu.memory_space<vmem>> -> memref<1x1x128xi32, #tpu.memory_space<vmem>>
      %dma_wait3A_1494 = tpu.memref_squeeze %dma_wait3A_1493 : memref<1x1x128xi32, #tpu.memory_space<vmem>> -> memref<128xi32, #tpu.memory_space<vmem>>
      %dma_wait3A_1495 = arith.constant 0 : i32
      %dma_wait3A_1496 = arith.constant 0 : i32
      %dma_wait3A_1497 = tpu.memref_slice %arg13[%dma_wait3A_1495, %dma_wait3A_1496] : memref<10112x64xf32, #tpu.memory_space<vmem_shared>> -> memref<10112x64xf32, #tpu.memory_space<vmem_shared>>
      tpu.wait_indirect_dma semaphore(%arg19 : memref<!tpu.dma_semaphore, #tpu.memory_space<semaphore_mem>>) src(%arg9 : memref<128x64xf32, #tpu.memory_space<vmem>>) dst(%dma_wait3A_1497 : memref<10112x64xf32, #tpu.memory_space<vmem_shared>>)
      %dma_start3A_1498 = arith.constant 13 : i32
      %dma_start3A_1499 = arith.constant 0 : i32
      %dma_start3A_1500 = tpu.memref_slice %arg6[%rem3A_1133, %dma_start3A_1498, %dma_start3A_1499] : memref<2x16x128xi32, #tpu.memory_space<vmem>> -> memref<1x1x128xi32, #tpu.memory_space<vmem>>
      %dma_start3A_1501 = tpu.memref_squeeze %dma_start3A_1500 : memref<1x1x128xi32, #tpu.memory_space<vmem>> -> memref<128xi32, #tpu.memory_space<vmem>>
      %dma_start3A_1502 = arith.constant 0 : i32
      %dma_start3A_1503 = arith.constant 0 : i32
      %dma_start3A_1504 = tpu.memref_slice %arg12[%dma_start3A_1502, %dma_start3A_1503] : memref<10000x64xf32, #tpu.memory_space<vmem_shared>> -> memref<10000x64xf32, #tpu.memory_space<vmem_shared>>
      tpu.enqueue_indirect_dma source(%dma_start3A_1504 : memref<10000x64xf32, #tpu.memory_space<vmem_shared>>) target(%arg9 : memref<128x64xf32, #tpu.memory_space<vmem>>) offsets(%dma_start3A_1501 : memref<128xi32, #tpu.memory_space<vmem>>) semaphore(%arg15 : memref<!tpu.dma_semaphore, #tpu.memory_space<semaphore_mem>>)
      %dma_wait3A_1505 = arith.constant 12 : i32
      %dma_wait3A_1506 = arith.constant 0 : i32
      %dma_wait3A_1507 = tpu.memref_slice %arg6[%rem3A_1133, %dma_wait3A_1505, %dma_wait3A_1506] : memref<2x16x128xi32, #tpu.memory_space<vmem>> -> memref<1x1x128xi32, #tpu.memory_space<vmem>>
      %dma_wait3A_1508 = tpu.memref_squeeze %dma_wait3A_1507 : memref<1x1x128xi32, #tpu.memory_space<vmem>> -> memref<128xi32, #tpu.memory_space<vmem>>
      %dma_wait3A_1509 = arith.constant 0 : i32
      %dma_wait3A_1510 = arith.constant 0 : i32
      %dma_wait3A_1511 = tpu.memref_slice %arg12[%dma_wait3A_1509, %dma_wait3A_1510] : memref<10000x64xf32, #tpu.memory_space<vmem_shared>> -> memref<10000x64xf32, #tpu.memory_space<vmem_shared>>
      tpu.wait_indirect_dma semaphore(%arg14 : memref<!tpu.dma_semaphore, #tpu.memory_space<semaphore_mem>>) src(%dma_wait3A_1511 : memref<10000x64xf32, #tpu.memory_space<vmem_shared>>) dst(%arg8 : memref<128x64xf32, #tpu.memory_space<vmem>>)
      %dma_start3A_1512 = arith.constant 12 : i32
      %dma_start3A_1513 = arith.constant 0 : i32
      %dma_start3A_1514 = tpu.memref_slice %arg7[%rem3A_1133, %dma_start3A_1512, %dma_start3A_1513] : memref<2x16x128xi32, #tpu.memory_space<vmem>> -> memref<1x1x128xi32, #tpu.memory_space<vmem>>
      %dma_start3A_1515 = tpu.memref_squeeze %dma_start3A_1514 : memref<1x1x128xi32, #tpu.memory_space<vmem>> -> memref<128xi32, #tpu.memory_space<vmem>>
      %dma_start3A_1516 = arith.constant 0 : i32
      %dma_start3A_1517 = arith.constant 0 : i32
      %dma_start3A_1518 = tpu.memref_slice %arg13[%dma_start3A_1516, %dma_start3A_1517] : memref<10112x64xf32, #tpu.memory_space<vmem_shared>> -> memref<10112x64xf32, #tpu.memory_space<vmem_shared>>
      tpu.enqueue_indirect_dma source(%arg8 : memref<128x64xf32, #tpu.memory_space<vmem>>) target(%dma_start3A_1518 : memref<10112x64xf32, #tpu.memory_space<vmem_shared>>) offsets(%dma_start3A_1515 : memref<128xi32, #tpu.memory_space<vmem>>) semaphore(%arg18 : memref<!tpu.dma_semaphore, #tpu.memory_space<semaphore_mem>>) {add = true}
      %dma_wait3A_1519 = arith.constant 10 : i32
      %dma_wait3A_1520 = arith.constant 0 : i32
      %dma_wait3A_1521 = tpu.memref_slice %arg7[%rem3A_1133, %dma_wait3A_1519, %dma_wait3A_1520] : memref<2x16x128xi32, #tpu.memory_space<vmem>> -> memref<1x1x128xi32, #tpu.memory_space<vmem>>
      %dma_wait3A_1522 = tpu.memref_squeeze %dma_wait3A_1521 : memref<1x1x128xi32, #tpu.memory_space<vmem>> -> memref<128xi32, #tpu.memory_space<vmem>>
      %dma_wait3A_1523 = arith.constant 0 : i32
      %dma_wait3A_1524 = arith.constant 0 : i32
      %dma_wait3A_1525 = tpu.memref_slice %arg13[%dma_wait3A_1523, %dma_wait3A_1524] : memref<10112x64xf32, #tpu.memory_space<vmem_shared>> -> memref<10112x64xf32, #tpu.memory_space<vmem_shared>>
      tpu.wait_indirect_dma semaphore(%arg20 : memref<!tpu.dma_semaphore, #tpu.memory_space<semaphore_mem>>) src(%arg10 : memref<128x64xf32, #tpu.memory_space<vmem>>) dst(%dma_wait3A_1525 : memref<10112x64xf32, #tpu.memory_space<vmem_shared>>)
      %dma_start3A_1526 = arith.constant 14 : i32
      %dma_start3A_1527 = arith.constant 0 : i32
      %dma_start3A_1528 = tpu.memref_slice %arg6[%rem3A_1133, %dma_start3A_1526, %dma_start3A_1527] : memref<2x16x128xi32, #tpu.memory_space<vmem>> -> memref<1x1x128xi32, #tpu.memory_space<vmem>>
      %dma_start3A_1529 = tpu.memref_squeeze %dma_start3A_1528 : memref<1x1x128xi32, #tpu.memory_space<vmem>> -> memref<128xi32, #tpu.memory_space<vmem>>
      %dma_start3A_1530 = arith.constant 0 : i32
      %dma_start3A_1531 = arith.constant 0 : i32
      %dma_start3A_1532 = tpu.memref_slice %arg12[%dma_start3A_1530, %dma_start3A_1531] : memref<10000x64xf32, #tpu.memory_space<vmem_shared>> -> memref<10000x64xf32, #tpu.memory_space<vmem_shared>>
      tpu.enqueue_indirect_dma source(%dma_start3A_1532 : memref<10000x64xf32, #tpu.memory_space<vmem_shared>>) target(%arg10 : memref<128x64xf32, #tpu.memory_space<vmem>>) offsets(%dma_start3A_1529 : memref<128xi32, #tpu.memory_space<vmem>>) semaphore(%arg16 : memref<!tpu.dma_semaphore, #tpu.memory_space<semaphore_mem>>)
      %dma_wait3A_1533 = arith.constant 13 : i32
      %dma_wait3A_1534 = arith.constant 0 : i32
      %dma_wait3A_1535 = tpu.memref_slice %arg6[%rem3A_1133, %dma_wait3A_1533, %dma_wait3A_1534] : memref<2x16x128xi32, #tpu.memory_space<vmem>> -> memref<1x1x128xi32, #tpu.memory_space<vmem>>
      %dma_wait3A_1536 = tpu.memref_squeeze %dma_wait3A_1535 : memref<1x1x128xi32, #tpu.memory_space<vmem>> -> memref<128xi32, #tpu.memory_space<vmem>>
      %dma_wait3A_1537 = arith.constant 0 : i32
      %dma_wait3A_1538 = arith.constant 0 : i32
      %dma_wait3A_1539 = tpu.memref_slice %arg12[%dma_wait3A_1537, %dma_wait3A_1538] : memref<10000x64xf32, #tpu.memory_space<vmem_shared>> -> memref<10000x64xf32, #tpu.memory_space<vmem_shared>>
      tpu.wait_indirect_dma semaphore(%arg15 : memref<!tpu.dma_semaphore, #tpu.memory_space<semaphore_mem>>) src(%dma_wait3A_1539 : memref<10000x64xf32, #tpu.memory_space<vmem_shared>>) dst(%arg9 : memref<128x64xf32, #tpu.memory_space<vmem>>)
      %dma_start3A_1540 = arith.constant 13 : i32
      %dma_start3A_1541 = arith.constant 0 : i32
      %dma_start3A_1542 = tpu.memref_slice %arg7[%rem3A_1133, %dma_start3A_1540, %dma_start3A_1541] : memref<2x16x128xi32, #tpu.memory_space<vmem>> -> memref<1x1x128xi32, #tpu.memory_space<vmem>>
      %dma_start3A_1543 = tpu.memref_squeeze %dma_start3A_1542 : memref<1x1x128xi32, #tpu.memory_space<vmem>> -> memref<128xi32, #tpu.memory_space<vmem>>
      %dma_start3A_1544 = arith.constant 0 : i32
      %dma_start3A_1545 = arith.constant 0 : i32
      %dma_start3A_1546 = tpu.memref_slice %arg13[%dma_start3A_1544, %dma_start3A_1545] : memref<10112x64xf32, #tpu.memory_space<vmem_shared>> -> memref<10112x64xf32, #tpu.memory_space<vmem_shared>>
      tpu.enqueue_indirect_dma source(%arg9 : memref<128x64xf32, #tpu.memory_space<vmem>>) target(%dma_start3A_1546 : memref<10112x64xf32, #tpu.memory_space<vmem_shared>>) offsets(%dma_start3A_1543 : memref<128xi32, #tpu.memory_space<vmem>>) semaphore(%arg19 : memref<!tpu.dma_semaphore, #tpu.memory_space<semaphore_mem>>) {add = true}
      %dma_wait3A_1547 = arith.constant 11 : i32
      %dma_wait3A_1548 = arith.constant 0 : i32
      %dma_wait3A_1549 = tpu.memref_slice %arg7[%rem3A_1133, %dma_wait3A_1547, %dma_wait3A_1548] : memref<2x16x128xi32, #tpu.memory_space<vmem>> -> memref<1x1x128xi32, #tpu.memory_space<vmem>>
      %dma_wait3A_1550 = tpu.memref_squeeze %dma_wait3A_1549 : memref<1x1x128xi32, #tpu.memory_space<vmem>> -> memref<128xi32, #tpu.memory_space<vmem>>
      %dma_wait3A_1551 = arith.constant 0 : i32
      %dma_wait3A_1552 = arith.constant 0 : i32
      %dma_wait3A_1553 = tpu.memref_slice %arg13[%dma_wait3A_1551, %dma_wait3A_1552] : memref<10112x64xf32, #tpu.memory_space<vmem_shared>> -> memref<10112x64xf32, #tpu.memory_space<vmem_shared>>
      tpu.wait_indirect_dma semaphore(%arg21 : memref<!tpu.dma_semaphore, #tpu.memory_space<semaphore_mem>>) src(%arg11 : memref<128x64xf32, #tpu.memory_space<vmem>>) dst(%dma_wait3A_1553 : memref<10112x64xf32, #tpu.memory_space<vmem_shared>>)
      %dma_start3A_1554 = arith.constant 15 : i32
      %dma_start3A_1555 = arith.constant 0 : i32
      %dma_start3A_1556 = tpu.memref_slice %arg6[%rem3A_1133, %dma_start3A_1554, %dma_start3A_1555] : memref<2x16x128xi32, #tpu.memory_space<vmem>> -> memref<1x1x128xi32, #tpu.memory_space<vmem>>
      %dma_start3A_1557 = tpu.memref_squeeze %dma_start3A_1556 : memref<1x1x128xi32, #tpu.memory_space<vmem>> -> memref<128xi32, #tpu.memory_space<vmem>>
      %dma_start3A_1558 = arith.constant 0 : i32
      %dma_start3A_1559 = arith.constant 0 : i32
      %dma_start3A_1560 = tpu.memref_slice %arg12[%dma_start3A_1558, %dma_start3A_1559] : memref<10000x64xf32, #tpu.memory_space<vmem_shared>> -> memref<10000x64xf32, #tpu.memory_space<vmem_shared>>
      tpu.enqueue_indirect_dma source(%dma_start3A_1560 : memref<10000x64xf32, #tpu.memory_space<vmem_shared>>) target(%arg11 : memref<128x64xf32, #tpu.memory_space<vmem>>) offsets(%dma_start3A_1557 : memref<128xi32, #tpu.memory_space<vmem>>) semaphore(%arg17 : memref<!tpu.dma_semaphore, #tpu.memory_space<semaphore_mem>>)
      %dma_wait3A_1561 = arith.constant 14 : i32
      %dma_wait3A_1562 = arith.constant 0 : i32
      %dma_wait3A_1563 = tpu.memref_slice %arg6[%rem3A_1133, %dma_wait3A_1561, %dma_wait3A_1562] : memref<2x16x128xi32, #tpu.memory_space<vmem>> -> memref<1x1x128xi32, #tpu.memory_space<vmem>>
      %dma_wait3A_1564 = tpu.memref_squeeze %dma_wait3A_1563 : memref<1x1x128xi32, #tpu.memory_space<vmem>> -> memref<128xi32, #tpu.memory_space<vmem>>
      %dma_wait3A_1565 = arith.constant 0 : i32
      %dma_wait3A_1566 = arith.constant 0 : i32
      %dma_wait3A_1567 = tpu.memref_slice %arg12[%dma_wait3A_1565, %dma_wait3A_1566] : memref<10000x64xf32, #tpu.memory_space<vmem_shared>> -> memref<10000x64xf32, #tpu.memory_space<vmem_shared>>
      tpu.wait_indirect_dma semaphore(%arg16 : memref<!tpu.dma_semaphore, #tpu.memory_space<semaphore_mem>>) src(%dma_wait3A_1567 : memref<10000x64xf32, #tpu.memory_space<vmem_shared>>) dst(%arg10 : memref<128x64xf32, #tpu.memory_space<vmem>>)
      %dma_start3A_1568 = arith.constant 14 : i32
      %dma_start3A_1569 = arith.constant 0 : i32
      %dma_start3A_1570 = tpu.memref_slice %arg7[%rem3A_1133, %dma_start3A_1568, %dma_start3A_1569] : memref<2x16x128xi32, #tpu.memory_space<vmem>> -> memref<1x1x128xi32, #tpu.memory_space<vmem>>
      %dma_start3A_1571 = tpu.memref_squeeze %dma_start3A_1570 : memref<1x1x128xi32, #tpu.memory_space<vmem>> -> memref<128xi32, #tpu.memory_space<vmem>>
      %dma_start3A_1572 = arith.constant 0 : i32
      %dma_start3A_1573 = arith.constant 0 : i32
      %dma_start3A_1574 = tpu.memref_slice %arg13[%dma_start3A_1572, %dma_start3A_1573] : memref<10112x64xf32, #tpu.memory_space<vmem_shared>> -> memref<10112x64xf32, #tpu.memory_space<vmem_shared>>
      tpu.enqueue_indirect_dma source(%arg10 : memref<128x64xf32, #tpu.memory_space<vmem>>) target(%dma_start3A_1574 : memref<10112x64xf32, #tpu.memory_space<vmem_shared>>) offsets(%dma_start3A_1571 : memref<128xi32, #tpu.memory_space<vmem>>) semaphore(%arg20 : memref<!tpu.dma_semaphore, #tpu.memory_space<semaphore_mem>>) {add = true}
      %dma_wait3A_1575 = arith.constant 12 : i32
      %dma_wait3A_1576 = arith.constant 0 : i32
      %dma_wait3A_1577 = tpu.memref_slice %arg7[%rem3A_1133, %dma_wait3A_1575, %dma_wait3A_1576] : memref<2x16x128xi32, #tpu.memory_space<vmem>> -> memref<1x1x128xi32, #tpu.memory_space<vmem>>
      %dma_wait3A_1578 = tpu.memref_squeeze %dma_wait3A_1577 : memref<1x1x128xi32, #tpu.memory_space<vmem>> -> memref<128xi32, #tpu.memory_space<vmem>>
      %dma_wait3A_1579 = arith.constant 0 : i32
      %dma_wait3A_1580 = arith.constant 0 : i32
      %dma_wait3A_1581 = tpu.memref_slice %arg13[%dma_wait3A_1579, %dma_wait3A_1580] : memref<10112x64xf32, #tpu.memory_space<vmem_shared>> -> memref<10112x64xf32, #tpu.memory_space<vmem_shared>>
      tpu.wait_indirect_dma semaphore(%arg18 : memref<!tpu.dma_semaphore, #tpu.memory_space<semaphore_mem>>) src(%arg8 : memref<128x64xf32, #tpu.memory_space<vmem>>) dst(%dma_wait3A_1581 : memref<10112x64xf32, #tpu.memory_space<vmem_shared>>)
      %add3A_1582 = arith.constant 1 : i32
      %add3A_1583 = arith.addi %scan3A_1132, %add3A_1582 : i32
      %mul3A_1584 = arith.constant 16 : i32
      %mul3A_1585 = arith.muli %add3A_1583, %mul3A_1584 : i32
      %dma_wait3A_1586 = arith.constant 0 : i32
      %dma_wait3A_1587 = arith.constant 0 : i32
      %dma_wait3A_1588 = tpu.memref_slice %arg6[%sub3A_1134, %dma_wait3A_1586, %dma_wait3A_1587] : memref<2x16x128xi32, #tpu.memory_space<vmem>> -> memref<1x16x128xi32, #tpu.memory_space<vmem>>
      %dma_wait3A_1589 = tpu.memref_squeeze %dma_wait3A_1588 : memref<1x16x128xi32, #tpu.memory_space<vmem>> -> memref<16x128xi32, #tpu.memory_space<vmem>>
      %dma_wait3A_1590 = arith.constant 0 : i32
      %dma_wait3A_1591 = tpu.memref_slice %arg3[%arg1, %mul3A_1585, %dma_wait3A_1590] : memref<16x160x128xi32, #tpu.memory_space<hbm>> -> memref<1x16x128xi32, #tpu.memory_space<hbm>>
      %dma_wait3A_1592 = tpu.memref_squeeze %dma_wait3A_1591 : memref<1x16x128xi32, #tpu.memory_space<hbm>> -> memref<16x128xi32, #tpu.memory_space<hbm>>
      %dma_wait3A_1593 = arith.constant 0 : i32
      %dma_wait3A_1594 = arith.constant 0 : i32
      %dma_wait3A_1595 = tpu.memref_slice %arg6[%sub3A_1134, %dma_wait3A_1593, %dma_wait3A_1594] : memref<2x16x128xi32, #tpu.memory_space<vmem>> -> memref<1x16x128xi32, #tpu.memory_space<vmem>>
      %dma_wait3A_1596 = tpu.memref_squeeze %dma_wait3A_1595 : memref<1x16x128xi32, #tpu.memory_space<vmem>> -> memref<16x128xi32, #tpu.memory_space<vmem>>
      %dma_wait3A_1597 = arith.constant 0 : i32
      %dma_wait3A_1598 = tpu.memref_slice %arg3[%arg1, %mul3A_1585, %dma_wait3A_1597] : memref<16x160x128xi32, #tpu.memory_space<hbm>> -> memref<1x16x128xi32, #tpu.memory_space<hbm>>
      %dma_wait3A_1599 = tpu.memref_squeeze %dma_wait3A_1598 : memref<1x16x128xi32, #tpu.memory_space<hbm>> -> memref<16x128xi32, #tpu.memory_space<hbm>>
      tpu.wait_dma2 semaphore(%arg22 : memref<!tpu.dma_semaphore, #tpu.memory_space<semaphore_mem>>) src(%dma_wait3A_1599 : memref<16x128xi32, #tpu.memory_space<hbm>>) dst(%dma_wait3A_1596 : memref<16x128xi32, #tpu.memory_space<vmem>>)
      %mul3A_1600 = arith.constant 16 : i32
      %mul3A_1601 = arith.muli %add3A_1583, %mul3A_1600 : i32
      %dma_wait3A_1602 = arith.constant 0 : i32
      %dma_wait3A_1603 = arith.constant 0 : i32
      %dma_wait3A_1604 = tpu.memref_slice %arg7[%sub3A_1134, %dma_wait3A_1602, %dma_wait3A_1603] : memref<2x16x128xi32, #tpu.memory_space<vmem>> -> memref<1x16x128xi32, #tpu.memory_space<vmem>>
      %dma_wait3A_1605 = tpu.memref_squeeze %dma_wait3A_1604 : memref<1x16x128xi32, #tpu.memory_space<vmem>> -> memref<16x128xi32, #tpu.memory_space<vmem>>
      %dma_wait3A_1606 = arith.constant 0 : i32
      %dma_wait3A_1607 = tpu.memref_slice %arg4[%arg1, %mul3A_1601, %dma_wait3A_1606] : memref<16x160x128xi32, #tpu.memory_space<hbm>> -> memref<1x16x128xi32, #tpu.memory_space<hbm>>
      %dma_wait3A_1608 = tpu.memref_squeeze %dma_wait3A_1607 : memref<1x16x128xi32, #tpu.memory_space<hbm>> -> memref<16x128xi32, #tpu.memory_space<hbm>>
      %dma_wait3A_1609 = arith.constant 0 : i32
      %dma_wait3A_1610 = arith.constant 0 : i32
      %dma_wait3A_1611 = tpu.memref_slice %arg7[%sub3A_1134, %dma_wait3A_1609, %dma_wait3A_1610] : memref<2x16x128xi32, #tpu.memory_space<vmem>> -> memref<1x16x128xi32, #tpu.memory_space<vmem>>
      %dma_wait3A_1612 = tpu.memref_squeeze %dma_wait3A_1611 : memref<1x16x128xi32, #tpu.memory_space<vmem>> -> memref<16x128xi32, #tpu.memory_space<vmem>>
      %dma_wait3A_1613 = arith.constant 0 : i32
      %dma_wait3A_1614 = tpu.memref_slice %arg4[%arg1, %mul3A_1601, %dma_wait3A_1613] : memref<16x160x128xi32, #tpu.memory_space<hbm>> -> memref<1x16x128xi32, #tpu.memory_space<hbm>>
      %dma_wait3A_1615 = tpu.memref_squeeze %dma_wait3A_1614 : memref<1x16x128xi32, #tpu.memory_space<hbm>> -> memref<16x128xi32, #tpu.memory_space<hbm>>
      tpu.wait_dma2 semaphore(%arg22 : memref<!tpu.dma_semaphore, #tpu.memory_space<semaphore_mem>>) src(%dma_wait3A_1615 : memref<16x128xi32, #tpu.memory_space<hbm>>) dst(%dma_wait3A_1612 : memref<16x128xi32, #tpu.memory_space<vmem>>)
      %dma_start3A_1616 = arith.constant 0 : i32
      %dma_start3A_1617 = arith.constant 0 : i32
      %dma_start3A_1618 = tpu.memref_slice %arg6[%sub3A_1134, %dma_start3A_1616, %dma_start3A_1617] : memref<2x16x128xi32, #tpu.memory_space<vmem>> -> memref<1x1x128xi32, #tpu.memory_space<vmem>>
      %dma_start3A_1619 = tpu.memref_squeeze %dma_start3A_1618 : memref<1x1x128xi32, #tpu.memory_space<vmem>> -> memref<128xi32, #tpu.memory_space<vmem>>
      %dma_start3A_1620 = arith.constant 0 : i32
      %dma_start3A_1621 = arith.constant 0 : i32
      %dma_start3A_1622 = tpu.memref_slice %arg12[%dma_start3A_1620, %dma_start3A_1621] : memref<10000x64xf32, #tpu.memory_space<vmem_shared>> -> memref<10000x64xf32, #tpu.memory_space<vmem_shared>>
      tpu.enqueue_indirect_dma source(%dma_start3A_1622 : memref<10000x64xf32, #tpu.memory_space<vmem_shared>>) target(%arg8 : memref<128x64xf32, #tpu.memory_space<vmem>>) offsets(%dma_start3A_1619 : memref<128xi32, #tpu.memory_space<vmem>>) semaphore(%arg14 : memref<!tpu.dma_semaphore, #tpu.memory_space<semaphore_mem>>)
      %dma_wait3A_1623 = arith.constant 15 : i32
      %dma_wait3A_1624 = arith.constant 0 : i32
      %dma_wait3A_1625 = tpu.memref_slice %arg6[%rem3A_1133, %dma_wait3A_1623, %dma_wait3A_1624] : memref<2x16x128xi32, #tpu.memory_space<vmem>> -> memref<1x1x128xi32, #tpu.memory_space<vmem>>
      %dma_wait3A_1626 = tpu.memref_squeeze %dma_wait3A_1625 : memref<1x1x128xi32, #tpu.memory_space<vmem>> -> memref<128xi32, #tpu.memory_space<vmem>>
      %dma_wait3A_1627 = arith.constant 0 : i32
      %dma_wait3A_1628 = arith.constant 0 : i32
      %dma_wait3A_1629 = tpu.memref_slice %arg12[%dma_wait3A_1627, %dma_wait3A_1628] : memref<10000x64xf32, #tpu.memory_space<vmem_shared>> -> memref<10000x64xf32, #tpu.memory_space<vmem_shared>>
      tpu.wait_indirect_dma semaphore(%arg17 : memref<!tpu.dma_semaphore, #tpu.memory_space<semaphore_mem>>) src(%dma_wait3A_1629 : memref<10000x64xf32, #tpu.memory_space<vmem_shared>>) dst(%arg11 : memref<128x64xf32, #tpu.memory_space<vmem>>)
      %dma_start3A_1630 = arith.constant 15 : i32
      %dma_start3A_1631 = arith.constant 0 : i32
      %dma_start3A_1632 = tpu.memref_slice %arg7[%rem3A_1133, %dma_start3A_1630, %dma_start3A_1631] : memref<2x16x128xi32, #tpu.memory_space<vmem>> -> memref<1x1x128xi32, #tpu.memory_space<vmem>>
      %dma_start3A_1633 = tpu.memref_squeeze %dma_start3A_1632 : memref<1x1x128xi32, #tpu.memory_space<vmem>> -> memref<128xi32, #tpu.memory_space<vmem>>
      %dma_start3A_1634 = arith.constant 0 : i32
      %dma_start3A_1635 = arith.constant 0 : i32
      %dma_start3A_1636 = tpu.memref_slice %arg13[%dma_start3A_1634, %dma_start3A_1635] : memref<10112x64xf32, #tpu.memory_space<vmem_shared>> -> memref<10112x64xf32, #tpu.memory_space<vmem_shared>>
      tpu.enqueue_indirect_dma source(%arg11 : memref<128x64xf32, #tpu.memory_space<vmem>>) target(%dma_start3A_1636 : memref<10112x64xf32, #tpu.memory_space<vmem_shared>>) offsets(%dma_start3A_1633 : memref<128xi32, #tpu.memory_space<vmem>>) semaphore(%arg21 : memref<!tpu.dma_semaphore, #tpu.memory_space<semaphore_mem>>) {add = true}
      %dma_wait3A_1637 = arith.constant 13 : i32
      %dma_wait3A_1638 = arith.constant 0 : i32
      %dma_wait3A_1639 = tpu.memref_slice %arg7[%rem3A_1133, %dma_wait3A_1637, %dma_wait3A_1638] : memref<2x16x128xi32, #tpu.memory_space<vmem>> -> memref<1x1x128xi32, #tpu.memory_space<vmem>>
      %dma_wait3A_1640 = tpu.memref_squeeze %dma_wait3A_1639 : memref<1x1x128xi32, #tpu.memory_space<vmem>> -> memref<128xi32, #tpu.memory_space<vmem>>
      %dma_wait3A_1641 = arith.constant 0 : i32
      %dma_wait3A_1642 = arith.constant 0 : i32
      %dma_wait3A_1643 = tpu.memref_slice %arg13[%dma_wait3A_1641, %dma_wait3A_1642] : memref<10112x64xf32, #tpu.memory_space<vmem_shared>> -> memref<10112x64xf32, #tpu.memory_space<vmem_shared>>
      tpu.wait_indirect_dma semaphore(%arg19 : memref<!tpu.dma_semaphore, #tpu.memory_space<semaphore_mem>>) src(%arg9 : memref<128x64xf32, #tpu.memory_space<vmem>>) dst(%dma_wait3A_1643 : memref<10112x64xf32, #tpu.memory_space<vmem_shared>>)
      %dma_start3A_1644 = arith.constant 1 : i32
      %dma_start3A_1645 = arith.constant 0 : i32
      %dma_start3A_1646 = tpu.memref_slice %arg6[%sub3A_1134, %dma_start3A_1644, %dma_start3A_1645] : memref<2x16x128xi32, #tpu.memory_space<vmem>> -> memref<1x1x128xi32, #tpu.memory_space<vmem>>
      %dma_start3A_1647 = tpu.memref_squeeze %dma_start3A_1646 : memref<1x1x128xi32, #tpu.memory_space<vmem>> -> memref<128xi32, #tpu.memory_space<vmem>>
      %dma_start3A_1648 = arith.constant 0 : i32
      %dma_start3A_1649 = arith.constant 0 : i32
      %dma_start3A_1650 = tpu.memref_slice %arg12[%dma_start3A_1648, %dma_start3A_1649] : memref<10000x64xf32, #tpu.memory_space<vmem_shared>> -> memref<10000x64xf32, #tpu.memory_space<vmem_shared>>
      tpu.enqueue_indirect_dma source(%dma_start3A_1650 : memref<10000x64xf32, #tpu.memory_space<vmem_shared>>) target(%arg9 : memref<128x64xf32, #tpu.memory_space<vmem>>) offsets(%dma_start3A_1647 : memref<128xi32, #tpu.memory_space<vmem>>) semaphore(%arg15 : memref<!tpu.dma_semaphore, #tpu.memory_space<semaphore_mem>>)
    }
    %scan3A_608 = arith.constant 8 : i32
    %dma_wait3A_609 = arith.constant 1 : i32
    %dma_wait3A_610 = arith.constant 0 : i32
    %dma_wait3A_611 = arith.constant 0 : i32
    %dma_wait3A_612 = tpu.memref_slice %arg6[%dma_wait3A_609, %dma_wait3A_610, %dma_wait3A_611] : memref<2x16x128xi32, #tpu.memory_space<vmem>> -> memref<1x1x128xi32, #tpu.memory_space<vmem>>
    %dma_wait3A_613 = tpu.memref_squeeze %dma_wait3A_612 : memref<1x1x128xi32, #tpu.memory_space<vmem>> -> memref<128xi32, #tpu.memory_space<vmem>>
    %dma_wait3A_614 = arith.constant 0 : i32
    %dma_wait3A_615 = arith.constant 0 : i32
    %dma_wait3A_616 = tpu.memref_slice %arg12[%dma_wait3A_614, %dma_wait3A_615] : memref<10000x64xf32, #tpu.memory_space<vmem_shared>> -> memref<10000x64xf32, #tpu.memory_space<vmem_shared>>
    tpu.wait_indirect_dma semaphore(%arg14 : memref<!tpu.dma_semaphore, #tpu.memory_space<semaphore_mem>>) src(%dma_wait3A_616 : memref<10000x64xf32, #tpu.memory_space<vmem_shared>>) dst(%arg8 : memref<128x64xf32, #tpu.memory_space<vmem>>)
    %dma_start3A_617 = arith.constant 1 : i32
    %dma_start3A_618 = arith.constant 0 : i32
    %dma_start3A_619 = arith.constant 0 : i32
    %dma_start3A_620 = tpu.memref_slice %arg7[%dma_start3A_617, %dma_start3A_618, %dma_start3A_619] : memref<2x16x128xi32, #tpu.memory_space<vmem>> -> memref<1x1x128xi32, #tpu.memory_space<vmem>>
    %dma_start3A_621 = tpu.memref_squeeze %dma_start3A_620 : memref<1x1x128xi32, #tpu.memory_space<vmem>> -> memref<128xi32, #tpu.memory_space<vmem>>
    %dma_start3A_622 = arith.constant 0 : i32
    %dma_start3A_623 = arith.constant 0 : i32
    %dma_start3A_624 = tpu.memref_slice %arg13[%dma_start3A_622, %dma_start3A_623] : memref<10112x64xf32, #tpu.memory_space<vmem_shared>> -> memref<10112x64xf32, #tpu.memory_space<vmem_shared>>
    tpu.enqueue_indirect_dma source(%arg8 : memref<128x64xf32, #tpu.memory_space<vmem>>) target(%dma_start3A_624 : memref<10112x64xf32, #tpu.memory_space<vmem_shared>>) offsets(%dma_start3A_621 : memref<128xi32, #tpu.memory_space<vmem>>) semaphore(%arg18 : memref<!tpu.dma_semaphore, #tpu.memory_space<semaphore_mem>>) {add = true}
    %dma_wait3A_625 = arith.constant 0 : i32
    %dma_wait3A_626 = arith.constant 14 : i32
    %dma_wait3A_627 = arith.constant 0 : i32
    %dma_wait3A_628 = tpu.memref_slice %arg7[%dma_wait3A_625, %dma_wait3A_626, %dma_wait3A_627] : memref<2x16x128xi32, #tpu.memory_space<vmem>> -> memref<1x1x128xi32, #tpu.memory_space<vmem>>
    %dma_wait3A_629 = tpu.memref_squeeze %dma_wait3A_628 : memref<1x1x128xi32, #tpu.memory_space<vmem>> -> memref<128xi32, #tpu.memory_space<vmem>>
    %dma_wait3A_630 = arith.constant 0 : i32
    %dma_wait3A_631 = arith.constant 0 : i32
    %dma_wait3A_632 = tpu.memref_slice %arg13[%dma_wait3A_630, %dma_wait3A_631] : memref<10112x64xf32, #tpu.memory_space<vmem_shared>> -> memref<10112x64xf32, #tpu.memory_space<vmem_shared>>
    tpu.wait_indirect_dma semaphore(%arg20 : memref<!tpu.dma_semaphore, #tpu.memory_space<semaphore_mem>>) src(%arg10 : memref<128x64xf32, #tpu.memory_space<vmem>>) dst(%dma_wait3A_632 : memref<10112x64xf32, #tpu.memory_space<vmem_shared>>)
    %dma_start3A_633 = arith.constant 1 : i32
    %dma_start3A_634 = arith.constant 2 : i32
    %dma_start3A_635 = arith.constant 0 : i32
    %dma_start3A_636 = tpu.memref_slice %arg6[%dma_start3A_633, %dma_start3A_634, %dma_start3A_635] : memref<2x16x128xi32, #tpu.memory_space<vmem>> -> memref<1x1x128xi32, #tpu.memory_space<vmem>>
    %dma_start3A_637 = tpu.memref_squeeze %dma_start3A_636 : memref<1x1x128xi32, #tpu.memory_space<vmem>> -> memref<128xi32, #tpu.memory_space<vmem>>
    %dma_start3A_638 = arith.constant 0 : i32
    %dma_start3A_639 = arith.constant 0 : i32
    %dma_start3A_640 = tpu.memref_slice %arg12[%dma_start3A_638, %dma_start3A_639] : memref<10000x64xf32, #tpu.memory_space<vmem_shared>> -> memref<10000x64xf32, #tpu.memory_space<vmem_shared>>
    tpu.enqueue_indirect_dma source(%dma_start3A_640 : memref<10000x64xf32, #tpu.memory_space<vmem_shared>>) target(%arg10 : memref<128x64xf32, #tpu.memory_space<vmem>>) offsets(%dma_start3A_637 : memref<128xi32, #tpu.memory_space<vmem>>) semaphore(%arg16 : memref<!tpu.dma_semaphore, #tpu.memory_space<semaphore_mem>>)
    %dma_wait3A_641 = arith.constant 1 : i32
    %dma_wait3A_642 = arith.constant 1 : i32
    %dma_wait3A_643 = arith.constant 0 : i32
    %dma_wait3A_644 = tpu.memref_slice %arg6[%dma_wait3A_641, %dma_wait3A_642, %dma_wait3A_643] : memref<2x16x128xi32, #tpu.memory_space<vmem>> -> memref<1x1x128xi32, #tpu.memory_space<vmem>>
    %dma_wait3A_645 = tpu.memref_squeeze %dma_wait3A_644 : memref<1x1x128xi32, #tpu.memory_space<vmem>> -> memref<128xi32, #tpu.memory_space<vmem>>
    %dma_wait3A_646 = arith.constant 0 : i32
    %dma_wait3A_647 = arith.constant 0 : i32
    %dma_wait3A_648 = tpu.memref_slice %arg12[%dma_wait3A_646, %dma_wait3A_647] : memref<10000x64xf32, #tpu.memory_space<vmem_shared>> -> memref<10000x64xf32, #tpu.memory_space<vmem_shared>>
    tpu.wait_indirect_dma semaphore(%arg15 : memref<!tpu.dma_semaphore, #tpu.memory_space<semaphore_mem>>) src(%dma_wait3A_648 : memref<10000x64xf32, #tpu.memory_space<vmem_shared>>) dst(%arg9 : memref<128x64xf32, #tpu.memory_space<vmem>>)
    %dma_start3A_649 = arith.constant 1 : i32
    %dma_start3A_650 = arith.constant 1 : i32
    %dma_start3A_651 = arith.constant 0 : i32
    %dma_start3A_652 = tpu.memref_slice %arg7[%dma_start3A_649, %dma_start3A_650, %dma_start3A_651] : memref<2x16x128xi32, #tpu.memory_space<vmem>> -> memref<1x1x128xi32, #tpu.memory_space<vmem>>
    %dma_start3A_653 = tpu.memref_squeeze %dma_start3A_652 : memref<1x1x128xi32, #tpu.memory_space<vmem>> -> memref<128xi32, #tpu.memory_space<vmem>>
    %dma_start3A_654 = arith.constant 0 : i32
    %dma_start3A_655 = arith.constant 0 : i32
    %dma_start3A_656 = tpu.memref_slice %arg13[%dma_start3A_654, %dma_start3A_655] : memref<10112x64xf32, #tpu.memory_space<vmem_shared>> -> memref<10112x64xf32, #tpu.memory_space<vmem_shared>>
    tpu.enqueue_indirect_dma source(%arg9 : memref<128x64xf32, #tpu.memory_space<vmem>>) target(%dma_start3A_656 : memref<10112x64xf32, #tpu.memory_space<vmem_shared>>) offsets(%dma_start3A_653 : memref<128xi32, #tpu.memory_space<vmem>>) semaphore(%arg19 : memref<!tpu.dma_semaphore, #tpu.memory_space<semaphore_mem>>) {add = true}
    %dma_wait3A_657 = arith.constant 0 : i32
    %dma_wait3A_658 = arith.constant 15 : i32
    %dma_wait3A_659 = arith.constant 0 : i32
    %dma_wait3A_660 = tpu.memref_slice %arg7[%dma_wait3A_657, %dma_wait3A_658, %dma_wait3A_659] : memref<2x16x128xi32, #tpu.memory_space<vmem>> -> memref<1x1x128xi32, #tpu.memory_space<vmem>>
    %dma_wait3A_661 = tpu.memref_squeeze %dma_wait3A_660 : memref<1x1x128xi32, #tpu.memory_space<vmem>> -> memref<128xi32, #tpu.memory_space<vmem>>
    %dma_wait3A_662 = arith.constant 0 : i32
    %dma_wait3A_663 = arith.constant 0 : i32
    %dma_wait3A_664 = tpu.memref_slice %arg13[%dma_wait3A_662, %dma_wait3A_663] : memref<10112x64xf32, #tpu.memory_space<vmem_shared>> -> memref<10112x64xf32, #tpu.memory_space<vmem_shared>>
    tpu.wait_indirect_dma semaphore(%arg21 : memref<!tpu.dma_semaphore, #tpu.memory_space<semaphore_mem>>) src(%arg11 : memref<128x64xf32, #tpu.memory_space<vmem>>) dst(%dma_wait3A_664 : memref<10112x64xf32, #tpu.memory_space<vmem_shared>>)
    %dma_start3A_665 = arith.constant 1 : i32
    %dma_start3A_666 = arith.constant 3 : i32
    %dma_start3A_667 = arith.constant 0 : i32
    %dma_start3A_668 = tpu.memref_slice %arg6[%dma_start3A_665, %dma_start3A_666, %dma_start3A_667] : memref<2x16x128xi32, #tpu.memory_space<vmem>> -> memref<1x1x128xi32, #tpu.memory_space<vmem>>
    %dma_start3A_669 = tpu.memref_squeeze %dma_start3A_668 : memref<1x1x128xi32, #tpu.memory_space<vmem>> -> memref<128xi32, #tpu.memory_space<vmem>>
    %dma_start3A_670 = arith.constant 0 : i32
    %dma_start3A_671 = arith.constant 0 : i32
    %dma_start3A_672 = tpu.memref_slice %arg12[%dma_start3A_670, %dma_start3A_671] : memref<10000x64xf32, #tpu.memory_space<vmem_shared>> -> memref<10000x64xf32, #tpu.memory_space<vmem_shared>>
    tpu.enqueue_indirect_dma source(%dma_start3A_672 : memref<10000x64xf32, #tpu.memory_space<vmem_shared>>) target(%arg11 : memref<128x64xf32, #tpu.memory_space<vmem>>) offsets(%dma_start3A_669 : memref<128xi32, #tpu.memory_space<vmem>>) semaphore(%arg17 : memref<!tpu.dma_semaphore, #tpu.memory_space<semaphore_mem>>)
    %dma_wait3A_673 = arith.constant 1 : i32
    %dma_wait3A_674 = arith.constant 2 : i32
    %dma_wait3A_675 = arith.constant 0 : i32
    %dma_wait3A_676 = tpu.memref_slice %arg6[%dma_wait3A_673, %dma_wait3A_674, %dma_wait3A_675] : memref<2x16x128xi32, #tpu.memory_space<vmem>> -> memref<1x1x128xi32, #tpu.memory_space<vmem>>
    %dma_wait3A_677 = tpu.memref_squeeze %dma_wait3A_676 : memref<1x1x128xi32, #tpu.memory_space<vmem>> -> memref<128xi32, #tpu.memory_space<vmem>>
    %dma_wait3A_678 = arith.constant 0 : i32
    %dma_wait3A_679 = arith.constant 0 : i32
    %dma_wait3A_680 = tpu.memref_slice %arg12[%dma_wait3A_678, %dma_wait3A_679] : memref<10000x64xf32, #tpu.memory_space<vmem_shared>> -> memref<10000x64xf32, #tpu.memory_space<vmem_shared>>
    tpu.wait_indirect_dma semaphore(%arg16 : memref<!tpu.dma_semaphore, #tpu.memory_space<semaphore_mem>>) src(%dma_wait3A_680 : memref<10000x64xf32, #tpu.memory_space<vmem_shared>>) dst(%arg10 : memref<128x64xf32, #tpu.memory_space<vmem>>)
    %dma_start3A_681 = arith.constant 1 : i32
    %dma_start3A_682 = arith.constant 2 : i32
    %dma_start3A_683 = arith.constant 0 : i32
    %dma_start3A_684 = tpu.memref_slice %arg7[%dma_start3A_681, %dma_start3A_682, %dma_start3A_683] : memref<2x16x128xi32, #tpu.memory_space<vmem>> -> memref<1x1x128xi32, #tpu.memory_space<vmem>>
    %dma_start3A_685 = tpu.memref_squeeze %dma_start3A_684 : memref<1x1x128xi32, #tpu.memory_space<vmem>> -> memref<128xi32, #tpu.memory_space<vmem>>
    %dma_start3A_686 = arith.constant 0 : i32
    %dma_start3A_687 = arith.constant 0 : i32
    %dma_start3A_688 = tpu.memref_slice %arg13[%dma_start3A_686, %dma_start3A_687] : memref<10112x64xf32, #tpu.memory_space<vmem_shared>> -> memref<10112x64xf32, #tpu.memory_space<vmem_shared>>
    tpu.enqueue_indirect_dma source(%arg10 : memref<128x64xf32, #tpu.memory_space<vmem>>) target(%dma_start3A_688 : memref<10112x64xf32, #tpu.memory_space<vmem_shared>>) offsets(%dma_start3A_685 : memref<128xi32, #tpu.memory_space<vmem>>) semaphore(%arg20 : memref<!tpu.dma_semaphore, #tpu.memory_space<semaphore_mem>>) {add = true}
    %dma_wait3A_689 = arith.constant 1 : i32
    %dma_wait3A_690 = arith.constant 0 : i32
    %dma_wait3A_691 = arith.constant 0 : i32
    %dma_wait3A_692 = tpu.memref_slice %arg7[%dma_wait3A_689, %dma_wait3A_690, %dma_wait3A_691] : memref<2x16x128xi32, #tpu.memory_space<vmem>> -> memref<1x1x128xi32, #tpu.memory_space<vmem>>
    %dma_wait3A_693 = tpu.memref_squeeze %dma_wait3A_692 : memref<1x1x128xi32, #tpu.memory_space<vmem>> -> memref<128xi32, #tpu.memory_space<vmem>>
    %dma_wait3A_694 = arith.constant 0 : i32
    %dma_wait3A_695 = arith.constant 0 : i32
    %dma_wait3A_696 = tpu.memref_slice %arg13[%dma_wait3A_694, %dma_wait3A_695] : memref<10112x64xf32, #tpu.memory_space<vmem_shared>> -> memref<10112x64xf32, #tpu.memory_space<vmem_shared>>
    tpu.wait_indirect_dma semaphore(%arg18 : memref<!tpu.dma_semaphore, #tpu.memory_space<semaphore_mem>>) src(%arg8 : memref<128x64xf32, #tpu.memory_space<vmem>>) dst(%dma_wait3A_696 : memref<10112x64xf32, #tpu.memory_space<vmem_shared>>)
    %dma_start3A_697 = arith.constant 1 : i32
    %dma_start3A_698 = arith.constant 4 : i32
    %dma_start3A_699 = arith.constant 0 : i32
    %dma_start3A_700 = tpu.memref_slice %arg6[%dma_start3A_697, %dma_start3A_698, %dma_start3A_699] : memref<2x16x128xi32, #tpu.memory_space<vmem>> -> memref<1x1x128xi32, #tpu.memory_space<vmem>>
    %dma_start3A_701 = tpu.memref_squeeze %dma_start3A_700 : memref<1x1x128xi32, #tpu.memory_space<vmem>> -> memref<128xi32, #tpu.memory_space<vmem>>
    %dma_start3A_702 = arith.constant 0 : i32
    %dma_start3A_703 = arith.constant 0 : i32
    %dma_start3A_704 = tpu.memref_slice %arg12[%dma_start3A_702, %dma_start3A_703] : memref<10000x64xf32, #tpu.memory_space<vmem_shared>> -> memref<10000x64xf32, #tpu.memory_space<vmem_shared>>
    tpu.enqueue_indirect_dma source(%dma_start3A_704 : memref<10000x64xf32, #tpu.memory_space<vmem_shared>>) target(%arg8 : memref<128x64xf32, #tpu.memory_space<vmem>>) offsets(%dma_start3A_701 : memref<128xi32, #tpu.memory_space<vmem>>) semaphore(%arg14 : memref<!tpu.dma_semaphore, #tpu.memory_space<semaphore_mem>>)
    %dma_wait3A_705 = arith.constant 1 : i32
    %dma_wait3A_706 = arith.constant 3 : i32
    %dma_wait3A_707 = arith.constant 0 : i32
    %dma_wait3A_708 = tpu.memref_slice %arg6[%dma_wait3A_705, %dma_wait3A_706, %dma_wait3A_707] : memref<2x16x128xi32, #tpu.memory_space<vmem>> -> memref<1x1x128xi32, #tpu.memory_space<vmem>>
    %dma_wait3A_709 = tpu.memref_squeeze %dma_wait3A_708 : memref<1x1x128xi32, #tpu.memory_space<vmem>> -> memref<128xi32, #tpu.memory_space<vmem>>
    %dma_wait3A_710 = arith.constant 0 : i32
    %dma_wait3A_711 = arith.constant 0 : i32
    %dma_wait3A_712 = tpu.memref_slice %arg12[%dma_wait3A_710, %dma_wait3A_711] : memref<10000x64xf32, #tpu.memory_space<vmem_shared>> -> memref<10000x64xf32, #tpu.memory_space<vmem_shared>>
    tpu.wait_indirect_dma semaphore(%arg17 : memref<!tpu.dma_semaphore, #tpu.memory_space<semaphore_mem>>) src(%dma_wait3A_712 : memref<10000x64xf32, #tpu.memory_space<vmem_shared>>) dst(%arg11 : memref<128x64xf32, #tpu.memory_space<vmem>>)
    %dma_start3A_713 = arith.constant 1 : i32
    %dma_start3A_714 = arith.constant 3 : i32
    %dma_start3A_715 = arith.constant 0 : i32
    %dma_start3A_716 = tpu.memref_slice %arg7[%dma_start3A_713, %dma_start3A_714, %dma_start3A_715] : memref<2x16x128xi32, #tpu.memory_space<vmem>> -> memref<1x1x128xi32, #tpu.memory_space<vmem>>
    %dma_start3A_717 = tpu.memref_squeeze %dma_start3A_716 : memref<1x1x128xi32, #tpu.memory_space<vmem>> -> memref<128xi32, #tpu.memory_space<vmem>>
    %dma_start3A_718 = arith.constant 0 : i32
    %dma_start3A_719 = arith.constant 0 : i32
    %dma_start3A_720 = tpu.memref_slice %arg13[%dma_start3A_718, %dma_start3A_719] : memref<10112x64xf32, #tpu.memory_space<vmem_shared>> -> memref<10112x64xf32, #tpu.memory_space<vmem_shared>>
    tpu.enqueue_indirect_dma source(%arg11 : memref<128x64xf32, #tpu.memory_space<vmem>>) target(%dma_start3A_720 : memref<10112x64xf32, #tpu.memory_space<vmem_shared>>) offsets(%dma_start3A_717 : memref<128xi32, #tpu.memory_space<vmem>>) semaphore(%arg21 : memref<!tpu.dma_semaphore, #tpu.memory_space<semaphore_mem>>) {add = true}
    %dma_wait3A_721 = arith.constant 1 : i32
    %dma_wait3A_722 = arith.constant 1 : i32
    %dma_wait3A_723 = arith.constant 0 : i32
    %dma_wait3A_724 = tpu.memref_slice %arg7[%dma_wait3A_721, %dma_wait3A_722, %dma_wait3A_723] : memref<2x16x128xi32, #tpu.memory_space<vmem>> -> memref<1x1x128xi32, #tpu.memory_space<vmem>>
    %dma_wait3A_725 = tpu.memref_squeeze %dma_wait3A_724 : memref<1x1x128xi32, #tpu.memory_space<vmem>> -> memref<128xi32, #tpu.memory_space<vmem>>
    %dma_wait3A_726 = arith.constant 0 : i32
    %dma_wait3A_727 = arith.constant 0 : i32
    %dma_wait3A_728 = tpu.memref_slice %arg13[%dma_wait3A_726, %dma_wait3A_727] : memref<10112x64xf32, #tpu.memory_space<vmem_shared>> -> memref<10112x64xf32, #tpu.memory_space<vmem_shared>>
    tpu.wait_indirect_dma semaphore(%arg19 : memref<!tpu.dma_semaphore, #tpu.memory_space<semaphore_mem>>) src(%arg9 : memref<128x64xf32, #tpu.memory_space<vmem>>) dst(%dma_wait3A_728 : memref<10112x64xf32, #tpu.memory_space<vmem_shared>>)
    %dma_start3A_729 = arith.constant 1 : i32
    %dma_start3A_730 = arith.constant 5 : i32
    %dma_start3A_731 = arith.constant 0 : i32
    %dma_start3A_732 = tpu.memref_slice %arg6[%dma_start3A_729, %dma_start3A_730, %dma_start3A_731] : memref<2x16x128xi32, #tpu.memory_space<vmem>> -> memref<1x1x128xi32, #tpu.memory_space<vmem>>
    %dma_start3A_733 = tpu.memref_squeeze %dma_start3A_732 : memref<1x1x128xi32, #tpu.memory_space<vmem>> -> memref<128xi32, #tpu.memory_space<vmem>>
    %dma_start3A_734 = arith.constant 0 : i32
    %dma_start3A_735 = arith.constant 0 : i32
    %dma_start3A_736 = tpu.memref_slice %arg12[%dma_start3A_734, %dma_start3A_735] : memref<10000x64xf32, #tpu.memory_space<vmem_shared>> -> memref<10000x64xf32, #tpu.memory_space<vmem_shared>>
    tpu.enqueue_indirect_dma source(%dma_start3A_736 : memref<10000x64xf32, #tpu.memory_space<vmem_shared>>) target(%arg9 : memref<128x64xf32, #tpu.memory_space<vmem>>) offsets(%dma_start3A_733 : memref<128xi32, #tpu.memory_space<vmem>>) semaphore(%arg15 : memref<!tpu.dma_semaphore, #tpu.memory_space<semaphore_mem>>)
    %dma_wait3A_737 = arith.constant 1 : i32
    %dma_wait3A_738 = arith.constant 4 : i32
    %dma_wait3A_739 = arith.constant 0 : i32
    %dma_wait3A_740 = tpu.memref_slice %arg6[%dma_wait3A_737, %dma_wait3A_738, %dma_wait3A_739] : memref<2x16x128xi32, #tpu.memory_space<vmem>> -> memref<1x1x128xi32, #tpu.memory_space<vmem>>
    %dma_wait3A_741 = tpu.memref_squeeze %dma_wait3A_740 : memref<1x1x128xi32, #tpu.memory_space<vmem>> -> memref<128xi32, #tpu.memory_space<vmem>>
    %dma_wait3A_742 = arith.constant 0 : i32
    %dma_wait3A_743 = arith.constant 0 : i32
    %dma_wait3A_744 = tpu.memref_slice %arg12[%dma_wait3A_742, %dma_wait3A_743] : memref<10000x64xf32, #tpu.memory_space<vmem_shared>> -> memref<10000x64xf32, #tpu.memory_space<vmem_shared>>
    tpu.wait_indirect_dma semaphore(%arg14 : memref<!tpu.dma_semaphore, #tpu.memory_space<semaphore_mem>>) src(%dma_wait3A_744 : memref<10000x64xf32, #tpu.memory_space<vmem_shared>>) dst(%arg8 : memref<128x64xf32, #tpu.memory_space<vmem>>)
    %dma_start3A_745 = arith.constant 1 : i32
    %dma_start3A_746 = arith.constant 4 : i32
    %dma_start3A_747 = arith.constant 0 : i32
    %dma_start3A_748 = tpu.memref_slice %arg7[%dma_start3A_745, %dma_start3A_746, %dma_start3A_747] : memref<2x16x128xi32, #tpu.memory_space<vmem>> -> memref<1x1x128xi32, #tpu.memory_space<vmem>>
    %dma_start3A_749 = tpu.memref_squeeze %dma_start3A_748 : memref<1x1x128xi32, #tpu.memory_space<vmem>> -> memref<128xi32, #tpu.memory_space<vmem>>
    %dma_start3A_750 = arith.constant 0 : i32
    %dma_start3A_751 = arith.constant 0 : i32
    %dma_start3A_752 = tpu.memref_slice %arg13[%dma_start3A_750, %dma_start3A_751] : memref<10112x64xf32, #tpu.memory_space<vmem_shared>> -> memref<10112x64xf32, #tpu.memory_space<vmem_shared>>
    tpu.enqueue_indirect_dma source(%arg8 : memref<128x64xf32, #tpu.memory_space<vmem>>) target(%dma_start3A_752 : memref<10112x64xf32, #tpu.memory_space<vmem_shared>>) offsets(%dma_start3A_749 : memref<128xi32, #tpu.memory_space<vmem>>) semaphore(%arg18 : memref<!tpu.dma_semaphore, #tpu.memory_space<semaphore_mem>>) {add = true}
    %dma_wait3A_753 = arith.constant 1 : i32
    %dma_wait3A_754 = arith.constant 2 : i32
    %dma_wait3A_755 = arith.constant 0 : i32
    %dma_wait3A_756 = tpu.memref_slice %arg7[%dma_wait3A_753, %dma_wait3A_754, %dma_wait3A_755] : memref<2x16x128xi32, #tpu.memory_space<vmem>> -> memref<1x1x128xi32, #tpu.memory_space<vmem>>
    %dma_wait3A_757 = tpu.memref_squeeze %dma_wait3A_756 : memref<1x1x128xi32, #tpu.memory_space<vmem>> -> memref<128xi32, #tpu.memory_space<vmem>>
    %dma_wait3A_758 = arith.constant 0 : i32
    %dma_wait3A_759 = arith.constant 0 : i32
    %dma_wait3A_760 = tpu.memref_slice %arg13[%dma_wait3A_758, %dma_wait3A_759] : memref<10112x64xf32, #tpu.memory_space<vmem_shared>> -> memref<10112x64xf32, #tpu.memory_space<vmem_shared>>
    tpu.wait_indirect_dma semaphore(%arg20 : memref<!tpu.dma_semaphore, #tpu.memory_space<semaphore_mem>>) src(%arg10 : memref<128x64xf32, #tpu.memory_space<vmem>>) dst(%dma_wait3A_760 : memref<10112x64xf32, #tpu.memory_space<vmem_shared>>)
    %dma_start3A_761 = arith.constant 1 : i32
    %dma_start3A_762 = arith.constant 6 : i32
    %dma_start3A_763 = arith.constant 0 : i32
    %dma_start3A_764 = tpu.memref_slice %arg6[%dma_start3A_761, %dma_start3A_762, %dma_start3A_763] : memref<2x16x128xi32, #tpu.memory_space<vmem>> -> memref<1x1x128xi32, #tpu.memory_space<vmem>>
    %dma_start3A_765 = tpu.memref_squeeze %dma_start3A_764 : memref<1x1x128xi32, #tpu.memory_space<vmem>> -> memref<128xi32, #tpu.memory_space<vmem>>
    %dma_start3A_766 = arith.constant 0 : i32
    %dma_start3A_767 = arith.constant 0 : i32
    %dma_start3A_768 = tpu.memref_slice %arg12[%dma_start3A_766, %dma_start3A_767] : memref<10000x64xf32, #tpu.memory_space<vmem_shared>> -> memref<10000x64xf32, #tpu.memory_space<vmem_shared>>
    tpu.enqueue_indirect_dma source(%dma_start3A_768 : memref<10000x64xf32, #tpu.memory_space<vmem_shared>>) target(%arg10 : memref<128x64xf32, #tpu.memory_space<vmem>>) offsets(%dma_start3A_765 : memref<128xi32, #tpu.memory_space<vmem>>) semaphore(%arg16 : memref<!tpu.dma_semaphore, #tpu.memory_space<semaphore_mem>>)
    %dma_wait3A_769 = arith.constant 1 : i32
    %dma_wait3A_770 = arith.constant 5 : i32
    %dma_wait3A_771 = arith.constant 0 : i32
    %dma_wait3A_772 = tpu.memref_slice %arg6[%dma_wait3A_769, %dma_wait3A_770, %dma_wait3A_771] : memref<2x16x128xi32, #tpu.memory_space<vmem>> -> memref<1x1x128xi32, #tpu.memory_space<vmem>>
    %dma_wait3A_773 = tpu.memref_squeeze %dma_wait3A_772 : memref<1x1x128xi32, #tpu.memory_space<vmem>> -> memref<128xi32, #tpu.memory_space<vmem>>
    %dma_wait3A_774 = arith.constant 0 : i32
    %dma_wait3A_775 = arith.constant 0 : i32
    %dma_wait3A_776 = tpu.memref_slice %arg12[%dma_wait3A_774, %dma_wait3A_775] : memref<10000x64xf32, #tpu.memory_space<vmem_shared>> -> memref<10000x64xf32, #tpu.memory_space<vmem_shared>>
    tpu.wait_indirect_dma semaphore(%arg15 : memref<!tpu.dma_semaphore, #tpu.memory_space<semaphore_mem>>) src(%dma_wait3A_776 : memref<10000x64xf32, #tpu.memory_space<vmem_shared>>) dst(%arg9 : memref<128x64xf32, #tpu.memory_space<vmem>>)
    %dma_start3A_777 = arith.constant 1 : i32
    %dma_start3A_778 = arith.constant 5 : i32
    %dma_start3A_779 = arith.constant 0 : i32
    %dma_start3A_780 = tpu.memref_slice %arg7[%dma_start3A_777, %dma_start3A_778, %dma_start3A_779] : memref<2x16x128xi32, #tpu.memory_space<vmem>> -> memref<1x1x128xi32, #tpu.memory_space<vmem>>
    %dma_start3A_781 = tpu.memref_squeeze %dma_start3A_780 : memref<1x1x128xi32, #tpu.memory_space<vmem>> -> memref<128xi32, #tpu.memory_space<vmem>>
    %dma_start3A_782 = arith.constant 0 : i32
    %dma_start3A_783 = arith.constant 0 : i32
    %dma_start3A_784 = tpu.memref_slice %arg13[%dma_start3A_782, %dma_start3A_783] : memref<10112x64xf32, #tpu.memory_space<vmem_shared>> -> memref<10112x64xf32, #tpu.memory_space<vmem_shared>>
    tpu.enqueue_indirect_dma source(%arg9 : memref<128x64xf32, #tpu.memory_space<vmem>>) target(%dma_start3A_784 : memref<10112x64xf32, #tpu.memory_space<vmem_shared>>) offsets(%dma_start3A_781 : memref<128xi32, #tpu.memory_space<vmem>>) semaphore(%arg19 : memref<!tpu.dma_semaphore, #tpu.memory_space<semaphore_mem>>) {add = true}
    %dma_wait3A_785 = arith.constant 1 : i32
    %dma_wait3A_786 = arith.constant 3 : i32
    %dma_wait3A_787 = arith.constant 0 : i32
    %dma_wait3A_788 = tpu.memref_slice %arg7[%dma_wait3A_785, %dma_wait3A_786, %dma_wait3A_787] : memref<2x16x128xi32, #tpu.memory_space<vmem>> -> memref<1x1x128xi32, #tpu.memory_space<vmem>>
    %dma_wait3A_789 = tpu.memref_squeeze %dma_wait3A_788 : memref<1x1x128xi32, #tpu.memory_space<vmem>> -> memref<128xi32, #tpu.memory_space<vmem>>
    %dma_wait3A_790 = arith.constant 0 : i32
    %dma_wait3A_791 = arith.constant 0 : i32
    %dma_wait3A_792 = tpu.memref_slice %arg13[%dma_wait3A_790, %dma_wait3A_791] : memref<10112x64xf32, #tpu.memory_space<vmem_shared>> -> memref<10112x64xf32, #tpu.memory_space<vmem_shared>>
    tpu.wait_indirect_dma semaphore(%arg21 : memref<!tpu.dma_semaphore, #tpu.memory_space<semaphore_mem>>) src(%arg11 : memref<128x64xf32, #tpu.memory_space<vmem>>) dst(%dma_wait3A_792 : memref<10112x64xf32, #tpu.memory_space<vmem_shared>>)
    %dma_start3A_793 = arith.constant 1 : i32
    %dma_start3A_794 = arith.constant 7 : i32
    %dma_start3A_795 = arith.constant 0 : i32
    %dma_start3A_796 = tpu.memref_slice %arg6[%dma_start3A_793, %dma_start3A_794, %dma_start3A_795] : memref<2x16x128xi32, #tpu.memory_space<vmem>> -> memref<1x1x128xi32, #tpu.memory_space<vmem>>
    %dma_start3A_797 = tpu.memref_squeeze %dma_start3A_796 : memref<1x1x128xi32, #tpu.memory_space<vmem>> -> memref<128xi32, #tpu.memory_space<vmem>>
    %dma_start3A_798 = arith.constant 0 : i32
    %dma_start3A_799 = arith.constant 0 : i32
    %dma_start3A_800 = tpu.memref_slice %arg12[%dma_start3A_798, %dma_start3A_799] : memref<10000x64xf32, #tpu.memory_space<vmem_shared>> -> memref<10000x64xf32, #tpu.memory_space<vmem_shared>>
    tpu.enqueue_indirect_dma source(%dma_start3A_800 : memref<10000x64xf32, #tpu.memory_space<vmem_shared>>) target(%arg11 : memref<128x64xf32, #tpu.memory_space<vmem>>) offsets(%dma_start3A_797 : memref<128xi32, #tpu.memory_space<vmem>>) semaphore(%arg17 : memref<!tpu.dma_semaphore, #tpu.memory_space<semaphore_mem>>)
    %dma_wait3A_801 = arith.constant 1 : i32
    %dma_wait3A_802 = arith.constant 6 : i32
    %dma_wait3A_803 = arith.constant 0 : i32
    %dma_wait3A_804 = tpu.memref_slice %arg6[%dma_wait3A_801, %dma_wait3A_802, %dma_wait3A_803] : memref<2x16x128xi32, #tpu.memory_space<vmem>> -> memref<1x1x128xi32, #tpu.memory_space<vmem>>
    %dma_wait3A_805 = tpu.memref_squeeze %dma_wait3A_804 : memref<1x1x128xi32, #tpu.memory_space<vmem>> -> memref<128xi32, #tpu.memory_space<vmem>>
    %dma_wait3A_806 = arith.constant 0 : i32
    %dma_wait3A_807 = arith.constant 0 : i32
    %dma_wait3A_808 = tpu.memref_slice %arg12[%dma_wait3A_806, %dma_wait3A_807] : memref<10000x64xf32, #tpu.memory_space<vmem_shared>> -> memref<10000x64xf32, #tpu.memory_space<vmem_shared>>
    tpu.wait_indirect_dma semaphore(%arg16 : memref<!tpu.dma_semaphore, #tpu.memory_space<semaphore_mem>>) src(%dma_wait3A_808 : memref<10000x64xf32, #tpu.memory_space<vmem_shared>>) dst(%arg10 : memref<128x64xf32, #tpu.memory_space<vmem>>)
    %dma_start3A_809 = arith.constant 1 : i32
    %dma_start3A_810 = arith.constant 6 : i32
    %dma_start3A_811 = arith.constant 0 : i32
    %dma_start3A_812 = tpu.memref_slice %arg7[%dma_start3A_809, %dma_start3A_810, %dma_start3A_811] : memref<2x16x128xi32, #tpu.memory_space<vmem>> -> memref<1x1x128xi32, #tpu.memory_space<vmem>>
    %dma_start3A_813 = tpu.memref_squeeze %dma_start3A_812 : memref<1x1x128xi32, #tpu.memory_space<vmem>> -> memref<128xi32, #tpu.memory_space<vmem>>
    %dma_start3A_814 = arith.constant 0 : i32
    %dma_start3A_815 = arith.constant 0 : i32
    %dma_start3A_816 = tpu.memref_slice %arg13[%dma_start3A_814, %dma_start3A_815] : memref<10112x64xf32, #tpu.memory_space<vmem_shared>> -> memref<10112x64xf32, #tpu.memory_space<vmem_shared>>
    tpu.enqueue_indirect_dma source(%arg10 : memref<128x64xf32, #tpu.memory_space<vmem>>) target(%dma_start3A_816 : memref<10112x64xf32, #tpu.memory_space<vmem_shared>>) offsets(%dma_start3A_813 : memref<128xi32, #tpu.memory_space<vmem>>) semaphore(%arg20 : memref<!tpu.dma_semaphore, #tpu.memory_space<semaphore_mem>>) {add = true}
    %dma_wait3A_817 = arith.constant 1 : i32
    %dma_wait3A_818 = arith.constant 4 : i32
    %dma_wait3A_819 = arith.constant 0 : i32
    %dma_wait3A_820 = tpu.memref_slice %arg7[%dma_wait3A_817, %dma_wait3A_818, %dma_wait3A_819] : memref<2x16x128xi32, #tpu.memory_space<vmem>> -> memref<1x1x128xi32, #tpu.memory_space<vmem>>
    %dma_wait3A_821 = tpu.memref_squeeze %dma_wait3A_820 : memref<1x1x128xi32, #tpu.memory_space<vmem>> -> memref<128xi32, #tpu.memory_space<vmem>>
    %dma_wait3A_822 = arith.constant 0 : i32
    %dma_wait3A_823 = arith.constant 0 : i32
    %dma_wait3A_824 = tpu.memref_slice %arg13[%dma_wait3A_822, %dma_wait3A_823] : memref<10112x64xf32, #tpu.memory_space<vmem_shared>> -> memref<10112x64xf32, #tpu.memory_space<vmem_shared>>
    tpu.wait_indirect_dma semaphore(%arg18 : memref<!tpu.dma_semaphore, #tpu.memory_space<semaphore_mem>>) src(%arg8 : memref<128x64xf32, #tpu.memory_space<vmem>>) dst(%dma_wait3A_824 : memref<10112x64xf32, #tpu.memory_space<vmem_shared>>)
    %dma_start3A_825 = arith.constant 1 : i32
    %dma_start3A_826 = arith.constant 8 : i32
    %dma_start3A_827 = arith.constant 0 : i32
    %dma_start3A_828 = tpu.memref_slice %arg6[%dma_start3A_825, %dma_start3A_826, %dma_start3A_827] : memref<2x16x128xi32, #tpu.memory_space<vmem>> -> memref<1x1x128xi32, #tpu.memory_space<vmem>>
    %dma_start3A_829 = tpu.memref_squeeze %dma_start3A_828 : memref<1x1x128xi32, #tpu.memory_space<vmem>> -> memref<128xi32, #tpu.memory_space<vmem>>
    %dma_start3A_830 = arith.constant 0 : i32
    %dma_start3A_831 = arith.constant 0 : i32
    %dma_start3A_832 = tpu.memref_slice %arg12[%dma_start3A_830, %dma_start3A_831] : memref<10000x64xf32, #tpu.memory_space<vmem_shared>> -> memref<10000x64xf32, #tpu.memory_space<vmem_shared>>
    tpu.enqueue_indirect_dma source(%dma_start3A_832 : memref<10000x64xf32, #tpu.memory_space<vmem_shared>>) target(%arg8 : memref<128x64xf32, #tpu.memory_space<vmem>>) offsets(%dma_start3A_829 : memref<128xi32, #tpu.memory_space<vmem>>) semaphore(%arg14 : memref<!tpu.dma_semaphore, #tpu.memory_space<semaphore_mem>>)
    %dma_wait3A_833 = arith.constant 1 : i32
    %dma_wait3A_834 = arith.constant 7 : i32
    %dma_wait3A_835 = arith.constant 0 : i32
    %dma_wait3A_836 = tpu.memref_slice %arg6[%dma_wait3A_833, %dma_wait3A_834, %dma_wait3A_835] : memref<2x16x128xi32, #tpu.memory_space<vmem>> -> memref<1x1x128xi32, #tpu.memory_space<vmem>>
    %dma_wait3A_837 = tpu.memref_squeeze %dma_wait3A_836 : memref<1x1x128xi32, #tpu.memory_space<vmem>> -> memref<128xi32, #tpu.memory_space<vmem>>
    %dma_wait3A_838 = arith.constant 0 : i32
    %dma_wait3A_839 = arith.constant 0 : i32
    %dma_wait3A_840 = tpu.memref_slice %arg12[%dma_wait3A_838, %dma_wait3A_839] : memref<10000x64xf32, #tpu.memory_space<vmem_shared>> -> memref<10000x64xf32, #tpu.memory_space<vmem_shared>>
    tpu.wait_indirect_dma semaphore(%arg17 : memref<!tpu.dma_semaphore, #tpu.memory_space<semaphore_mem>>) src(%dma_wait3A_840 : memref<10000x64xf32, #tpu.memory_space<vmem_shared>>) dst(%arg11 : memref<128x64xf32, #tpu.memory_space<vmem>>)
    %dma_start3A_841 = arith.constant 1 : i32
    %dma_start3A_842 = arith.constant 7 : i32
    %dma_start3A_843 = arith.constant 0 : i32
    %dma_start3A_844 = tpu.memref_slice %arg7[%dma_start3A_841, %dma_start3A_842, %dma_start3A_843] : memref<2x16x128xi32, #tpu.memory_space<vmem>> -> memref<1x1x128xi32, #tpu.memory_space<vmem>>
    %dma_start3A_845 = tpu.memref_squeeze %dma_start3A_844 : memref<1x1x128xi32, #tpu.memory_space<vmem>> -> memref<128xi32, #tpu.memory_space<vmem>>
    %dma_start3A_846 = arith.constant 0 : i32
    %dma_start3A_847 = arith.constant 0 : i32
    %dma_start3A_848 = tpu.memref_slice %arg13[%dma_start3A_846, %dma_start3A_847] : memref<10112x64xf32, #tpu.memory_space<vmem_shared>> -> memref<10112x64xf32, #tpu.memory_space<vmem_shared>>
    tpu.enqueue_indirect_dma source(%arg11 : memref<128x64xf32, #tpu.memory_space<vmem>>) target(%dma_start3A_848 : memref<10112x64xf32, #tpu.memory_space<vmem_shared>>) offsets(%dma_start3A_845 : memref<128xi32, #tpu.memory_space<vmem>>) semaphore(%arg21 : memref<!tpu.dma_semaphore, #tpu.memory_space<semaphore_mem>>) {add = true}
    %dma_wait3A_849 = arith.constant 1 : i32
    %dma_wait3A_850 = arith.constant 5 : i32
    %dma_wait3A_851 = arith.constant 0 : i32
    %dma_wait3A_852 = tpu.memref_slice %arg7[%dma_wait3A_849, %dma_wait3A_850, %dma_wait3A_851] : memref<2x16x128xi32, #tpu.memory_space<vmem>> -> memref<1x1x128xi32, #tpu.memory_space<vmem>>
    %dma_wait3A_853 = tpu.memref_squeeze %dma_wait3A_852 : memref<1x1x128xi32, #tpu.memory_space<vmem>> -> memref<128xi32, #tpu.memory_space<vmem>>
    %dma_wait3A_854 = arith.constant 0 : i32
    %dma_wait3A_855 = arith.constant 0 : i32
    %dma_wait3A_856 = tpu.memref_slice %arg13[%dma_wait3A_854, %dma_wait3A_855] : memref<10112x64xf32, #tpu.memory_space<vmem_shared>> -> memref<10112x64xf32, #tpu.memory_space<vmem_shared>>
    tpu.wait_indirect_dma semaphore(%arg19 : memref<!tpu.dma_semaphore, #tpu.memory_space<semaphore_mem>>) src(%arg9 : memref<128x64xf32, #tpu.memory_space<vmem>>) dst(%dma_wait3A_856 : memref<10112x64xf32, #tpu.memory_space<vmem_shared>>)
    %dma_start3A_857 = arith.constant 1 : i32
    %dma_start3A_858 = arith.constant 9 : i32
    %dma_start3A_859 = arith.constant 0 : i32
    %dma_start3A_860 = tpu.memref_slice %arg6[%dma_start3A_857, %dma_start3A_858, %dma_start3A_859] : memref<2x16x128xi32, #tpu.memory_space<vmem>> -> memref<1x1x128xi32, #tpu.memory_space<vmem>>
    %dma_start3A_861 = tpu.memref_squeeze %dma_start3A_860 : memref<1x1x128xi32, #tpu.memory_space<vmem>> -> memref<128xi32, #tpu.memory_space<vmem>>
    %dma_start3A_862 = arith.constant 0 : i32
    %dma_start3A_863 = arith.constant 0 : i32
    %dma_start3A_864 = tpu.memref_slice %arg12[%dma_start3A_862, %dma_start3A_863] : memref<10000x64xf32, #tpu.memory_space<vmem_shared>> -> memref<10000x64xf32, #tpu.memory_space<vmem_shared>>
    tpu.enqueue_indirect_dma source(%dma_start3A_864 : memref<10000x64xf32, #tpu.memory_space<vmem_shared>>) target(%arg9 : memref<128x64xf32, #tpu.memory_space<vmem>>) offsets(%dma_start3A_861 : memref<128xi32, #tpu.memory_space<vmem>>) semaphore(%arg15 : memref<!tpu.dma_semaphore, #tpu.memory_space<semaphore_mem>>)
    %dma_wait3A_865 = arith.constant 1 : i32
    %dma_wait3A_866 = arith.constant 8 : i32
    %dma_wait3A_867 = arith.constant 0 : i32
    %dma_wait3A_868 = tpu.memref_slice %arg6[%dma_wait3A_865, %dma_wait3A_866, %dma_wait3A_867] : memref<2x16x128xi32, #tpu.memory_space<vmem>> -> memref<1x1x128xi32, #tpu.memory_space<vmem>>
    %dma_wait3A_869 = tpu.memref_squeeze %dma_wait3A_868 : memref<1x1x128xi32, #tpu.memory_space<vmem>> -> memref<128xi32, #tpu.memory_space<vmem>>
    %dma_wait3A_870 = arith.constant 0 : i32
    %dma_wait3A_871 = arith.constant 0 : i32
    %dma_wait3A_872 = tpu.memref_slice %arg12[%dma_wait3A_870, %dma_wait3A_871] : memref<10000x64xf32, #tpu.memory_space<vmem_shared>> -> memref<10000x64xf32, #tpu.memory_space<vmem_shared>>
    tpu.wait_indirect_dma semaphore(%arg14 : memref<!tpu.dma_semaphore, #tpu.memory_space<semaphore_mem>>) src(%dma_wait3A_872 : memref<10000x64xf32, #tpu.memory_space<vmem_shared>>) dst(%arg8 : memref<128x64xf32, #tpu.memory_space<vmem>>)
    %dma_start3A_873 = arith.constant 1 : i32
    %dma_start3A_874 = arith.constant 8 : i32
    %dma_start3A_875 = arith.constant 0 : i32
    %dma_start3A_876 = tpu.memref_slice %arg7[%dma_start3A_873, %dma_start3A_874, %dma_start3A_875] : memref<2x16x128xi32, #tpu.memory_space<vmem>> -> memref<1x1x128xi32, #tpu.memory_space<vmem>>
    %dma_start3A_877 = tpu.memref_squeeze %dma_start3A_876 : memref<1x1x128xi32, #tpu.memory_space<vmem>> -> memref<128xi32, #tpu.memory_space<vmem>>
    %dma_start3A_878 = arith.constant 0 : i32
    %dma_start3A_879 = arith.constant 0 : i32
    %dma_start3A_880 = tpu.memref_slice %arg13[%dma_start3A_878, %dma_start3A_879] : memref<10112x64xf32, #tpu.memory_space<vmem_shared>> -> memref<10112x64xf32, #tpu.memory_space<vmem_shared>>
    tpu.enqueue_indirect_dma source(%arg8 : memref<128x64xf32, #tpu.memory_space<vmem>>) target(%dma_start3A_880 : memref<10112x64xf32, #tpu.memory_space<vmem_shared>>) offsets(%dma_start3A_877 : memref<128xi32, #tpu.memory_space<vmem>>) semaphore(%arg18 : memref<!tpu.dma_semaphore, #tpu.memory_space<semaphore_mem>>) {add = true}
    %dma_wait3A_881 = arith.constant 1 : i32
    %dma_wait3A_882 = arith.constant 6 : i32
    %dma_wait3A_883 = arith.constant 0 : i32
    %dma_wait3A_884 = tpu.memref_slice %arg7[%dma_wait3A_881, %dma_wait3A_882, %dma_wait3A_883] : memref<2x16x128xi32, #tpu.memory_space<vmem>> -> memref<1x1x128xi32, #tpu.memory_space<vmem>>
    %dma_wait3A_885 = tpu.memref_squeeze %dma_wait3A_884 : memref<1x1x128xi32, #tpu.memory_space<vmem>> -> memref<128xi32, #tpu.memory_space<vmem>>
    %dma_wait3A_886 = arith.constant 0 : i32
    %dma_wait3A_887 = arith.constant 0 : i32
    %dma_wait3A_888 = tpu.memref_slice %arg13[%dma_wait3A_886, %dma_wait3A_887] : memref<10112x64xf32, #tpu.memory_space<vmem_shared>> -> memref<10112x64xf32, #tpu.memory_space<vmem_shared>>
    tpu.wait_indirect_dma semaphore(%arg20 : memref<!tpu.dma_semaphore, #tpu.memory_space<semaphore_mem>>) src(%arg10 : memref<128x64xf32, #tpu.memory_space<vmem>>) dst(%dma_wait3A_888 : memref<10112x64xf32, #tpu.memory_space<vmem_shared>>)
    %dma_start3A_889 = arith.constant 1 : i32
    %dma_start3A_890 = arith.constant 10 : i32
    %dma_start3A_891 = arith.constant 0 : i32
    %dma_start3A_892 = tpu.memref_slice %arg6[%dma_start3A_889, %dma_start3A_890, %dma_start3A_891] : memref<2x16x128xi32, #tpu.memory_space<vmem>> -> memref<1x1x128xi32, #tpu.memory_space<vmem>>
    %dma_start3A_893 = tpu.memref_squeeze %dma_start3A_892 : memref<1x1x128xi32, #tpu.memory_space<vmem>> -> memref<128xi32, #tpu.memory_space<vmem>>
    %dma_start3A_894 = arith.constant 0 : i32
    %dma_start3A_895 = arith.constant 0 : i32
    %dma_start3A_896 = tpu.memref_slice %arg12[%dma_start3A_894, %dma_start3A_895] : memref<10000x64xf32, #tpu.memory_space<vmem_shared>> -> memref<10000x64xf32, #tpu.memory_space<vmem_shared>>
    tpu.enqueue_indirect_dma source(%dma_start3A_896 : memref<10000x64xf32, #tpu.memory_space<vmem_shared>>) target(%arg10 : memref<128x64xf32, #tpu.memory_space<vmem>>) offsets(%dma_start3A_893 : memref<128xi32, #tpu.memory_space<vmem>>) semaphore(%arg16 : memref<!tpu.dma_semaphore, #tpu.memory_space<semaphore_mem>>)
    %dma_wait3A_897 = arith.constant 1 : i32
    %dma_wait3A_898 = arith.constant 9 : i32
    %dma_wait3A_899 = arith.constant 0 : i32
    %dma_wait3A_900 = tpu.memref_slice %arg6[%dma_wait3A_897, %dma_wait3A_898, %dma_wait3A_899] : memref<2x16x128xi32, #tpu.memory_space<vmem>> -> memref<1x1x128xi32, #tpu.memory_space<vmem>>
    %dma_wait3A_901 = tpu.memref_squeeze %dma_wait3A_900 : memref<1x1x128xi32, #tpu.memory_space<vmem>> -> memref<128xi32, #tpu.memory_space<vmem>>
    %dma_wait3A_902 = arith.constant 0 : i32
    %dma_wait3A_903 = arith.constant 0 : i32
    %dma_wait3A_904 = tpu.memref_slice %arg12[%dma_wait3A_902, %dma_wait3A_903] : memref<10000x64xf32, #tpu.memory_space<vmem_shared>> -> memref<10000x64xf32, #tpu.memory_space<vmem_shared>>
    tpu.wait_indirect_dma semaphore(%arg15 : memref<!tpu.dma_semaphore, #tpu.memory_space<semaphore_mem>>) src(%dma_wait3A_904 : memref<10000x64xf32, #tpu.memory_space<vmem_shared>>) dst(%arg9 : memref<128x64xf32, #tpu.memory_space<vmem>>)
    %dma_start3A_905 = arith.constant 1 : i32
    %dma_start3A_906 = arith.constant 9 : i32
    %dma_start3A_907 = arith.constant 0 : i32
    %dma_start3A_908 = tpu.memref_slice %arg7[%dma_start3A_905, %dma_start3A_906, %dma_start3A_907] : memref<2x16x128xi32, #tpu.memory_space<vmem>> -> memref<1x1x128xi32, #tpu.memory_space<vmem>>
    %dma_start3A_909 = tpu.memref_squeeze %dma_start3A_908 : memref<1x1x128xi32, #tpu.memory_space<vmem>> -> memref<128xi32, #tpu.memory_space<vmem>>
    %dma_start3A_910 = arith.constant 0 : i32
    %dma_start3A_911 = arith.constant 0 : i32
    %dma_start3A_912 = tpu.memref_slice %arg13[%dma_start3A_910, %dma_start3A_911] : memref<10112x64xf32, #tpu.memory_space<vmem_shared>> -> memref<10112x64xf32, #tpu.memory_space<vmem_shared>>
    tpu.enqueue_indirect_dma source(%arg9 : memref<128x64xf32, #tpu.memory_space<vmem>>) target(%dma_start3A_912 : memref<10112x64xf32, #tpu.memory_space<vmem_shared>>) offsets(%dma_start3A_909 : memref<128xi32, #tpu.memory_space<vmem>>) semaphore(%arg19 : memref<!tpu.dma_semaphore, #tpu.memory_space<semaphore_mem>>) {add = true}
    %dma_wait3A_913 = arith.constant 1 : i32
    %dma_wait3A_914 = arith.constant 7 : i32
    %dma_wait3A_915 = arith.constant 0 : i32
    %dma_wait3A_916 = tpu.memref_slice %arg7[%dma_wait3A_913, %dma_wait3A_914, %dma_wait3A_915] : memref<2x16x128xi32, #tpu.memory_space<vmem>> -> memref<1x1x128xi32, #tpu.memory_space<vmem>>
    %dma_wait3A_917 = tpu.memref_squeeze %dma_wait3A_916 : memref<1x1x128xi32, #tpu.memory_space<vmem>> -> memref<128xi32, #tpu.memory_space<vmem>>
    %dma_wait3A_918 = arith.constant 0 : i32
    %dma_wait3A_919 = arith.constant 0 : i32
    %dma_wait3A_920 = tpu.memref_slice %arg13[%dma_wait3A_918, %dma_wait3A_919] : memref<10112x64xf32, #tpu.memory_space<vmem_shared>> -> memref<10112x64xf32, #tpu.memory_space<vmem_shared>>
    tpu.wait_indirect_dma semaphore(%arg21 : memref<!tpu.dma_semaphore, #tpu.memory_space<semaphore_mem>>) src(%arg11 : memref<128x64xf32, #tpu.memory_space<vmem>>) dst(%dma_wait3A_920 : memref<10112x64xf32, #tpu.memory_space<vmem_shared>>)
    %dma_start3A_921 = arith.constant 1 : i32
    %dma_start3A_922 = arith.constant 11 : i32
    %dma_start3A_923 = arith.constant 0 : i32
    %dma_start3A_924 = tpu.memref_slice %arg6[%dma_start3A_921, %dma_start3A_922, %dma_start3A_923] : memref<2x16x128xi32, #tpu.memory_space<vmem>> -> memref<1x1x128xi32, #tpu.memory_space<vmem>>
    %dma_start3A_925 = tpu.memref_squeeze %dma_start3A_924 : memref<1x1x128xi32, #tpu.memory_space<vmem>> -> memref<128xi32, #tpu.memory_space<vmem>>
    %dma_start3A_926 = arith.constant 0 : i32
    %dma_start3A_927 = arith.constant 0 : i32
    %dma_start3A_928 = tpu.memref_slice %arg12[%dma_start3A_926, %dma_start3A_927] : memref<10000x64xf32, #tpu.memory_space<vmem_shared>> -> memref<10000x64xf32, #tpu.memory_space<vmem_shared>>
    tpu.enqueue_indirect_dma source(%dma_start3A_928 : memref<10000x64xf32, #tpu.memory_space<vmem_shared>>) target(%arg11 : memref<128x64xf32, #tpu.memory_space<vmem>>) offsets(%dma_start3A_925 : memref<128xi32, #tpu.memory_space<vmem>>) semaphore(%arg17 : memref<!tpu.dma_semaphore, #tpu.memory_space<semaphore_mem>>)
    %dma_wait3A_929 = arith.constant 1 : i32
    %dma_wait3A_930 = arith.constant 10 : i32
    %dma_wait3A_931 = arith.constant 0 : i32
    %dma_wait3A_932 = tpu.memref_slice %arg6[%dma_wait3A_929, %dma_wait3A_930, %dma_wait3A_931] : memref<2x16x128xi32, #tpu.memory_space<vmem>> -> memref<1x1x128xi32, #tpu.memory_space<vmem>>
    %dma_wait3A_933 = tpu.memref_squeeze %dma_wait3A_932 : memref<1x1x128xi32, #tpu.memory_space<vmem>> -> memref<128xi32, #tpu.memory_space<vmem>>
    %dma_wait3A_934 = arith.constant 0 : i32
    %dma_wait3A_935 = arith.constant 0 : i32
    %dma_wait3A_936 = tpu.memref_slice %arg12[%dma_wait3A_934, %dma_wait3A_935] : memref<10000x64xf32, #tpu.memory_space<vmem_shared>> -> memref<10000x64xf32, #tpu.memory_space<vmem_shared>>
    tpu.wait_indirect_dma semaphore(%arg16 : memref<!tpu.dma_semaphore, #tpu.memory_space<semaphore_mem>>) src(%dma_wait3A_936 : memref<10000x64xf32, #tpu.memory_space<vmem_shared>>) dst(%arg10 : memref<128x64xf32, #tpu.memory_space<vmem>>)
    %dma_start3A_937 = arith.constant 1 : i32
    %dma_start3A_938 = arith.constant 10 : i32
    %dma_start3A_939 = arith.constant 0 : i32
    %dma_start3A_940 = tpu.memref_slice %arg7[%dma_start3A_937, %dma_start3A_938, %dma_start3A_939] : memref<2x16x128xi32, #tpu.memory_space<vmem>> -> memref<1x1x128xi32, #tpu.memory_space<vmem>>
    %dma_start3A_941 = tpu.memref_squeeze %dma_start3A_940 : memref<1x1x128xi32, #tpu.memory_space<vmem>> -> memref<128xi32, #tpu.memory_space<vmem>>
    %dma_start3A_942 = arith.constant 0 : i32
    %dma_start3A_943 = arith.constant 0 : i32
    %dma_start3A_944 = tpu.memref_slice %arg13[%dma_start3A_942, %dma_start3A_943] : memref<10112x64xf32, #tpu.memory_space<vmem_shared>> -> memref<10112x64xf32, #tpu.memory_space<vmem_shared>>
    tpu.enqueue_indirect_dma source(%arg10 : memref<128x64xf32, #tpu.memory_space<vmem>>) target(%dma_start3A_944 : memref<10112x64xf32, #tpu.memory_space<vmem_shared>>) offsets(%dma_start3A_941 : memref<128xi32, #tpu.memory_space<vmem>>) semaphore(%arg20 : memref<!tpu.dma_semaphore, #tpu.memory_space<semaphore_mem>>) {add = true}
    %dma_wait3A_945 = arith.constant 1 : i32
    %dma_wait3A_946 = arith.constant 8 : i32
    %dma_wait3A_947 = arith.constant 0 : i32
    %dma_wait3A_948 = tpu.memref_slice %arg7[%dma_wait3A_945, %dma_wait3A_946, %dma_wait3A_947] : memref<2x16x128xi32, #tpu.memory_space<vmem>> -> memref<1x1x128xi32, #tpu.memory_space<vmem>>
    %dma_wait3A_949 = tpu.memref_squeeze %dma_wait3A_948 : memref<1x1x128xi32, #tpu.memory_space<vmem>> -> memref<128xi32, #tpu.memory_space<vmem>>
    %dma_wait3A_950 = arith.constant 0 : i32
    %dma_wait3A_951 = arith.constant 0 : i32
    %dma_wait3A_952 = tpu.memref_slice %arg13[%dma_wait3A_950, %dma_wait3A_951] : memref<10112x64xf32, #tpu.memory_space<vmem_shared>> -> memref<10112x64xf32, #tpu.memory_space<vmem_shared>>
    tpu.wait_indirect_dma semaphore(%arg18 : memref<!tpu.dma_semaphore, #tpu.memory_space<semaphore_mem>>) src(%arg8 : memref<128x64xf32, #tpu.memory_space<vmem>>) dst(%dma_wait3A_952 : memref<10112x64xf32, #tpu.memory_space<vmem_shared>>)
    %dma_start3A_953 = arith.constant 1 : i32
    %dma_start3A_954 = arith.constant 12 : i32
    %dma_start3A_955 = arith.constant 0 : i32
    %dma_start3A_956 = tpu.memref_slice %arg6[%dma_start3A_953, %dma_start3A_954, %dma_start3A_955] : memref<2x16x128xi32, #tpu.memory_space<vmem>> -> memref<1x1x128xi32, #tpu.memory_space<vmem>>
    %dma_start3A_957 = tpu.memref_squeeze %dma_start3A_956 : memref<1x1x128xi32, #tpu.memory_space<vmem>> -> memref<128xi32, #tpu.memory_space<vmem>>
    %dma_start3A_958 = arith.constant 0 : i32
    %dma_start3A_959 = arith.constant 0 : i32
    %dma_start3A_960 = tpu.memref_slice %arg12[%dma_start3A_958, %dma_start3A_959] : memref<10000x64xf32, #tpu.memory_space<vmem_shared>> -> memref<10000x64xf32, #tpu.memory_space<vmem_shared>>
    tpu.enqueue_indirect_dma source(%dma_start3A_960 : memref<10000x64xf32, #tpu.memory_space<vmem_shared>>) target(%arg8 : memref<128x64xf32, #tpu.memory_space<vmem>>) offsets(%dma_start3A_957 : memref<128xi32, #tpu.memory_space<vmem>>) semaphore(%arg14 : memref<!tpu.dma_semaphore, #tpu.memory_space<semaphore_mem>>)
    %dma_wait3A_961 = arith.constant 1 : i32
    %dma_wait3A_962 = arith.constant 11 : i32
    %dma_wait3A_963 = arith.constant 0 : i32
    %dma_wait3A_964 = tpu.memref_slice %arg6[%dma_wait3A_961, %dma_wait3A_962, %dma_wait3A_963] : memref<2x16x128xi32, #tpu.memory_space<vmem>> -> memref<1x1x128xi32, #tpu.memory_space<vmem>>
    %dma_wait3A_965 = tpu.memref_squeeze %dma_wait3A_964 : memref<1x1x128xi32, #tpu.memory_space<vmem>> -> memref<128xi32, #tpu.memory_space<vmem>>
    %dma_wait3A_966 = arith.constant 0 : i32
    %dma_wait3A_967 = arith.constant 0 : i32
    %dma_wait3A_968 = tpu.memref_slice %arg12[%dma_wait3A_966, %dma_wait3A_967] : memref<10000x64xf32, #tpu.memory_space<vmem_shared>> -> memref<10000x64xf32, #tpu.memory_space<vmem_shared>>
    tpu.wait_indirect_dma semaphore(%arg17 : memref<!tpu.dma_semaphore, #tpu.memory_space<semaphore_mem>>) src(%dma_wait3A_968 : memref<10000x64xf32, #tpu.memory_space<vmem_shared>>) dst(%arg11 : memref<128x64xf32, #tpu.memory_space<vmem>>)
    %dma_start3A_969 = arith.constant 1 : i32
    %dma_start3A_970 = arith.constant 11 : i32
    %dma_start3A_971 = arith.constant 0 : i32
    %dma_start3A_972 = tpu.memref_slice %arg7[%dma_start3A_969, %dma_start3A_970, %dma_start3A_971] : memref<2x16x128xi32, #tpu.memory_space<vmem>> -> memref<1x1x128xi32, #tpu.memory_space<vmem>>
    %dma_start3A_973 = tpu.memref_squeeze %dma_start3A_972 : memref<1x1x128xi32, #tpu.memory_space<vmem>> -> memref<128xi32, #tpu.memory_space<vmem>>
    %dma_start3A_974 = arith.constant 0 : i32
    %dma_start3A_975 = arith.constant 0 : i32
    %dma_start3A_976 = tpu.memref_slice %arg13[%dma_start3A_974, %dma_start3A_975] : memref<10112x64xf32, #tpu.memory_space<vmem_shared>> -> memref<10112x64xf32, #tpu.memory_space<vmem_shared>>
    tpu.enqueue_indirect_dma source(%arg11 : memref<128x64xf32, #tpu.memory_space<vmem>>) target(%dma_start3A_976 : memref<10112x64xf32, #tpu.memory_space<vmem_shared>>) offsets(%dma_start3A_973 : memref<128xi32, #tpu.memory_space<vmem>>) semaphore(%arg21 : memref<!tpu.dma_semaphore, #tpu.memory_space<semaphore_mem>>) {add = true}
    %dma_wait3A_977 = arith.constant 1 : i32
    %dma_wait3A_978 = arith.constant 9 : i32
    %dma_wait3A_979 = arith.constant 0 : i32
    %dma_wait3A_980 = tpu.memref_slice %arg7[%dma_wait3A_977, %dma_wait3A_978, %dma_wait3A_979] : memref<2x16x128xi32, #tpu.memory_space<vmem>> -> memref<1x1x128xi32, #tpu.memory_space<vmem>>
    %dma_wait3A_981 = tpu.memref_squeeze %dma_wait3A_980 : memref<1x1x128xi32, #tpu.memory_space<vmem>> -> memref<128xi32, #tpu.memory_space<vmem>>
    %dma_wait3A_982 = arith.constant 0 : i32
    %dma_wait3A_983 = arith.constant 0 : i32
    %dma_wait3A_984 = tpu.memref_slice %arg13[%dma_wait3A_982, %dma_wait3A_983] : memref<10112x64xf32, #tpu.memory_space<vmem_shared>> -> memref<10112x64xf32, #tpu.memory_space<vmem_shared>>
    tpu.wait_indirect_dma semaphore(%arg19 : memref<!tpu.dma_semaphore, #tpu.memory_space<semaphore_mem>>) src(%arg9 : memref<128x64xf32, #tpu.memory_space<vmem>>) dst(%dma_wait3A_984 : memref<10112x64xf32, #tpu.memory_space<vmem_shared>>)
    %dma_start3A_985 = arith.constant 1 : i32
    %dma_start3A_986 = arith.constant 13 : i32
    %dma_start3A_987 = arith.constant 0 : i32
    %dma_start3A_988 = tpu.memref_slice %arg6[%dma_start3A_985, %dma_start3A_986, %dma_start3A_987] : memref<2x16x128xi32, #tpu.memory_space<vmem>> -> memref<1x1x128xi32, #tpu.memory_space<vmem>>
    %dma_start3A_989 = tpu.memref_squeeze %dma_start3A_988 : memref<1x1x128xi32, #tpu.memory_space<vmem>> -> memref<128xi32, #tpu.memory_space<vmem>>
    %dma_start3A_990 = arith.constant 0 : i32
    %dma_start3A_991 = arith.constant 0 : i32
    %dma_start3A_992 = tpu.memref_slice %arg12[%dma_start3A_990, %dma_start3A_991] : memref<10000x64xf32, #tpu.memory_space<vmem_shared>> -> memref<10000x64xf32, #tpu.memory_space<vmem_shared>>
    tpu.enqueue_indirect_dma source(%dma_start3A_992 : memref<10000x64xf32, #tpu.memory_space<vmem_shared>>) target(%arg9 : memref<128x64xf32, #tpu.memory_space<vmem>>) offsets(%dma_start3A_989 : memref<128xi32, #tpu.memory_space<vmem>>) semaphore(%arg15 : memref<!tpu.dma_semaphore, #tpu.memory_space<semaphore_mem>>)
    %dma_wait3A_993 = arith.constant 1 : i32
    %dma_wait3A_994 = arith.constant 12 : i32
    %dma_wait3A_995 = arith.constant 0 : i32
    %dma_wait3A_996 = tpu.memref_slice %arg6[%dma_wait3A_993, %dma_wait3A_994, %dma_wait3A_995] : memref<2x16x128xi32, #tpu.memory_space<vmem>> -> memref<1x1x128xi32, #tpu.memory_space<vmem>>
    %dma_wait3A_997 = tpu.memref_squeeze %dma_wait3A_996 : memref<1x1x128xi32, #tpu.memory_space<vmem>> -> memref<128xi32, #tpu.memory_space<vmem>>
    %dma_wait3A_998 = arith.constant 0 : i32
    %dma_wait3A_999 = arith.constant 0 : i32
    %dma_wait3A_1000 = tpu.memref_slice %arg12[%dma_wait3A_998, %dma_wait3A_999] : memref<10000x64xf32, #tpu.memory_space<vmem_shared>> -> memref<10000x64xf32, #tpu.memory_space<vmem_shared>>
    tpu.wait_indirect_dma semaphore(%arg14 : memref<!tpu.dma_semaphore, #tpu.memory_space<semaphore_mem>>) src(%dma_wait3A_1000 : memref<10000x64xf32, #tpu.memory_space<vmem_shared>>) dst(%arg8 : memref<128x64xf32, #tpu.memory_space<vmem>>)
    %dma_start3A_1001 = arith.constant 1 : i32
    %dma_start3A_1002 = arith.constant 12 : i32
    %dma_start3A_1003 = arith.constant 0 : i32
    %dma_start3A_1004 = tpu.memref_slice %arg7[%dma_start3A_1001, %dma_start3A_1002, %dma_start3A_1003] : memref<2x16x128xi32, #tpu.memory_space<vmem>> -> memref<1x1x128xi32, #tpu.memory_space<vmem>>
    %dma_start3A_1005 = tpu.memref_squeeze %dma_start3A_1004 : memref<1x1x128xi32, #tpu.memory_space<vmem>> -> memref<128xi32, #tpu.memory_space<vmem>>
    %dma_start3A_1006 = arith.constant 0 : i32
    %dma_start3A_1007 = arith.constant 0 : i32
    %dma_start3A_1008 = tpu.memref_slice %arg13[%dma_start3A_1006, %dma_start3A_1007] : memref<10112x64xf32, #tpu.memory_space<vmem_shared>> -> memref<10112x64xf32, #tpu.memory_space<vmem_shared>>
    tpu.enqueue_indirect_dma source(%arg8 : memref<128x64xf32, #tpu.memory_space<vmem>>) target(%dma_start3A_1008 : memref<10112x64xf32, #tpu.memory_space<vmem_shared>>) offsets(%dma_start3A_1005 : memref<128xi32, #tpu.memory_space<vmem>>) semaphore(%arg18 : memref<!tpu.dma_semaphore, #tpu.memory_space<semaphore_mem>>) {add = true}
    %dma_wait3A_1009 = arith.constant 1 : i32
    %dma_wait3A_1010 = arith.constant 10 : i32
    %dma_wait3A_1011 = arith.constant 0 : i32
    %dma_wait3A_1012 = tpu.memref_slice %arg7[%dma_wait3A_1009, %dma_wait3A_1010, %dma_wait3A_1011] : memref<2x16x128xi32, #tpu.memory_space<vmem>> -> memref<1x1x128xi32, #tpu.memory_space<vmem>>
    %dma_wait3A_1013 = tpu.memref_squeeze %dma_wait3A_1012 : memref<1x1x128xi32, #tpu.memory_space<vmem>> -> memref<128xi32, #tpu.memory_space<vmem>>
    %dma_wait3A_1014 = arith.constant 0 : i32
    %dma_wait3A_1015 = arith.constant 0 : i32
    %dma_wait3A_1016 = tpu.memref_slice %arg13[%dma_wait3A_1014, %dma_wait3A_1015] : memref<10112x64xf32, #tpu.memory_space<vmem_shared>> -> memref<10112x64xf32, #tpu.memory_space<vmem_shared>>
    tpu.wait_indirect_dma semaphore(%arg20 : memref<!tpu.dma_semaphore, #tpu.memory_space<semaphore_mem>>) src(%arg10 : memref<128x64xf32, #tpu.memory_space<vmem>>) dst(%dma_wait3A_1016 : memref<10112x64xf32, #tpu.memory_space<vmem_shared>>)
    %dma_start3A_1017 = arith.constant 1 : i32
    %dma_start3A_1018 = arith.constant 14 : i32
    %dma_start3A_1019 = arith.constant 0 : i32
    %dma_start3A_1020 = tpu.memref_slice %arg6[%dma_start3A_1017, %dma_start3A_1018, %dma_start3A_1019] : memref<2x16x128xi32, #tpu.memory_space<vmem>> -> memref<1x1x128xi32, #tpu.memory_space<vmem>>
    %dma_start3A_1021 = tpu.memref_squeeze %dma_start3A_1020 : memref<1x1x128xi32, #tpu.memory_space<vmem>> -> memref<128xi32, #tpu.memory_space<vmem>>
    %dma_start3A_1022 = arith.constant 0 : i32
    %dma_start3A_1023 = arith.constant 0 : i32
    %dma_start3A_1024 = tpu.memref_slice %arg12[%dma_start3A_1022, %dma_start3A_1023] : memref<10000x64xf32, #tpu.memory_space<vmem_shared>> -> memref<10000x64xf32, #tpu.memory_space<vmem_shared>>
    tpu.enqueue_indirect_dma source(%dma_start3A_1024 : memref<10000x64xf32, #tpu.memory_space<vmem_shared>>) target(%arg10 : memref<128x64xf32, #tpu.memory_space<vmem>>) offsets(%dma_start3A_1021 : memref<128xi32, #tpu.memory_space<vmem>>) semaphore(%arg16 : memref<!tpu.dma_semaphore, #tpu.memory_space<semaphore_mem>>)
    %dma_wait3A_1025 = arith.constant 1 : i32
    %dma_wait3A_1026 = arith.constant 13 : i32
    %dma_wait3A_1027 = arith.constant 0 : i32
    %dma_wait3A_1028 = tpu.memref_slice %arg6[%dma_wait3A_1025, %dma_wait3A_1026, %dma_wait3A_1027] : memref<2x16x128xi32, #tpu.memory_space<vmem>> -> memref<1x1x128xi32, #tpu.memory_space<vmem>>
    %dma_wait3A_1029 = tpu.memref_squeeze %dma_wait3A_1028 : memref<1x1x128xi32, #tpu.memory_space<vmem>> -> memref<128xi32, #tpu.memory_space<vmem>>
    %dma_wait3A_1030 = arith.constant 0 : i32
    %dma_wait3A_1031 = arith.constant 0 : i32
    %dma_wait3A_1032 = tpu.memref_slice %arg12[%dma_wait3A_1030, %dma_wait3A_1031] : memref<10000x64xf32, #tpu.memory_space<vmem_shared>> -> memref<10000x64xf32, #tpu.memory_space<vmem_shared>>
    tpu.wait_indirect_dma semaphore(%arg15 : memref<!tpu.dma_semaphore, #tpu.memory_space<semaphore_mem>>) src(%dma_wait3A_1032 : memref<10000x64xf32, #tpu.memory_space<vmem_shared>>) dst(%arg9 : memref<128x64xf32, #tpu.memory_space<vmem>>)
    %dma_start3A_1033 = arith.constant 1 : i32
    %dma_start3A_1034 = arith.constant 13 : i32
    %dma_start3A_1035 = arith.constant 0 : i32
    %dma_start3A_1036 = tpu.memref_slice %arg7[%dma_start3A_1033, %dma_start3A_1034, %dma_start3A_1035] : memref<2x16x128xi32, #tpu.memory_space<vmem>> -> memref<1x1x128xi32, #tpu.memory_space<vmem>>
    %dma_start3A_1037 = tpu.memref_squeeze %dma_start3A_1036 : memref<1x1x128xi32, #tpu.memory_space<vmem>> -> memref<128xi32, #tpu.memory_space<vmem>>
    %dma_start3A_1038 = arith.constant 0 : i32
    %dma_start3A_1039 = arith.constant 0 : i32
    %dma_start3A_1040 = tpu.memref_slice %arg13[%dma_start3A_1038, %dma_start3A_1039] : memref<10112x64xf32, #tpu.memory_space<vmem_shared>> -> memref<10112x64xf32, #tpu.memory_space<vmem_shared>>
    tpu.enqueue_indirect_dma source(%arg9 : memref<128x64xf32, #tpu.memory_space<vmem>>) target(%dma_start3A_1040 : memref<10112x64xf32, #tpu.memory_space<vmem_shared>>) offsets(%dma_start3A_1037 : memref<128xi32, #tpu.memory_space<vmem>>) semaphore(%arg19 : memref<!tpu.dma_semaphore, #tpu.memory_space<semaphore_mem>>) {add = true}
    %dma_wait3A_1041 = arith.constant 1 : i32
    %dma_wait3A_1042 = arith.constant 11 : i32
    %dma_wait3A_1043 = arith.constant 0 : i32
    %dma_wait3A_1044 = tpu.memref_slice %arg7[%dma_wait3A_1041, %dma_wait3A_1042, %dma_wait3A_1043] : memref<2x16x128xi32, #tpu.memory_space<vmem>> -> memref<1x1x128xi32, #tpu.memory_space<vmem>>
    %dma_wait3A_1045 = tpu.memref_squeeze %dma_wait3A_1044 : memref<1x1x128xi32, #tpu.memory_space<vmem>> -> memref<128xi32, #tpu.memory_space<vmem>>
    %dma_wait3A_1046 = arith.constant 0 : i32
    %dma_wait3A_1047 = arith.constant 0 : i32
    %dma_wait3A_1048 = tpu.memref_slice %arg13[%dma_wait3A_1046, %dma_wait3A_1047] : memref<10112x64xf32, #tpu.memory_space<vmem_shared>> -> memref<10112x64xf32, #tpu.memory_space<vmem_shared>>
    tpu.wait_indirect_dma semaphore(%arg21 : memref<!tpu.dma_semaphore, #tpu.memory_space<semaphore_mem>>) src(%arg11 : memref<128x64xf32, #tpu.memory_space<vmem>>) dst(%dma_wait3A_1048 : memref<10112x64xf32, #tpu.memory_space<vmem_shared>>)
    %dma_start3A_1049 = arith.constant 1 : i32
    %dma_start3A_1050 = arith.constant 15 : i32
    %dma_start3A_1051 = arith.constant 0 : i32
    %dma_start3A_1052 = tpu.memref_slice %arg6[%dma_start3A_1049, %dma_start3A_1050, %dma_start3A_1051] : memref<2x16x128xi32, #tpu.memory_space<vmem>> -> memref<1x1x128xi32, #tpu.memory_space<vmem>>
    %dma_start3A_1053 = tpu.memref_squeeze %dma_start3A_1052 : memref<1x1x128xi32, #tpu.memory_space<vmem>> -> memref<128xi32, #tpu.memory_space<vmem>>
    %dma_start3A_1054 = arith.constant 0 : i32
    %dma_start3A_1055 = arith.constant 0 : i32
    %dma_start3A_1056 = tpu.memref_slice %arg12[%dma_start3A_1054, %dma_start3A_1055] : memref<10000x64xf32, #tpu.memory_space<vmem_shared>> -> memref<10000x64xf32, #tpu.memory_space<vmem_shared>>
    tpu.enqueue_indirect_dma source(%dma_start3A_1056 : memref<10000x64xf32, #tpu.memory_space<vmem_shared>>) target(%arg11 : memref<128x64xf32, #tpu.memory_space<vmem>>) offsets(%dma_start3A_1053 : memref<128xi32, #tpu.memory_space<vmem>>) semaphore(%arg17 : memref<!tpu.dma_semaphore, #tpu.memory_space<semaphore_mem>>)
    %dma_wait3A_1057 = arith.constant 1 : i32
    %dma_wait3A_1058 = arith.constant 14 : i32
    %dma_wait3A_1059 = arith.constant 0 : i32
    %dma_wait3A_1060 = tpu.memref_slice %arg6[%dma_wait3A_1057, %dma_wait3A_1058, %dma_wait3A_1059] : memref<2x16x128xi32, #tpu.memory_space<vmem>> -> memref<1x1x128xi32, #tpu.memory_space<vmem>>
    %dma_wait3A_1061 = tpu.memref_squeeze %dma_wait3A_1060 : memref<1x1x128xi32, #tpu.memory_space<vmem>> -> memref<128xi32, #tpu.memory_space<vmem>>
    %dma_wait3A_1062 = arith.constant 0 : i32
    %dma_wait3A_1063 = arith.constant 0 : i32
    %dma_wait3A_1064 = tpu.memref_slice %arg12[%dma_wait3A_1062, %dma_wait3A_1063] : memref<10000x64xf32, #tpu.memory_space<vmem_shared>> -> memref<10000x64xf32, #tpu.memory_space<vmem_shared>>
    tpu.wait_indirect_dma semaphore(%arg16 : memref<!tpu.dma_semaphore, #tpu.memory_space<semaphore_mem>>) src(%dma_wait3A_1064 : memref<10000x64xf32, #tpu.memory_space<vmem_shared>>) dst(%arg10 : memref<128x64xf32, #tpu.memory_space<vmem>>)
    %dma_start3A_1065 = arith.constant 1 : i32
    %dma_start3A_1066 = arith.constant 14 : i32
    %dma_start3A_1067 = arith.constant 0 : i32
    %dma_start3A_1068 = tpu.memref_slice %arg7[%dma_start3A_1065, %dma_start3A_1066, %dma_start3A_1067] : memref<2x16x128xi32, #tpu.memory_space<vmem>> -> memref<1x1x128xi32, #tpu.memory_space<vmem>>
    %dma_start3A_1069 = tpu.memref_squeeze %dma_start3A_1068 : memref<1x1x128xi32, #tpu.memory_space<vmem>> -> memref<128xi32, #tpu.memory_space<vmem>>
    %dma_start3A_1070 = arith.constant 0 : i32
    %dma_start3A_1071 = arith.constant 0 : i32
    %dma_start3A_1072 = tpu.memref_slice %arg13[%dma_start3A_1070, %dma_start3A_1071] : memref<10112x64xf32, #tpu.memory_space<vmem_shared>> -> memref<10112x64xf32, #tpu.memory_space<vmem_shared>>
    tpu.enqueue_indirect_dma source(%arg10 : memref<128x64xf32, #tpu.memory_space<vmem>>) target(%dma_start3A_1072 : memref<10112x64xf32, #tpu.memory_space<vmem_shared>>) offsets(%dma_start3A_1069 : memref<128xi32, #tpu.memory_space<vmem>>) semaphore(%arg20 : memref<!tpu.dma_semaphore, #tpu.memory_space<semaphore_mem>>) {add = true}
    %dma_wait3A_1073 = arith.constant 1 : i32
    %dma_wait3A_1074 = arith.constant 12 : i32
    %dma_wait3A_1075 = arith.constant 0 : i32
    %dma_wait3A_1076 = tpu.memref_slice %arg7[%dma_wait3A_1073, %dma_wait3A_1074, %dma_wait3A_1075] : memref<2x16x128xi32, #tpu.memory_space<vmem>> -> memref<1x1x128xi32, #tpu.memory_space<vmem>>
    %dma_wait3A_1077 = tpu.memref_squeeze %dma_wait3A_1076 : memref<1x1x128xi32, #tpu.memory_space<vmem>> -> memref<128xi32, #tpu.memory_space<vmem>>
    %dma_wait3A_1078 = arith.constant 0 : i32
    %dma_wait3A_1079 = arith.constant 0 : i32
    %dma_wait3A_1080 = tpu.memref_slice %arg13[%dma_wait3A_1078, %dma_wait3A_1079] : memref<10112x64xf32, #tpu.memory_space<vmem_shared>> -> memref<10112x64xf32, #tpu.memory_space<vmem_shared>>
    tpu.wait_indirect_dma semaphore(%arg18 : memref<!tpu.dma_semaphore, #tpu.memory_space<semaphore_mem>>) src(%arg8 : memref<128x64xf32, #tpu.memory_space<vmem>>) dst(%dma_wait3A_1080 : memref<10112x64xf32, #tpu.memory_space<vmem_shared>>)
    %dma_wait3A_1081 = arith.constant 1 : i32
    %dma_wait3A_1082 = arith.constant 15 : i32
    %dma_wait3A_1083 = arith.constant 0 : i32
    %dma_wait3A_1084 = tpu.memref_slice %arg6[%dma_wait3A_1081, %dma_wait3A_1082, %dma_wait3A_1083] : memref<2x16x128xi32, #tpu.memory_space<vmem>> -> memref<1x1x128xi32, #tpu.memory_space<vmem>>
    %dma_wait3A_1085 = tpu.memref_squeeze %dma_wait3A_1084 : memref<1x1x128xi32, #tpu.memory_space<vmem>> -> memref<128xi32, #tpu.memory_space<vmem>>
    %dma_wait3A_1086 = arith.constant 0 : i32
    %dma_wait3A_1087 = arith.constant 0 : i32
    %dma_wait3A_1088 = tpu.memref_slice %arg12[%dma_wait3A_1086, %dma_wait3A_1087] : memref<10000x64xf32, #tpu.memory_space<vmem_shared>> -> memref<10000x64xf32, #tpu.memory_space<vmem_shared>>
    tpu.wait_indirect_dma semaphore(%arg17 : memref<!tpu.dma_semaphore, #tpu.memory_space<semaphore_mem>>) src(%dma_wait3A_1088 : memref<10000x64xf32, #tpu.memory_space<vmem_shared>>) dst(%arg11 : memref<128x64xf32, #tpu.memory_space<vmem>>)
    %dma_start3A_1089 = arith.constant 1 : i32
    %dma_start3A_1090 = arith.constant 15 : i32
    %dma_start3A_1091 = arith.constant 0 : i32
    %dma_start3A_1092 = tpu.memref_slice %arg7[%dma_start3A_1089, %dma_start3A_1090, %dma_start3A_1091] : memref<2x16x128xi32, #tpu.memory_space<vmem>> -> memref<1x1x128xi32, #tpu.memory_space<vmem>>
    %dma_start3A_1093 = tpu.memref_squeeze %dma_start3A_1092 : memref<1x1x128xi32, #tpu.memory_space<vmem>> -> memref<128xi32, #tpu.memory_space<vmem>>
    %dma_start3A_1094 = arith.constant 0 : i32
    %dma_start3A_1095 = arith.constant 0 : i32
    %dma_start3A_1096 = tpu.memref_slice %arg13[%dma_start3A_1094, %dma_start3A_1095] : memref<10112x64xf32, #tpu.memory_space<vmem_shared>> -> memref<10112x64xf32, #tpu.memory_space<vmem_shared>>
    tpu.enqueue_indirect_dma source(%arg11 : memref<128x64xf32, #tpu.memory_space<vmem>>) target(%dma_start3A_1096 : memref<10112x64xf32, #tpu.memory_space<vmem_shared>>) offsets(%dma_start3A_1093 : memref<128xi32, #tpu.memory_space<vmem>>) semaphore(%arg21 : memref<!tpu.dma_semaphore, #tpu.memory_space<semaphore_mem>>) {add = true}
    %dma_wait3A_1097 = arith.constant 1 : i32
    %dma_wait3A_1098 = arith.constant 13 : i32
    %dma_wait3A_1099 = arith.constant 0 : i32
    %dma_wait3A_1100 = tpu.memref_slice %arg7[%dma_wait3A_1097, %dma_wait3A_1098, %dma_wait3A_1099] : memref<2x16x128xi32, #tpu.memory_space<vmem>> -> memref<1x1x128xi32, #tpu.memory_space<vmem>>
    %dma_wait3A_1101 = tpu.memref_squeeze %dma_wait3A_1100 : memref<1x1x128xi32, #tpu.memory_space<vmem>> -> memref<128xi32, #tpu.memory_space<vmem>>
    %dma_wait3A_1102 = arith.constant 0 : i32
    %dma_wait3A_1103 = arith.constant 0 : i32
    %dma_wait3A_1104 = tpu.memref_slice %arg13[%dma_wait3A_1102, %dma_wait3A_1103] : memref<10112x64xf32, #tpu.memory_space<vmem_shared>> -> memref<10112x64xf32, #tpu.memory_space<vmem_shared>>
    tpu.wait_indirect_dma semaphore(%arg19 : memref<!tpu.dma_semaphore, #tpu.memory_space<semaphore_mem>>) src(%arg9 : memref<128x64xf32, #tpu.memory_space<vmem>>) dst(%dma_wait3A_1104 : memref<10112x64xf32, #tpu.memory_space<vmem_shared>>)
    %dma_wait3A_1105 = arith.constant 1 : i32
    %dma_wait3A_1106 = arith.constant 14 : i32
    %dma_wait3A_1107 = arith.constant 0 : i32
    %dma_wait3A_1108 = tpu.memref_slice %arg7[%dma_wait3A_1105, %dma_wait3A_1106, %dma_wait3A_1107] : memref<2x16x128xi32, #tpu.memory_space<vmem>> -> memref<1x1x128xi32, #tpu.memory_space<vmem>>
    %dma_wait3A_1109 = tpu.memref_squeeze %dma_wait3A_1108 : memref<1x1x128xi32, #tpu.memory_space<vmem>> -> memref<128xi32, #tpu.memory_space<vmem>>
    %dma_wait3A_1110 = arith.constant 0 : i32
    %dma_wait3A_1111 = arith.constant 0 : i32
    %dma_wait3A_1112 = tpu.memref_slice %arg13[%dma_wait3A_1110, %dma_wait3A_1111] : memref<10112x64xf32, #tpu.memory_space<vmem_shared>> -> memref<10112x64xf32, #tpu.memory_space<vmem_shared>>
    tpu.wait_indirect_dma semaphore(%arg20 : memref<!tpu.dma_semaphore, #tpu.memory_space<semaphore_mem>>) src(%arg10 : memref<128x64xf32, #tpu.memory_space<vmem>>) dst(%dma_wait3A_1112 : memref<10112x64xf32, #tpu.memory_space<vmem_shared>>)
    %dma_wait3A_1113 = arith.constant 1 : i32
    %dma_wait3A_1114 = arith.constant 15 : i32
    %dma_wait3A_1115 = arith.constant 0 : i32
    %dma_wait3A_1116 = tpu.memref_slice %arg7[%dma_wait3A_1113, %dma_wait3A_1114, %dma_wait3A_1115] : memref<2x16x128xi32, #tpu.memory_space<vmem>> -> memref<1x1x128xi32, #tpu.memory_space<vmem>>
    %dma_wait3A_1117 = tpu.memref_squeeze %dma_wait3A_1116 : memref<1x1x128xi32, #tpu.memory_space<vmem>> -> memref<128xi32, #tpu.memory_space<vmem>>
    %dma_wait3A_1118 = arith.constant 0 : i32
    %dma_wait3A_1119 = arith.constant 0 : i32
    %dma_wait3A_1120 = tpu.memref_slice %arg13[%dma_wait3A_1118, %dma_wait3A_1119] : memref<10112x64xf32, #tpu.memory_space<vmem_shared>> -> memref<10112x64xf32, #tpu.memory_space<vmem_shared>>
    tpu.wait_indirect_dma semaphore(%arg21 : memref<!tpu.dma_semaphore, #tpu.memory_space<semaphore_mem>>) src(%arg11 : memref<128x64xf32, #tpu.memory_space<vmem>>) dst(%dma_wait3A_1120 : memref<10112x64xf32, #tpu.memory_space<vmem_shared>>)
    %barrier3A_1121 = arith.constant 0 : index
    tpu.barrier barrier_id(%barrier3A_1121)
    %lt3A_1122 = arith.constant 15 : i32
    %lt3A_1123 = arith.cmpi slt, %arg1, %lt3A_1122 : i32
    %convert_element_type3A_1124 = arith.extui %lt3A_1123 : i1 to i32
    %cond3A_1125 = arith.constant 0 : i32
    %cond3A_1126 = arith.cmpi ne, %convert_element_type3A_1124, %cond3A_1125 : i32
    scf.if %cond3A_1126 {
      %mul3A_1132 = arith.constant 632 : i32
      %mul3A_1133 = arith.muli %arg1, %mul3A_1132 : i32
      "tpu.region"() ({
        %run_scoped3A_1134 = tpu.sem_alloc : memref<!tpu.dma_semaphore, #tpu.memory_space<semaphore_mem>>
        %dma_start3A_1135 = tpu.memref_slice %arg5[%mul3A_1133, %mul3A_0] : memref<10000x128xf32, #tpu.memory_space<hbm>> -> memref<632x64xf32, #tpu.memory_space<hbm>>
        %dma_start3A_1136 = arith.constant 0 : i32
        %dma_start3A_1137 = tpu.memref_slice %arg13[%mul3A_1133, %dma_start3A_1136] : memref<10112x64xf32, #tpu.memory_space<vmem_shared>> -> memref<632x64xf32, #tpu.memory_space<vmem_shared>>
        tpu.enqueue_dma source(%dma_start3A_1137 : memref<632x64xf32, #tpu.memory_space<vmem_shared>>) target(%dma_start3A_1135 : memref<632x64xf32, #tpu.memory_space<hbm>>) target_semaphore(%run_scoped3A_1134 : memref<!tpu.dma_semaphore, #tpu.memory_space<semaphore_mem>>)
        %dma_wait3A_1138 = tpu.memref_slice %arg5[%mul3A_1133, %mul3A_0] : memref<10000x128xf32, #tpu.memory_space<hbm>> -> memref<632x64xf32, #tpu.memory_space<hbm>>
        %dma_wait3A_1139 = arith.constant 0 : i32
        %dma_wait3A_1140 = tpu.memref_slice %arg13[%mul3A_1133, %dma_wait3A_1139] : memref<10112x64xf32, #tpu.memory_space<vmem_shared>> -> memref<632x64xf32, #tpu.memory_space<vmem_shared>>
        tpu.wait_dma2 semaphore(%run_scoped3A_1134 : memref<!tpu.dma_semaphore, #tpu.memory_space<semaphore_mem>>) src(%dma_wait3A_1140 : memref<632x64xf32, #tpu.memory_space<vmem_shared>>) dst(%dma_wait3A_1138 : memref<632x64xf32, #tpu.memory_space<hbm>>)
        tpu.yield
      }) : () -> ()
    } else {
    }
    %eq3A_1127 = arith.constant 15 : i32
    %eq3A_1128 = arith.cmpi eq, %arg1, %eq3A_1127 : i32
    %convert_element_type3A_1129 = arith.extui %eq3A_1128 : i1 to i32
    %cond3A_1130 = arith.constant 0 : i32
    %cond3A_1131 = arith.cmpi ne, %convert_element_type3A_1129, %cond3A_1130 : i32
    scf.if %cond3A_1131 {
      "tpu.region"() ({
        %run_scoped3A_1132 = tpu.sem_alloc : memref<!tpu.dma_semaphore, #tpu.memory_space<semaphore_mem>>
        %dma_start3A_1133 = arith.constant 9480 : i32
        %dma_start3A_1134 = tpu.memref_slice %arg5[%dma_start3A_1133, %mul3A_0] : memref<10000x128xf32, #tpu.memory_space<hbm>> -> memref<520x64xf32, #tpu.memory_space<hbm>>
        %dma_start3A_1135 = arith.constant 9480 : i32
        %dma_start3A_1136 = arith.constant 0 : i32
        %dma_start3A_1137 = tpu.memref_slice %arg13[%dma_start3A_1135, %dma_start3A_1136] : memref<10112x64xf32, #tpu.memory_space<vmem_shared>> -> memref<520x64xf32, #tpu.memory_space<vmem_shared>>
        tpu.enqueue_dma source(%dma_start3A_1137 : memref<520x64xf32, #tpu.memory_space<vmem_shared>>) target(%dma_start3A_1134 : memref<520x64xf32, #tpu.memory_space<hbm>>) target_semaphore(%run_scoped3A_1132 : memref<!tpu.dma_semaphore, #tpu.memory_space<semaphore_mem>>)
        %dma_wait3A_1138 = arith.constant 9480 : i32
        %dma_wait3A_1139 = tpu.memref_slice %arg5[%dma_wait3A_1138, %mul3A_0] : memref<10000x128xf32, #tpu.memory_space<hbm>> -> memref<520x64xf32, #tpu.memory_space<hbm>>
        %dma_wait3A_1140 = arith.constant 9480 : i32
        %dma_wait3A_1141 = arith.constant 0 : i32
        %dma_wait3A_1142 = tpu.memref_slice %arg13[%dma_wait3A_1140, %dma_wait3A_1141] : memref<10112x64xf32, #tpu.memory_space<vmem_shared>> -> memref<520x64xf32, #tpu.memory_space<vmem_shared>>
        tpu.wait_dma2 semaphore(%run_scoped3A_1132 : memref<!tpu.dma_semaphore, #tpu.memory_space<semaphore_mem>>) src(%dma_wait3A_1142 : memref<520x64xf32, #tpu.memory_space<vmem_shared>>) dst(%dma_wait3A_1139 : memref<520x64xf32, #tpu.memory_space<hbm>>)
        tpu.yield
      }) : () -> ()
    } else {
    }
    return
  }
}

</mosaic_0001>

<sc_bundles>
// kernel: kernel.3.cloned.1.call-start
scs
__scs_entry_jumppad:
0x0: {  	(pc) =	sbr.rel $0x88, $3  }
0x1: {  	(tag) =	ssettag $0x0;
	lr =	simm.s32 $0x1  }
0x2: {  	[smem:$0x3F9F] =	sst lr;
	_ =	strace $0xD0000000  }
0x3: {  	_ = 	snop  }
0x4: {  	_ = 	snop  }
0x5: {  	_ = 	snop  }
0x6: {  	_ = 	snop  }
0x7: {  	_ = 	snop  }
__scs_overlays_trampoline_lowered:
0x8: {  	[smem:$0x3FAE] =	sst s0  }
0x9: {  	[smem:$0x3FAF] =	sst s1  }
0xa: {  	[smem:$0x3FB0] =	sst s2  }
0xb: {  	[smem:$0x3FB1] =	sst s3  }
0xc: {  	[smem:$0x3FB2] =	sst s4  }
0xd: {  	[smem:$0x3FB3] =	sst s5  }
0xe: {  	[smem:$0x3FB4] =	sst s6  }
0xf: {  	[smem:$0x3FB5] =	sst s7  }
0x10: {  	[smem:$0x3FB6] =	sst s8  }
0x11: {  	[smem:$0x3FB7] =	sst s9;
	s0 =	simm.s32 @!p0 $0x0  }
0x12: {  	s1 =	sld [smem:$0x3F9D];
	s0 =	simm.s32 @p0 $0x1  }
0x13: {  	[smem:$0x3FB8] =	sst s0;
	s0 =	simm.s32 @!p1 $0x0  }
0x14: {  	s2 =	sld [smem:$0x3F9C];
	s0 =	simm.s32 @p1 $0x1  }
0x15: {  	[smem:$0x3FB9] =	sst s0;
	s0 =	simm.s32 @!p2 $0x0  }
0x16: {  	s3 =	sld [smem:$0x3FDB];
	s0 =	simm.s32 @p2 $0x1  }
0x17: {  	s4 =	simm.s32 $0x1BF5;
	[smem:$0x3FBB] =	sst s0  }
0x18: {  	s0 =	sld [smem:$0x3F9E];
	_ =	swait.ge [sflag:s4], $0x0  }
0x19: {  	s7 =	sld [smem:$0x3F9F]  }
0x1a: {  	s8 =	sadd.s32 $0xFFFFE003, lr  }
0x1b: {  	s9 =	sadd.s32 $0xFFFFFEF7, lr;
	s5 =	simm.s32 $0xFFFFFFFF;
	p2 =	slt.u32 s8, $0xFFFFF086  }
0x1c: {  	p1 =	slt.u32 s9, $0xF7A;
	s5 =	simm.s32 @!p2 $0x0  }
0x1d: {  	s5 =	simm.s32 @p1 $0x1;
	p0 =	seq.s32 s7, s2  }
0x1e: {  	s7 =	smul.u32 @!p0 $0xF7A, s2;
	p2 =	seq.s32 @!p0 s5, $0x0  }
0x1f: {  	s9 =	smul.u32 $0xF7A, s1;
	s8 =	simm.s32 @!p0 $0x1BF5;
	p2 =	por !p2, p0  }
0x20: {  	[sflag:s8] =	ssyncset.s32 @!p0 $0xFFFFF086;
	s6 =	sadd.s32 @!p0 s3, s7;
	s7 =	simm.s32 @!p0 $0x108  }
0x21: {  	s3 =	sadd.s32 s3, s9;
	s6 =	sadd.s32 @!p0 $0x88, s6;
	s7 =	simm.s32 @p2 $0x1082  }
0x22: {  	[simem:s7], [sflag:s8] =	dma.local @!p0 [hbm:s6], $0xF7A  }
0x23: {  	s9 =	sor.u32 $0xD0000000, s2;
	s6 =	simm.s32 $0x108;
	_ =	swait.ge @!p0 [sflag:s8], $0x0  }
0x24: {  	s3 =	sadd.s32 $0x88, s3;
	s6 =	simm.s32 @!p1 $0x1082;
	[sflag:s4] =	ssyncset.s32 $0xFFFFF086  }
0x25: {  	[simem:s6], [sflag:s4] =	dma.local [hbm:s3], $0xF7A  }
0x26: {  	[smem:$0x3F9F] =	sst s1;
	(tag) =	ssettag s2;
	_ =	strace s9  }
0x27: {  	s1 =	sld [smem:$0x3FAF]  }
0x28: {  	s2 =	sld [smem:$0x3FB0]  }
0x29: {  	s4 =	sld [smem:$0x3FB2]  }
0x2a: {  	p0 =	seq.s32 s5, $0x0;
	s5 =	sld [smem:$0x3FB3]  }
0x2b: {  	s6 =	sld [smem:$0x3FB4]  }
0x2c: {  	s7 =	sld [smem:$0x3FB5]  }
0x2d: {  	s3 =	simm.s32 $0x108;
	s8 =	sld [smem:$0x3FB6]  }
0x2e: {  	s3 =	simm.s32 @!p0 $0x1082;
	s9 =	sld [smem:$0x3FB7]  }
0x2f: {  	lr =	sadd.s32 s0, s3;
	s0 =	sld [smem:$0x3FAE]  }
0x30: {  	s3 =	sld [smem:$0x3FB1]  }
0x31: {  	[smem:$0x3FBA] =	sst s10  }
0x32: {  	s10 =	sld [smem:$0x3FB8];
	_ =	sdelay $0x3  }
0x33: {  	p0 =	seq.s32 s10, $0x1;
	s10 =	sld [smem:$0x3FBA];
	_ =	sdelay $0x3  }
0x34: {  	[smem:$0x3FBA] =	sst s10  }
0x35: {  	s10 =	sld [smem:$0x3FB9];
	_ =	sdelay $0x3  }
0x36: {  	p1 =	seq.s32 s10, $0x1;
	s10 =	sld [smem:$0x3FBA];
	_ =	sdelay $0x3  }
0x37: {  	[smem:$0x3FBA] =	sst s10  }
0x38: {  	s10 =	sld [smem:$0x3FBB]  }
0x39: {  	_ = 	snop;
	(pc) =	sbr.ind lr, $3  }
0x3a: {  	_ = 	snop  }
0x3b: {  	_ = 	snop  }
0x3c: {  	p2 =	seq.s32 s10, $0x1;
	s10 =	sld [smem:$0x3FBA]  }
0x3d: {  	_ =	shalt  }
0x3e: {  	_ =	shalt  }
0x3f: {  	_ =	shalt  }
0x40: {  	_ =	shalt  }
0x41: {  	_ =	shalt  }
0x42: {  	_ =	shalt  }
0x43: {  	_ =	shalt  }
0x44: {  	_ =	shalt  }
0x45: {  	_ =	shalt  }
0x46: {  	_ =	shalt  }
0x47: {  	_ =	shalt  }
0x48: {  	_ =	shalt  }
0x49: {  	_ =	shalt  }
0x4a: {  	_ =	shalt  }
0x4b: {  	_ =	shalt  }
0x4c: {  	_ =	shalt  }
0x4d: {  	_ =	shalt  }
0x4e: {  	_ =	shalt  }
0x4f: {  	_ =	shalt  }
0x50: {  	_ =	shalt  }
0x51: {  	_ =	shalt  }
0x52: {  	_ =	shalt  }
0x53: {  	_ =	shalt  }
0x54: {  	_ =	shalt  }
0x55: {  	_ =	shalt  }
0x56: {  	_ =	shalt  }
0x57: {  	_ =	shalt  }
0x58: {  	_ =	shalt  }
0x59: {  	_ =	shalt  }
0x5a: {  	_ =	shalt  }
0x5b: {  	_ =	shalt  }
0x5c: {  	_ =	shalt  }
0x5d: {  	_ =	shalt  }
0x5e: {  	_ =	shalt  }
0x5f: {  	_ =	shalt  }
0x60: {  	_ =	shalt  }
0x61: {  	_ =	shalt  }
0x62: {  	_ =	shalt  }
0x63: {  	_ =	shalt  }
0x64: {  	_ =	shalt  }
0x65: {  	_ =	shalt  }
0x66: {  	_ =	shalt  }
0x67: {  	_ =	shalt  }
0x68: {  	_ =	shalt  }
0x69: {  	_ =	shalt  }
0x6a: {  	_ =	shalt  }
0x6b: {  	_ =	shalt  }
0x6c: {  	_ =	shalt  }
0x6d: {  	_ =	shalt  }
0x6e: {  	_ =	shalt  }
0x6f: {  	_ =	shalt  }
0x70: {  	_ =	shalt  }
0x71: {  	_ =	shalt  }
0x72: {  	_ =	shalt  }
0x73: {  	_ =	shalt  }
0x74: {  	_ =	shalt  }
0x75: {  	_ =	shalt  }
0x76: {  	_ =	shalt  }
0x77: {  	_ =	shalt  }
0x78: {  	_ =	shalt  }
0x79: {  	_ =	shalt  }
0x7a: {  	_ =	shalt  }
0x7b: {  	_ =	shalt  }
0x7c: {  	_ =	shalt  }
0x7d: {  	_ =	shalt  }
0x7e: {  	_ =	shalt  }
0x7f: {  	_ =	shalt  }
0x80: {  	_ =	shalt  }
0x81: {  	_ =	shalt  }
0x82: {  	_ =	shalt  }
0x83: {  	_ =	shalt  }
0x84: {  	_ =	shalt  }
0x85: {  	_ =	shalt  }
0x86: {  	_ =	shalt  }
0x87: {  	_ =	shalt  }
.Lfunc_end0:
.L_simem_size_0:
called_computation_lowered:
.L_overlay_start_0:
0x88: {  	s2 =	sld [smem:$0x3FD9]  }
0x89: {  	s3 =	sld [smem:$0x3FFE];
	_ =	sdelay $0x1  }
0x8a: {  	s1 =	srdreg.scid  }
0x8b: {  	s0 =	sand.u32 $0x1, s1  }
0x8c: {  	s17 =	sshll.u32 s0, $0xA;
	s2 =	sadd.s32 s3, s2  }
0x8d: {  	s2 =	sadd.s32 s2, s17  }
0x8e: {  	[smem:$0x3FC6] =	sst s2  }
0x8f: {  	_ = 	snop  }
0x90: {  	s2 =	sld [smem:$0x3FC9]  }
0x91: {  	s18 =	sld [smem:$0x3FD0];
	(tm) =	ssettm $0x1  }
0x92: {  	s4 =	sld [smem:$0x3FFB];
	_ =	sdelay $0x3  }
0x93: {  	_ =	strace s4  }
0x94: {  	s4 =	sld [smem:$0x3FFC];
	_ =	sdelay $0x3  }
0x95: {  	_ =	strace s4  }
0x96: {  	s4 =	sld [smem:$0x3FFD];
	_ =	sdelay $0x3  }
0x97: {  	_ =	strace s4  }
0x98: {  	_ =	strace $0x8FFFFFFF  }
0x99: {  	s19 =	sld [smem:$0x3FDB];
	_ =	sdelay $0x1  }
0x9a: {  	s5 =	simm.s32 $_scs_section_size  }
0x9b: {  	s6 =	simm.s32 $_size__tile_overlayer_lowered;
	s7 =	simm.s32 $_tile_overlayer_lowered  }
0x9c: {  	s22 =	simm.s32 $0x1BFF;
	s21 =	sshll.u32 s7, $0x1;
	s4 =	sadd.s32 s5, s19  }
0x9d: {  	s8 =	simm.s32 $0x0;
	s20 =	sshll.u32 s6, $0x1;
	s6 =	sadd.s32 s21, s4  }
0x9e: {  	[timem:s8], [sflag:s22] =	dma.local [hbm:s6], s20  }
0x9f: {  	_ =	swait.ge [sflag:s22], s20  }
0xa0: {  	s5 =	ssub.s32 $0x0, s20;
	[sflag:s22] =	ssyncset.done $0x0  }
0xa1: {  	[sflag:s22] =	ssyncadd.s32 s5;
	_ =	sdelay $0x1  }
0xa2: {  	s23 =	simm.s32 $0x1B8B  }
0xa3: {  	_ =	swait.ge [sflag:s23], $0x1  }
0xa4: {  	[sflag:s23] =	ssyncset.done $0x0  }
0xa5: {  	s25 =	simm.s32 $0x1B8E;
	s24 =	sld [smem:$0x3FFE];
	[sflag:s23] =	ssyncadd.s32 $0xFFFFFFFF  }
0xa6: {  	s26 =	simm.s32 $execute0_lowered;
	[smem:$0x3FD2] =	sst s25  }
0xa7: {  	s6 =	sshll.u32 s26, $0x1;
	_ =	strace $0x80000046;
	[dreg:$0x1] =	wrdreg $0xFFFFFFFF  }
0xa8: {  	s28 =	simm.s32 $_size_execute0_lowered;
	s4 =	sadd.s32 s4, s6;
	[dreg:$0x0] =	wrdreg $0x0  }
0xa9: {  	s6 =	sshll.u32 s28, $0x1;
	[dreg:$0x2] =	wrdreg s4  }
0xaa: {  	[dreg:$0x3] =	wrdreg s6  }
0xab: {  	[dreg:$0x4] =	wrdreg $0xC0  }
0xac: {  	_ =	task [dreg:s8], $0x5FFFF  }
0xad: {  	[dreg:$0x1] =	wrdreg $0xFFFFFFFF  }
0xae: {  	[dreg:$0x0] =	wrdreg $0x60  }
0xaf: {  	[dreg:$0x2] =	wrdreg s2  }
0xb0: {  	[dreg:$0x3] =	wrdreg s24  }
0xb1: {  	[dreg:$0x4] =	wrdreg s18  }
0xb2: {  	[dreg:$0x5] =	wrdreg $0xA0000  }
0xb3: {  	[dreg:$0x6] =	wrdreg $0x13C400  }
0xb4: {  	[dreg:$0x7] =	wrdreg $0x9  }
0xb5: {  	_ =	task.clear_ibuf [dreg:s8], $0x8FFFF;
	_ =	strace $0x90000046  }
0xb6: {  	s29 =	simm.s32 $0x9;
	_ =	strace $0x80000048  }
0xb7: {  	_ =	swait.ge [sflag:s29], $0x1  }
0xb8: {  	[sflag:s29] =	ssyncadd.s32 $0xFFFFFFFF  }
0xb9: {  	_ =	strace $0x90000048  }
0xba: {  	_ =	sfence  }
0xbb: {  	s30 =	sld [smem:$0x0];
	_ =	sdelay $0x2  }
0xbc: {  	s31 =	sshll.u32 s1, $0xD;
	s1 =	sshrl.u32 s1, $0x2  }
0xbd: {  	s3 =	sand.u32 $0x4000, s31;
	s1 =	sadd.s32 s1, s30  }
0xbe: {  	s0 =	sor.u32 s3, s0;
	s1 =	sshll.u32 s1, $0x11  }
0xbf: {  	s0 =	sor.u32 s1, s0  }
0xc0: {  	s0 =	sadd.s32 $0x8F2B, s0  }
0xc1: {  	[sflag:s0] =	ssyncadd.remote.s32 $0x1  }
0xc2: {  	_ =	sfence.sel $0xFFFF  }
0xc3: {  	[dreg:$0x0] =	wrdreg $0xFFFFFFFF;
	(pc) =	sbr.abs _section_cstart, $3  }
0xc4: {  	[dreg:$0x1] =	wrdreg $0xFFFFFFFF  }
0xc5: {  	_ =	task.clear_ibuf [dreg:s8], $0x2FFFF;
	_ =	strace $0x9FFFFFFF  }
0xc6: {  	(tm) =	ssettm $0x7FFFFFFF  }
0xc7: {  	_ =	shalt  }
tec
execute0_lowered:
.L_overlay_start_1:
0x0: {  	(tag) =	ssettag $0x1  }
0x1: {  	s0 =	rddreg [dreg:$0x0]  }
0x2: {  	s3 =	rddreg [dreg:$0x1]  }
0x3: {  	s5 =	rddreg [dreg:$0x2]  }
0x4: {  	s1 =	rddreg [dreg:$0x3]  }
0x5: {  	s2 =	rddreg [dreg:$0x4];
	s4 =	simm.s32 $0x0  }
0x6: {  	s6 =	srdreg.scid;
	s15 =	stileid.u32;
	s31 =	simm.s32 $0x1000  }
0x7: {  	s28 =	simm.s32 $0x80;
	s29 =	simm.s32 $0x4000;
	s8 =	smul.u32 $0x13C00, s15  }
0x8: {  	s30 =	simm.s32 $0x1;
	[smem:$0x7FF] =	sst s4;
	s11 =	smul.u32 $0x27800, s15  }
0x9: {  	s6 =	sand.u32 $0x1, s6;
	s12 =	sadd.s32 $0xA000, s3;
	s26 =	smul.u32 $0x5000, s15  }
0xa: {  	s22 =	smul.u32 $0xA00, s15;
	p0 =	seq.s32 s15, $0xF;
	_ =	strace $0x80000047  }
0xb: {  	s7 =	ssub.s32 $0x2, s6;
	s10 =	sshll.u32 s6, $0x6;
	s6 =	sshll.u32 s6, $0x3  }
0xc: {  	s9 =	sshrl.u32 s7, $0x1;
	s8 =	sor.u32 s10, s8;
	s25 =	sshrl.u32 s11, $0x2  }
0xd: {  	s14 =	sshrl.u32 s26, $0x3;
	s26 =	sadd.s32 s22, s12;
	s7 =	ssub.s32 s7, s9  }
0xe: {  	s10 =	sshrl.u32 s8, $0x3;
	s11 =	sadd.s32 s25, s1;
	s8 =	sadd.s32 s12, s14  }
0xf: {  	s9 =	sadd.s32 s3, s14;
	s20 =	sor.u32 $0x100, s14;
	s14 =	simm.s32 $0x0  }
0x10: {  	s13 =	sadd.s32 s0, s10;
	s0 =	sadd.s32 s6, s0;
	[dreg:$0x8] =	wrdreg s8  }
0x11: {  	s8 =	sadd.s32 s25, s2;
	[dreg:$0x9] =	wrdreg s9;
	s21 =	sadd.s32 s12, s20  }
0x12: {  	s6 =	sadd.s32 s6, s5;
	s23 =	sadd.s32 s5, s10;
	[dreg:$0x6] =	wrdreg s13  }
0x13: {  	s25 =	smax.u32 s7, $0x1;
	s5 =	simm.s32 $0x8000;
	[dreg:$0xe] =	wrdreg s21  }
0x14: {  	s7 =	simm.s32 $0x5;
	s9 =	simm.s32 $0x4;
	[dreg:$0x10] =	wrdreg s23  }
0x15: {  	s10 =	simm.s32 $0x6;
	s0 =	sadd.s32 $0x25080, s0;
	[dreg:$0x12] =	wrdreg s25  }
0x16: {  	s12 =	simm.s32 $0x8;
	s16 =	sadd.s32 $0x2000, s8;
	[dreg:$0x7] =	wrdreg s0  }
0x17: {  	s13 =	sadd.s32 $0x94200, s1;
	s17 =	sadd.s32 $0x4000, s8;
	[dreg:$0xa] =	wrdreg s16  }
0x18: {  	s18 =	sadd.s32 $0x6000, s8;
	s19 =	sadd.s32 $0x8000, s8;
	[dreg:$0xb] =	wrdreg s17  }
0x19: {  	s24 =	sadd.s32 $0x25080, s6;
	s23 =	simm.s32 $0xA;
	[dreg:$0xc] =	wrdreg s18  }
0x1a: {  	s6 =	simm.s32 $0x3;
	[dreg:$0xd] =	wrdreg s19;
	s0 =	sadd.s32 s3, s20  }
0x1b: {  	[dreg:$0x11] =	wrdreg s24;
	s3 =	sadd.s32 s22, s3;
	s20 =	sadd.s32 $0x200, s26  }
0x1c: {  	s22 =	sshrl.u32 @!p0 s11, $0x3;
	s26 =	simm.s32 $0x2000;
	s11 =	simm.s32 $0x7  }
0x1d: {  	[dreg:$0xf] =	wrdreg s0;
	s19 =	sadd.s32 $0x200, s3;
	s3 =	sshrl.u32 @p0 s13, $0x3  }
0x1e: {  	s0 =	sadd.s32 $0x94200, s2;
	s13 =	simm.s32 $0x9;
	[dreg:$0x13] =	wrdreg s3  }
0x1f: {  	v0 =	vimm.f32 $0.0e+00;
	s25 =	sshrl.u32 @p0 s0, $0x3;
	s0 =	simm.s32 $0x6000;
	s3 =	simm.s32 $0x2  }
.LBB2_1:
0x20: {  	s15 =	simm.s32 @p0 $0x1;
	s16 =	simm.s32 @p0 $0x8;
	s21 =	rddreg [dreg:$0x7]  }
0x21: {  	s17 =	simm.s32 @p0 $0x10;
	s18 =	simm.s32 @p0 $0x1FCA;
	s24 =	rddreg [dreg:$0x13]  }
0x22: {  	[spmem:s24@s16], [sflag:s18] =	dma.strided @p0 [hbm:s21@s17], $0x1040, s15, $0x8   }
0x23: {  	s15 =	simm.s32 @p0 $0xA;
	s16 =	stileid.u32  }
0x24: {  	s17 =	simm.s32 @!p0 $0x10;
	_ =	swait.ge @p0 [sflag:s15], $0x1040;
	s16 =	sshll.u32 @!p0 s16, $0x6  }
0x25: {  	[sflag:s15] =	ssyncset.done @p0 $0x0;
	s24 =	sor.u32 @!p0 $0x1C0A, s16;
	s16 =	simm.s32 @!p0 $0x8  }
0x26: {  	s18 =	rddreg [dreg:$0x6];
	[sflag:s15] =	ssyncadd.s32 @p0 $0xFFFFEFC0;
	s15 =	simm.s32 @!p0 $0x1  }
0x27: {  	[spmem:s22@s16], [sflag:s24] =	dma.strided @!p0 [hbm:s18@s17], $0x13C0, s15, $0x8   }
0x28: {  	s15 =	simm.s32 @!p0 $0xA  }
0x29: {  	_ =	swait.ge @!p0 [sflag:s15], $0x13C0  }
0x2a: {  	[sflag:s15] =	ssyncset.done @!p0 $0x0  }
0x2b: {  	s18 =	rddreg [dreg:$0x8];
	[sflag:s15] =	ssyncadd.s32 @!p0 $0xFFFFEC40  }
0x2c: {  	[tilespmem:s4], [sflag:$0xA] =	stream.linear.gather [hbm4b:s18+s4], $0x800, $0x38;
	[tilespmem:$0x1DA40] =	vst v63  }
0x2d: {  	_ =	swait.ge [sflag:s23], $0x800  }
0x2e: {  	[sflag:s23] =	ssyncset.done $0x0  }
0x2f: {  	s21 =	rddreg [dreg:$0x9];
	[sflag:s23] =	ssyncadd.s32 $0xFFFFF800  }
0x30: {  	[tilespmem:s31], [sflag:$0xA] =	stream.linear.gather [hbm4b:s21+s4], $0x800, $0x38;
	[tilespmem:$0x1DA40] =	vst v63  }
0x31: {  	_ =	swait.ge [sflag:s23], $0x800  }
0x32: {  	[sflag:s23] =	ssyncset.done $0x0  }
0x33: {  	s16 =	simm.s32 $0x100;
	s15 =	simm.s32 $0x0;
	[sflag:s23] =	ssyncadd.s32 $0xFFFFF800  }
.LBB2_2:
0x34: {  	p1 =	sne.s32 s16, $0x7F00;
	[tilespmem:s15+$0x2030] =	vst v0;
	s17 =	smov.u32 s16;
	s16 =	sadd.s32 $0x100, s16  }
.Ltmp0:
0x35: {  	[tilespmem:s15+$0x2020] =	vst v0;
	(pc) =	sbr.rel @p1 .LBB2_2-.Ltmp0, $3  }
0x36: {  	[tilespmem:s15+$0x2000] =	vst v0  }
0x37: {  	[tilespmem:s15+$0x2010] =	vst v0;
	_ =	sdelay $0x1  }
0x38: {  	s15 =	sshra.s32 s17, $0x2  }
0x39: {  	[tilespmem:s15+$0x2030] =	vst v0  }
0x3a: {  	[tilespmem:s15+$0x2020] =	vst v0  }
0x3b: {  	[tilespmem:s15+$0x2000] =	vst v0  }
0x3c: {  	[tilespmem:s15+$0x2010] =	vst v0  }
0x3d: {  	[spmem:s8] =	stream.linear.scatter [tilespmem:s26], [sflag:$0xA], $0x2000, $0x38;
	[tilespmem:$0x1DA40] =	vst v63  }
0x3e: {  	_ =	swait.ge [sflag:s23], $0x2000  }
0x3f: {  	[sflag:s23] =	ssyncset.done $0x0  }
0x40: {  	s21 =	rddreg [dreg:$0xa];
	[sflag:s23] =	ssyncadd.s32 $0xFFFFE000  }
0x41: {  	[spmem:s21] =	stream.linear.scatter [tilespmem:s26], [sflag:$0xA], $0x2000, $0x38;
	[tilespmem:$0x1DA40] =	vst v63  }
0x42: {  	_ =	swait.ge [sflag:s23], $0x2000  }
0x43: {  	[sflag:s23] =	ssyncset.done $0x0  }
0x44: {  	s16 =	rddreg [dreg:$0xb];
	[sflag:s23] =	ssyncadd.s32 $0xFFFFE000  }
0x45: {  	[spmem:s16] =	stream.linear.scatter [tilespmem:s26], [sflag:$0xA], $0x2000, $0x38;
	[tilespmem:$0x1DA40] =	vst v63  }
0x46: {  	_ =	swait.ge [sflag:s23], $0x2000  }
0x47: {  	[sflag:s23] =	ssyncset.done $0x0  }
0x48: {  	s17 =	rddreg [dreg:$0xc];
	[sflag:s23] =	ssyncadd.s32 $0xFFFFE000  }
0x49: {  	[spmem:s17] =	stream.linear.scatter [tilespmem:s26], [sflag:$0xA], $0x2000, $0x38;
	[tilespmem:$0x1DA40] =	vst v63  }
0x4a: {  	_ =	swait.ge [sflag:s23], $0x2000  }
0x4b: {  	[sflag:s23] =	ssyncset.done $0x0  }
0x4c: {  	s18 =	rddreg [dreg:$0xd];
	[sflag:s23] =	ssyncadd.s32 $0xFFFFE000  }
0x4d: {  	[spmem:s18] =	stream.linear.scatter [tilespmem:s26], [sflag:$0xA], $0x1E00, $0x38;
	[tilespmem:$0x1DA40] =	vst v63  }
0x4e: {  	_ =	swait.ge [sflag:s23], $0x1E00  }
0x4f: {  	[sflag:s23] =	ssyncset.done $0x0  }
0x50: {  	[sflag:s23] =	ssyncadd.s32 $0xFFFFE200  }
0x51: {  	[bflag:$0x0] =	sbarrier.arrive $0xFFFF  }
0x52: {  	[tilespmem:s26], [sflag:$0x1] =	stream.indirect.gather [spmem:s1], $0x40, s4, s28, $0xb8;
	[tilespmem:$0x1DA40] =	vst v63  }
0x53: {  	_ = 	snop  }
0x54: {  	[tilespmem:s29], [sflag:$0x2] =	stream.indirect.gather [spmem:s1], $0x40, s28, s28, $0xb8;
	[tilespmem:$0x1DA40] =	vst v63  }
0x55: {  	_ =	swait.ge [sflag:s30], $0x2000  }
0x56: {  	[sflag:s30] =	ssyncset.done $0x0  }
0x57: {  	[sflag:s30] =	ssyncadd.s32 $0xFFFFE000  }
0x58: {  	[spmem:s2] =	stream.indirect.scatter.add.f32 [tilespmem:s26], [sflag:$0x5], $0x40, s31, s28, $0xb8;
	[tilespmem:$0x1DA40] =	vst v63  }
0x59: {  	s15 =	simm.s32 $0x800;
	s16 =	rddreg [dreg:$0xe]  }
0x5a: {  	[tilespmem:s15], [sflag:$0x9] =	stream.linear.gather [hbm4b:s16+s4], $0x800, $0x38;
	[tilespmem:$0x1DA40] =	vst v63  }
0x5b: {  	s17 =	simm.s32 $0x1800;
	s21 =	rddreg [dreg:$0xf]  }
0x5c: {  	[tilespmem:s17], [sflag:$0x9] =	stream.linear.gather [hbm4b:s21+s4], $0x800, $0x38;
	[tilespmem:$0x1DA40] =	vst v63  }
0x5d: {  	s31 =	simm.s32 $0x100  }
0x5e: {  	[tilespmem:s0], [sflag:$0x3] =	stream.indirect.gather [spmem:s1], $0x40, s31, s28, $0xb8;
	[tilespmem:$0x1DA40] =	vst v63  }
0x5f: {  	_ =	swait.ge [sflag:s3], $0x2000  }
0x60: {  	[sflag:s3] =	ssyncset.done $0x0  }
0x61: {  	s17 =	simm.s32 $0x1080;
	[sflag:s3] =	ssyncadd.s32 $0xFFFFE000  }
0x62: {  	[spmem:s2] =	stream.indirect.scatter.add.f32 [tilespmem:s29], [sflag:$0x6], $0x40, s17, s28, $0xb8;
	[tilespmem:$0x1DA40] =	vst v63  }
0x63: {  	s18 =	simm.s32 $0x180  }
0x64: {  	[tilespmem:s5], [sflag:$0x4] =	stream.indirect.gather [spmem:s1], $0x40, s18, s28, $0xb8;
	[tilespmem:$0x1DA40] =	vst v63  }
0x65: {  	_ =	swait.ge [sflag:s6], $0x2000  }
0x66: {  	[sflag:s6] =	ssyncset.done $0x0  }
0x67: {  	s21 =	simm.s32 $0x1100;
	[sflag:s6] =	ssyncadd.s32 $0xFFFFE000  }
0x68: {  	[spmem:s2] =	stream.indirect.scatter.add.f32 [tilespmem:s0], [sflag:$0x7], $0x40, s21, s28, $0xb8;
	[tilespmem:$0x1DA40] =	vst v63  }
0x69: {  	_ =	swait.ge [sflag:s7], $0x2000  }
0x6a: {  	[sflag:s7] =	ssyncset.done $0x0  }
0x6b: {  	s31 =	simm.s32 $0x200;
	[sflag:s7] =	ssyncadd.s32 $0xFFFFE000  }
0x6c: {  	[tilespmem:s26], [sflag:$0x1] =	stream.indirect.gather [spmem:s1], $0x40, s31, s28, $0xb8;
	[tilespmem:$0x1DA40] =	vst v63  }
0x6d: {  	_ =	swait.ge [sflag:s9], $0x2000  }
0x6e: {  	[sflag:s9] =	ssyncset.done $0x0  }
0x6f: {  	s17 =	simm.s32 $0x1180;
	[sflag:s9] =	ssyncadd.s32 $0xFFFFE000  }
0x70: {  	[spmem:s2] =	stream.indirect.scatter.add.f32 [tilespmem:s5], [sflag:$0x8], $0x40, s17, s28, $0xb8;
	[tilespmem:$0x1DA40] =	vst v63  }
0x71: {  	_ =	swait.ge [sflag:s10], $0x2000  }
0x72: {  	[sflag:s10] =	ssyncset.done $0x0  }
0x73: {  	s18 =	simm.s32 $0x280;
	[sflag:s10] =	ssyncadd.s32 $0xFFFFE000  }
0x74: {  	[tilespmem:s29], [sflag:$0x2] =	stream.indirect.gather [spmem:s1], $0x40, s18, s28, $0xb8;
	[tilespmem:$0x1DA40] =	vst v63  }
0x75: {  	_ =	swait.ge [sflag:s30], $0x2000  }
0x76: {  	[sflag:s30] =	ssyncset.done $0x0  }
0x77: {  	s21 =	simm.s32 $0x1200;
	[sflag:s30] =	ssyncadd.s32 $0xFFFFE000  }
0x78: {  	[spmem:s2] =	stream.indirect.scatter.add.f32 [tilespmem:s26], [sflag:$0x5], $0x40, s21, s28, $0xb8;
	[tilespmem:$0x1DA40] =	vst v63  }
0x79: {  	_ =	swait.ge [sflag:s11], $0x2000  }
0x7a: {  	[sflag:s11] =	ssyncset.done $0x0  }
0x7b: {  	s31 =	simm.s32 $0x300;
	[sflag:s11] =	ssyncadd.s32 $0xFFFFE000  }
0x7c: {  	[tilespmem:s0], [sflag:$0x3] =	stream.indirect.gather [spmem:s1], $0x40, s31, s28, $0xb8;
	[tilespmem:$0x1DA40] =	vst v63  }
0x7d: {  	_ =	swait.ge [sflag:s3], $0x2000  }
0x7e: {  	[sflag:s3] =	ssyncset.done $0x0  }
0x7f: {  	s17 =	simm.s32 $0x1280;
	[sflag:s3] =	ssyncadd.s32 $0xFFFFE000  }
0x80: {  	[spmem:s2] =	stream.indirect.scatter.add.f32 [tilespmem:s29], [sflag:$0x6], $0x40, s17, s28, $0xb8;
	[tilespmem:$0x1DA40] =	vst v63  }
0x81: {  	_ =	swait.ge [sflag:s12], $0x2000  }
0x82: {  	[sflag:s12] =	ssyncset.done $0x0  }
0x83: {  	s18 =	simm.s32 $0x380;
	[sflag:s12] =	ssyncadd.s32 $0xFFFFE000  }
0x84: {  	[tilespmem:s5], [sflag:$0x4] =	stream.indirect.gather [spmem:s1], $0x40, s18, s28, $0xb8;
	[tilespmem:$0x1DA40] =	vst v63  }
0x85: {  	_ =	swait.ge [sflag:s6], $0x2000  }
0x86: {  	[sflag:s6] =	ssyncset.done $0x0  }
0x87: {  	s21 =	simm.s32 $0x1300;
	[sflag:s6] =	ssyncadd.s32 $0xFFFFE000  }
0x88: {  	[spmem:s2] =	stream.indirect.scatter.add.f32 [tilespmem:s0], [sflag:$0x7], $0x40, s21, s28, $0xb8;
	[tilespmem:$0x1DA40] =	vst v63  }
0x89: {  	_ =	swait.ge [sflag:s7], $0x2000  }
0x8a: {  	[sflag:s7] =	ssyncset.done $0x0  }
0x8b: {  	s31 =	simm.s32 $0x400;
	[sflag:s7] =	ssyncadd.s32 $0xFFFFE000  }
0x8c: {  	[tilespmem:s26], [sflag:$0x1] =	stream.indirect.gather [spmem:s1], $0x40, s31, s28, $0xb8;
	[tilespmem:$0x1DA40] =	vst v63  }
0x8d: {  	_ =	swait.ge [sflag:s9], $0x2000  }
0x8e: {  	[sflag:s9] =	ssyncset.done $0x0  }
0x8f: {  	s17 =	simm.s32 $0x1380;
	[sflag:s9] =	ssyncadd.s32 $0xFFFFE000  }
0x90: {  	[spmem:s2] =	stream.indirect.scatter.add.f32 [tilespmem:s5], [sflag:$0x8], $0x40, s17, s28, $0xb8;
	[tilespmem:$0x1DA40] =	vst v63  }
0x91: {  	_ =	swait.ge [sflag:s10], $0x2000  }
0x92: {  	[sflag:s10] =	ssyncset.done $0x0  }
0x93: {  	s18 =	simm.s32 $0x480;
	[sflag:s10] =	ssyncadd.s32 $0xFFFFE000  }
0x94: {  	[tilespmem:s29], [sflag:$0x2] =	stream.indirect.gather [spmem:s1], $0x40, s18, s28, $0xb8;
	[tilespmem:$0x1DA40] =	vst v63  }
0x95: {  	_ =	swait.ge [sflag:s30], $0x2000  }
0x96: {  	[sflag:s30] =	ssyncset.done $0x0  }
0x97: {  	s21 =	simm.s32 $0x1400;
	[sflag:s30] =	ssyncadd.s32 $0xFFFFE000  }
0x98: {  	[spmem:s2] =	stream.indirect.scatter.add.f32 [tilespmem:s26], [sflag:$0x5], $0x40, s21, s28, $0xb8;
	[tilespmem:$0x1DA40] =	vst v63  }
0x99: {  	_ =	swait.ge [sflag:s11], $0x2000  }
0x9a: {  	[sflag:s11] =	ssyncset.done $0x0  }
0x9b: {  	s31 =	simm.s32 $0x500;
	[sflag:s11] =	ssyncadd.s32 $0xFFFFE000  }
0x9c: {  	[tilespmem:s0], [sflag:$0x3] =	stream.indirect.gather [spmem:s1], $0x40, s31, s28, $0xb8;
	[tilespmem:$0x1DA40] =	vst v63  }
0x9d: {  	_ =	swait.ge [sflag:s3], $0x2000  }
0x9e: {  	[sflag:s3] =	ssyncset.done $0x0  }
0x9f: {  	s17 =	simm.s32 $0x1480;
	[sflag:s3] =	ssyncadd.s32 $0xFFFFE000  }
0xa0: {  	[spmem:s2] =	stream.indirect.scatter.add.f32 [tilespmem:s29], [sflag:$0x6], $0x40, s17, s28, $0xb8;
	[tilespmem:$0x1DA40] =	vst v63  }
0xa1: {  	_ =	swait.ge [sflag:s12], $0x2000  }
0xa2: {  	[sflag:s12] =	ssyncset.done $0x0  }
0xa3: {  	s18 =	simm.s32 $0x580;
	[sflag:s12] =	ssyncadd.s32 $0xFFFFE000  }
0xa4: {  	[tilespmem:s5], [sflag:$0x4] =	stream.indirect.gather [spmem:s1], $0x40, s18, s28, $0xb8;
	[tilespmem:$0x1DA40] =	vst v63  }
0xa5: {  	_ =	swait.ge [sflag:s6], $0x2000  }
0xa6: {  	[sflag:s6] =	ssyncset.done $0x0  }
0xa7: {  	s21 =	simm.s32 $0x1500;
	[sflag:s6] =	ssyncadd.s32 $0xFFFFE000  }
0xa8: {  	[spmem:s2] =	stream.indirect.scatter.add.f32 [tilespmem:s0], [sflag:$0x7], $0x40, s21, s28, $0xb8;
	[tilespmem:$0x1DA40] =	vst v63  }
0xa9: {  	_ =	swait.ge [sflag:s7], $0x2000  }
0xaa: {  	[sflag:s7] =	ssyncset.done $0x0  }
0xab: {  	s31 =	simm.s32 $0x600;
	[sflag:s7] =	ssyncadd.s32 $0xFFFFE000  }
0xac: {  	[tilespmem:s26], [sflag:$0x1] =	stream.indirect.gather [spmem:s1], $0x40, s31, s28, $0xb8;
	[tilespmem:$0x1DA40] =	vst v63  }
0xad: {  	_ =	swait.ge [sflag:s9], $0x2000  }
0xae: {  	[sflag:s9] =	ssyncset.done $0x0  }
0xaf: {  	s17 =	simm.s32 $0x1580;
	[sflag:s9] =	ssyncadd.s32 $0xFFFFE000  }
0xb0: {  	[spmem:s2] =	stream.indirect.scatter.add.f32 [tilespmem:s5], [sflag:$0x8], $0x40, s17, s28, $0xb8;
	[tilespmem:$0x1DA40] =	vst v63  }
0xb1: {  	_ =	swait.ge [sflag:s10], $0x2000  }
0xb2: {  	[sflag:s10] =	ssyncset.done $0x0  }
0xb3: {  	s18 =	simm.s32 $0x680;
	[sflag:s10] =	ssyncadd.s32 $0xFFFFE000  }
0xb4: {  	[tilespmem:s29], [sflag:$0x2] =	stream.indirect.gather [spmem:s1], $0x40, s18, s28, $0xb8;
	[tilespmem:$0x1DA40] =	vst v63  }
0xb5: {  	_ =	swait.ge [sflag:s30], $0x2000  }
0xb6: {  	[sflag:s30] =	ssyncset.done $0x0  }
0xb7: {  	s21 =	simm.s32 $0x1600;
	[sflag:s30] =	ssyncadd.s32 $0xFFFFE000  }
0xb8: {  	[spmem:s2] =	stream.indirect.scatter.add.f32 [tilespmem:s26], [sflag:$0x5], $0x40, s21, s28, $0xb8;
	[tilespmem:$0x1DA40] =	vst v63  }
0xb9: {  	_ =	swait.ge [sflag:s11], $0x2000  }
0xba: {  	[sflag:s11] =	ssyncset.done $0x0  }
0xbb: {  	s31 =	simm.s32 $0x700;
	[sflag:s11] =	ssyncadd.s32 $0xFFFFE000  }
0xbc: {  	[tilespmem:s0], [sflag:$0x3] =	stream.indirect.gather [spmem:s1], $0x40, s31, s28, $0xb8;
	[tilespmem:$0x1DA40] =	vst v63  }
0xbd: {  	_ =	swait.ge [sflag:s3], $0x2000  }
0xbe: {  	[sflag:s3] =	ssyncset.done $0x0  }
0xbf: {  	s17 =	simm.s32 $0x1680;
	[sflag:s3] =	ssyncadd.s32 $0xFFFFE000  }
0xc0: {  	[spmem:s2] =	stream.indirect.scatter.add.f32 [tilespmem:s29], [sflag:$0x6], $0x40, s17, s28, $0xb8;
	[tilespmem:$0x1DA40] =	vst v63  }
0xc1: {  	_ =	swait.ge [sflag:s12], $0x2000  }
0xc2: {  	[sflag:s12] =	ssyncset.done $0x0  }
0xc3: {  	s18 =	simm.s32 $0x780;
	[sflag:s12] =	ssyncadd.s32 $0xFFFFE000  }
0xc4: {  	[tilespmem:s5], [sflag:$0x4] =	stream.indirect.gather [spmem:s1], $0x40, s18, s28, $0xb8;
	[tilespmem:$0x1DA40] =	vst v63  }
0xc5: {  	_ =	swait.ge [sflag:s6], $0x2000  }
0xc6: {  	[sflag:s6] =	ssyncset.done $0x0  }
0xc7: {  	s21 =	simm.s32 $0x1700;
	[sflag:s6] =	ssyncadd.s32 $0xFFFFE000  }
0xc8: {  	[spmem:s2] =	stream.indirect.scatter.add.f32 [tilespmem:s0], [sflag:$0x7], $0x40, s21, s28, $0xb8;
	[tilespmem:$0x1DA40] =	vst v63  }
0xc9: {  	_ =	swait.ge [sflag:s7], $0x2000  }
0xca: {  	[sflag:s7] =	ssyncset.done $0x0  }
0xcb: {  	[sflag:s7] =	ssyncadd.s32 $0xFFFFE000  }
0xcc: {  	_ =	swait.ge [sflag:s13], $0x800  }
0xcd: {  	[sflag:s13] =	ssyncset.done $0x0  }
0xce: {  	[sflag:s13] =	ssyncadd.s32 $0xFFFFF800  }
0xcf: {  	_ =	swait.ge [sflag:s13], $0x800  }
0xd0: {  	[sflag:s13] =	ssyncset.done $0x0  }
0xd1: {  	[sflag:s13] =	ssyncadd.s32 $0xFFFFF800  }
0xd2: {  	[tilespmem:s26], [sflag:$0x1] =	stream.indirect.gather [spmem:s1], $0x40, s15, s28, $0xb8;
	[tilespmem:$0x1DA40] =	vst v63  }
0xd3: {  	_ =	swait.ge [sflag:s9], $0x2000  }
0xd4: {  	[sflag:s9] =	ssyncset.done $0x0  }
0xd5: {  	s31 =	simm.s32 $0x1780;
	[sflag:s9] =	ssyncadd.s32 $0xFFFFE000  }
0xd6: {  	[spmem:s2] =	stream.indirect.scatter.add.f32 [tilespmem:s5], [sflag:$0x8], $0x40, s31, s28, $0xb8;
	[tilespmem:$0x1DA40] =	vst v63  }
0xd7: {  	_ =	swait.ge [sflag:s10], $0x2000  }
0xd8: {  	[sflag:s10] =	ssyncset.done $0x0  }
0xd9: {  	s17 =	simm.s32 $0x880;
	[sflag:s10] =	ssyncadd.s32 $0xFFFFE000  }
0xda: {  	[tilespmem:s29], [sflag:$0x2] =	stream.indirect.gather [spmem:s1], $0x40, s17, s28, $0xb8;
	[tilespmem:$0x1DA40] =	vst v63  }
0xdb: {  	_ =	swait.ge [sflag:s30], $0x2000  }
0xdc: {  	s17 =	sand.u32 $0x800, s15;
	[sflag:s30] =	ssyncset.done $0x0  }
0xdd: {  	s15 =	sor.u32 $0x1000, s17;
	[sflag:s30] =	ssyncadd.s32 $0xFFFFE000  }
0xde: {  	[spmem:s2] =	stream.indirect.scatter.add.f32 [tilespmem:s26], [sflag:$0x5], $0x40, s15, s28, $0xb8;
	[tilespmem:$0x1DA40] =	vst v63  }
0xdf: {  	s15 =	sxor.u32 $0x800, s17  }
0xe0: {  	[tilespmem:s15], [sflag:$0x9] =	stream.linear.gather [hbm4b:s20+s4], $0x800, $0x38;
	[tilespmem:$0x1DA40] =	vst v63  }
0xe1: {  	s18 =	sxor.u32 $0x1800, s17  }
0xe2: {  	[tilespmem:s18], [sflag:$0x9] =	stream.linear.gather [hbm4b:s19+s4], $0x800, $0x38;
	[tilespmem:$0x1DA40] =	vst v63  }
0xe3: {  	_ =	swait.ge [sflag:s11], $0x2000  }
0xe4: {  	[sflag:s11] =	ssyncset.done $0x0  }
0xe5: {  	s21 =	sor.u32 $0x100, s17;
	[sflag:s11] =	ssyncadd.s32 $0xFFFFE000  }
0xe6: {  	[tilespmem:s0], [sflag:$0x3] =	stream.indirect.gather [spmem:s1], $0x40, s21, s28, $0xb8;
	[tilespmem:$0x1DA40] =	vst v63  }
0xe7: {  	_ =	swait.ge [sflag:s3], $0x2000  }
0xe8: {  	[sflag:s3] =	ssyncset.done $0x0  }
0xe9: {  	s31 =	sor.u32 $0x1080, s17;
	[sflag:s3] =	ssyncadd.s32 $0xFFFFE000  }
0xea: {  	[spmem:s2] =	stream.indirect.scatter.add.f32 [tilespmem:s29], [sflag:$0x6], $0x40, s31, s28, $0xb8;
	[tilespmem:$0x1DA40] =	vst v63  }
0xeb: {  	_ =	swait.ge [sflag:s12], $0x2000  }
0xec: {  	[sflag:s12] =	ssyncset.done $0x0  }
0xed: {  	s18 =	sor.u32 $0x180, s17;
	[sflag:s12] =	ssyncadd.s32 $0xFFFFE000  }
0xee: {  	[tilespmem:s5], [sflag:$0x4] =	stream.indirect.gather [spmem:s1], $0x40, s18, s28, $0xb8;
	[tilespmem:$0x1DA40] =	vst v63  }
0xef: {  	_ =	swait.ge [sflag:s6], $0x2000  }
0xf0: {  	[sflag:s6] =	ssyncset.done $0x0  }
0xf1: {  	s21 =	sor.u32 $0x1100, s17;
	[sflag:s6] =	ssyncadd.s32 $0xFFFFE000  }
0xf2: {  	[spmem:s2] =	stream.indirect.scatter.add.f32 [tilespmem:s0], [sflag:$0x7], $0x40, s21, s28, $0xb8;
	[tilespmem:$0x1DA40] =	vst v63  }
0xf3: {  	_ =	swait.ge [sflag:s7], $0x2000  }
0xf4: {  	[sflag:s7] =	ssyncset.done $0x0  }
0xf5: {  	s31 =	sor.u32 $0x200, s17;
	[sflag:s7] =	ssyncadd.s32 $0xFFFFE000  }
0xf6: {  	[tilespmem:s26], [sflag:$0x1] =	stream.indirect.gather [spmem:s1], $0x40, s31, s28, $0xb8;
	[tilespmem:$0x1DA40] =	vst v63  }
0xf7: {  	_ =	swait.ge [sflag:s9], $0x2000  }
0xf8: {  	[sflag:s9] =	ssyncset.done $0x0  }
0xf9: {  	s18 =	sor.u32 $0x1180, s17;
	[sflag:s9] =	ssyncadd.s32 $0xFFFFE000  }
0xfa: {  	[spmem:s2] =	stream.indirect.scatter.add.f32 [tilespmem:s5], [sflag:$0x8], $0x40, s18, s28, $0xb8;
	[tilespmem:$0x1DA40] =	vst v63  }
0xfb: {  	_ =	swait.ge [sflag:s10], $0x2000  }
0xfc: {  	[sflag:s10] =	ssyncset.done $0x0  }
0xfd: {  	s21 =	sor.u32 $0x280, s17;
	[sflag:s10] =	ssyncadd.s32 $0xFFFFE000  }
0xfe: {  	[tilespmem:s29], [sflag:$0x2] =	stream.indirect.gather [spmem:s1], $0x40, s21, s28, $0xb8;
	[tilespmem:$0x1DA40] =	vst v63  }
0xff: {  	_ =	swait.ge [sflag:s30], $0x2000  }
0x100: {  	[sflag:s30] =	ssyncset.done $0x0  }
0x101: {  	s31 =	sor.u32 $0x1200, s17;
	[sflag:s30] =	ssyncadd.s32 $0xFFFFE000  }
0x102: {  	[spmem:s2] =	stream.indirect.scatter.add.f32 [tilespmem:s26], [sflag:$0x5], $0x40, s31, s28, $0xb8;
	[tilespmem:$0x1DA40] =	vst v63  }
0x103: {  	_ =	swait.ge [sflag:s11], $0x2000  }
0x104: {  	[sflag:s11] =	ssyncset.done $0x0  }
0x105: {  	s18 =	sor.u32 $0x300, s17;
	[sflag:s11] =	ssyncadd.s32 $0xFFFFE000  }
0x106: {  	[tilespmem:s0], [sflag:$0x3] =	stream.indirect.gather [spmem:s1], $0x40, s18, s28, $0xb8;
	[tilespmem:$0x1DA40] =	vst v63  }
0x107: {  	_ =	swait.ge [sflag:s3], $0x2000  }
0x108: {  	[sflag:s3] =	ssyncset.done $0x0  }
0x109: {  	s21 =	sor.u32 $0x1280, s17;
	[sflag:s3] =	ssyncadd.s32 $0xFFFFE000  }
0x10a: {  	[spmem:s2] =	stream.indirect.scatter.add.f32 [tilespmem:s29], [sflag:$0x6], $0x40, s21, s28, $0xb8;
	[tilespmem:$0x1DA40] =	vst v63  }
0x10b: {  	_ =	swait.ge [sflag:s12], $0x2000  }
0x10c: {  	[sflag:s12] =	ssyncset.done $0x0  }
0x10d: {  	s31 =	sor.u32 $0x380, s17;
	[sflag:s12] =	ssyncadd.s32 $0xFFFFE000  }
0x10e: {  	[tilespmem:s5], [sflag:$0x4] =	stream.indirect.gather [spmem:s1], $0x40, s31, s28, $0xb8;
	[tilespmem:$0x1DA40] =	vst v63  }
0x10f: {  	_ =	swait.ge [sflag:s6], $0x2000  }
0x110: {  	[sflag:s6] =	ssyncset.done $0x0  }
0x111: {  	s18 =	sor.u32 $0x1300, s17;
	[sflag:s6] =	ssyncadd.s32 $0xFFFFE000  }
0x112: {  	[spmem:s2] =	stream.indirect.scatter.add.f32 [tilespmem:s0], [sflag:$0x7], $0x40, s18, s28, $0xb8;
	[tilespmem:$0x1DA40] =	vst v63  }
0x113: {  	_ =	swait.ge [sflag:s7], $0x2000  }
0x114: {  	[sflag:s7] =	ssyncset.done $0x0  }
0x115: {  	s21 =	sor.u32 $0x400, s17;
	[sflag:s7] =	ssyncadd.s32 $0xFFFFE000  }
0x116: {  	[tilespmem:s26], [sflag:$0x1] =	stream.indirect.gather [spmem:s1], $0x40, s21, s28, $0xb8;
	[tilespmem:$0x1DA40] =	vst v63  }
0x117: {  	_ =	swait.ge [sflag:s9], $0x2000  }
0x118: {  	[sflag:s9] =	ssyncset.done $0x0  }
0x119: {  	s31 =	sor.u32 $0x1380, s17;
	[sflag:s9] =	ssyncadd.s32 $0xFFFFE000  }
0x11a: {  	[spmem:s2] =	stream.indirect.scatter.add.f32 [tilespmem:s5], [sflag:$0x8], $0x40, s31, s28, $0xb8;
	[tilespmem:$0x1DA40] =	vst v63  }
0x11b: {  	_ =	swait.ge [sflag:s10], $0x2000  }
0x11c: {  	[sflag:s10] =	ssyncset.done $0x0  }
0x11d: {  	s18 =	sor.u32 $0x480, s17;
	[sflag:s10] =	ssyncadd.s32 $0xFFFFE000  }
0x11e: {  	[tilespmem:s29], [sflag:$0x2] =	stream.indirect.gather [spmem:s1], $0x40, s18, s28, $0xb8;
	[tilespmem:$0x1DA40] =	vst v63  }
0x11f: {  	_ =	swait.ge [sflag:s30], $0x2000  }
0x120: {  	[sflag:s30] =	ssyncset.done $0x0  }
0x121: {  	s21 =	sor.u32 $0x1400, s17;
	[sflag:s30] =	ssyncadd.s32 $0xFFFFE000  }
0x122: {  	[spmem:s2] =	stream.indirect.scatter.add.f32 [tilespmem:s26], [sflag:$0x5], $0x40, s21, s28, $0xb8;
	[tilespmem:$0x1DA40] =	vst v63  }
0x123: {  	_ =	swait.ge [sflag:s11], $0x2000  }
0x124: {  	[sflag:s11] =	ssyncset.done $0x0  }
0x125: {  	s31 =	sor.u32 $0x500, s17;
	[sflag:s11] =	ssyncadd.s32 $0xFFFFE000  }
0x126: {  	[tilespmem:s0], [sflag:$0x3] =	stream.indirect.gather [spmem:s1], $0x40, s31, s28, $0xb8;
	[tilespmem:$0x1DA40] =	vst v63  }
0x127: {  	_ =	swait.ge [sflag:s3], $0x2000  }
0x128: {  	[sflag:s3] =	ssyncset.done $0x0  }
0x129: {  	s18 =	sor.u32 $0x1480, s17;
	[sflag:s3] =	ssyncadd.s32 $0xFFFFE000  }
0x12a: {  	[spmem:s2] =	stream.indirect.scatter.add.f32 [tilespmem:s29], [sflag:$0x6], $0x40, s18, s28, $0xb8;
	[tilespmem:$0x1DA40] =	vst v63  }
0x12b: {  	_ =	swait.ge [sflag:s12], $0x2000  }
0x12c: {  	[sflag:s12] =	ssyncset.done $0x0  }
0x12d: {  	s21 =	sor.u32 $0x580, s17;
	[sflag:s12] =	ssyncadd.s32 $0xFFFFE000  }
0x12e: {  	[tilespmem:s5], [sflag:$0x4] =	stream.indirect.gather [spmem:s1], $0x40, s21, s28, $0xb8;
	[tilespmem:$0x1DA40] =	vst v63  }
0x12f: {  	_ =	swait.ge [sflag:s6], $0x2000  }
0x130: {  	[sflag:s6] =	ssyncset.done $0x0  }
0x131: {  	s31 =	sor.u32 $0x1500, s17;
	[sflag:s6] =	ssyncadd.s32 $0xFFFFE000  }
0x132: {  	[spmem:s2] =	stream.indirect.scatter.add.f32 [tilespmem:s0], [sflag:$0x7], $0x40, s31, s28, $0xb8;
	[tilespmem:$0x1DA40] =	vst v63  }
0x133: {  	_ =	swait.ge [sflag:s7], $0x2000  }
0x134: {  	[sflag:s7] =	ssyncset.done $0x0  }
0x135: {  	s18 =	sor.u32 $0x600, s17;
	[sflag:s7] =	ssyncadd.s32 $0xFFFFE000  }
0x136: {  	[tilespmem:s26], [sflag:$0x1] =	stream.indirect.gather [spmem:s1], $0x40, s18, s28, $0xb8;
	[tilespmem:$0x1DA40] =	vst v63  }
0x137: {  	_ =	swait.ge [sflag:s9], $0x2000  }
0x138: {  	[sflag:s9] =	ssyncset.done $0x0  }
0x139: {  	s21 =	sor.u32 $0x1580, s17;
	[sflag:s9] =	ssyncadd.s32 $0xFFFFE000  }
0x13a: {  	[spmem:s2] =	stream.indirect.scatter.add.f32 [tilespmem:s5], [sflag:$0x8], $0x40, s21, s28, $0xb8;
	[tilespmem:$0x1DA40] =	vst v63  }
0x13b: {  	_ =	swait.ge [sflag:s10], $0x2000  }
0x13c: {  	[sflag:s10] =	ssyncset.done $0x0  }
0x13d: {  	s31 =	sor.u32 $0x680, s17;
	[sflag:s10] =	ssyncadd.s32 $0xFFFFE000  }
0x13e: {  	[tilespmem:s29], [sflag:$0x2] =	stream.indirect.gather [spmem:s1], $0x40, s31, s28, $0xb8;
	[tilespmem:$0x1DA40] =	vst v63  }
0x13f: {  	_ =	swait.ge [sflag:s30], $0x2000  }
0x140: {  	[sflag:s30] =	ssyncset.done $0x0  }
0x141: {  	s18 =	sor.u32 $0x1600, s17;
	[sflag:s30] =	ssyncadd.s32 $0xFFFFE000  }
0x142: {  	[spmem:s2] =	stream.indirect.scatter.add.f32 [tilespmem:s26], [sflag:$0x5], $0x40, s18, s28, $0xb8;
	[tilespmem:$0x1DA40] =	vst v63  }
0x143: {  	_ =	swait.ge [sflag:s11], $0x2000  }
0x144: {  	[sflag:s11] =	ssyncset.done $0x0  }
0x145: {  	s21 =	sor.u32 $0x700, s17;
	[sflag:s11] =	ssyncadd.s32 $0xFFFFE000  }
0x146: {  	[tilespmem:s0], [sflag:$0x3] =	stream.indirect.gather [spmem:s1], $0x40, s21, s28, $0xb8;
	[tilespmem:$0x1DA40] =	vst v63  }
0x147: {  	_ =	swait.ge [sflag:s3], $0x2000  }
0x148: {  	[sflag:s3] =	ssyncset.done $0x0  }
0x149: {  	s31 =	sor.u32 $0x1680, s17;
	[sflag:s3] =	ssyncadd.s32 $0xFFFFE000  }
0x14a: {  	[spmem:s2] =	stream.indirect.scatter.add.f32 [tilespmem:s29], [sflag:$0x6], $0x40, s31, s28, $0xb8;
	[tilespmem:$0x1DA40] =	vst v63  }
0x14b: {  	_ =	swait.ge [sflag:s12], $0x2000  }
0x14c: {  	[sflag:s12] =	ssyncset.done $0x0  }
0x14d: {  	s18 =	sor.u32 $0x780, s17;
	[sflag:s12] =	ssyncadd.s32 $0xFFFFE000  }
0x14e: {  	[tilespmem:s5], [sflag:$0x4] =	stream.indirect.gather [spmem:s1], $0x40, s18, s28, $0xb8;
	[tilespmem:$0x1DA40] =	vst v63  }
0x14f: {  	_ =	swait.ge [sflag:s6], $0x2000  }
0x150: {  	[sflag:s6] =	ssyncset.done $0x0  }
0x151: {  	s21 =	sor.u32 $0x1700, s17;
	[sflag:s6] =	ssyncadd.s32 $0xFFFFE000  }
0x152: {  	[spmem:s2] =	stream.indirect.scatter.add.f32 [tilespmem:s0], [sflag:$0x7], $0x40, s21, s28, $0xb8;
	[tilespmem:$0x1DA40] =	vst v63  }
0x153: {  	_ =	swait.ge [sflag:s7], $0x2000  }
0x154: {  	[sflag:s7] =	ssyncset.done $0x0  }
0x155: {  	[sflag:s7] =	ssyncadd.s32 $0xFFFFE000  }
0x156: {  	_ =	swait.ge [sflag:s13], $0x800  }
0x157: {  	[sflag:s13] =	ssyncset.done $0x0  }
0x158: {  	[sflag:s13] =	ssyncadd.s32 $0xFFFFF800  }
0x159: {  	_ =	swait.ge [sflag:s13], $0x800  }
0x15a: {  	[sflag:s13] =	ssyncset.done $0x0  }
0x15b: {  	[sflag:s13] =	ssyncadd.s32 $0xFFFFF800  }
0x15c: {  	[tilespmem:s26], [sflag:$0x1] =	stream.indirect.gather [spmem:s1], $0x40, s15, s28, $0xb8;
	[tilespmem:$0x1DA40] =	vst v63  }
0x15d: {  	_ =	swait.ge [sflag:s9], $0x2000  }
0x15e: {  	[sflag:s9] =	ssyncset.done $0x0  }
0x15f: {  	s31 =	sor.u32 $0x1780, s17;
	[sflag:s9] =	ssyncadd.s32 $0xFFFFE000  }
0x160: {  	[spmem:s2] =	stream.indirect.scatter.add.f32 [tilespmem:s5], [sflag:$0x8], $0x40, s31, s28, $0xb8;
	[tilespmem:$0x1DA40] =	vst v63  }
0x161: {  	_ =	swait.ge [sflag:s10], $0x2000  }
0x162: {  	s16 =	sadd.s32 $0x100, s20;
	s18 =	sxor.u32 $0x880, s17;
	[sflag:s10] =	ssyncset.done $0x0  }
0x163: {  	s17 =	sadd.s32 $0x100, s19;
	s15 =	simm.s32 $0x1000;
	[sflag:s10] =	ssyncadd.s32 $0xFFFFE000  }
.LBB2_4:
0x164: {  	[tilespmem:s29], [sflag:$0x2] =	stream.indirect.gather [spmem:s1], $0x40, s18, s28, $0xb8;
	[tilespmem:$0x1DA40] =	vst v63  }
0x165: {  	s18 =	smov.u32 s15  }
0x166: {  	p1 =	sne.s32 s15, $0x4000;
	s15 =	sadd.s32 $0x800, s15;
	_ =	swait.ge [sflag:s30], $0x2000  }
0x167: {  	s18 =	sand.u32 $0x800, s18;
	[sflag:s30] =	ssyncset.done $0x0  }
0x168: {  	s31 =	sor.u32 $0x1000, s18;
	[sflag:s30] =	ssyncadd.s32 $0xFFFFE000  }
0x169: {  	[spmem:s2] =	stream.indirect.scatter.add.f32 [tilespmem:s26], [sflag:$0x5], $0x40, s31, s28, $0xb8;
	[tilespmem:$0x1DA40] =	vst v63  }
0x16a: {  	s31 =	sxor.u32 $0x800, s18  }
0x16b: {  	[tilespmem:s31], [sflag:$0x9] =	stream.linear.gather [hbm4b:s16+s4], $0x800, $0x38;
	[tilespmem:$0x1DA40] =	vst v63  }
0x16c: {  	s21 =	sxor.u32 $0x1800, s18  }
0x16d: {  	[tilespmem:s21], [sflag:$0x9] =	stream.linear.gather [hbm4b:s17+s4], $0x800, $0x38;
	[tilespmem:$0x1DA40] =	vst v63  }
0x16e: {  	_ =	swait.ge [sflag:s11], $0x2000  }
0x16f: {  	[sflag:s11] =	ssyncset.done $0x0  }
0x170: {  	s21 =	sor.u32 $0x100, s18;
	[sflag:s11] =	ssyncadd.s32 $0xFFFFE000  }
0x171: {  	[tilespmem:s0], [sflag:$0x3] =	stream.indirect.gather [spmem:s1], $0x40, s21, s28, $0xb8;
	[tilespmem:$0x1DA40] =	vst v63  }
0x172: {  	_ =	swait.ge [sflag:s3], $0x2000  }
0x173: {  	[sflag:s3] =	ssyncset.done $0x0  }
0x174: {  	s21 =	sor.u32 $0x1080, s18;
	[sflag:s3] =	ssyncadd.s32 $0xFFFFE000  }
0x175: {  	[spmem:s2] =	stream.indirect.scatter.add.f32 [tilespmem:s29], [sflag:$0x6], $0x40, s21, s28, $0xb8;
	[tilespmem:$0x1DA40] =	vst v63  }
0x176: {  	_ =	swait.ge [sflag:s12], $0x2000  }
0x177: {  	[sflag:s12] =	ssyncset.done $0x0  }
0x178: {  	s21 =	sor.u32 $0x180, s18;
	[sflag:s12] =	ssyncadd.s32 $0xFFFFE000  }
0x179: {  	[tilespmem:s5], [sflag:$0x4] =	stream.indirect.gather [spmem:s1], $0x40, s21, s28, $0xb8;
	[tilespmem:$0x1DA40] =	vst v63  }
0x17a: {  	_ =	swait.ge [sflag:s6], $0x2000  }
0x17b: {  	[sflag:s6] =	ssyncset.done $0x0  }
0x17c: {  	s21 =	sor.u32 $0x1100, s18;
	[sflag:s6] =	ssyncadd.s32 $0xFFFFE000  }
0x17d: {  	[spmem:s2] =	stream.indirect.scatter.add.f32 [tilespmem:s0], [sflag:$0x7], $0x40, s21, s28, $0xb8;
	[tilespmem:$0x1DA40] =	vst v63  }
0x17e: {  	_ =	swait.ge [sflag:s7], $0x2000  }
0x17f: {  	[sflag:s7] =	ssyncset.done $0x0  }
0x180: {  	s21 =	sor.u32 $0x200, s18;
	[sflag:s7] =	ssyncadd.s32 $0xFFFFE000  }
0x181: {  	[tilespmem:s26], [sflag:$0x1] =	stream.indirect.gather [spmem:s1], $0x40, s21, s28, $0xb8;
	[tilespmem:$0x1DA40] =	vst v63  }
0x182: {  	_ =	swait.ge [sflag:s9], $0x2000  }
0x183: {  	[sflag:s9] =	ssyncset.done $0x0  }
0x184: {  	s21 =	sor.u32 $0x1180, s18;
	[sflag:s9] =	ssyncadd.s32 $0xFFFFE000  }
0x185: {  	[spmem:s2] =	stream.indirect.scatter.add.f32 [tilespmem:s5], [sflag:$0x8], $0x40, s21, s28, $0xb8;
	[tilespmem:$0x1DA40] =	vst v63  }
0x186: {  	_ =	swait.ge [sflag:s10], $0x2000  }
0x187: {  	[sflag:s10] =	ssyncset.done $0x0  }
0x188: {  	s21 =	sor.u32 $0x280, s18;
	[sflag:s10] =	ssyncadd.s32 $0xFFFFE000  }
0x189: {  	[tilespmem:s29], [sflag:$0x2] =	stream.indirect.gather [spmem:s1], $0x40, s21, s28, $0xb8;
	[tilespmem:$0x1DA40] =	vst v63  }
0x18a: {  	_ =	swait.ge [sflag:s30], $0x2000  }
0x18b: {  	[sflag:s30] =	ssyncset.done $0x0  }
0x18c: {  	s21 =	sor.u32 $0x1200, s18;
	[sflag:s30] =	ssyncadd.s32 $0xFFFFE000  }
0x18d: {  	[spmem:s2] =	stream.indirect.scatter.add.f32 [tilespmem:s26], [sflag:$0x5], $0x40, s21, s28, $0xb8;
	[tilespmem:$0x1DA40] =	vst v63  }
0x18e: {  	_ =	swait.ge [sflag:s11], $0x2000  }
0x18f: {  	[sflag:s11] =	ssyncset.done $0x0  }
0x190: {  	s21 =	sor.u32 $0x300, s18;
	[sflag:s11] =	ssyncadd.s32 $0xFFFFE000  }
0x191: {  	[tilespmem:s0], [sflag:$0x3] =	stream.indirect.gather [spmem:s1], $0x40, s21, s28, $0xb8;
	[tilespmem:$0x1DA40] =	vst v63  }
0x192: {  	_ =	swait.ge [sflag:s3], $0x2000  }
0x193: {  	[sflag:s3] =	ssyncset.done $0x0  }
0x194: {  	s21 =	sor.u32 $0x1280, s18;
	[sflag:s3] =	ssyncadd.s32 $0xFFFFE000  }
0x195: {  	[spmem:s2] =	stream.indirect.scatter.add.f32 [tilespmem:s29], [sflag:$0x6], $0x40, s21, s28, $0xb8;
	[tilespmem:$0x1DA40] =	vst v63  }
0x196: {  	_ =	swait.ge [sflag:s12], $0x2000  }
0x197: {  	[sflag:s12] =	ssyncset.done $0x0  }
0x198: {  	s21 =	sor.u32 $0x380, s18;
	[sflag:s12] =	ssyncadd.s32 $0xFFFFE000  }
0x199: {  	[tilespmem:s5], [sflag:$0x4] =	stream.indirect.gather [spmem:s1], $0x40, s21, s28, $0xb8;
	[tilespmem:$0x1DA40] =	vst v63  }
0x19a: {  	_ =	swait.ge [sflag:s6], $0x2000  }
0x19b: {  	[sflag:s6] =	ssyncset.done $0x0  }
0x19c: {  	s21 =	sor.u32 $0x1300, s18;
	[sflag:s6] =	ssyncadd.s32 $0xFFFFE000  }
0x19d: {  	[spmem:s2] =	stream.indirect.scatter.add.f32 [tilespmem:s0], [sflag:$0x7], $0x40, s21, s28, $0xb8;
	[tilespmem:$0x1DA40] =	vst v63  }
0x19e: {  	_ =	swait.ge [sflag:s7], $0x2000  }
0x19f: {  	[sflag:s7] =	ssyncset.done $0x0  }
0x1a0: {  	s21 =	sor.u32 $0x400, s18;
	[sflag:s7] =	ssyncadd.s32 $0xFFFFE000  }
0x1a1: {  	[tilespmem:s26], [sflag:$0x1] =	stream.indirect.gather [spmem:s1], $0x40, s21, s28, $0xb8;
	[tilespmem:$0x1DA40] =	vst v63  }
0x1a2: {  	_ =	swait.ge [sflag:s9], $0x2000  }
0x1a3: {  	[sflag:s9] =	ssyncset.done $0x0  }
0x1a4: {  	s21 =	sor.u32 $0x1380, s18;
	[sflag:s9] =	ssyncadd.s32 $0xFFFFE000  }
0x1a5: {  	[spmem:s2] =	stream.indirect.scatter.add.f32 [tilespmem:s5], [sflag:$0x8], $0x40, s21, s28, $0xb8;
	[tilespmem:$0x1DA40] =	vst v63  }
0x1a6: {  	_ =	swait.ge [sflag:s10], $0x2000  }
0x1a7: {  	[sflag:s10] =	ssyncset.done $0x0  }
0x1a8: {  	s21 =	sor.u32 $0x480, s18;
	[sflag:s10] =	ssyncadd.s32 $0xFFFFE000  }
0x1a9: {  	[tilespmem:s29], [sflag:$0x2] =	stream.indirect.gather [spmem:s1], $0x40, s21, s28, $0xb8;
	[tilespmem:$0x1DA40] =	vst v63  }
0x1aa: {  	_ =	swait.ge [sflag:s30], $0x2000  }
0x1ab: {  	[sflag:s30] =	ssyncset.done $0x0  }
0x1ac: {  	s21 =	sor.u32 $0x1400, s18;
	[sflag:s30] =	ssyncadd.s32 $0xFFFFE000  }
0x1ad: {  	[spmem:s2] =	stream.indirect.scatter.add.f32 [tilespmem:s26], [sflag:$0x5], $0x40, s21, s28, $0xb8;
	[tilespmem:$0x1DA40] =	vst v63  }
0x1ae: {  	_ =	swait.ge [sflag:s11], $0x2000  }
0x1af: {  	[sflag:s11] =	ssyncset.done $0x0  }
0x1b0: {  	s21 =	sor.u32 $0x500, s18;
	[sflag:s11] =	ssyncadd.s32 $0xFFFFE000  }
0x1b1: {  	[tilespmem:s0], [sflag:$0x3] =	stream.indirect.gather [spmem:s1], $0x40, s21, s28, $0xb8;
	[tilespmem:$0x1DA40] =	vst v63  }
0x1b2: {  	_ =	swait.ge [sflag:s3], $0x2000  }
0x1b3: {  	[sflag:s3] =	ssyncset.done $0x0  }
0x1b4: {  	s21 =	sor.u32 $0x1480, s18;
	[sflag:s3] =	ssyncadd.s32 $0xFFFFE000  }
0x1b5: {  	[spmem:s2] =	stream.indirect.scatter.add.f32 [tilespmem:s29], [sflag:$0x6], $0x40, s21, s28, $0xb8;
	[tilespmem:$0x1DA40] =	vst v63  }
0x1b6: {  	_ =	swait.ge [sflag:s12], $0x2000  }
0x1b7: {  	[sflag:s12] =	ssyncset.done $0x0  }
0x1b8: {  	s21 =	sor.u32 $0x580, s18;
	[sflag:s12] =	ssyncadd.s32 $0xFFFFE000  }
0x1b9: {  	[tilespmem:s5], [sflag:$0x4] =	stream.indirect.gather [spmem:s1], $0x40, s21, s28, $0xb8;
	[tilespmem:$0x1DA40] =	vst v63  }
0x1ba: {  	_ =	swait.ge [sflag:s6], $0x2000  }
0x1bb: {  	[sflag:s6] =	ssyncset.done $0x0  }
0x1bc: {  	s21 =	sor.u32 $0x1500, s18;
	[sflag:s6] =	ssyncadd.s32 $0xFFFFE000  }
0x1bd: {  	[spmem:s2] =	stream.indirect.scatter.add.f32 [tilespmem:s0], [sflag:$0x7], $0x40, s21, s28, $0xb8;
	[tilespmem:$0x1DA40] =	vst v63  }
0x1be: {  	_ =	swait.ge [sflag:s7], $0x2000  }
0x1bf: {  	[sflag:s7] =	ssyncset.done $0x0  }
0x1c0: {  	s21 =	sor.u32 $0x600, s18;
	[sflag:s7] =	ssyncadd.s32 $0xFFFFE000  }
0x1c1: {  	[tilespmem:s26], [sflag:$0x1] =	stream.indirect.gather [spmem:s1], $0x40, s21, s28, $0xb8;
	[tilespmem:$0x1DA40] =	vst v63  }
0x1c2: {  	_ =	swait.ge [sflag:s9], $0x2000  }
0x1c3: {  	[sflag:s9] =	ssyncset.done $0x0  }
0x1c4: {  	s21 =	sor.u32 $0x1580, s18;
	[sflag:s9] =	ssyncadd.s32 $0xFFFFE000  }
0x1c5: {  	[spmem:s2] =	stream.indirect.scatter.add.f32 [tilespmem:s5], [sflag:$0x8], $0x40, s21, s28, $0xb8;
	[tilespmem:$0x1DA40] =	vst v63  }
0x1c6: {  	_ =	swait.ge [sflag:s10], $0x2000  }
0x1c7: {  	[sflag:s10] =	ssyncset.done $0x0  }
0x1c8: {  	s21 =	sor.u32 $0x680, s18;
	[sflag:s10] =	ssyncadd.s32 $0xFFFFE000  }
0x1c9: {  	[tilespmem:s29], [sflag:$0x2] =	stream.indirect.gather [spmem:s1], $0x40, s21, s28, $0xb8;
	[tilespmem:$0x1DA40] =	vst v63  }
0x1ca: {  	_ =	swait.ge [sflag:s30], $0x2000  }
0x1cb: {  	[sflag:s30] =	ssyncset.done $0x0  }
0x1cc: {  	s21 =	sor.u32 $0x1600, s18;
	[sflag:s30] =	ssyncadd.s32 $0xFFFFE000  }
0x1cd: {  	[spmem:s2] =	stream.indirect.scatter.add.f32 [tilespmem:s26], [sflag:$0x5], $0x40, s21, s28, $0xb8;
	[tilespmem:$0x1DA40] =	vst v63  }
0x1ce: {  	_ =	swait.ge [sflag:s11], $0x2000  }
0x1cf: {  	[sflag:s11] =	ssyncset.done $0x0  }
0x1d0: {  	s21 =	sor.u32 $0x700, s18;
	[sflag:s11] =	ssyncadd.s32 $0xFFFFE000  }
0x1d1: {  	[tilespmem:s0], [sflag:$0x3] =	stream.indirect.gather [spmem:s1], $0x40, s21, s28, $0xb8;
	[tilespmem:$0x1DA40] =	vst v63  }
0x1d2: {  	_ =	swait.ge [sflag:s3], $0x2000  }
0x1d3: {  	[sflag:s3] =	ssyncset.done $0x0  }
0x1d4: {  	s21 =	sor.u32 $0x1680, s18;
	[sflag:s3] =	ssyncadd.s32 $0xFFFFE000  }
0x1d5: {  	[spmem:s2] =	stream.indirect.scatter.add.f32 [tilespmem:s29], [sflag:$0x6], $0x40, s21, s28, $0xb8;
	[tilespmem:$0x1DA40] =	vst v63  }
0x1d6: {  	_ =	swait.ge [sflag:s12], $0x2000  }
0x1d7: {  	[sflag:s12] =	ssyncset.done $0x0  }
0x1d8: {  	s21 =	sor.u32 $0x780, s18;
	[sflag:s12] =	ssyncadd.s32 $0xFFFFE000  }
0x1d9: {  	[tilespmem:s5], [sflag:$0x4] =	stream.indirect.gather [spmem:s1], $0x40, s21, s28, $0xb8;
	[tilespmem:$0x1DA40] =	vst v63  }
0x1da: {  	_ =	swait.ge [sflag:s6], $0x2000  }
0x1db: {  	[sflag:s6] =	ssyncset.done $0x0  }
0x1dc: {  	s21 =	sor.u32 $0x1700, s18;
	[sflag:s6] =	ssyncadd.s32 $0xFFFFE000  }
0x1dd: {  	[spmem:s2] =	stream.indirect.scatter.add.f32 [tilespmem:s0], [sflag:$0x7], $0x40, s21, s28, $0xb8;
	[tilespmem:$0x1DA40] =	vst v63  }
0x1de: {  	_ =	swait.ge [sflag:s7], $0x2000  }
0x1df: {  	[sflag:s7] =	ssyncset.done $0x0  }
0x1e0: {  	[sflag:s7] =	ssyncadd.s32 $0xFFFFE000  }
0x1e1: {  	_ =	swait.ge [sflag:s13], $0x800  }
0x1e2: {  	[sflag:s13] =	ssyncset.done $0x0  }
0x1e3: {  	[sflag:s13] =	ssyncadd.s32 $0xFFFFF800  }
0x1e4: {  	_ =	swait.ge [sflag:s13], $0x800  }
0x1e5: {  	[sflag:s13] =	ssyncset.done $0x0  }
0x1e6: {  	[sflag:s13] =	ssyncadd.s32 $0xFFFFF800  }
0x1e7: {  	[tilespmem:s26], [sflag:$0x1] =	stream.indirect.gather [spmem:s1], $0x40, s31, s28, $0xb8;
	[tilespmem:$0x1DA40] =	vst v63  }
0x1e8: {  	_ =	swait.ge [sflag:s9], $0x2000  }
0x1e9: {  	[sflag:s9] =	ssyncset.done $0x0  }
.Ltmp1:
0x1ea: {  	s21 =	sor.u32 $0x1780, s18;
	[sflag:s9] =	ssyncadd.s32 $0xFFFFE000;
	(pc) =	sbr.rel @p1 .LBB2_4-.Ltmp1, $4  }
0x1eb: {  	[spmem:s2] =	stream.indirect.scatter.add.f32 [tilespmem:s5], [sflag:$0x8], $0x40, s21, s28, $0xb8;
	[tilespmem:$0x1DA40] =	vst v63  }
0x1ec: {  	_ =	swait.ge [sflag:s10], $0x2000  }
0x1ed: {  	s16 =	sadd.s32 $0x100, s16;
	[sflag:s10] =	ssyncset.done $0x0  }
0x1ee: {  	s17 =	sadd.s32 $0x100, s17;
	s18 =	sxor.u32 $0x880, s18;
	[sflag:s10] =	ssyncadd.s32 $0xFFFFE000  }
0x1ef: {  	[tilespmem:s29], [sflag:$0x2] =	stream.indirect.gather [spmem:s1], $0x40, s18, s28, $0xb8;
	[tilespmem:$0x1DA40] =	vst v63  }
0x1f0: {  	_ =	swait.ge [sflag:s30], $0x2000  }
0x1f1: {  	[sflag:s30] =	ssyncset.done $0x0  }
0x1f2: {  	s15 =	simm.s32 $0x1800;
	[sflag:s30] =	ssyncadd.s32 $0xFFFFE000  }
0x1f3: {  	[spmem:s2] =	stream.indirect.scatter.add.f32 [tilespmem:s26], [sflag:$0x5], $0x40, s15, s28, $0xb8;
	[tilespmem:$0x1DA40] =	vst v63  }
0x1f4: {  	_ =	swait.ge [sflag:s11], $0x2000  }
0x1f5: {  	[sflag:s11] =	ssyncset.done $0x0  }
0x1f6: {  	s21 =	simm.s32 $0x900;
	[sflag:s11] =	ssyncadd.s32 $0xFFFFE000  }
0x1f7: {  	[tilespmem:s0], [sflag:$0x3] =	stream.indirect.gather [spmem:s1], $0x40, s21, s28, $0xb8;
	[tilespmem:$0x1DA40] =	vst v63  }
0x1f8: {  	_ =	swait.ge [sflag:s3], $0x2000  }
0x1f9: {  	[sflag:s3] =	ssyncset.done $0x0  }
0x1fa: {  	s16 =	simm.s32 $0x1880;
	[sflag:s3] =	ssyncadd.s32 $0xFFFFE000  }
0x1fb: {  	[spmem:s2] =	stream.indirect.scatter.add.f32 [tilespmem:s29], [sflag:$0x6], $0x40, s16, s28, $0xb8;
	[tilespmem:$0x1DA40] =	vst v63  }
0x1fc: {  	_ =	swait.ge [sflag:s12], $0x2000  }
0x1fd: {  	[sflag:s12] =	ssyncset.done $0x0  }
0x1fe: {  	s17 =	simm.s32 $0x980;
	[sflag:s12] =	ssyncadd.s32 $0xFFFFE000  }
0x1ff: {  	[tilespmem:s5], [sflag:$0x4] =	stream.indirect.gather [spmem:s1], $0x40, s17, s28, $0xb8;
	[tilespmem:$0x1DA40] =	vst v63  }
0x200: {  	_ =	swait.ge [sflag:s6], $0x2000  }
0x201: {  	[sflag:s6] =	ssyncset.done $0x0  }
0x202: {  	s18 =	simm.s32 $0x1900;
	[sflag:s6] =	ssyncadd.s32 $0xFFFFE000  }
0x203: {  	[spmem:s2] =	stream.indirect.scatter.add.f32 [tilespmem:s0], [sflag:$0x7], $0x40, s18, s28, $0xb8;
	[tilespmem:$0x1DA40] =	vst v63  }
0x204: {  	_ =	swait.ge [sflag:s7], $0x2000  }
0x205: {  	[sflag:s7] =	ssyncset.done $0x0  }
0x206: {  	s21 =	simm.s32 $0xA00;
	[sflag:s7] =	ssyncadd.s32 $0xFFFFE000  }
0x207: {  	[tilespmem:s26], [sflag:$0x1] =	stream.indirect.gather [spmem:s1], $0x40, s21, s28, $0xb8;
	[tilespmem:$0x1DA40] =	vst v63  }
0x208: {  	_ =	swait.ge [sflag:s9], $0x2000  }
0x209: {  	[sflag:s9] =	ssyncset.done $0x0  }
0x20a: {  	s16 =	simm.s32 $0x1980;
	[sflag:s9] =	ssyncadd.s32 $0xFFFFE000  }
0x20b: {  	[spmem:s2] =	stream.indirect.scatter.add.f32 [tilespmem:s5], [sflag:$0x8], $0x40, s16, s28, $0xb8;
	[tilespmem:$0x1DA40] =	vst v63  }
0x20c: {  	_ =	swait.ge [sflag:s10], $0x2000  }
0x20d: {  	[sflag:s10] =	ssyncset.done $0x0  }
0x20e: {  	s17 =	simm.s32 $0xA80;
	[sflag:s10] =	ssyncadd.s32 $0xFFFFE000  }
0x20f: {  	[tilespmem:s29], [sflag:$0x2] =	stream.indirect.gather [spmem:s1], $0x40, s17, s28, $0xb8;
	[tilespmem:$0x1DA40] =	vst v63  }
0x210: {  	_ =	swait.ge [sflag:s30], $0x2000  }
0x211: {  	[sflag:s30] =	ssyncset.done $0x0  }
0x212: {  	s18 =	simm.s32 $0x1A00;
	[sflag:s30] =	ssyncadd.s32 $0xFFFFE000  }
0x213: {  	[spmem:s2] =	stream.indirect.scatter.add.f32 [tilespmem:s26], [sflag:$0x5], $0x40, s18, s28, $0xb8;
	[tilespmem:$0x1DA40] =	vst v63  }
0x214: {  	_ =	swait.ge [sflag:s11], $0x2000  }
0x215: {  	[sflag:s11] =	ssyncset.done $0x0  }
0x216: {  	s21 =	simm.s32 $0xB00;
	[sflag:s11] =	ssyncadd.s32 $0xFFFFE000  }
0x217: {  	[tilespmem:s0], [sflag:$0x3] =	stream.indirect.gather [spmem:s1], $0x40, s21, s28, $0xb8;
	[tilespmem:$0x1DA40] =	vst v63  }
0x218: {  	_ =	swait.ge [sflag:s3], $0x2000  }
0x219: {  	[sflag:s3] =	ssyncset.done $0x0  }
0x21a: {  	s16 =	simm.s32 $0x1A80;
	[sflag:s3] =	ssyncadd.s32 $0xFFFFE000  }
0x21b: {  	[spmem:s2] =	stream.indirect.scatter.add.f32 [tilespmem:s29], [sflag:$0x6], $0x40, s16, s28, $0xb8;
	[tilespmem:$0x1DA40] =	vst v63  }
0x21c: {  	_ =	swait.ge [sflag:s12], $0x2000  }
0x21d: {  	[sflag:s12] =	ssyncset.done $0x0  }
0x21e: {  	s17 =	simm.s32 $0xB80;
	[sflag:s12] =	ssyncadd.s32 $0xFFFFE000  }
0x21f: {  	[tilespmem:s5], [sflag:$0x4] =	stream.indirect.gather [spmem:s1], $0x40, s17, s28, $0xb8;
	[tilespmem:$0x1DA40] =	vst v63  }
0x220: {  	_ =	swait.ge [sflag:s6], $0x2000  }
0x221: {  	[sflag:s6] =	ssyncset.done $0x0  }
0x222: {  	s18 =	simm.s32 $0x1B00;
	[sflag:s6] =	ssyncadd.s32 $0xFFFFE000  }
0x223: {  	[spmem:s2] =	stream.indirect.scatter.add.f32 [tilespmem:s0], [sflag:$0x7], $0x40, s18, s28, $0xb8;
	[tilespmem:$0x1DA40] =	vst v63  }
0x224: {  	_ =	swait.ge [sflag:s7], $0x2000  }
0x225: {  	[sflag:s7] =	ssyncset.done $0x0  }
0x226: {  	s21 =	simm.s32 $0xC00;
	[sflag:s7] =	ssyncadd.s32 $0xFFFFE000  }
0x227: {  	[tilespmem:s26], [sflag:$0x1] =	stream.indirect.gather [spmem:s1], $0x40, s21, s28, $0xb8;
	[tilespmem:$0x1DA40] =	vst v63  }
0x228: {  	_ =	swait.ge [sflag:s9], $0x2000  }
0x229: {  	[sflag:s9] =	ssyncset.done $0x0  }
0x22a: {  	s16 =	simm.s32 $0x1B80;
	[sflag:s9] =	ssyncadd.s32 $0xFFFFE000  }
0x22b: {  	[spmem:s2] =	stream.indirect.scatter.add.f32 [tilespmem:s5], [sflag:$0x8], $0x40, s16, s28, $0xb8;
	[tilespmem:$0x1DA40] =	vst v63  }
0x22c: {  	_ =	swait.ge [sflag:s10], $0x2000  }
0x22d: {  	[sflag:s10] =	ssyncset.done $0x0  }
0x22e: {  	s17 =	simm.s32 $0xC80;
	[sflag:s10] =	ssyncadd.s32 $0xFFFFE000  }
0x22f: {  	[tilespmem:s29], [sflag:$0x2] =	stream.indirect.gather [spmem:s1], $0x40, s17, s28, $0xb8;
	[tilespmem:$0x1DA40] =	vst v63  }
0x230: {  	_ =	swait.ge [sflag:s30], $0x2000  }
0x231: {  	[sflag:s30] =	ssyncset.done $0x0  }
0x232: {  	s18 =	simm.s32 $0x1C00;
	[sflag:s30] =	ssyncadd.s32 $0xFFFFE000  }
0x233: {  	[spmem:s2] =	stream.indirect.scatter.add.f32 [tilespmem:s26], [sflag:$0x5], $0x40, s18, s28, $0xb8;
	[tilespmem:$0x1DA40] =	vst v63  }
0x234: {  	_ =	swait.ge [sflag:s11], $0x2000  }
0x235: {  	[sflag:s11] =	ssyncset.done $0x0  }
0x236: {  	s21 =	simm.s32 $0xD00;
	[sflag:s11] =	ssyncadd.s32 $0xFFFFE000  }
0x237: {  	[tilespmem:s0], [sflag:$0x3] =	stream.indirect.gather [spmem:s1], $0x40, s21, s28, $0xb8;
	[tilespmem:$0x1DA40] =	vst v63  }
0x238: {  	_ =	swait.ge [sflag:s3], $0x2000  }
0x239: {  	[sflag:s3] =	ssyncset.done $0x0  }
0x23a: {  	s16 =	simm.s32 $0x1C80;
	[sflag:s3] =	ssyncadd.s32 $0xFFFFE000  }
0x23b: {  	[spmem:s2] =	stream.indirect.scatter.add.f32 [tilespmem:s29], [sflag:$0x6], $0x40, s16, s28, $0xb8;
	[tilespmem:$0x1DA40] =	vst v63  }
0x23c: {  	_ =	swait.ge [sflag:s12], $0x2000  }
0x23d: {  	[sflag:s12] =	ssyncset.done $0x0  }
0x23e: {  	s17 =	simm.s32 $0xD80;
	[sflag:s12] =	ssyncadd.s32 $0xFFFFE000  }
0x23f: {  	[tilespmem:s5], [sflag:$0x4] =	stream.indirect.gather [spmem:s1], $0x40, s17, s28, $0xb8;
	[tilespmem:$0x1DA40] =	vst v63  }
0x240: {  	_ =	swait.ge [sflag:s6], $0x2000  }
0x241: {  	[sflag:s6] =	ssyncset.done $0x0  }
0x242: {  	s18 =	simm.s32 $0x1D00;
	[sflag:s6] =	ssyncadd.s32 $0xFFFFE000  }
0x243: {  	[spmem:s2] =	stream.indirect.scatter.add.f32 [tilespmem:s0], [sflag:$0x7], $0x40, s18, s28, $0xb8;
	[tilespmem:$0x1DA40] =	vst v63  }
0x244: {  	_ =	swait.ge [sflag:s7], $0x2000  }
0x245: {  	[sflag:s7] =	ssyncset.done $0x0  }
0x246: {  	s21 =	simm.s32 $0xE00;
	[sflag:s7] =	ssyncadd.s32 $0xFFFFE000  }
0x247: {  	[tilespmem:s26], [sflag:$0x1] =	stream.indirect.gather [spmem:s1], $0x40, s21, s28, $0xb8;
	[tilespmem:$0x1DA40] =	vst v63  }
0x248: {  	_ =	swait.ge [sflag:s9], $0x2000  }
0x249: {  	[sflag:s9] =	ssyncset.done $0x0  }
0x24a: {  	s16 =	simm.s32 $0x1D80;
	[sflag:s9] =	ssyncadd.s32 $0xFFFFE000  }
0x24b: {  	[spmem:s2] =	stream.indirect.scatter.add.f32 [tilespmem:s5], [sflag:$0x8], $0x40, s16, s28, $0xb8;
	[tilespmem:$0x1DA40] =	vst v63  }
0x24c: {  	_ =	swait.ge [sflag:s10], $0x2000  }
0x24d: {  	[sflag:s10] =	ssyncset.done $0x0  }
0x24e: {  	s17 =	simm.s32 $0xE80;
	[sflag:s10] =	ssyncadd.s32 $0xFFFFE000  }
0x24f: {  	[tilespmem:s29], [sflag:$0x2] =	stream.indirect.gather [spmem:s1], $0x40, s17, s28, $0xb8;
	[tilespmem:$0x1DA40] =	vst v63  }
0x250: {  	_ =	swait.ge [sflag:s30], $0x2000  }
0x251: {  	[sflag:s30] =	ssyncset.done $0x0  }
0x252: {  	s18 =	simm.s32 $0x1E00;
	[sflag:s30] =	ssyncadd.s32 $0xFFFFE000  }
0x253: {  	[spmem:s2] =	stream.indirect.scatter.add.f32 [tilespmem:s26], [sflag:$0x5], $0x40, s18, s28, $0xb8;
	[tilespmem:$0x1DA40] =	vst v63  }
0x254: {  	_ =	swait.ge [sflag:s11], $0x2000  }
0x255: {  	[sflag:s11] =	ssyncset.done $0x0  }
0x256: {  	s21 =	simm.s32 $0xF00;
	[sflag:s11] =	ssyncadd.s32 $0xFFFFE000  }
0x257: {  	[tilespmem:s0], [sflag:$0x3] =	stream.indirect.gather [spmem:s1], $0x40, s21, s28, $0xb8;
	[tilespmem:$0x1DA40] =	vst v63  }
0x258: {  	_ =	swait.ge [sflag:s3], $0x2000  }
0x259: {  	[sflag:s3] =	ssyncset.done $0x0  }
0x25a: {  	s16 =	simm.s32 $0x1E80;
	[sflag:s3] =	ssyncadd.s32 $0xFFFFE000  }
0x25b: {  	[spmem:s2] =	stream.indirect.scatter.add.f32 [tilespmem:s29], [sflag:$0x6], $0x40, s16, s28, $0xb8;
	[tilespmem:$0x1DA40] =	vst v63  }
0x25c: {  	_ =	swait.ge [sflag:s12], $0x2000  }
0x25d: {  	[sflag:s12] =	ssyncset.done $0x0  }
0x25e: {  	s17 =	simm.s32 $0xF80;
	[sflag:s12] =	ssyncadd.s32 $0xFFFFE000  }
0x25f: {  	[tilespmem:s5], [sflag:$0x4] =	stream.indirect.gather [spmem:s1], $0x40, s17, s28, $0xb8;
	[tilespmem:$0x1DA40] =	vst v63  }
0x260: {  	_ =	swait.ge [sflag:s6], $0x2000  }
0x261: {  	[sflag:s6] =	ssyncset.done $0x0  }
0x262: {  	s18 =	simm.s32 $0x1F00;
	[sflag:s6] =	ssyncadd.s32 $0xFFFFE000  }
0x263: {  	[spmem:s2] =	stream.indirect.scatter.add.f32 [tilespmem:s0], [sflag:$0x7], $0x40, s18, s28, $0xb8;
	[tilespmem:$0x1DA40] =	vst v63  }
0x264: {  	_ =	swait.ge [sflag:s7], $0x2000  }
0x265: {  	[sflag:s7] =	ssyncset.done $0x0  }
0x266: {  	[sflag:s7] =	ssyncadd.s32 $0xFFFFE000  }
0x267: {  	_ =	swait.ge [sflag:s9], $0x2000  }
0x268: {  	[sflag:s9] =	ssyncset.done $0x0  }
0x269: {  	s21 =	simm.s32 $0x1F80;
	[sflag:s9] =	ssyncadd.s32 $0xFFFFE000  }
0x26a: {  	[spmem:s2] =	stream.indirect.scatter.add.f32 [tilespmem:s5], [sflag:$0x8], $0x40, s21, s28, $0xb8;
	[tilespmem:$0x1DA40] =	vst v63  }
0x26b: {  	_ =	swait.ge [sflag:s10], $0x2000  }
0x26c: {  	[sflag:s10] =	ssyncset.done $0x0  }
0x26d: {  	[sflag:s10] =	ssyncadd.s32 $0xFFFFE000  }
0x26e: {  	_ =	swait.ge [sflag:s11], $0x2000  }
0x26f: {  	[sflag:s11] =	ssyncset.done $0x0  }
0x270: {  	[sflag:s11] =	ssyncadd.s32 $0xFFFFE000  }
0x271: {  	_ =	swait.ge [sflag:s12], $0x2000  }
0x272: {  	[sflag:s12] =	ssyncset.done $0x0  }
0x273: {  	[sflag:s12] =	ssyncadd.s32 $0xFFFFE000  }
0x274: {  	s15 =	simm.s32 @p0 $0x1;
	s16 =	simm.s32 @p0 $0x10;
	[bflag:$0x0] =	sbarrier.arrive $0xFFFF  }
0x275: {  	s17 =	simm.s32 @p0 $0x8;
	s18 =	simm.s32 @p0 $0x1FCA;
	s21 =	rddreg [dreg:$0x11]  }
0x276: {  	[hbm:s21@s16], [sflag:s18] =	dma.strided @p0 [spmem:s25@s17], $0x1040, s15, $0x8   }
0x277: {  	s15 =	simm.s32 @p0 $0xA  }
0x278: {  	s16 =	simm.s32 @!p0 $0x1;
	_ =	swait.ge @p0 [sflag:s15], $0x1040  }
0x279: {  	s17 =	simm.s32 @!p0 $0x10;
	s18 =	simm.s32 @!p0 $0x8;
	[sflag:s15] =	ssyncset.done @p0 $0x0  }
0x27a: {  	s21 =	rddreg [dreg:$0x10];
	[sflag:s15] =	ssyncadd.s32 @p0 $0xFFFFEFC0;
	s15 =	sshrl.u32 @!p0 s8, $0x3  }
0x27b: {  	[hbm:s21@s17], [sflag:s24] =	dma.strided @!p0 [spmem:s15@s18], $0x13C0, s16, $0x8   }
0x27c: {  	s15 =	simm.s32 @!p0 $0xA  }
0x27d: {  	_ =	swait.ge @!p0 [sflag:s15], $0x13C0  }
0x27e: {  	s14 =	sadd.s32 $0x1, s14;
	s24 =	rddreg [dreg:$0x12]  }
0x27f: {  	p1 =	sne.s32 s14, s24  }
.Ltmp2:
0x280: {  	_ = 	snop;
	(pc) =	sbr.rel @p1 .LBB2_1-.Ltmp2, $3  }
0x281: {  	_ =	sdelay $0x1  }
0x282: {  	[sflag:s15] =	ssyncset.done @!p0 $0x0  }
0x283: {  	s31 =	simm.s32 $0x1000;
	[sflag:s15] =	ssyncadd.s32 @!p0 $0xFFFFEC40  }
0x284: {  	_ =	sfence.sel $0x180000  }
0x285: {  	[bflag:$0x0] =	sbarrier.arrive $0xFFFF  }
0x286: {  	_ =	strace $0x90000047  }
0x287: {  	s0 =	stileid.u32;
	[bflag:$0x2] =	sbarrier.arrive $0xFFFF  }
0x288: {  	p0 =	sne.s32 s0, $0x0;
	s0 =	rddreg [dreg:$0x5]  }
0x289: {  	s0 =	sadd.s32 @!p0 $0x100000, s0  }
0x28a: {  	[sflag:s0] =	ssyncadd.tile.s32 @!p0 $0x1;
	_ =	shalt  }
.Lfunc_end2:
_tile_overlayer_lowered:
.L_overlay_start_2:
0x28b: {  	(tag) =	ssettag $0x2  }
0x28c: {  	s0 =	rddreg [dreg:$0x0];
	s2 =	stileid.u32  }
0x28d: {  	s1 =	rddreg [dreg:$0x1];
	p0 =	sne.s32 s2, $0x0  }
0x28e: {  	s3 =	rddreg [dreg:$0x2];
	[bflag:$0x3] =	sbarrier.arrive $0xFFFF;
	s2 =	simm.s32 @!p0 $0x1C0A  }
0x28f: {  	[timem:s3], [sflag:s2] =	dma.local @!p0 [hbm:s0], s1  }
0x290: {  	s0 =	simm.s32 @!p0 $0xA  }
0x291: {  	_ =	swait.ge @!p0 [sflag:s0], s1  }
0x292: {  	s1 =	ssub.s32 @!p0 $0x0, s1;
	[sflag:s0] =	ssyncset.done @!p0 $0x0  }
0x293: {  	[sflag:s0] =	ssyncadd.s32 @!p0 s1  }
0x294: {  	[bflag:$0x3] =	sbarrier.arrive $0xFFFF  }
0x295: {  	_ =	shalt  }

</sc_bundles>
